<compile_context>
chip_gen: v7x
topology: tpu7x:2x2x1
jax: 0.10.2.dev20260603
libtpu: 0.0.44.dev20260713+nightly
codegen_flags: <defaults>
</compile_context>

<pallas_src>
import functools

import jax
import jax.numpy as jnp
from jax import lax
from jax.experimental import pallas as pl
from jax.experimental.pallas import tpu as pltpu
from jax.experimental.pallas import tpu_sc as plsc

N = 800000
B = 50000
DIM = 16
HID = 64
KEY_DIM = 4
MID_K = 34
MID_V = 40
MID_D = 40

ROWS_TC = 3200
GRID_TC = N // ROWS_TC

CH = 128
NCH = N // CH
NSUB = 16
NCORE = 2
B_PAD = 51200
ZROWS = B_PAD // NSUB

_f32 = jnp.float32


def _split(wid, nworkers, total):
    base = total // nworkers
    rem = total % nworkers
    start = wid * base + jnp.minimum(wid, rem)
    cnt = base + jnp.where(wid < rem, 1, 0)
    return start, cnt



def _ln(h, g, b):
    mu = jnp.mean(h, axis=-1, keepdims=True)
    d = h - mu
    var = jnp.mean(d * d, axis=-1, keepdims=True)
    return d * lax.rsqrt(var + 1e-5) * g + b


def _mish(h):
    sp = jnp.maximum(h, 0.0) + jnp.log1p(jnp.exp(-jnp.abs(h)))
    return h * jnp.tanh(sp)


def _dot(a, b):
    return jnp.dot(a, b, preferred_element_type=_f32)


EW = 32


def _tc1_body(x_r, w_r, b_r, e_r):
    e = jnp.exp(_dot(x_r[...], w_r[...]) + b_r[...])
    e_r[...] = jnp.concatenate(
        [e, jnp.zeros((e.shape[0], EW - KEY_DIM), _f32)], axis=1)


def _tc2_body(x_r, e_r, sg_r,
              kw1, kb1, kg, kbe, kw2, kb2,
              vw1, vb1, vg, vbe, vw2, vb2,
              keys_r, y_r):
    keys = e_r[:, :KEY_DIM] / (sg_r[:, :KEY_DIM] + 1e-16)
    hk = _mish(_ln(_dot(keys, kw1[...]) + kb1[...], kg[...], kbe[...]))
    kq = _dot(hk, kw2[...]) + kb2[...]
    hv = _mish(_ln(_dot(x_r[...], vw1[...]) + vb1[...], vg[...], vbe[...]))
    vv = _dot(hv, vw2[...]) + vb2[...]
    keys_r[...] = keys
    y_r[...] = vv * kq


def _tc3_body(keys_r, zb_r,
              kw1, kb1, kg, kbe, kw2, kb2,
              dw1, db1, dw2, db2, xr_r):
    hq = _mish(_ln(_dot(keys_r[...], kw1[...]) + kb1[...], kg[...], kbe[...]))
    q = _dot(hq, kw2[...]) + kb2[...]
    zp = zb_r[...] * q
    hd = _mish(_dot(zp, dw1[...]) + db1[...])
    xr_r[...] = _dot(hd, dw2[...]) + db2[...]


def _row_spec(cols):
    return pl.BlockSpec((ROWS_TC, cols), lambda i: (i, 0))


def _w_spec(shape):
    return pl.BlockSpec(shape, lambda i: (0,) * len(shape))



GRP = 8
GRPS = 4


def _scat4_body(e3, b2, zz, tab, sh, idx_v, val_v, sem):
    c = lax.axis_index("c")
    t = lax.axis_index("s")
    pltpu.sync_copy(zz.at[pl.ds(t * ZROWS, ZROWS)],
                    sh.at[pl.ds(t * ZROWS, ZROWS)])
    plsc.subcore_barrier()
    s0, cnt = _split(t, NSUB, NCH)
    idx_a, idx_b = idx_v
    val_a, val_b = val_v

    def pair(pi, carry):
        ch0 = s0 + pi * 2
        pltpu.sync_copy(b2.at[ch0], idx_a)
        pltpu.sync_copy(e3.at[ch0], val_a)
        ha = pltpu.async_copy(val_a, sh.at[idx_a], sem, add=True)
        pltpu.sync_copy(b2.at[ch0 + 1], idx_b)
        pltpu.sync_copy(e3.at[ch0 + 1], val_b)
        hb = pltpu.async_copy(val_b, sh.at[idx_b], sem, add=True)
        ha.wait()
        hb.wait()
        return carry

    lax.fori_loop(0, cnt // 2, pair, 0)

    def single(i, carry):
        ch = s0 + (cnt // 2) * 2 + i
        pltpu.sync_copy(b2.at[ch], idx_a)
        pltpu.sync_copy(e3.at[ch], val_a)
        pltpu.sync_copy(val_a, sh.at[idx_a], add=True)
        return carry

    lax.fori_loop(0, cnt - (cnt // 2) * 2, single, 0)
    plsc.subcore_barrier()
    pltpu.sync_copy(sh.at[pl.ds(t * ZROWS, ZROWS)],
                    tab.at[pl.ds(c * B_PAD + t * ZROWS, ZROWS)])


def _gath4_body(tab, b2, sg3, idx_v, val_v, sem):
    c = lax.axis_index("c")
    t = lax.axis_index("s")
    w = t * NCORE + c
    g0, cnt = _split(w, NSUB * NCORE, NCH)
    idx_a, idx_b = idx_v
    val_a, val_b = val_v

    def pair(pi, carry):
        ch0 = g0 + pi * 2
        pltpu.sync_copy(b2.at[ch0], idx_a)
        ha = pltpu.async_copy(tab.at[c].at[idx_a], val_a, sem)
        pltpu.sync_copy(b2.at[ch0 + 1], idx_b)
        hb = pltpu.async_copy(tab.at[c].at[idx_b], val_b, sem)
        ha.wait()
        pltpu.sync_copy(val_a, sg3.at[ch0])
        hb.wait()
        pltpu.sync_copy(val_b, sg3.at[ch0 + 1])
        return carry

    lax.fori_loop(0, cnt // 2, pair, 0)

    def single(i, carry):
        ch = g0 + (cnt // 2) * 2 + i
        pltpu.sync_copy(b2.at[ch], idx_a)
        pltpu.sync_copy(tab.at[c].at[idx_a], val_a)
        pltpu.sync_copy(val_a, sg3.at[ch])
        return carry

    lax.fori_loop(0, cnt - (cnt // 2) * 2, single, 0)


def _scat32_body(y3, b2, zz, tab, sh, idx_v, val_v, sem):
    c = lax.axis_index("c")
    t = lax.axis_index("s")
    half = HID // NCORE
    pltpu.sync_copy(zz.at[pl.ds(t * ZROWS, ZROWS)],
                    sh.at[pl.ds(t * ZROWS, ZROWS)])
    plsc.subcore_barrier()
    s0, cnt = _split(t, NSUB, NCH)
    idx_a, idx_b = idx_v
    val_a, val_b = val_v

    def pair(pi, carry):
        ch0 = s0 + pi * 2
        pltpu.sync_copy(b2.at[ch0], idx_a)
        pltpu.sync_copy(y3.at[ch0, :, pl.ds(c * half, half)], val_a)
        ha = pltpu.async_copy(val_a, sh.at[idx_a], sem, add=True)
        pltpu.sync_copy(b2.at[ch0 + 1], idx_b)
        pltpu.sync_copy(y3.at[ch0 + 1, :, pl.ds(c * half, half)], val_b)
        hb = pltpu.async_copy(val_b, sh.at[idx_b], sem, add=True)
        ha.wait()
        hb.wait()
        return carry

    lax.fori_loop(0, cnt // 2, pair, 0)

    def single(i, carry):
        ch = s0 + (cnt // 2) * 2 + i
        pltpu.sync_copy(b2.at[ch], idx_a)
        pltpu.sync_copy(y3.at[ch, :, pl.ds(c * half, half)], val_a)
        pltpu.sync_copy(val_a, sh.at[idx_a], add=True)
        return carry

    lax.fori_loop(0, cnt - (cnt // 2) * 2, single, 0)
    plsc.subcore_barrier()
    pltpu.sync_copy(sh.at[pl.ds(t * ZROWS, ZROWS)],
                    tab.at[pl.ds(c * B_PAD + t * ZROWS, ZROWS)])


def _gath32_body(tab, b2, zb3, idx_v, val_v, sem):
    c = lax.axis_index("c")
    t = lax.axis_index("s")
    w = t * NCORE + c
    half = HID // NCORE
    g0, cnt = _split(w, NSUB * NCORE, NCH)
    idx_a, idx_b = idx_v
    va0, va1, vb0, vb1 = val_v

    def pair(pi, carry):
        ch0 = g0 + pi * 2
        pltpu.sync_copy(b2.at[ch0], idx_a)
        ha0 = pltpu.async_copy(tab.at[0].at[idx_a], va0, sem)
        ha1 = pltpu.async_copy(tab.at[1].at[idx_a], va1, sem)
        pltpu.sync_copy(b2.at[ch0 + 1], idx_b)
        hb0 = pltpu.async_copy(tab.at[0].at[idx_b], vb0, sem)
        hb1 = pltpu.async_copy(tab.at[1].at[idx_b], vb1, sem)
        ha0.wait()
        ha1.wait()
        so0 = pltpu.async_copy(va0, zb3.at[ch0, :, pl.ds(0, half)], sem)
        so1 = pltpu.async_copy(va1, zb3.at[ch0, :, pl.ds(half, half)], sem)
        hb0.wait()
        hb1.wait()
        so2 = pltpu.async_copy(vb0, zb3.at[ch0 + 1, :, pl.ds(0, half)], sem)
        so3 = pltpu.async_copy(vb1, zb3.at[ch0 + 1, :, pl.ds(half, half)], sem)
        so0.wait()
        so1.wait()
        so2.wait()
        so3.wait()
        return carry

    lax.fori_loop(0, cnt // 2, pair, 0)

    def single(i, carry):
        ch = g0 + (cnt // 2) * 2 + i
        pltpu.sync_copy(b2.at[ch], idx_a)
        pltpu.sync_copy(tab.at[0].at[idx_a], va0)
        pltpu.sync_copy(tab.at[1].at[idx_a], va1)
        pltpu.sync_copy(va0, zb3.at[ch, :, pl.ds(0, half)])
        pltpu.sync_copy(va1, zb3.at[ch, :, pl.ds(half, half)])
        return carry

    lax.fori_loop(0, cnt - (cnt // 2) * 2, single, 0)


@functools.lru_cache(maxsize=None)
def _sc_kernels():
    mesh = plsc.VectorSubcoreMesh(core_axis_name="c", subcore_axis_name="s",
                                  num_cores=NCORE, num_subcores=NSUB)
    half = HID // NCORE
    cp = pltpu.CompilerParams(use_tc_tiling_on_sc=False)
    scat4 = pl.kernel(
        _scat4_body,
        out_type=jax.ShapeDtypeStruct((NCORE * B_PAD, EW), _f32),
        mesh=mesh,
        compiler_params=cp,
        scratch_types=[
            pltpu.VMEM_SHARED((B_PAD, EW), _f32),
            (pltpu.VMEM((CH,), jnp.int32), pltpu.VMEM((CH,), jnp.int32)),
            (pltpu.VMEM((CH, EW), _f32), pltpu.VMEM((CH, EW), _f32)),
            pltpu.SemaphoreType.DMA,
        ],
    )
    gath4 = pl.kernel(
        _gath4_body,
        out_type=jax.ShapeDtypeStruct((NCH, CH, EW), _f32),
        mesh=mesh,
        compiler_params=cp,
        scratch_types=[
            (pltpu.VMEM((CH,), jnp.int32), pltpu.VMEM((CH,), jnp.int32)),
            (pltpu.VMEM((CH, EW), _f32), pltpu.VMEM((CH, EW), _f32)),
            pltpu.SemaphoreType.DMA,
        ],
    )
    scat32 = pl.kernel(
        _scat32_body,
        out_type=jax.ShapeDtypeStruct((NCORE * B_PAD, half), _f32),
        mesh=mesh,
        compiler_params=cp,
        scratch_types=[
            pltpu.VMEM_SHARED((B_PAD, half), _f32),
            (pltpu.VMEM((CH,), jnp.int32), pltpu.VMEM((CH,), jnp.int32)),
            (pltpu.VMEM((CH, half), _f32), pltpu.VMEM((CH, half), _f32)),
            pltpu.SemaphoreType.DMA,
        ],
    )
    gath32 = pl.kernel(
        _gath32_body,
        out_type=jax.ShapeDtypeStruct((NCH, CH, HID), _f32),
        mesh=mesh,
        compiler_params=cp,
        scratch_types=[
            (pltpu.VMEM((CH,), jnp.int32), pltpu.VMEM((CH,), jnp.int32)),
            (pltpu.VMEM((CH, half), _f32), pltpu.VMEM((CH, half), _f32),
             pltpu.VMEM((CH, half), _f32), pltpu.VMEM((CH, half), _f32)),
            pltpu.SemaphoreType.DMA,
        ],
    )
    return scat4, gath4, scat32, gath32



def kernel(x, batch, map_W, map_b, kn_W1, kn_b1, kn_g, kn_be, kn_W2, kn_b2,
           vn_W1, vn_b1, vn_g, vn_be, vn_W2, vn_b2,
           dec_W1, dec_b1, dec_W2, dec_b2):
    r2 = lambda a: a.reshape(1, -1)
    scat4, gath4, scat32, gath32 = _sc_kernels()
    bi2 = batch.astype(jnp.int32).reshape(NCH, CH)
    zeros32 = jnp.zeros((B_PAD, HID // NCORE), _f32)

    e = pl.pallas_call(
        _tc1_body,
        grid=(GRID_TC,),
        in_specs=[_row_spec(DIM), _w_spec((DIM, KEY_DIM)), _w_spec((1, KEY_DIM))],
        out_specs=_row_spec(EW),
        out_shape=jax.ShapeDtypeStruct((N, EW), _f32),
    )(x, map_W, r2(map_b))

    stab = scat4(e.reshape(NCH, CH, EW), bi2, zeros32)
    sg = gath4(stab.reshape(NCORE, B_PAD, EW), bi2)

    keys, y = pl.pallas_call(
        _tc2_body,
        grid=(GRID_TC,),
        in_specs=[
            _row_spec(DIM), _row_spec(EW), _row_spec(EW),
            _w_spec((KEY_DIM, MID_K)), _w_spec((1, MID_K)), _w_spec((1, MID_K)),
            _w_spec((1, MID_K)), _w_spec((MID_K, HID)), _w_spec((1, HID)),
            _w_spec((DIM, MID_V)), _w_spec((1, MID_V)), _w_spec((1, MID_V)),
            _w_spec((1, MID_V)), _w_spec((MID_V, HID)), _w_spec((1, HID)),
        ],
        out_specs=[_row_spec(KEY_DIM), _row_spec(HID)],
        out_shape=[
            jax.ShapeDtypeStruct((N, KEY_DIM), _f32),
            jax.ShapeDtypeStruct((N, HID), _f32),
        ],
    )(x, e, sg.reshape(N, EW),
      kn_W1, r2(kn_b1), r2(kn_g), r2(kn_be), kn_W2, r2(kn_b2),
      vn_W1, r2(vn_b1), r2(vn_g), r2(vn_be), vn_W2, r2(vn_b2))

    ztab = scat32(y.reshape(NCH, CH, HID), bi2, zeros32)
    zb = gath32(ztab.reshape(NCORE, B_PAD, HID // NCORE), bi2)

    xr = pl.pallas_call(
        _tc3_body,
        grid=(GRID_TC,),
        in_specs=[
            _row_spec(KEY_DIM), _row_spec(HID),
            _w_spec((KEY_DIM, MID_K)), _w_spec((1, MID_K)), _w_spec((1, MID_K)),
            _w_spec((1, MID_K)), _w_spec((MID_K, HID)), _w_spec((1, HID)),
            _w_spec((HID, MID_D)), _w_spec((1, MID_D)),
            _w_spec((MID_D, DIM)), _w_spec((1, DIM)),
        ],
        out_specs=_row_spec(DIM),
        out_shape=jax.ShapeDtypeStruct((N, DIM), _f32),
    )(keys, zb.reshape(N, HID),
      kn_W1, r2(kn_b1), r2(kn_g), r2(kn_be), kn_W2, r2(kn_b2),
      dec_W1, r2(dec_b1), dec_W2, r2(dec_b2))

    return (xr, batch)

# --- scband reference (transcript-rebuilt; emitter-appended) ---
"""Pipeline reference for scband-auto-encoder-14328010899797 (READ-ONLY COPY).

The authoritative reference and input builder live on the scoring server;
editing this copy changes nothing except your own understanding.
"""

import jax, jax.numpy as jnp
import numpy as np

N = 800000
B = 50000
DIM = 16
HID = 64
KEY_DIM = 4
MID_K = (KEY_DIM + HID) // 2   # 34
MID_V = (DIM + HID) // 2       # 40
MID_D = (HID + DIM) // 2       # 40

def mish(x):
    return x * jnp.tanh(jax.nn.softplus(x))

def layernorm(x, g, b):
    mu = jnp.mean(x, axis=-1, keepdims=True)
    var = jnp.var(x, axis=-1, keepdims=True)
    return (x - mu) / jnp.sqrt(var + 1e-5) * g + b

def scatter_softmax(src, seg, num_segments):
    m = jax.ops.segment_max(src, seg, num_segments=num_segments)
    e = jnp.exp(src - m[seg])
    s = jax.ops.segment_sum(e, seg, num_segments=num_segments)
    return e / (s[seg] + 1e-16)

def setup_inputs(seed: int = 0) -> dict:
    key = jax.random.key(seed)
    ks = jax.random.split(key, 20)
    inp = {}
    inp['x'] = jax.random.normal(ks[0], (N, DIM), dtype=jnp.float32)
    inp['batch'] = jnp.sort(jax.random.randint(ks[1], (N,), 0, B))
    s = 0.1
    inp['map_W'] = jax.random.normal(ks[2], (DIM, KEY_DIM)) * s
    inp['map_b'] = jnp.zeros((KEY_DIM,))
    inp['kn_W1'] = jax.random.normal(ks[3], (KEY_DIM, MID_K)) * s
    inp['kn_b1'] = jnp.zeros((MID_K,))
    inp['kn_g'] = jnp.ones((MID_K,))
    inp['kn_be'] = jnp.zeros((MID_K,))
    inp['kn_W2'] = jax.random.normal(ks[4], (MID_K, HID)) * s
    inp['kn_b2'] = jnp.zeros((HID,))
    inp['vn_W1'] = jax.random.normal(ks[5], (DIM, MID_V)) * s
    inp['vn_b1'] = jnp.zeros((MID_V,))
    inp['vn_g'] = jnp.ones((MID_V,))
    inp['vn_be'] = jnp.zeros((MID_V,))
    inp['vn_W2'] = jax.random.normal(ks[6], (MID_V, HID)) * s
    inp['vn_b2'] = jnp.zeros((HID,))
    inp['dec_W1'] = jax.random.normal(ks[7], (HID, MID_D)) * s
    inp['dec_b1'] = jnp.zeros((MID_D,))
    inp['dec_W2'] = jax.random.normal(ks[8], (MID_D, DIM)) * s
    inp['dec_b2'] = jnp.zeros((DIM,))
    return inp

def reference(x, batch, map_W, map_b, kn_W1, kn_b1, kn_g, kn_be, kn_W2, kn_b2,
              vn_W1, vn_b1, vn_g, vn_be, vn_W2, vn_b2,
              dec_W1, dec_b1, dec_W2, dec_b2):
    # ---- Encoder ----
    key0 = x @ map_W + map_b                       # mapping: 1-layer MLP dim->key_dim
    keys = scatter_softmax(key0, batch, B)         # scatter_softmax over segments
    # key_net (2-layer MLP w/ layernorm + Mish)
    hk = mish(layernorm(keys @ kn_W1 + kn_b1, kn_g, kn_be))
    kq = hk @ kn_W2 + kn_b2
    # val_net
    hv = mish(layernorm(x @ vn_W1 + vn_b1, vn_g, vn_be))
    vv = hv @ vn_W2 + vn_b2
    y = vv * kq
    z = jax.ops.segment_sum(y, batch, num_segments=B)   # scatter-add reduce to latent
    # key_storage: keys/batch round-trip; n_pred = per-segment counts
    keys_dec = keys
    # ---- Decoder ----
    hq = mish(layernorm(keys_dec @ kn_W1 + kn_b1, kn_g, kn_be))
    q = hq @ kn_W2 + kn_b2
    # repeat_interleave(z, n_pred) with sorted batch == gather z[batch]
    vals_rep = jnp.take(z, batch, axis=0)
    zp = vals_rep * q
    hd = mish(zp @ dec_W1 + dec_b1)
    xr = hd @ dec_W2 + dec_b2
    return (xr, batch)

if __name__ == "__main__":
    import jax
    _d = setup_inputs()
    print(jax.jit(kernel)(*tuple(_d.values())))

</pallas_src>

<mosaic_0001>
#map = affine_map<(d0, d1) -> (0, 0, 0)>
#map1 = affine_map<(d0, d1) -> (0, 0)>
module attributes {stable_mosaic.version = 14 : i64} {
  func.func @_gath4_body(%arg0: i32, %arg1: i32, %arg2: memref<2x51200x32xf32, #tpu.memory_space<hbm>>, %arg3: memref<6250x128xi32, #tpu.memory_space<hbm>>, %arg4: memref<6250x128x32xf32, #tpu.memory_space<hbm>>, %arg5: memref<128xi32, #tpu.memory_space<vmem>>, %arg6: memref<128xi32, #tpu.memory_space<vmem>>, %arg7: memref<128x32xf32, #tpu.memory_space<vmem>>, %arg8: memref<128x32xf32, #tpu.memory_space<vmem>>, %arg9: memref<!tpu.dma_semaphore, #tpu.memory_space<semaphore_mem>>) attributes {dimension_semantics = [#tpu.dimension_semantics<core_parallel>, #tpu.dimension_semantics<subcore_parallel>], iteration_bounds = array<i64: 2, 16>, scalar_prefetch = 0 : i64, scratch_operands = 5 : i64, tpu.core_type = #tpu.core_type<sc_vector_subcore>, window_params = [{transform_indices = #map}, {transform_indices = #map1}, {transform_indices = #map}]} {
    %mul3A = arith.constant 2 : i32
    %mul3A_0 = arith.muli %arg1, %mul3A : i32
    %add3A = arith.addi %mul3A_0, %arg0 : i32
    %mul3A_1 = arith.constant 195 : i32
    %mul3A_2 = arith.muli %add3A, %mul3A_1 : i32
    %min3A = arith.constant 10 : i32
    %min3A_3 = arith.minsi %add3A, %min3A : i32
    %add3A_4 = arith.addi %mul3A_2, %min3A_3 : i32
    %lt3A = arith.constant 10 : i32
    %lt3A_5 = arith.cmpi slt, %add3A, %lt3A : i32
    %jit3A = arith.constant 1 : i32
    %jit3A_6 = arith.constant 0 : i32
    %select_n3A = arith.select %lt3A_5, %jit3A, %jit3A_6 : i32
    %add3A_7 = arith.constant 195 : i32
    %add3A_8 = arith.addi %add3A_7, %select_n3A : i32
    %jit3A_9 = arith.constant 2 : i32
    %div3A = arith.divsi %add3A_8, %jit3A_9 : i32
    %sign3A = arith.constant 0 : i32
    %sign3A_10 = arith.cmpi sgt, %add3A_8, %sign3A : i32
    %sign3A_11 = arith.extui %sign3A_10 : i1 to i32
    %sign3A_12 = arith.constant 0 : i32
    %sign3A_13 = arith.cmpi slt, %add3A_8, %sign3A_12 : i32
    %sign3A_14 = arith.extui %sign3A_13 : i1 to i32
    %sign3A_15 = arith.subi %sign3A_11, %sign3A_14 : i32
    %sign3A_16 = arith.constant 0 : i32
    %sign3A_17 = arith.cmpi sgt, %jit3A_9, %sign3A_16 : i32
    %sign3A_18 = arith.extui %sign3A_17 : i1 to i32
    %sign3A_19 = arith.constant 0 : i32
    %sign3A_20 = arith.cmpi slt, %jit3A_9, %sign3A_19 : i32
    %sign3A_21 = arith.extui %sign3A_20 : i1 to i32
    %sign3A_22 = arith.subi %sign3A_18, %sign3A_21 : i32
    %ne3A = arith.cmpi ne, %sign3A_15, %sign3A_22 : i32
    %rem3A = arith.remsi %add3A_8, %jit3A_9 : i32
    %ne3A_23 = arith.constant 0 : i32
    %ne3A_24 = arith.cmpi ne, %rem3A, %ne3A_23 : i32
    %and3A = arith.andi %ne3A, %ne3A_24 : i1
    %sub3A = arith.constant 1 : i32
    %sub3A_25 = arith.subi %div3A, %sub3A : i32
    %select_n3A_26 = arith.select %and3A, %sub3A_25, %div3A : i32
    %while3A = arith.constant 0 : i32
    %while3A_27 = arith.constant 0 : i32
    %while3A_28 = arith.subi %select_n3A_26, %while3A_27 : i32
    %while3A_29 = arith.addi %while3A_27, %while3A_28 : i32
    %while3A_30 = arith.constant 1 : i32
    %while3A_31 = arith.divsi %while3A_28, %while3A_30 : i32
    %while3A_32 = arith.muli %while3A_31, %while3A_30 : i32
    %while3A_33 = arith.addi %while3A_27, %while3A_32 : i32
    %while3A_34 = arith.constant 1 : i32
    scf.for %while3A_73 = %while3A_27 to %while3A_33 step %while3A_34  : i32 {
      %mul3A_74 = arith.constant 2 : i32
      %mul3A_75 = arith.muli %while3A_73, %mul3A_74 : i32
      %add3A_76 = arith.addi %add3A_4, %mul3A_75 : i32
      "tpu.region"() ({
        %run_scoped3A = tpu.sem_alloc : memref<!tpu.dma_semaphore, #tpu.memory_space<semaphore_mem>>
        %dma_start3A_107 = arith.constant 0 : i32
        %dma_start3A_108 = tpu.memref_slice %arg3[%add3A_76, %dma_start3A_107] : memref<6250x128xi32, #tpu.memory_space<hbm>> -> memref<1x128xi32, #tpu.memory_space<hbm>>
        %dma_start3A_109 = tpu.memref_squeeze %dma_start3A_108 : memref<1x128xi32, #tpu.memory_space<hbm>> -> memref<128xi32, #tpu.memory_space<hbm>>
        %dma_start3A_110 = arith.constant 0 : i32
        %dma_start3A_111 = tpu.memref_slice %arg3[%add3A_76, %dma_start3A_110] : memref<6250x128xi32, #tpu.memory_space<hbm>> -> memref<1x128xi32, #tpu.memory_space<hbm>>
        %dma_start3A_112 = tpu.memref_squeeze %dma_start3A_111 : memref<1x128xi32, #tpu.memory_space<hbm>> -> memref<128xi32, #tpu.memory_space<hbm>>
        tpu.enqueue_dma source(%dma_start3A_112 : memref<128xi32, #tpu.memory_space<hbm>>) target(%arg5 : memref<128xi32, #tpu.memory_space<vmem>>) target_semaphore(%run_scoped3A : memref<!tpu.dma_semaphore, #tpu.memory_space<semaphore_mem>>)
        %dma_wait3A_113 = arith.constant 0 : i32
        %dma_wait3A_114 = tpu.memref_slice %arg3[%add3A_76, %dma_wait3A_113] : memref<6250x128xi32, #tpu.memory_space<hbm>> -> memref<1x128xi32, #tpu.memory_space<hbm>>
        %dma_wait3A_115 = tpu.memref_squeeze %dma_wait3A_114 : memref<1x128xi32, #tpu.memory_space<hbm>> -> memref<128xi32, #tpu.memory_space<hbm>>
        %dma_wait3A_116 = arith.constant 0 : i32
        %dma_wait3A_117 = tpu.memref_slice %arg3[%add3A_76, %dma_wait3A_116] : memref<6250x128xi32, #tpu.memory_space<hbm>> -> memref<1x128xi32, #tpu.memory_space<hbm>>
        %dma_wait3A_118 = tpu.memref_squeeze %dma_wait3A_117 : memref<1x128xi32, #tpu.memory_space<hbm>> -> memref<128xi32, #tpu.memory_space<hbm>>
        tpu.wait_dma2 semaphore(%run_scoped3A : memref<!tpu.dma_semaphore, #tpu.memory_space<semaphore_mem>>) src(%dma_wait3A_118 : memref<128xi32, #tpu.memory_space<hbm>>) dst(%arg5 : memref<128xi32, #tpu.memory_space<vmem>>)
        tpu.yield
      }) : () -> ()
      %dma_start3A = arith.constant 0 : i32
      %dma_start3A_77 = arith.constant 0 : i32
      %dma_start3A_78 = tpu.memref_slice %arg2[%arg0, %dma_start3A, %dma_start3A_77] : memref<2x51200x32xf32, #tpu.memory_space<hbm>> -> memref<1x51200x32xf32, #tpu.memory_space<hbm>>
      %dma_start3A_79 = tpu.memref_squeeze %dma_start3A_78 : memref<1x51200x32xf32, #tpu.memory_space<hbm>> -> memref<51200x32xf32, #tpu.memory_space<hbm>>
      %dma_start3A_80 = arith.constant 0 : i32
      %dma_start3A_81 = arith.constant 0 : i32
      %dma_start3A_82 = tpu.memref_slice %dma_start3A_79[%dma_start3A_80, %dma_start3A_81] : memref<51200x32xf32, #tpu.memory_space<hbm>> -> memref<51200x32xf32, #tpu.memory_space<hbm>>
      tpu.enqueue_indirect_dma source(%dma_start3A_82 : memref<51200x32xf32, #tpu.memory_space<hbm>>) target(%arg7 : memref<128x32xf32, #tpu.memory_space<vmem>>) offsets(%arg5 : memref<128xi32, #tpu.memory_space<vmem>>) semaphore(%arg9 : memref<!tpu.dma_semaphore, #tpu.memory_space<semaphore_mem>>)
      %add3A_83 = arith.constant 1 : i32
      %add3A_84 = arith.addi %add3A_76, %add3A_83 : i32
      "tpu.region"() ({
        %run_scoped3A = tpu.sem_alloc : memref<!tpu.dma_semaphore, #tpu.memory_space<semaphore_mem>>
        %dma_start3A_107 = arith.constant 0 : i32
        %dma_start3A_108 = tpu.memref_slice %arg3[%add3A_84, %dma_start3A_107] : memref<6250x128xi32, #tpu.memory_space<hbm>> -> memref<1x128xi32, #tpu.memory_space<hbm>>
        %dma_start3A_109 = tpu.memref_squeeze %dma_start3A_108 : memref<1x128xi32, #tpu.memory_space<hbm>> -> memref<128xi32, #tpu.memory_space<hbm>>
        %dma_start3A_110 = arith.constant 0 : i32
        %dma_start3A_111 = tpu.memref_slice %arg3[%add3A_84, %dma_start3A_110] : memref<6250x128xi32, #tpu.memory_space<hbm>> -> memref<1x128xi32, #tpu.memory_space<hbm>>
        %dma_start3A_112 = tpu.memref_squeeze %dma_start3A_111 : memref<1x128xi32, #tpu.memory_space<hbm>> -> memref<128xi32, #tpu.memory_space<hbm>>
        tpu.enqueue_dma source(%dma_start3A_112 : memref<128xi32, #tpu.memory_space<hbm>>) target(%arg6 : memref<128xi32, #tpu.memory_space<vmem>>) target_semaphore(%run_scoped3A : memref<!tpu.dma_semaphore, #tpu.memory_space<semaphore_mem>>)
        %dma_wait3A_113 = arith.constant 0 : i32
        %dma_wait3A_114 = tpu.memref_slice %arg3[%add3A_84, %dma_wait3A_113] : memref<6250x128xi32, #tpu.memory_space<hbm>> -> memref<1x128xi32, #tpu.memory_space<hbm>>
        %dma_wait3A_115 = tpu.memref_squeeze %dma_wait3A_114 : memref<1x128xi32, #tpu.memory_space<hbm>> -> memref<128xi32, #tpu.memory_space<hbm>>
        %dma_wait3A_116 = arith.constant 0 : i32
        %dma_wait3A_117 = tpu.memref_slice %arg3[%add3A_84, %dma_wait3A_116] : memref<6250x128xi32, #tpu.memory_space<hbm>> -> memref<1x128xi32, #tpu.memory_space<hbm>>
        %dma_wait3A_118 = tpu.memref_squeeze %dma_wait3A_117 : memref<1x128xi32, #tpu.memory_space<hbm>> -> memref<128xi32, #tpu.memory_space<hbm>>
        tpu.wait_dma2 semaphore(%run_scoped3A : memref<!tpu.dma_semaphore, #tpu.memory_space<semaphore_mem>>) src(%dma_wait3A_118 : memref<128xi32, #tpu.memory_space<hbm>>) dst(%arg6 : memref<128xi32, #tpu.memory_space<vmem>>)
        tpu.yield
      }) : () -> ()
      %dma_start3A_85 = arith.constant 0 : i32
      %dma_start3A_86 = arith.constant 0 : i32
      %dma_start3A_87 = tpu.memref_slice %arg2[%arg0, %dma_start3A_85, %dma_start3A_86] : memref<2x51200x32xf32, #tpu.memory_space<hbm>> -> memref<1x51200x32xf32, #tpu.memory_space<hbm>>
      %dma_start3A_88 = tpu.memref_squeeze %dma_start3A_87 : memref<1x51200x32xf32, #tpu.memory_space<hbm>> -> memref<51200x32xf32, #tpu.memory_space<hbm>>
      %dma_start3A_89 = arith.constant 0 : i32
      %dma_start3A_90 = arith.constant 0 : i32
      %dma_start3A_91 = tpu.memref_slice %dma_start3A_88[%dma_start3A_89, %dma_start3A_90] : memref<51200x32xf32, #tpu.memory_space<hbm>> -> memref<51200x32xf32, #tpu.memory_space<hbm>>
      tpu.enqueue_indirect_dma source(%dma_start3A_91 : memref<51200x32xf32, #tpu.memory_space<hbm>>) target(%arg8 : memref<128x32xf32, #tpu.memory_space<vmem>>) offsets(%arg6 : memref<128xi32, #tpu.memory_space<vmem>>) semaphore(%arg9 : memref<!tpu.dma_semaphore, #tpu.memory_space<semaphore_mem>>)
      %dma_wait3A = arith.constant 0 : i32
      %dma_wait3A_92 = arith.constant 0 : i32
      %dma_wait3A_93 = tpu.memref_slice %arg2[%arg0, %dma_wait3A, %dma_wait3A_92] : memref<2x51200x32xf32, #tpu.memory_space<hbm>> -> memref<1x51200x32xf32, #tpu.memory_space<hbm>>
      %dma_wait3A_94 = tpu.memref_squeeze %dma_wait3A_93 : memref<1x51200x32xf32, #tpu.memory_space<hbm>> -> memref<51200x32xf32, #tpu.memory_space<hbm>>
      %dma_wait3A_95 = arith.constant 0 : i32
      %dma_wait3A_96 = arith.constant 0 : i32
      %dma_wait3A_97 = tpu.memref_slice %dma_wait3A_94[%dma_wait3A_95, %dma_wait3A_96] : memref<51200x32xf32, #tpu.memory_space<hbm>> -> memref<51200x32xf32, #tpu.memory_space<hbm>>
      tpu.wait_indirect_dma semaphore(%arg9 : memref<!tpu.dma_semaphore, #tpu.memory_space<semaphore_mem>>) src(%dma_wait3A_97 : memref<51200x32xf32, #tpu.memory_space<hbm>>) dst(%arg7 : memref<128x32xf32, #tpu.memory_space<vmem>>)
      "tpu.region"() ({
        %run_scoped3A = tpu.sem_alloc : memref<!tpu.dma_semaphore, #tpu.memory_space<semaphore_mem>>
        %dma_start3A_107 = arith.constant 0 : i32
        %dma_start3A_108 = arith.constant 0 : i32
        %dma_start3A_109 = tpu.memref_slice %arg4[%add3A_76, %dma_start3A_107, %dma_start3A_108] : memref<6250x128x32xf32, #tpu.memory_space<hbm>> -> memref<1x128x32xf32, #tpu.memory_space<hbm>>
        %dma_start3A_110 = tpu.memref_squeeze %dma_start3A_109 : memref<1x128x32xf32, #tpu.memory_space<hbm>> -> memref<128x32xf32, #tpu.memory_space<hbm>>
        %dma_start3A_111 = arith.constant 0 : i32
        %dma_start3A_112 = arith.constant 0 : i32
        %dma_start3A_113 = tpu.memref_slice %arg4[%add3A_76, %dma_start3A_111, %dma_start3A_112] : memref<6250x128x32xf32, #tpu.memory_space<hbm>> -> memref<1x128x32xf32, #tpu.memory_space<hbm>>
        %dma_start3A_114 = tpu.memref_squeeze %dma_start3A_113 : memref<1x128x32xf32, #tpu.memory_space<hbm>> -> memref<128x32xf32, #tpu.memory_space<hbm>>
        tpu.enqueue_dma source(%arg7 : memref<128x32xf32, #tpu.memory_space<vmem>>) target(%dma_start3A_114 : memref<128x32xf32, #tpu.memory_space<hbm>>) target_semaphore(%run_scoped3A : memref<!tpu.dma_semaphore, #tpu.memory_space<semaphore_mem>>)
        %dma_wait3A_115 = arith.constant 0 : i32
        %dma_wait3A_116 = arith.constant 0 : i32
        %dma_wait3A_117 = tpu.memref_slice %arg4[%add3A_76, %dma_wait3A_115, %dma_wait3A_116] : memref<6250x128x32xf32, #tpu.memory_space<hbm>> -> memref<1x128x32xf32, #tpu.memory_space<hbm>>
        %dma_wait3A_118 = tpu.memref_squeeze %dma_wait3A_117 : memref<1x128x32xf32, #tpu.memory_space<hbm>> -> memref<128x32xf32, #tpu.memory_space<hbm>>
        %dma_wait3A_119 = arith.constant 0 : i32
        %dma_wait3A_120 = arith.constant 0 : i32
        %dma_wait3A_121 = tpu.memref_slice %arg4[%add3A_76, %dma_wait3A_119, %dma_wait3A_120] : memref<6250x128x32xf32, #tpu.memory_space<hbm>> -> memref<1x128x32xf32, #tpu.memory_space<hbm>>
        %dma_wait3A_122 = tpu.memref_squeeze %dma_wait3A_121 : memref<1x128x32xf32, #tpu.memory_space<hbm>> -> memref<128x32xf32, #tpu.memory_space<hbm>>
        tpu.wait_dma2 semaphore(%run_scoped3A : memref<!tpu.dma_semaphore, #tpu.memory_space<semaphore_mem>>) src(%arg7 : memref<128x32xf32, #tpu.memory_space<vmem>>) dst(%dma_wait3A_122 : memref<128x32xf32, #tpu.memory_space<hbm>>)
        tpu.yield
      }) : () -> ()
      %dma_wait3A_98 = arith.constant 0 : i32
      %dma_wait3A_99 = arith.constant 0 : i32
      %dma_wait3A_100 = tpu.memref_slice %arg2[%arg0, %dma_wait3A_98, %dma_wait3A_99] : memref<2x51200x32xf32, #tpu.memory_space<hbm>> -> memref<1x51200x32xf32, #tpu.memory_space<hbm>>
      %dma_wait3A_101 = tpu.memref_squeeze %dma_wait3A_100 : memref<1x51200x32xf32, #tpu.memory_space<hbm>> -> memref<51200x32xf32, #tpu.memory_space<hbm>>
      %dma_wait3A_102 = arith.constant 0 : i32
      %dma_wait3A_103 = arith.constant 0 : i32
      %dma_wait3A_104 = tpu.memref_slice %dma_wait3A_101[%dma_wait3A_102, %dma_wait3A_103] : memref<51200x32xf32, #tpu.memory_space<hbm>> -> memref<51200x32xf32, #tpu.memory_space<hbm>>
      tpu.wait_indirect_dma semaphore(%arg9 : memref<!tpu.dma_semaphore, #tpu.memory_space<semaphore_mem>>) src(%dma_wait3A_104 : memref<51200x32xf32, #tpu.memory_space<hbm>>) dst(%arg8 : memref<128x32xf32, #tpu.memory_space<vmem>>)
      %add3A_105 = arith.constant 1 : i32
      %add3A_106 = arith.addi %add3A_76, %add3A_105 : i32
      "tpu.region"() ({
        %run_scoped3A = tpu.sem_alloc : memref<!tpu.dma_semaphore, #tpu.memory_space<semaphore_mem>>
        %dma_start3A_107 = arith.constant 0 : i32
        %dma_start3A_108 = arith.constant 0 : i32
        %dma_start3A_109 = tpu.memref_slice %arg4[%add3A_106, %dma_start3A_107, %dma_start3A_108] : memref<6250x128x32xf32, #tpu.memory_space<hbm>> -> memref<1x128x32xf32, #tpu.memory_space<hbm>>
        %dma_start3A_110 = tpu.memref_squeeze %dma_start3A_109 : memref<1x128x32xf32, #tpu.memory_space<hbm>> -> memref<128x32xf32, #tpu.memory_space<hbm>>
        %dma_start3A_111 = arith.constant 0 : i32
        %dma_start3A_112 = arith.constant 0 : i32
        %dma_start3A_113 = tpu.memref_slice %arg4[%add3A_106, %dma_start3A_111, %dma_start3A_112] : memref<6250x128x32xf32, #tpu.memory_space<hbm>> -> memref<1x128x32xf32, #tpu.memory_space<hbm>>
        %dma_start3A_114 = tpu.memref_squeeze %dma_start3A_113 : memref<1x128x32xf32, #tpu.memory_space<hbm>> -> memref<128x32xf32, #tpu.memory_space<hbm>>
        tpu.enqueue_dma source(%arg8 : memref<128x32xf32, #tpu.memory_space<vmem>>) target(%dma_start3A_114 : memref<128x32xf32, #tpu.memory_space<hbm>>) target_semaphore(%run_scoped3A : memref<!tpu.dma_semaphore, #tpu.memory_space<semaphore_mem>>)
        %dma_wait3A_115 = arith.constant 0 : i32
        %dma_wait3A_116 = arith.constant 0 : i32
        %dma_wait3A_117 = tpu.memref_slice %arg4[%add3A_106, %dma_wait3A_115, %dma_wait3A_116] : memref<6250x128x32xf32, #tpu.memory_space<hbm>> -> memref<1x128x32xf32, #tpu.memory_space<hbm>>
        %dma_wait3A_118 = tpu.memref_squeeze %dma_wait3A_117 : memref<1x128x32xf32, #tpu.memory_space<hbm>> -> memref<128x32xf32, #tpu.memory_space<hbm>>
        %dma_wait3A_119 = arith.constant 0 : i32
        %dma_wait3A_120 = arith.constant 0 : i32
        %dma_wait3A_121 = tpu.memref_slice %arg4[%add3A_106, %dma_wait3A_119, %dma_wait3A_120] : memref<6250x128x32xf32, #tpu.memory_space<hbm>> -> memref<1x128x32xf32, #tpu.memory_space<hbm>>
        %dma_wait3A_122 = tpu.memref_squeeze %dma_wait3A_121 : memref<1x128x32xf32, #tpu.memory_space<hbm>> -> memref<128x32xf32, #tpu.memory_space<hbm>>
        tpu.wait_dma2 semaphore(%run_scoped3A : memref<!tpu.dma_semaphore, #tpu.memory_space<semaphore_mem>>) src(%arg8 : memref<128x32xf32, #tpu.memory_space<vmem>>) dst(%dma_wait3A_122 : memref<128x32xf32, #tpu.memory_space<hbm>>)
        tpu.yield
      }) : () -> ()
    }
    %while3A_35 = arith.constant 1 : i32
    scf.for %while3A_73 = %while3A_33 to %while3A_29 step %while3A_35  : i32 {
      %mul3A_74 = arith.constant 2 : i32
      %mul3A_75 = arith.muli %while3A_73, %mul3A_74 : i32
      %add3A_76 = arith.addi %add3A_4, %mul3A_75 : i32
      "tpu.region"() ({
        %run_scoped3A = tpu.sem_alloc : memref<!tpu.dma_semaphore, #tpu.memory_space<semaphore_mem>>
        %dma_start3A_107 = arith.constant 0 : i32
        %dma_start3A_108 = tpu.memref_slice %arg3[%add3A_76, %dma_start3A_107] : memref<6250x128xi32, #tpu.memory_space<hbm>> -> memref<1x128xi32, #tpu.memory_space<hbm>>
        %dma_start3A_109 = tpu.memref_squeeze %dma_start3A_108 : memref<1x128xi32, #tpu.memory_space<hbm>> -> memref<128xi32, #tpu.memory_space<hbm>>
        %dma_start3A_110 = arith.constant 0 : i32
        %dma_start3A_111 = tpu.memref_slice %arg3[%add3A_76, %dma_start3A_110] : memref<6250x128xi32, #tpu.memory_space<hbm>> -> memref<1x128xi32, #tpu.memory_space<hbm>>
        %dma_start3A_112 = tpu.memref_squeeze %dma_start3A_111 : memref<1x128xi32, #tpu.memory_space<hbm>> -> memref<128xi32, #tpu.memory_space<hbm>>
        tpu.enqueue_dma source(%dma_start3A_112 : memref<128xi32, #tpu.memory_space<hbm>>) target(%arg5 : memref<128xi32, #tpu.memory_space<vmem>>) target_semaphore(%run_scoped3A : memref<!tpu.dma_semaphore, #tpu.memory_space<semaphore_mem>>)
        %dma_wait3A_113 = arith.constant 0 : i32
        %dma_wait3A_114 = tpu.memref_slice %arg3[%add3A_76, %dma_wait3A_113] : memref<6250x128xi32, #tpu.memory_space<hbm>> -> memref<1x128xi32, #tpu.memory_space<hbm>>
        %dma_wait3A_115 = tpu.memref_squeeze %dma_wait3A_114 : memref<1x128xi32, #tpu.memory_space<hbm>> -> memref<128xi32, #tpu.memory_space<hbm>>
        %dma_wait3A_116 = arith.constant 0 : i32
        %dma_wait3A_117 = tpu.memref_slice %arg3[%add3A_76, %dma_wait3A_116] : memref<6250x128xi32, #tpu.memory_space<hbm>> -> memref<1x128xi32, #tpu.memory_space<hbm>>
        %dma_wait3A_118 = tpu.memref_squeeze %dma_wait3A_117 : memref<1x128xi32, #tpu.memory_space<hbm>> -> memref<128xi32, #tpu.memory_space<hbm>>
        tpu.wait_dma2 semaphore(%run_scoped3A : memref<!tpu.dma_semaphore, #tpu.memory_space<semaphore_mem>>) src(%dma_wait3A_118 : memref<128xi32, #tpu.memory_space<hbm>>) dst(%arg5 : memref<128xi32, #tpu.memory_space<vmem>>)
        tpu.yield
      }) : () -> ()
      %dma_start3A = arith.constant 0 : i32
      %dma_start3A_77 = arith.constant 0 : i32
      %dma_start3A_78 = tpu.memref_slice %arg2[%arg0, %dma_start3A, %dma_start3A_77] : memref<2x51200x32xf32, #tpu.memory_space<hbm>> -> memref<1x51200x32xf32, #tpu.memory_space<hbm>>
      %dma_start3A_79 = tpu.memref_squeeze %dma_start3A_78 : memref<1x51200x32xf32, #tpu.memory_space<hbm>> -> memref<51200x32xf32, #tpu.memory_space<hbm>>
      %dma_start3A_80 = arith.constant 0 : i32
      %dma_start3A_81 = arith.constant 0 : i32
      %dma_start3A_82 = tpu.memref_slice %dma_start3A_79[%dma_start3A_80, %dma_start3A_81] : memref<51200x32xf32, #tpu.memory_space<hbm>> -> memref<51200x32xf32, #tpu.memory_space<hbm>>
      tpu.enqueue_indirect_dma source(%dma_start3A_82 : memref<51200x32xf32, #tpu.memory_space<hbm>>) target(%arg7 : memref<128x32xf32, #tpu.memory_space<vmem>>) offsets(%arg5 : memref<128xi32, #tpu.memory_space<vmem>>) semaphore(%arg9 : memref<!tpu.dma_semaphore, #tpu.memory_space<semaphore_mem>>)
      %add3A_83 = arith.constant 1 : i32
      %add3A_84 = arith.addi %add3A_76, %add3A_83 : i32
      "tpu.region"() ({
        %run_scoped3A = tpu.sem_alloc : memref<!tpu.dma_semaphore, #tpu.memory_space<semaphore_mem>>
        %dma_start3A_107 = arith.constant 0 : i32
        %dma_start3A_108 = tpu.memref_slice %arg3[%add3A_84, %dma_start3A_107] : memref<6250x128xi32, #tpu.memory_space<hbm>> -> memref<1x128xi32, #tpu.memory_space<hbm>>
        %dma_start3A_109 = tpu.memref_squeeze %dma_start3A_108 : memref<1x128xi32, #tpu.memory_space<hbm>> -> memref<128xi32, #tpu.memory_space<hbm>>
        %dma_start3A_110 = arith.constant 0 : i32
        %dma_start3A_111 = tpu.memref_slice %arg3[%add3A_84, %dma_start3A_110] : memref<6250x128xi32, #tpu.memory_space<hbm>> -> memref<1x128xi32, #tpu.memory_space<hbm>>
        %dma_start3A_112 = tpu.memref_squeeze %dma_start3A_111 : memref<1x128xi32, #tpu.memory_space<hbm>> -> memref<128xi32, #tpu.memory_space<hbm>>
        tpu.enqueue_dma source(%dma_start3A_112 : memref<128xi32, #tpu.memory_space<hbm>>) target(%arg6 : memref<128xi32, #tpu.memory_space<vmem>>) target_semaphore(%run_scoped3A : memref<!tpu.dma_semaphore, #tpu.memory_space<semaphore_mem>>)
        %dma_wait3A_113 = arith.constant 0 : i32
        %dma_wait3A_114 = tpu.memref_slice %arg3[%add3A_84, %dma_wait3A_113] : memref<6250x128xi32, #tpu.memory_space<hbm>> -> memref<1x128xi32, #tpu.memory_space<hbm>>
        %dma_wait3A_115 = tpu.memref_squeeze %dma_wait3A_114 : memref<1x128xi32, #tpu.memory_space<hbm>> -> memref<128xi32, #tpu.memory_space<hbm>>
        %dma_wait3A_116 = arith.constant 0 : i32
        %dma_wait3A_117 = tpu.memref_slice %arg3[%add3A_84, %dma_wait3A_116] : memref<6250x128xi32, #tpu.memory_space<hbm>> -> memref<1x128xi32, #tpu.memory_space<hbm>>
        %dma_wait3A_118 = tpu.memref_squeeze %dma_wait3A_117 : memref<1x128xi32, #tpu.memory_space<hbm>> -> memref<128xi32, #tpu.memory_space<hbm>>
        tpu.wait_dma2 semaphore(%run_scoped3A : memref<!tpu.dma_semaphore, #tpu.memory_space<semaphore_mem>>) src(%dma_wait3A_118 : memref<128xi32, #tpu.memory_space<hbm>>) dst(%arg6 : memref<128xi32, #tpu.memory_space<vmem>>)
        tpu.yield
      }) : () -> ()
      %dma_start3A_85 = arith.constant 0 : i32
      %dma_start3A_86 = arith.constant 0 : i32
      %dma_start3A_87 = tpu.memref_slice %arg2[%arg0, %dma_start3A_85, %dma_start3A_86] : memref<2x51200x32xf32, #tpu.memory_space<hbm>> -> memref<1x51200x32xf32, #tpu.memory_space<hbm>>
      %dma_start3A_88 = tpu.memref_squeeze %dma_start3A_87 : memref<1x51200x32xf32, #tpu.memory_space<hbm>> -> memref<51200x32xf32, #tpu.memory_space<hbm>>
      %dma_start3A_89 = arith.constant 0 : i32
      %dma_start3A_90 = arith.constant 0 : i32
      %dma_start3A_91 = tpu.memref_slice %dma_start3A_88[%dma_start3A_89, %dma_start3A_90] : memref<51200x32xf32, #tpu.memory_space<hbm>> -> memref<51200x32xf32, #tpu.memory_space<hbm>>
      tpu.enqueue_indirect_dma source(%dma_start3A_91 : memref<51200x32xf32, #tpu.memory_space<hbm>>) target(%arg8 : memref<128x32xf32, #tpu.memory_space<vmem>>) offsets(%arg6 : memref<128xi32, #tpu.memory_space<vmem>>) semaphore(%arg9 : memref<!tpu.dma_semaphore, #tpu.memory_space<semaphore_mem>>)
      %dma_wait3A = arith.constant 0 : i32
      %dma_wait3A_92 = arith.constant 0 : i32
      %dma_wait3A_93 = tpu.memref_slice %arg2[%arg0, %dma_wait3A, %dma_wait3A_92] : memref<2x51200x32xf32, #tpu.memory_space<hbm>> -> memref<1x51200x32xf32, #tpu.memory_space<hbm>>
      %dma_wait3A_94 = tpu.memref_squeeze %dma_wait3A_93 : memref<1x51200x32xf32, #tpu.memory_space<hbm>> -> memref<51200x32xf32, #tpu.memory_space<hbm>>
      %dma_wait3A_95 = arith.constant 0 : i32
      %dma_wait3A_96 = arith.constant 0 : i32
      %dma_wait3A_97 = tpu.memref_slice %dma_wait3A_94[%dma_wait3A_95, %dma_wait3A_96] : memref<51200x32xf32, #tpu.memory_space<hbm>> -> memref<51200x32xf32, #tpu.memory_space<hbm>>
      tpu.wait_indirect_dma semaphore(%arg9 : memref<!tpu.dma_semaphore, #tpu.memory_space<semaphore_mem>>) src(%dma_wait3A_97 : memref<51200x32xf32, #tpu.memory_space<hbm>>) dst(%arg7 : memref<128x32xf32, #tpu.memory_space<vmem>>)
      "tpu.region"() ({
        %run_scoped3A = tpu.sem_alloc : memref<!tpu.dma_semaphore, #tpu.memory_space<semaphore_mem>>
        %dma_start3A_107 = arith.constant 0 : i32
        %dma_start3A_108 = arith.constant 0 : i32
        %dma_start3A_109 = tpu.memref_slice %arg4[%add3A_76, %dma_start3A_107, %dma_start3A_108] : memref<6250x128x32xf32, #tpu.memory_space<hbm>> -> memref<1x128x32xf32, #tpu.memory_space<hbm>>
        %dma_start3A_110 = tpu.memref_squeeze %dma_start3A_109 : memref<1x128x32xf32, #tpu.memory_space<hbm>> -> memref<128x32xf32, #tpu.memory_space<hbm>>
        %dma_start3A_111 = arith.constant 0 : i32
        %dma_start3A_112 = arith.constant 0 : i32
        %dma_start3A_113 = tpu.memref_slice %arg4[%add3A_76, %dma_start3A_111, %dma_start3A_112] : memref<6250x128x32xf32, #tpu.memory_space<hbm>> -> memref<1x128x32xf32, #tpu.memory_space<hbm>>
        %dma_start3A_114 = tpu.memref_squeeze %dma_start3A_113 : memref<1x128x32xf32, #tpu.memory_space<hbm>> -> memref<128x32xf32, #tpu.memory_space<hbm>>
        tpu.enqueue_dma source(%arg7 : memref<128x32xf32, #tpu.memory_space<vmem>>) target(%dma_start3A_114 : memref<128x32xf32, #tpu.memory_space<hbm>>) target_semaphore(%run_scoped3A : memref<!tpu.dma_semaphore, #tpu.memory_space<semaphore_mem>>)
        %dma_wait3A_115 = arith.constant 0 : i32
        %dma_wait3A_116 = arith.constant 0 : i32
        %dma_wait3A_117 = tpu.memref_slice %arg4[%add3A_76, %dma_wait3A_115, %dma_wait3A_116] : memref<6250x128x32xf32, #tpu.memory_space<hbm>> -> memref<1x128x32xf32, #tpu.memory_space<hbm>>
        %dma_wait3A_118 = tpu.memref_squeeze %dma_wait3A_117 : memref<1x128x32xf32, #tpu.memory_space<hbm>> -> memref<128x32xf32, #tpu.memory_space<hbm>>
        %dma_wait3A_119 = arith.constant 0 : i32
        %dma_wait3A_120 = arith.constant 0 : i32
        %dma_wait3A_121 = tpu.memref_slice %arg4[%add3A_76, %dma_wait3A_119, %dma_wait3A_120] : memref<6250x128x32xf32, #tpu.memory_space<hbm>> -> memref<1x128x32xf32, #tpu.memory_space<hbm>>
        %dma_wait3A_122 = tpu.memref_squeeze %dma_wait3A_121 : memref<1x128x32xf32, #tpu.memory_space<hbm>> -> memref<128x32xf32, #tpu.memory_space<hbm>>
        tpu.wait_dma2 semaphore(%run_scoped3A : memref<!tpu.dma_semaphore, #tpu.memory_space<semaphore_mem>>) src(%arg7 : memref<128x32xf32, #tpu.memory_space<vmem>>) dst(%dma_wait3A_122 : memref<128x32xf32, #tpu.memory_space<hbm>>)
        tpu.yield
      }) : () -> ()
      %dma_wait3A_98 = arith.constant 0 : i32
      %dma_wait3A_99 = arith.constant 0 : i32
      %dma_wait3A_100 = tpu.memref_slice %arg2[%arg0, %dma_wait3A_98, %dma_wait3A_99] : memref<2x51200x32xf32, #tpu.memory_space<hbm>> -> memref<1x51200x32xf32, #tpu.memory_space<hbm>>
      %dma_wait3A_101 = tpu.memref_squeeze %dma_wait3A_100 : memref<1x51200x32xf32, #tpu.memory_space<hbm>> -> memref<51200x32xf32, #tpu.memory_space<hbm>>
      %dma_wait3A_102 = arith.constant 0 : i32
      %dma_wait3A_103 = arith.constant 0 : i32
      %dma_wait3A_104 = tpu.memref_slice %dma_wait3A_101[%dma_wait3A_102, %dma_wait3A_103] : memref<51200x32xf32, #tpu.memory_space<hbm>> -> memref<51200x32xf32, #tpu.memory_space<hbm>>
      tpu.wait_indirect_dma semaphore(%arg9 : memref<!tpu.dma_semaphore, #tpu.memory_space<semaphore_mem>>) src(%dma_wait3A_104 : memref<51200x32xf32, #tpu.memory_space<hbm>>) dst(%arg8 : memref<128x32xf32, #tpu.memory_space<vmem>>)
      %add3A_105 = arith.constant 1 : i32
      %add3A_106 = arith.addi %add3A_76, %add3A_105 : i32
      "tpu.region"() ({
        %run_scoped3A = tpu.sem_alloc : memref<!tpu.dma_semaphore, #tpu.memory_space<semaphore_mem>>
        %dma_start3A_107 = arith.constant 0 : i32
        %dma_start3A_108 = arith.constant 0 : i32
        %dma_start3A_109 = tpu.memref_slice %arg4[%add3A_106, %dma_start3A_107, %dma_start3A_108] : memref<6250x128x32xf32, #tpu.memory_space<hbm>> -> memref<1x128x32xf32, #tpu.memory_space<hbm>>
        %dma_start3A_110 = tpu.memref_squeeze %dma_start3A_109 : memref<1x128x32xf32, #tpu.memory_space<hbm>> -> memref<128x32xf32, #tpu.memory_space<hbm>>
        %dma_start3A_111 = arith.constant 0 : i32
        %dma_start3A_112 = arith.constant 0 : i32
        %dma_start3A_113 = tpu.memref_slice %arg4[%add3A_106, %dma_start3A_111, %dma_start3A_112] : memref<6250x128x32xf32, #tpu.memory_space<hbm>> -> memref<1x128x32xf32, #tpu.memory_space<hbm>>
        %dma_start3A_114 = tpu.memref_squeeze %dma_start3A_113 : memref<1x128x32xf32, #tpu.memory_space<hbm>> -> memref<128x32xf32, #tpu.memory_space<hbm>>
        tpu.enqueue_dma source(%arg8 : memref<128x32xf32, #tpu.memory_space<vmem>>) target(%dma_start3A_114 : memref<128x32xf32, #tpu.memory_space<hbm>>) target_semaphore(%run_scoped3A : memref<!tpu.dma_semaphore, #tpu.memory_space<semaphore_mem>>)
        %dma_wait3A_115 = arith.constant 0 : i32
        %dma_wait3A_116 = arith.constant 0 : i32
        %dma_wait3A_117 = tpu.memref_slice %arg4[%add3A_106, %dma_wait3A_115, %dma_wait3A_116] : memref<6250x128x32xf32, #tpu.memory_space<hbm>> -> memref<1x128x32xf32, #tpu.memory_space<hbm>>
        %dma_wait3A_118 = tpu.memref_squeeze %dma_wait3A_117 : memref<1x128x32xf32, #tpu.memory_space<hbm>> -> memref<128x32xf32, #tpu.memory_space<hbm>>
        %dma_wait3A_119 = arith.constant 0 : i32
        %dma_wait3A_120 = arith.constant 0 : i32
        %dma_wait3A_121 = tpu.memref_slice %arg4[%add3A_106, %dma_wait3A_119, %dma_wait3A_120] : memref<6250x128x32xf32, #tpu.memory_space<hbm>> -> memref<1x128x32xf32, #tpu.memory_space<hbm>>
        %dma_wait3A_122 = tpu.memref_squeeze %dma_wait3A_121 : memref<1x128x32xf32, #tpu.memory_space<hbm>> -> memref<128x32xf32, #tpu.memory_space<hbm>>
        tpu.wait_dma2 semaphore(%run_scoped3A : memref<!tpu.dma_semaphore, #tpu.memory_space<semaphore_mem>>) src(%arg8 : memref<128x32xf32, #tpu.memory_space<vmem>>) dst(%dma_wait3A_122 : memref<128x32xf32, #tpu.memory_space<hbm>>)
        tpu.yield
      }) : () -> ()
    }
    %jit3A_36 = arith.constant 2 : i32
    %div3A_37 = arith.divsi %add3A_8, %jit3A_36 : i32
    %sign3A_38 = arith.constant 0 : i32
    %sign3A_39 = arith.cmpi sgt, %add3A_8, %sign3A_38 : i32
    %sign3A_40 = arith.extui %sign3A_39 : i1 to i32
    %sign3A_41 = arith.constant 0 : i32
    %sign3A_42 = arith.cmpi slt, %add3A_8, %sign3A_41 : i32
    %sign3A_43 = arith.extui %sign3A_42 : i1 to i32
    %sign3A_44 = arith.subi %sign3A_40, %sign3A_43 : i32
    %sign3A_45 = arith.constant 0 : i32
    %sign3A_46 = arith.cmpi sgt, %jit3A_36, %sign3A_45 : i32
    %sign3A_47 = arith.extui %sign3A_46 : i1 to i32
    %sign3A_48 = arith.constant 0 : i32
    %sign3A_49 = arith.cmpi slt, %jit3A_36, %sign3A_48 : i32
    %sign3A_50 = arith.extui %sign3A_49 : i1 to i32
    %sign3A_51 = arith.subi %sign3A_47, %sign3A_50 : i32
    %ne3A_52 = arith.cmpi ne, %sign3A_44, %sign3A_51 : i32
    %rem3A_53 = arith.remsi %add3A_8, %jit3A_36 : i32
    %ne3A_54 = arith.constant 0 : i32
    %ne3A_55 = arith.cmpi ne, %rem3A_53, %ne3A_54 : i32
    %and3A_56 = arith.andi %ne3A_52, %ne3A_55 : i1
    %sub3A_57 = arith.constant 1 : i32
    %sub3A_58 = arith.subi %div3A_37, %sub3A_57 : i32
    %select_n3A_59 = arith.select %and3A_56, %sub3A_58, %div3A_37 : i32
    %mul3A_60 = arith.constant 2 : i32
    %mul3A_61 = arith.muli %select_n3A_59, %mul3A_60 : i32
    %sub3A_62 = arith.subi %add3A_8, %mul3A_61 : i32
    %while3A_63 = arith.constant 0 : i32
    %while3A_64 = arith.constant 0 : i32
    %while3A_65 = arith.subi %sub3A_62, %while3A_64 : i32
    %while3A_66 = arith.addi %while3A_64, %while3A_65 : i32
    %while3A_67 = arith.constant 1 : i32
    %while3A_68 = arith.divsi %while3A_65, %while3A_67 : i32
    %while3A_69 = arith.muli %while3A_68, %while3A_67 : i32
    %while3A_70 = arith.addi %while3A_64, %while3A_69 : i32
    %while3A_71 = arith.constant 1 : i32
    scf.for %while3A_73 = %while3A_64 to %while3A_70 step %while3A_71  : i32 {
      %jit3A_74 = arith.constant 2 : i32
      %div3A_75 = arith.divsi %add3A_8, %jit3A_74 : i32
      %sign3A_76 = arith.constant 0 : i32
      %sign3A_77 = arith.cmpi sgt, %add3A_8, %sign3A_76 : i32
      %sign3A_78 = arith.extui %sign3A_77 : i1 to i32
      %sign3A_79 = arith.constant 0 : i32
      %sign3A_80 = arith.cmpi slt, %add3A_8, %sign3A_79 : i32
      %sign3A_81 = arith.extui %sign3A_80 : i1 to i32
      %sign3A_82 = arith.subi %sign3A_78, %sign3A_81 : i32
      %sign3A_83 = arith.constant 0 : i32
      %sign3A_84 = arith.cmpi sgt, %jit3A_74, %sign3A_83 : i32
      %sign3A_85 = arith.extui %sign3A_84 : i1 to i32
      %sign3A_86 = arith.constant 0 : i32
      %sign3A_87 = arith.cmpi slt, %jit3A_74, %sign3A_86 : i32
      %sign3A_88 = arith.extui %sign3A_87 : i1 to i32
      %sign3A_89 = arith.subi %sign3A_85, %sign3A_88 : i32
      %ne3A_90 = arith.cmpi ne, %sign3A_82, %sign3A_89 : i32
      %rem3A_91 = arith.remsi %add3A_8, %jit3A_74 : i32
      %ne3A_92 = arith.constant 0 : i32
      %ne3A_93 = arith.cmpi ne, %rem3A_91, %ne3A_92 : i32
      %and3A_94 = arith.andi %ne3A_90, %ne3A_93 : i1
      %sub3A_95 = arith.constant 1 : i32
      %sub3A_96 = arith.subi %div3A_75, %sub3A_95 : i32
      %select_n3A_97 = arith.select %and3A_94, %sub3A_96, %div3A_75 : i32
      %mul3A_98 = arith.constant 2 : i32
      %mul3A_99 = arith.muli %select_n3A_97, %mul3A_98 : i32
      %add3A_100 = arith.addi %add3A_4, %mul3A_99 : i32
      %add3A_101 = arith.addi %add3A_100, %while3A_73 : i32
      "tpu.region"() ({
        %run_scoped3A = tpu.sem_alloc : memref<!tpu.dma_semaphore, #tpu.memory_space<semaphore_mem>>
        %dma_start3A = arith.constant 0 : i32
        %dma_start3A_102 = tpu.memref_slice %arg3[%add3A_101, %dma_start3A] : memref<6250x128xi32, #tpu.memory_space<hbm>> -> memref<1x128xi32, #tpu.memory_space<hbm>>
        %dma_start3A_103 = tpu.memref_squeeze %dma_start3A_102 : memref<1x128xi32, #tpu.memory_space<hbm>> -> memref<128xi32, #tpu.memory_space<hbm>>
        %dma_start3A_104 = arith.constant 0 : i32
        %dma_start3A_105 = tpu.memref_slice %arg3[%add3A_101, %dma_start3A_104] : memref<6250x128xi32, #tpu.memory_space<hbm>> -> memref<1x128xi32, #tpu.memory_space<hbm>>
        %dma_start3A_106 = tpu.memref_squeeze %dma_start3A_105 : memref<1x128xi32, #tpu.memory_space<hbm>> -> memref<128xi32, #tpu.memory_space<hbm>>
        tpu.enqueue_dma source(%dma_start3A_106 : memref<128xi32, #tpu.memory_space<hbm>>) target(%arg5 : memref<128xi32, #tpu.memory_space<vmem>>) target_semaphore(%run_scoped3A : memref<!tpu.dma_semaphore, #tpu.memory_space<semaphore_mem>>)
        %dma_wait3A = arith.constant 0 : i32
        %dma_wait3A_107 = tpu.memref_slice %arg3[%add3A_101, %dma_wait3A] : memref<6250x128xi32, #tpu.memory_space<hbm>> -> memref<1x128xi32, #tpu.memory_space<hbm>>
        %dma_wait3A_108 = tpu.memref_squeeze %dma_wait3A_107 : memref<1x128xi32, #tpu.memory_space<hbm>> -> memref<128xi32, #tpu.memory_space<hbm>>
        %dma_wait3A_109 = arith.constant 0 : i32
        %dma_wait3A_110 = tpu.memref_slice %arg3[%add3A_101, %dma_wait3A_109] : memref<6250x128xi32, #tpu.memory_space<hbm>> -> memref<1x128xi32, #tpu.memory_space<hbm>>
        %dma_wait3A_111 = tpu.memref_squeeze %dma_wait3A_110 : memref<1x128xi32, #tpu.memory_space<hbm>> -> memref<128xi32, #tpu.memory_space<hbm>>
        tpu.wait_dma2 semaphore(%run_scoped3A : memref<!tpu.dma_semaphore, #tpu.memory_space<semaphore_mem>>) src(%dma_wait3A_111 : memref<128xi32, #tpu.memory_space<hbm>>) dst(%arg5 : memref<128xi32, #tpu.memory_space<vmem>>)
        tpu.yield
      }) : () -> ()
      "tpu.region"() ({
        %run_scoped3A = tpu.sem_alloc : memref<!tpu.dma_semaphore, #tpu.memory_space<semaphore_mem>>
        %dma_start3A = arith.constant 0 : i32
        %dma_start3A_102 = arith.constant 0 : i32
        %dma_start3A_103 = tpu.memref_slice %arg2[%arg0, %dma_start3A, %dma_start3A_102] : memref<2x51200x32xf32, #tpu.memory_space<hbm>> -> memref<1x51200x32xf32, #tpu.memory_space<hbm>>
        %dma_start3A_104 = tpu.memref_squeeze %dma_start3A_103 : memref<1x51200x32xf32, #tpu.memory_space<hbm>> -> memref<51200x32xf32, #tpu.memory_space<hbm>>
        %dma_start3A_105 = arith.constant 0 : i32
        %dma_start3A_106 = arith.constant 0 : i32
        %dma_start3A_107 = tpu.memref_slice %dma_start3A_104[%dma_start3A_105, %dma_start3A_106] : memref<51200x32xf32, #tpu.memory_space<hbm>> -> memref<51200x32xf32, #tpu.memory_space<hbm>>
        tpu.enqueue_indirect_dma source(%dma_start3A_107 : memref<51200x32xf32, #tpu.memory_space<hbm>>) target(%arg7 : memref<128x32xf32, #tpu.memory_space<vmem>>) offsets(%arg5 : memref<128xi32, #tpu.memory_space<vmem>>) semaphore(%run_scoped3A : memref<!tpu.dma_semaphore, #tpu.memory_space<semaphore_mem>>)
        %dma_wait3A = arith.constant 0 : i32
        %dma_wait3A_108 = arith.constant 0 : i32
        %dma_wait3A_109 = tpu.memref_slice %arg2[%arg0, %dma_wait3A, %dma_wait3A_108] : memref<2x51200x32xf32, #tpu.memory_space<hbm>> -> memref<1x51200x32xf32, #tpu.memory_space<hbm>>
        %dma_wait3A_110 = tpu.memref_squeeze %dma_wait3A_109 : memref<1x51200x32xf32, #tpu.memory_space<hbm>> -> memref<51200x32xf32, #tpu.memory_space<hbm>>
        %dma_wait3A_111 = arith.constant 0 : i32
        %dma_wait3A_112 = arith.constant 0 : i32
        %dma_wait3A_113 = tpu.memref_slice %dma_wait3A_110[%dma_wait3A_111, %dma_wait3A_112] : memref<51200x32xf32, #tpu.memory_space<hbm>> -> memref<51200x32xf32, #tpu.memory_space<hbm>>
        tpu.wait_indirect_dma semaphore(%run_scoped3A : memref<!tpu.dma_semaphore, #tpu.memory_space<semaphore_mem>>) src(%dma_wait3A_113 : memref<51200x32xf32, #tpu.memory_space<hbm>>) dst(%arg7 : memref<128x32xf32, #tpu.memory_space<vmem>>)
        tpu.yield
      }) : () -> ()
      "tpu.region"() ({
        %run_scoped3A = tpu.sem_alloc : memref<!tpu.dma_semaphore, #tpu.memory_space<semaphore_mem>>
        %dma_start3A = arith.constant 0 : i32
        %dma_start3A_102 = arith.constant 0 : i32
        %dma_start3A_103 = tpu.memref_slice %arg4[%add3A_101, %dma_start3A, %dma_start3A_102] : memref<6250x128x32xf32, #tpu.memory_space<hbm>> -> memref<1x128x32xf32, #tpu.memory_space<hbm>>
        %dma_start3A_104 = tpu.memref_squeeze %dma_start3A_103 : memref<1x128x32xf32, #tpu.memory_space<hbm>> -> memref<128x32xf32, #tpu.memory_space<hbm>>
        %dma_start3A_105 = arith.constant 0 : i32
        %dma_start3A_106 = arith.constant 0 : i32
        %dma_start3A_107 = tpu.memref_slice %arg4[%add3A_101, %dma_start3A_105, %dma_start3A_106] : memref<6250x128x32xf32, #tpu.memory_space<hbm>> -> memref<1x128x32xf32, #tpu.memory_space<hbm>>
        %dma_start3A_108 = tpu.memref_squeeze %dma_start3A_107 : memref<1x128x32xf32, #tpu.memory_space<hbm>> -> memref<128x32xf32, #tpu.memory_space<hbm>>
        tpu.enqueue_dma source(%arg7 : memref<128x32xf32, #tpu.memory_space<vmem>>) target(%dma_start3A_108 : memref<128x32xf32, #tpu.memory_space<hbm>>) target_semaphore(%run_scoped3A : memref<!tpu.dma_semaphore, #tpu.memory_space<semaphore_mem>>)
        %dma_wait3A = arith.constant 0 : i32
        %dma_wait3A_109 = arith.constant 0 : i32
        %dma_wait3A_110 = tpu.memref_slice %arg4[%add3A_101, %dma_wait3A, %dma_wait3A_109] : memref<6250x128x32xf32, #tpu.memory_space<hbm>> -> memref<1x128x32xf32, #tpu.memory_space<hbm>>
        %dma_wait3A_111 = tpu.memref_squeeze %dma_wait3A_110 : memref<1x128x32xf32, #tpu.memory_space<hbm>> -> memref<128x32xf32, #tpu.memory_space<hbm>>
        %dma_wait3A_112 = arith.constant 0 : i32
        %dma_wait3A_113 = arith.constant 0 : i32
        %dma_wait3A_114 = tpu.memref_slice %arg4[%add3A_101, %dma_wait3A_112, %dma_wait3A_113] : memref<6250x128x32xf32, #tpu.memory_space<hbm>> -> memref<1x128x32xf32, #tpu.memory_space<hbm>>
        %dma_wait3A_115 = tpu.memref_squeeze %dma_wait3A_114 : memref<1x128x32xf32, #tpu.memory_space<hbm>> -> memref<128x32xf32, #tpu.memory_space<hbm>>
        tpu.wait_dma2 semaphore(%run_scoped3A : memref<!tpu.dma_semaphore, #tpu.memory_space<semaphore_mem>>) src(%arg7 : memref<128x32xf32, #tpu.memory_space<vmem>>) dst(%dma_wait3A_115 : memref<128x32xf32, #tpu.memory_space<hbm>>)
        tpu.yield
      }) : () -> ()
    }
    %while3A_72 = arith.constant 1 : i32
    scf.for %while3A_73 = %while3A_70 to %while3A_66 step %while3A_72  : i32 {
      %jit3A_74 = arith.constant 2 : i32
      %div3A_75 = arith.divsi %add3A_8, %jit3A_74 : i32
      %sign3A_76 = arith.constant 0 : i32
      %sign3A_77 = arith.cmpi sgt, %add3A_8, %sign3A_76 : i32
      %sign3A_78 = arith.extui %sign3A_77 : i1 to i32
      %sign3A_79 = arith.constant 0 : i32
      %sign3A_80 = arith.cmpi slt, %add3A_8, %sign3A_79 : i32
      %sign3A_81 = arith.extui %sign3A_80 : i1 to i32
      %sign3A_82 = arith.subi %sign3A_78, %sign3A_81 : i32
      %sign3A_83 = arith.constant 0 : i32
      %sign3A_84 = arith.cmpi sgt, %jit3A_74, %sign3A_83 : i32
      %sign3A_85 = arith.extui %sign3A_84 : i1 to i32
      %sign3A_86 = arith.constant 0 : i32
      %sign3A_87 = arith.cmpi slt, %jit3A_74, %sign3A_86 : i32
      %sign3A_88 = arith.extui %sign3A_87 : i1 to i32
      %sign3A_89 = arith.subi %sign3A_85, %sign3A_88 : i32
      %ne3A_90 = arith.cmpi ne, %sign3A_82, %sign3A_89 : i32
      %rem3A_91 = arith.remsi %add3A_8, %jit3A_74 : i32
      %ne3A_92 = arith.constant 0 : i32
      %ne3A_93 = arith.cmpi ne, %rem3A_91, %ne3A_92 : i32
      %and3A_94 = arith.andi %ne3A_90, %ne3A_93 : i1
      %sub3A_95 = arith.constant 1 : i32
      %sub3A_96 = arith.subi %div3A_75, %sub3A_95 : i32
      %select_n3A_97 = arith.select %and3A_94, %sub3A_96, %div3A_75 : i32
      %mul3A_98 = arith.constant 2 : i32
      %mul3A_99 = arith.muli %select_n3A_97, %mul3A_98 : i32
      %add3A_100 = arith.addi %add3A_4, %mul3A_99 : i32
      %add3A_101 = arith.addi %add3A_100, %while3A_73 : i32
      "tpu.region"() ({
        %run_scoped3A = tpu.sem_alloc : memref<!tpu.dma_semaphore, #tpu.memory_space<semaphore_mem>>
        %dma_start3A = arith.constant 0 : i32
        %dma_start3A_102 = tpu.memref_slice %arg3[%add3A_101, %dma_start3A] : memref<6250x128xi32, #tpu.memory_space<hbm>> -> memref<1x128xi32, #tpu.memory_space<hbm>>
        %dma_start3A_103 = tpu.memref_squeeze %dma_start3A_102 : memref<1x128xi32, #tpu.memory_space<hbm>> -> memref<128xi32, #tpu.memory_space<hbm>>
        %dma_start3A_104 = arith.constant 0 : i32
        %dma_start3A_105 = tpu.memref_slice %arg3[%add3A_101, %dma_start3A_104] : memref<6250x128xi32, #tpu.memory_space<hbm>> -> memref<1x128xi32, #tpu.memory_space<hbm>>
        %dma_start3A_106 = tpu.memref_squeeze %dma_start3A_105 : memref<1x128xi32, #tpu.memory_space<hbm>> -> memref<128xi32, #tpu.memory_space<hbm>>
        tpu.enqueue_dma source(%dma_start3A_106 : memref<128xi32, #tpu.memory_space<hbm>>) target(%arg5 : memref<128xi32, #tpu.memory_space<vmem>>) target_semaphore(%run_scoped3A : memref<!tpu.dma_semaphore, #tpu.memory_space<semaphore_mem>>)
        %dma_wait3A = arith.constant 0 : i32
        %dma_wait3A_107 = tpu.memref_slice %arg3[%add3A_101, %dma_wait3A] : memref<6250x128xi32, #tpu.memory_space<hbm>> -> memref<1x128xi32, #tpu.memory_space<hbm>>
        %dma_wait3A_108 = tpu.memref_squeeze %dma_wait3A_107 : memref<1x128xi32, #tpu.memory_space<hbm>> -> memref<128xi32, #tpu.memory_space<hbm>>
        %dma_wait3A_109 = arith.constant 0 : i32
        %dma_wait3A_110 = tpu.memref_slice %arg3[%add3A_101, %dma_wait3A_109] : memref<6250x128xi32, #tpu.memory_space<hbm>> -> memref<1x128xi32, #tpu.memory_space<hbm>>
        %dma_wait3A_111 = tpu.memref_squeeze %dma_wait3A_110 : memref<1x128xi32, #tpu.memory_space<hbm>> -> memref<128xi32, #tpu.memory_space<hbm>>
        tpu.wait_dma2 semaphore(%run_scoped3A : memref<!tpu.dma_semaphore, #tpu.memory_space<semaphore_mem>>) src(%dma_wait3A_111 : memref<128xi32, #tpu.memory_space<hbm>>) dst(%arg5 : memref<128xi32, #tpu.memory_space<vmem>>)
        tpu.yield
      }) : () -> ()
      "tpu.region"() ({
        %run_scoped3A = tpu.sem_alloc : memref<!tpu.dma_semaphore, #tpu.memory_space<semaphore_mem>>
        %dma_start3A = arith.constant 0 : i32
        %dma_start3A_102 = arith.constant 0 : i32
        %dma_start3A_103 = tpu.memref_slice %arg2[%arg0, %dma_start3A, %dma_start3A_102] : memref<2x51200x32xf32, #tpu.memory_space<hbm>> -> memref<1x51200x32xf32, #tpu.memory_space<hbm>>
        %dma_start3A_104 = tpu.memref_squeeze %dma_start3A_103 : memref<1x51200x32xf32, #tpu.memory_space<hbm>> -> memref<51200x32xf32, #tpu.memory_space<hbm>>
        %dma_start3A_105 = arith.constant 0 : i32
        %dma_start3A_106 = arith.constant 0 : i32
        %dma_start3A_107 = tpu.memref_slice %dma_start3A_104[%dma_start3A_105, %dma_start3A_106] : memref<51200x32xf32, #tpu.memory_space<hbm>> -> memref<51200x32xf32, #tpu.memory_space<hbm>>
        tpu.enqueue_indirect_dma source(%dma_start3A_107 : memref<51200x32xf32, #tpu.memory_space<hbm>>) target(%arg7 : memref<128x32xf32, #tpu.memory_space<vmem>>) offsets(%arg5 : memref<128xi32, #tpu.memory_space<vmem>>) semaphore(%run_scoped3A : memref<!tpu.dma_semaphore, #tpu.memory_space<semaphore_mem>>)
        %dma_wait3A = arith.constant 0 : i32
        %dma_wait3A_108 = arith.constant 0 : i32
        %dma_wait3A_109 = tpu.memref_slice %arg2[%arg0, %dma_wait3A, %dma_wait3A_108] : memref<2x51200x32xf32, #tpu.memory_space<hbm>> -> memref<1x51200x32xf32, #tpu.memory_space<hbm>>
        %dma_wait3A_110 = tpu.memref_squeeze %dma_wait3A_109 : memref<1x51200x32xf32, #tpu.memory_space<hbm>> -> memref<51200x32xf32, #tpu.memory_space<hbm>>
        %dma_wait3A_111 = arith.constant 0 : i32
        %dma_wait3A_112 = arith.constant 0 : i32
        %dma_wait3A_113 = tpu.memref_slice %dma_wait3A_110[%dma_wait3A_111, %dma_wait3A_112] : memref<51200x32xf32, #tpu.memory_space<hbm>> -> memref<51200x32xf32, #tpu.memory_space<hbm>>
        tpu.wait_indirect_dma semaphore(%run_scoped3A : memref<!tpu.dma_semaphore, #tpu.memory_space<semaphore_mem>>) src(%dma_wait3A_113 : memref<51200x32xf32, #tpu.memory_space<hbm>>) dst(%arg7 : memref<128x32xf32, #tpu.memory_space<vmem>>)
        tpu.yield
      }) : () -> ()
      "tpu.region"() ({
        %run_scoped3A = tpu.sem_alloc : memref<!tpu.dma_semaphore, #tpu.memory_space<semaphore_mem>>
        %dma_start3A = arith.constant 0 : i32
        %dma_start3A_102 = arith.constant 0 : i32
        %dma_start3A_103 = tpu.memref_slice %arg4[%add3A_101, %dma_start3A, %dma_start3A_102] : memref<6250x128x32xf32, #tpu.memory_space<hbm>> -> memref<1x128x32xf32, #tpu.memory_space<hbm>>
        %dma_start3A_104 = tpu.memref_squeeze %dma_start3A_103 : memref<1x128x32xf32, #tpu.memory_space<hbm>> -> memref<128x32xf32, #tpu.memory_space<hbm>>
        %dma_start3A_105 = arith.constant 0 : i32
        %dma_start3A_106 = arith.constant 0 : i32
        %dma_start3A_107 = tpu.memref_slice %arg4[%add3A_101, %dma_start3A_105, %dma_start3A_106] : memref<6250x128x32xf32, #tpu.memory_space<hbm>> -> memref<1x128x32xf32, #tpu.memory_space<hbm>>
        %dma_start3A_108 = tpu.memref_squeeze %dma_start3A_107 : memref<1x128x32xf32, #tpu.memory_space<hbm>> -> memref<128x32xf32, #tpu.memory_space<hbm>>
        tpu.enqueue_dma source(%arg7 : memref<128x32xf32, #tpu.memory_space<vmem>>) target(%dma_start3A_108 : memref<128x32xf32, #tpu.memory_space<hbm>>) target_semaphore(%run_scoped3A : memref<!tpu.dma_semaphore, #tpu.memory_space<semaphore_mem>>)
        %dma_wait3A = arith.constant 0 : i32
        %dma_wait3A_109 = arith.constant 0 : i32
        %dma_wait3A_110 = tpu.memref_slice %arg4[%add3A_101, %dma_wait3A, %dma_wait3A_109] : memref<6250x128x32xf32, #tpu.memory_space<hbm>> -> memref<1x128x32xf32, #tpu.memory_space<hbm>>
        %dma_wait3A_111 = tpu.memref_squeeze %dma_wait3A_110 : memref<1x128x32xf32, #tpu.memory_space<hbm>> -> memref<128x32xf32, #tpu.memory_space<hbm>>
        %dma_wait3A_112 = arith.constant 0 : i32
        %dma_wait3A_113 = arith.constant 0 : i32
        %dma_wait3A_114 = tpu.memref_slice %arg4[%add3A_101, %dma_wait3A_112, %dma_wait3A_113] : memref<6250x128x32xf32, #tpu.memory_space<hbm>> -> memref<1x128x32xf32, #tpu.memory_space<hbm>>
        %dma_wait3A_115 = tpu.memref_squeeze %dma_wait3A_114 : memref<1x128x32xf32, #tpu.memory_space<hbm>> -> memref<128x32xf32, #tpu.memory_space<hbm>>
        tpu.wait_dma2 semaphore(%run_scoped3A : memref<!tpu.dma_semaphore, #tpu.memory_space<semaphore_mem>>) src(%arg7 : memref<128x32xf32, #tpu.memory_space<vmem>>) dst(%dma_wait3A_115 : memref<128x32xf32, #tpu.memory_space<hbm>>)
        tpu.yield
      }) : () -> ()
    }
    return
  }
}

#map = affine_map<(d0, d1) -> (0, 0, 0)>
#map1 = affine_map<(d0, d1) -> (0, 0)>
module attributes {stable_mosaic.version = 14 : i64} {
  func.func @_scat4_body(%arg0: i32, %arg1: i32, %arg2: memref<6250x128x32xf32, #tpu.memory_space<hbm>>, %arg3: memref<6250x128xi32, #tpu.memory_space<hbm>>, %arg4: memref<51200x32xf32, #tpu.memory_space<hbm>>, %arg5: memref<102400x32xf32, #tpu.memory_space<hbm>>, %arg6: memref<51200x32xf32, #tpu.memory_space<vmem_shared>>, %arg7: memref<128xi32, #tpu.memory_space<vmem>>, %arg8: memref<128xi32, #tpu.memory_space<vmem>>, %arg9: memref<128x32xf32, #tpu.memory_space<vmem>>, %arg10: memref<128x32xf32, #tpu.memory_space<vmem>>, %arg11: memref<!tpu.dma_semaphore, #tpu.memory_space<semaphore_mem>>) attributes {dimension_semantics = [#tpu.dimension_semantics<core_parallel>, #tpu.dimension_semantics<subcore_parallel>], iteration_bounds = array<i64: 2, 16>, scalar_prefetch = 0 : i64, scratch_operands = 6 : i64, tpu.core_type = #tpu.core_type<sc_vector_subcore>, window_params = [{transform_indices = #map}, {transform_indices = #map1}, {transform_indices = #map1}, {transform_indices = #map1}]} {
    %mul3A = arith.constant 3200 : i32
    %mul3A_0 = arith.muli %arg1, %mul3A : i32
    %mul3A_1 = arith.constant 3200 : i32
    %mul3A_2 = arith.muli %arg1, %mul3A_1 : i32
    "tpu.region"() ({
      %run_scoped3A = tpu.sem_alloc : memref<!tpu.dma_semaphore, #tpu.memory_space<semaphore_mem>>
      %dma_start3A = arith.constant 0 : i32
      %dma_start3A_82 = tpu.memref_slice %arg6[%mul3A_2, %dma_start3A] : memref<51200x32xf32, #tpu.memory_space<vmem_shared>> -> memref<3200x32xf32, #tpu.memory_space<vmem_shared>>
      %dma_start3A_83 = arith.constant 0 : i32
      %dma_start3A_84 = tpu.memref_slice %arg4[%mul3A_0, %dma_start3A_83] : memref<51200x32xf32, #tpu.memory_space<hbm>> -> memref<3200x32xf32, #tpu.memory_space<hbm>>
      tpu.enqueue_dma source(%dma_start3A_84 : memref<3200x32xf32, #tpu.memory_space<hbm>>) target(%dma_start3A_82 : memref<3200x32xf32, #tpu.memory_space<vmem_shared>>) target_semaphore(%run_scoped3A : memref<!tpu.dma_semaphore, #tpu.memory_space<semaphore_mem>>)
      %dma_wait3A = arith.constant 0 : i32
      %dma_wait3A_85 = tpu.memref_slice %arg6[%mul3A_2, %dma_wait3A] : memref<51200x32xf32, #tpu.memory_space<vmem_shared>> -> memref<3200x32xf32, #tpu.memory_space<vmem_shared>>
      %dma_wait3A_86 = arith.constant 0 : i32
      %dma_wait3A_87 = tpu.memref_slice %arg4[%mul3A_0, %dma_wait3A_86] : memref<51200x32xf32, #tpu.memory_space<hbm>> -> memref<3200x32xf32, #tpu.memory_space<hbm>>
      tpu.wait_dma2 semaphore(%run_scoped3A : memref<!tpu.dma_semaphore, #tpu.memory_space<semaphore_mem>>) src(%dma_wait3A_87 : memref<3200x32xf32, #tpu.memory_space<hbm>>) dst(%dma_wait3A_85 : memref<3200x32xf32, #tpu.memory_space<vmem_shared>>)
      tpu.yield
    }) : () -> ()
    %barrier3A = arith.constant 0 : index
    tpu.barrier barrier_id(%barrier3A)
    %mul3A_3 = arith.constant 390 : i32
    %mul3A_4 = arith.muli %arg1, %mul3A_3 : i32
    %min3A = arith.constant 10 : i32
    %min3A_5 = arith.minsi %arg1, %min3A : i32
    %add3A = arith.addi %mul3A_4, %min3A_5 : i32
    %lt3A = arith.constant 10 : i32
    %lt3A_6 = arith.cmpi slt, %arg1, %lt3A : i32
    %jit3A = arith.constant 1 : i32
    %jit3A_7 = arith.constant 0 : i32
    %select_n3A = arith.select %lt3A_6, %jit3A, %jit3A_7 : i32
    %add3A_8 = arith.constant 390 : i32
    %add3A_9 = arith.addi %add3A_8, %select_n3A : i32
    %jit3A_10 = arith.constant 2 : i32
    %div3A = arith.divsi %add3A_9, %jit3A_10 : i32
    %sign3A = arith.constant 0 : i32
    %sign3A_11 = arith.cmpi sgt, %add3A_9, %sign3A : i32
    %sign3A_12 = arith.extui %sign3A_11 : i1 to i32
    %sign3A_13 = arith.constant 0 : i32
    %sign3A_14 = arith.cmpi slt, %add3A_9, %sign3A_13 : i32
    %sign3A_15 = arith.extui %sign3A_14 : i1 to i32
    %sign3A_16 = arith.subi %sign3A_12, %sign3A_15 : i32
    %sign3A_17 = arith.constant 0 : i32
    %sign3A_18 = arith.cmpi sgt, %jit3A_10, %sign3A_17 : i32
    %sign3A_19 = arith.extui %sign3A_18 : i1 to i32
    %sign3A_20 = arith.constant 0 : i32
    %sign3A_21 = arith.cmpi slt, %jit3A_10, %sign3A_20 : i32
    %sign3A_22 = arith.extui %sign3A_21 : i1 to i32
    %sign3A_23 = arith.subi %sign3A_19, %sign3A_22 : i32
    %ne3A = arith.cmpi ne, %sign3A_16, %sign3A_23 : i32
    %rem3A = arith.remsi %add3A_9, %jit3A_10 : i32
    %ne3A_24 = arith.constant 0 : i32
    %ne3A_25 = arith.cmpi ne, %rem3A, %ne3A_24 : i32
    %and3A = arith.andi %ne3A, %ne3A_25 : i1
    %sub3A = arith.constant 1 : i32
    %sub3A_26 = arith.subi %div3A, %sub3A : i32
    %select_n3A_27 = arith.select %and3A, %sub3A_26, %div3A : i32
    %while3A = arith.constant 0 : i32
    %while3A_28 = arith.constant 0 : i32
    %while3A_29 = arith.subi %select_n3A_27, %while3A_28 : i32
    %while3A_30 = arith.addi %while3A_28, %while3A_29 : i32
    %while3A_31 = arith.constant 1 : i32
    %while3A_32 = arith.divsi %while3A_29, %while3A_31 : i32
    %while3A_33 = arith.muli %while3A_32, %while3A_31 : i32
    %while3A_34 = arith.addi %while3A_28, %while3A_33 : i32
    %while3A_35 = arith.constant 1 : i32
    scf.for %while3A_82 = %while3A_28 to %while3A_34 step %while3A_35  : i32 {
      %mul3A_83 = arith.constant 2 : i32
      %mul3A_84 = arith.muli %while3A_82, %mul3A_83 : i32
      %add3A_85 = arith.addi %add3A, %mul3A_84 : i32
      "tpu.region"() ({
        %run_scoped3A = tpu.sem_alloc : memref<!tpu.dma_semaphore, #tpu.memory_space<semaphore_mem>>
        %dma_start3A_100 = arith.constant 0 : i32
        %dma_start3A_101 = tpu.memref_slice %arg3[%add3A_85, %dma_start3A_100] : memref<6250x128xi32, #tpu.memory_space<hbm>> -> memref<1x128xi32, #tpu.memory_space<hbm>>
        %dma_start3A_102 = tpu.memref_squeeze %dma_start3A_101 : memref<1x128xi32, #tpu.memory_space<hbm>> -> memref<128xi32, #tpu.memory_space<hbm>>
        %dma_start3A_103 = arith.constant 0 : i32
        %dma_start3A_104 = tpu.memref_slice %arg3[%add3A_85, %dma_start3A_103] : memref<6250x128xi32, #tpu.memory_space<hbm>> -> memref<1x128xi32, #tpu.memory_space<hbm>>
        %dma_start3A_105 = tpu.memref_squeeze %dma_start3A_104 : memref<1x128xi32, #tpu.memory_space<hbm>> -> memref<128xi32, #tpu.memory_space<hbm>>
        tpu.enqueue_dma source(%dma_start3A_105 : memref<128xi32, #tpu.memory_space<hbm>>) target(%arg7 : memref<128xi32, #tpu.memory_space<vmem>>) target_semaphore(%run_scoped3A : memref<!tpu.dma_semaphore, #tpu.memory_space<semaphore_mem>>)
        %dma_wait3A_106 = arith.constant 0 : i32
        %dma_wait3A_107 = tpu.memref_slice %arg3[%add3A_85, %dma_wait3A_106] : memref<6250x128xi32, #tpu.memory_space<hbm>> -> memref<1x128xi32, #tpu.memory_space<hbm>>
        %dma_wait3A_108 = tpu.memref_squeeze %dma_wait3A_107 : memref<1x128xi32, #tpu.memory_space<hbm>> -> memref<128xi32, #tpu.memory_space<hbm>>
        %dma_wait3A_109 = arith.constant 0 : i32
        %dma_wait3A_110 = tpu.memref_slice %arg3[%add3A_85, %dma_wait3A_109] : memref<6250x128xi32, #tpu.memory_space<hbm>> -> memref<1x128xi32, #tpu.memory_space<hbm>>
        %dma_wait3A_111 = tpu.memref_squeeze %dma_wait3A_110 : memref<1x128xi32, #tpu.memory_space<hbm>> -> memref<128xi32, #tpu.memory_space<hbm>>
        tpu.wait_dma2 semaphore(%run_scoped3A : memref<!tpu.dma_semaphore, #tpu.memory_space<semaphore_mem>>) src(%dma_wait3A_111 : memref<128xi32, #tpu.memory_space<hbm>>) dst(%arg7 : memref<128xi32, #tpu.memory_space<vmem>>)
        tpu.yield
      }) : () -> ()
      "tpu.region"() ({
        %run_scoped3A = tpu.sem_alloc : memref<!tpu.dma_semaphore, #tpu.memory_space<semaphore_mem>>
        %dma_start3A_100 = arith.constant 0 : i32
        %dma_start3A_101 = arith.constant 0 : i32
        %dma_start3A_102 = tpu.memref_slice %arg2[%add3A_85, %dma_start3A_100, %dma_start3A_101] : memref<6250x128x32xf32, #tpu.memory_space<hbm>> -> memref<1x128x32xf32, #tpu.memory_space<hbm>>
        %dma_start3A_103 = tpu.memref_squeeze %dma_start3A_102 : memref<1x128x32xf32, #tpu.memory_space<hbm>> -> memref<128x32xf32, #tpu.memory_space<hbm>>
        %dma_start3A_104 = arith.constant 0 : i32
        %dma_start3A_105 = arith.constant 0 : i32
        %dma_start3A_106 = tpu.memref_slice %arg2[%add3A_85, %dma_start3A_104, %dma_start3A_105] : memref<6250x128x32xf32, #tpu.memory_space<hbm>> -> memref<1x128x32xf32, #tpu.memory_space<hbm>>
        %dma_start3A_107 = tpu.memref_squeeze %dma_start3A_106 : memref<1x128x32xf32, #tpu.memory_space<hbm>> -> memref<128x32xf32, #tpu.memory_space<hbm>>
        tpu.enqueue_dma source(%dma_start3A_107 : memref<128x32xf32, #tpu.memory_space<hbm>>) target(%arg9 : memref<128x32xf32, #tpu.memory_space<vmem>>) target_semaphore(%run_scoped3A : memref<!tpu.dma_semaphore, #tpu.memory_space<semaphore_mem>>)
        %dma_wait3A_108 = arith.constant 0 : i32
        %dma_wait3A_109 = arith.constant 0 : i32
        %dma_wait3A_110 = tpu.memref_slice %arg2[%add3A_85, %dma_wait3A_108, %dma_wait3A_109] : memref<6250x128x32xf32, #tpu.memory_space<hbm>> -> memref<1x128x32xf32, #tpu.memory_space<hbm>>
        %dma_wait3A_111 = tpu.memref_squeeze %dma_wait3A_110 : memref<1x128x32xf32, #tpu.memory_space<hbm>> -> memref<128x32xf32, #tpu.memory_space<hbm>>
        %dma_wait3A_112 = arith.constant 0 : i32
        %dma_wait3A_113 = arith.constant 0 : i32
        %dma_wait3A_114 = tpu.memref_slice %arg2[%add3A_85, %dma_wait3A_112, %dma_wait3A_113] : memref<6250x128x32xf32, #tpu.memory_space<hbm>> -> memref<1x128x32xf32, #tpu.memory_space<hbm>>
        %dma_wait3A_115 = tpu.memref_squeeze %dma_wait3A_114 : memref<1x128x32xf32, #tpu.memory_space<hbm>> -> memref<128x32xf32, #tpu.memory_space<hbm>>
        tpu.wait_dma2 semaphore(%run_scoped3A : memref<!tpu.dma_semaphore, #tpu.memory_space<semaphore_mem>>) src(%dma_wait3A_115 : memref<128x32xf32, #tpu.memory_space<hbm>>) dst(%arg9 : memref<128x32xf32, #tpu.memory_space<vmem>>)
        tpu.yield
      }) : () -> ()
      %dma_start3A = arith.constant 0 : i32
      %dma_start3A_86 = arith.constant 0 : i32
      %dma_start3A_87 = tpu.memref_slice %arg6[%dma_start3A, %dma_start3A_86] : memref<51200x32xf32, #tpu.memory_space<vmem_shared>> -> memref<51200x32xf32, #tpu.memory_space<vmem_shared>>
      tpu.enqueue_indirect_dma source(%arg9 : memref<128x32xf32, #tpu.memory_space<vmem>>) target(%dma_start3A_87 : memref<51200x32xf32, #tpu.memory_space<vmem_shared>>) offsets(%arg7 : memref<128xi32, #tpu.memory_space<vmem>>) semaphore(%arg11 : memref<!tpu.dma_semaphore, #tpu.memory_space<semaphore_mem>>) {add = true}
      %add3A_88 = arith.constant 1 : i32
      %add3A_89 = arith.addi %add3A_85, %add3A_88 : i32
      "tpu.region"() ({
        %run_scoped3A = tpu.sem_alloc : memref<!tpu.dma_semaphore, #tpu.memory_space<semaphore_mem>>
        %dma_start3A_100 = arith.constant 0 : i32
        %dma_start3A_101 = tpu.memref_slice %arg3[%add3A_89, %dma_start3A_100] : memref<6250x128xi32, #tpu.memory_space<hbm>> -> memref<1x128xi32, #tpu.memory_space<hbm>>
        %dma_start3A_102 = tpu.memref_squeeze %dma_start3A_101 : memref<1x128xi32, #tpu.memory_space<hbm>> -> memref<128xi32, #tpu.memory_space<hbm>>
        %dma_start3A_103 = arith.constant 0 : i32
        %dma_start3A_104 = tpu.memref_slice %arg3[%add3A_89, %dma_start3A_103] : memref<6250x128xi32, #tpu.memory_space<hbm>> -> memref<1x128xi32, #tpu.memory_space<hbm>>
        %dma_start3A_105 = tpu.memref_squeeze %dma_start3A_104 : memref<1x128xi32, #tpu.memory_space<hbm>> -> memref<128xi32, #tpu.memory_space<hbm>>
        tpu.enqueue_dma source(%dma_start3A_105 : memref<128xi32, #tpu.memory_space<hbm>>) target(%arg8 : memref<128xi32, #tpu.memory_space<vmem>>) target_semaphore(%run_scoped3A : memref<!tpu.dma_semaphore, #tpu.memory_space<semaphore_mem>>)
        %dma_wait3A_106 = arith.constant 0 : i32
        %dma_wait3A_107 = tpu.memref_slice %arg3[%add3A_89, %dma_wait3A_106] : memref<6250x128xi32, #tpu.memory_space<hbm>> -> memref<1x128xi32, #tpu.memory_space<hbm>>
        %dma_wait3A_108 = tpu.memref_squeeze %dma_wait3A_107 : memref<1x128xi32, #tpu.memory_space<hbm>> -> memref<128xi32, #tpu.memory_space<hbm>>
        %dma_wait3A_109 = arith.constant 0 : i32
        %dma_wait3A_110 = tpu.memref_slice %arg3[%add3A_89, %dma_wait3A_109] : memref<6250x128xi32, #tpu.memory_space<hbm>> -> memref<1x128xi32, #tpu.memory_space<hbm>>
        %dma_wait3A_111 = tpu.memref_squeeze %dma_wait3A_110 : memref<1x128xi32, #tpu.memory_space<hbm>> -> memref<128xi32, #tpu.memory_space<hbm>>
        tpu.wait_dma2 semaphore(%run_scoped3A : memref<!tpu.dma_semaphore, #tpu.memory_space<semaphore_mem>>) src(%dma_wait3A_111 : memref<128xi32, #tpu.memory_space<hbm>>) dst(%arg8 : memref<128xi32, #tpu.memory_space<vmem>>)
        tpu.yield
      }) : () -> ()
      %add3A_90 = arith.constant 1 : i32
      %add3A_91 = arith.addi %add3A_85, %add3A_90 : i32
      "tpu.region"() ({
        %run_scoped3A = tpu.sem_alloc : memref<!tpu.dma_semaphore, #tpu.memory_space<semaphore_mem>>
        %dma_start3A_100 = arith.constant 0 : i32
        %dma_start3A_101 = arith.constant 0 : i32
        %dma_start3A_102 = tpu.memref_slice %arg2[%add3A_91, %dma_start3A_100, %dma_start3A_101] : memref<6250x128x32xf32, #tpu.memory_space<hbm>> -> memref<1x128x32xf32, #tpu.memory_space<hbm>>
        %dma_start3A_103 = tpu.memref_squeeze %dma_start3A_102 : memref<1x128x32xf32, #tpu.memory_space<hbm>> -> memref<128x32xf32, #tpu.memory_space<hbm>>
        %dma_start3A_104 = arith.constant 0 : i32
        %dma_start3A_105 = arith.constant 0 : i32
        %dma_start3A_106 = tpu.memref_slice %arg2[%add3A_91, %dma_start3A_104, %dma_start3A_105] : memref<6250x128x32xf32, #tpu.memory_space<hbm>> -> memref<1x128x32xf32, #tpu.memory_space<hbm>>
        %dma_start3A_107 = tpu.memref_squeeze %dma_start3A_106 : memref<1x128x32xf32, #tpu.memory_space<hbm>> -> memref<128x32xf32, #tpu.memory_space<hbm>>
        tpu.enqueue_dma source(%dma_start3A_107 : memref<128x32xf32, #tpu.memory_space<hbm>>) target(%arg10 : memref<128x32xf32, #tpu.memory_space<vmem>>) target_semaphore(%run_scoped3A : memref<!tpu.dma_semaphore, #tpu.memory_space<semaphore_mem>>)
        %dma_wait3A_108 = arith.constant 0 : i32
        %dma_wait3A_109 = arith.constant 0 : i32
        %dma_wait3A_110 = tpu.memref_slice %arg2[%add3A_91, %dma_wait3A_108, %dma_wait3A_109] : memref<6250x128x32xf32, #tpu.memory_space<hbm>> -> memref<1x128x32xf32, #tpu.memory_space<hbm>>
        %dma_wait3A_111 = tpu.memref_squeeze %dma_wait3A_110 : memref<1x128x32xf32, #tpu.memory_space<hbm>> -> memref<128x32xf32, #tpu.memory_space<hbm>>
        %dma_wait3A_112 = arith.constant 0 : i32
        %dma_wait3A_113 = arith.constant 0 : i32
        %dma_wait3A_114 = tpu.memref_slice %arg2[%add3A_91, %dma_wait3A_112, %dma_wait3A_113] : memref<6250x128x32xf32, #tpu.memory_space<hbm>> -> memref<1x128x32xf32, #tpu.memory_space<hbm>>
        %dma_wait3A_115 = tpu.memref_squeeze %dma_wait3A_114 : memref<1x128x32xf32, #tpu.memory_space<hbm>> -> memref<128x32xf32, #tpu.memory_space<hbm>>
        tpu.wait_dma2 semaphore(%run_scoped3A : memref<!tpu.dma_semaphore, #tpu.memory_space<semaphore_mem>>) src(%dma_wait3A_115 : memref<128x32xf32, #tpu.memory_space<hbm>>) dst(%arg10 : memref<128x32xf32, #tpu.memory_space<vmem>>)
        tpu.yield
      }) : () -> ()
      %dma_start3A_92 = arith.constant 0 : i32
      %dma_start3A_93 = arith.constant 0 : i32
      %dma_start3A_94 = tpu.memref_slice %arg6[%dma_start3A_92, %dma_start3A_93] : memref<51200x32xf32, #tpu.memory_space<vmem_shared>> -> memref<51200x32xf32, #tpu.memory_space<vmem_shared>>
      tpu.enqueue_indirect_dma source(%arg10 : memref<128x32xf32, #tpu.memory_space<vmem>>) target(%dma_start3A_94 : memref<51200x32xf32, #tpu.memory_space<vmem_shared>>) offsets(%arg8 : memref<128xi32, #tpu.memory_space<vmem>>) semaphore(%arg11 : memref<!tpu.dma_semaphore, #tpu.memory_space<semaphore_mem>>) {add = true}
      %dma_wait3A = arith.constant 0 : i32
      %dma_wait3A_95 = arith.constant 0 : i32
      %dma_wait3A_96 = tpu.memref_slice %arg6[%dma_wait3A, %dma_wait3A_95] : memref<51200x32xf32, #tpu.memory_space<vmem_shared>> -> memref<51200x32xf32, #tpu.memory_space<vmem_shared>>
      tpu.wait_indirect_dma semaphore(%arg11 : memref<!tpu.dma_semaphore, #tpu.memory_space<semaphore_mem>>) src(%arg9 : memref<128x32xf32, #tpu.memory_space<vmem>>) dst(%dma_wait3A_96 : memref<51200x32xf32, #tpu.memory_space<vmem_shared>>)
      %dma_wait3A_97 = arith.constant 0 : i32
      %dma_wait3A_98 = arith.constant 0 : i32
      %dma_wait3A_99 = tpu.memref_slice %arg6[%dma_wait3A_97, %dma_wait3A_98] : memref<51200x32xf32, #tpu.memory_space<vmem_shared>> -> memref<51200x32xf32, #tpu.memory_space<vmem_shared>>
      tpu.wait_indirect_dma semaphore(%arg11 : memref<!tpu.dma_semaphore, #tpu.memory_space<semaphore_mem>>) src(%arg10 : memref<128x32xf32, #tpu.memory_space<vmem>>) dst(%dma_wait3A_99 : memref<51200x32xf32, #tpu.memory_space<vmem_shared>>)
    }
    %while3A_36 = arith.constant 1 : i32
    scf.for %while3A_82 = %while3A_34 to %while3A_30 step %while3A_36  : i32 {
      %mul3A_83 = arith.constant 2 : i32
      %mul3A_84 = arith.muli %while3A_82, %mul3A_83 : i32
      %add3A_85 = arith.addi %add3A, %mul3A_84 : i32
      "tpu.region"() ({
        %run_scoped3A = tpu.sem_alloc : memref<!tpu.dma_semaphore, #tpu.memory_space<semaphore_mem>>
        %dma_start3A_100 = arith.constant 0 : i32
        %dma_start3A_101 = tpu.memref_slice %arg3[%add3A_85, %dma_start3A_100] : memref<6250x128xi32, #tpu.memory_space<hbm>> -> memref<1x128xi32, #tpu.memory_space<hbm>>
        %dma_start3A_102 = tpu.memref_squeeze %dma_start3A_101 : memref<1x128xi32, #tpu.memory_space<hbm>> -> memref<128xi32, #tpu.memory_space<hbm>>
        %dma_start3A_103 = arith.constant 0 : i32
        %dma_start3A_104 = tpu.memref_slice %arg3[%add3A_85, %dma_start3A_103] : memref<6250x128xi32, #tpu.memory_space<hbm>> -> memref<1x128xi32, #tpu.memory_space<hbm>>
        %dma_start3A_105 = tpu.memref_squeeze %dma_start3A_104 : memref<1x128xi32, #tpu.memory_space<hbm>> -> memref<128xi32, #tpu.memory_space<hbm>>
        tpu.enqueue_dma source(%dma_start3A_105 : memref<128xi32, #tpu.memory_space<hbm>>) target(%arg7 : memref<128xi32, #tpu.memory_space<vmem>>) target_semaphore(%run_scoped3A : memref<!tpu.dma_semaphore, #tpu.memory_space<semaphore_mem>>)
        %dma_wait3A_106 = arith.constant 0 : i32
        %dma_wait3A_107 = tpu.memref_slice %arg3[%add3A_85, %dma_wait3A_106] : memref<6250x128xi32, #tpu.memory_space<hbm>> -> memref<1x128xi32, #tpu.memory_space<hbm>>
        %dma_wait3A_108 = tpu.memref_squeeze %dma_wait3A_107 : memref<1x128xi32, #tpu.memory_space<hbm>> -> memref<128xi32, #tpu.memory_space<hbm>>
        %dma_wait3A_109 = arith.constant 0 : i32
        %dma_wait3A_110 = tpu.memref_slice %arg3[%add3A_85, %dma_wait3A_109] : memref<6250x128xi32, #tpu.memory_space<hbm>> -> memref<1x128xi32, #tpu.memory_space<hbm>>
        %dma_wait3A_111 = tpu.memref_squeeze %dma_wait3A_110 : memref<1x128xi32, #tpu.memory_space<hbm>> -> memref<128xi32, #tpu.memory_space<hbm>>
        tpu.wait_dma2 semaphore(%run_scoped3A : memref<!tpu.dma_semaphore, #tpu.memory_space<semaphore_mem>>) src(%dma_wait3A_111 : memref<128xi32, #tpu.memory_space<hbm>>) dst(%arg7 : memref<128xi32, #tpu.memory_space<vmem>>)
        tpu.yield
      }) : () -> ()
      "tpu.region"() ({
        %run_scoped3A = tpu.sem_alloc : memref<!tpu.dma_semaphore, #tpu.memory_space<semaphore_mem>>
        %dma_start3A_100 = arith.constant 0 : i32
        %dma_start3A_101 = arith.constant 0 : i32
        %dma_start3A_102 = tpu.memref_slice %arg2[%add3A_85, %dma_start3A_100, %dma_start3A_101] : memref<6250x128x32xf32, #tpu.memory_space<hbm>> -> memref<1x128x32xf32, #tpu.memory_space<hbm>>
        %dma_start3A_103 = tpu.memref_squeeze %dma_start3A_102 : memref<1x128x32xf32, #tpu.memory_space<hbm>> -> memref<128x32xf32, #tpu.memory_space<hbm>>
        %dma_start3A_104 = arith.constant 0 : i32
        %dma_start3A_105 = arith.constant 0 : i32
        %dma_start3A_106 = tpu.memref_slice %arg2[%add3A_85, %dma_start3A_104, %dma_start3A_105] : memref<6250x128x32xf32, #tpu.memory_space<hbm>> -> memref<1x128x32xf32, #tpu.memory_space<hbm>>
        %dma_start3A_107 = tpu.memref_squeeze %dma_start3A_106 : memref<1x128x32xf32, #tpu.memory_space<hbm>> -> memref<128x32xf32, #tpu.memory_space<hbm>>
        tpu.enqueue_dma source(%dma_start3A_107 : memref<128x32xf32, #tpu.memory_space<hbm>>) target(%arg9 : memref<128x32xf32, #tpu.memory_space<vmem>>) target_semaphore(%run_scoped3A : memref<!tpu.dma_semaphore, #tpu.memory_space<semaphore_mem>>)
        %dma_wait3A_108 = arith.constant 0 : i32
        %dma_wait3A_109 = arith.constant 0 : i32
        %dma_wait3A_110 = tpu.memref_slice %arg2[%add3A_85, %dma_wait3A_108, %dma_wait3A_109] : memref<6250x128x32xf32, #tpu.memory_space<hbm>> -> memref<1x128x32xf32, #tpu.memory_space<hbm>>
        %dma_wait3A_111 = tpu.memref_squeeze %dma_wait3A_110 : memref<1x128x32xf32, #tpu.memory_space<hbm>> -> memref<128x32xf32, #tpu.memory_space<hbm>>
        %dma_wait3A_112 = arith.constant 0 : i32
        %dma_wait3A_113 = arith.constant 0 : i32
        %dma_wait3A_114 = tpu.memref_slice %arg2[%add3A_85, %dma_wait3A_112, %dma_wait3A_113] : memref<6250x128x32xf32, #tpu.memory_space<hbm>> -> memref<1x128x32xf32, #tpu.memory_space<hbm>>
        %dma_wait3A_115 = tpu.memref_squeeze %dma_wait3A_114 : memref<1x128x32xf32, #tpu.memory_space<hbm>> -> memref<128x32xf32, #tpu.memory_space<hbm>>
        tpu.wait_dma2 semaphore(%run_scoped3A : memref<!tpu.dma_semaphore, #tpu.memory_space<semaphore_mem>>) src(%dma_wait3A_115 : memref<128x32xf32, #tpu.memory_space<hbm>>) dst(%arg9 : memref<128x32xf32, #tpu.memory_space<vmem>>)
        tpu.yield
      }) : () -> ()
      %dma_start3A = arith.constant 0 : i32
      %dma_start3A_86 = arith.constant 0 : i32
      %dma_start3A_87 = tpu.memref_slice %arg6[%dma_start3A, %dma_start3A_86] : memref<51200x32xf32, #tpu.memory_space<vmem_shared>> -> memref<51200x32xf32, #tpu.memory_space<vmem_shared>>
      tpu.enqueue_indirect_dma source(%arg9 : memref<128x32xf32, #tpu.memory_space<vmem>>) target(%dma_start3A_87 : memref<51200x32xf32, #tpu.memory_space<vmem_shared>>) offsets(%arg7 : memref<128xi32, #tpu.memory_space<vmem>>) semaphore(%arg11 : memref<!tpu.dma_semaphore, #tpu.memory_space<semaphore_mem>>) {add = true}
      %add3A_88 = arith.constant 1 : i32
      %add3A_89 = arith.addi %add3A_85, %add3A_88 : i32
      "tpu.region"() ({
        %run_scoped3A = tpu.sem_alloc : memref<!tpu.dma_semaphore, #tpu.memory_space<semaphore_mem>>
        %dma_start3A_100 = arith.constant 0 : i32
        %dma_start3A_101 = tpu.memref_slice %arg3[%add3A_89, %dma_start3A_100] : memref<6250x128xi32, #tpu.memory_space<hbm>> -> memref<1x128xi32, #tpu.memory_space<hbm>>
        %dma_start3A_102 = tpu.memref_squeeze %dma_start3A_101 : memref<1x128xi32, #tpu.memory_space<hbm>> -> memref<128xi32, #tpu.memory_space<hbm>>
        %dma_start3A_103 = arith.constant 0 : i32
        %dma_start3A_104 = tpu.memref_slice %arg3[%add3A_89, %dma_start3A_103] : memref<6250x128xi32, #tpu.memory_space<hbm>> -> memref<1x128xi32, #tpu.memory_space<hbm>>
        %dma_start3A_105 = tpu.memref_squeeze %dma_start3A_104 : memref<1x128xi32, #tpu.memory_space<hbm>> -> memref<128xi32, #tpu.memory_space<hbm>>
        tpu.enqueue_dma source(%dma_start3A_105 : memref<128xi32, #tpu.memory_space<hbm>>) target(%arg8 : memref<128xi32, #tpu.memory_space<vmem>>) target_semaphore(%run_scoped3A : memref<!tpu.dma_semaphore, #tpu.memory_space<semaphore_mem>>)
        %dma_wait3A_106 = arith.constant 0 : i32
        %dma_wait3A_107 = tpu.memref_slice %arg3[%add3A_89, %dma_wait3A_106] : memref<6250x128xi32, #tpu.memory_space<hbm>> -> memref<1x128xi32, #tpu.memory_space<hbm>>
        %dma_wait3A_108 = tpu.memref_squeeze %dma_wait3A_107 : memref<1x128xi32, #tpu.memory_space<hbm>> -> memref<128xi32, #tpu.memory_space<hbm>>
        %dma_wait3A_109 = arith.constant 0 : i32
        %dma_wait3A_110 = tpu.memref_slice %arg3[%add3A_89, %dma_wait3A_109] : memref<6250x128xi32, #tpu.memory_space<hbm>> -> memref<1x128xi32, #tpu.memory_space<hbm>>
        %dma_wait3A_111 = tpu.memref_squeeze %dma_wait3A_110 : memref<1x128xi32, #tpu.memory_space<hbm>> -> memref<128xi32, #tpu.memory_space<hbm>>
        tpu.wait_dma2 semaphore(%run_scoped3A : memref<!tpu.dma_semaphore, #tpu.memory_space<semaphore_mem>>) src(%dma_wait3A_111 : memref<128xi32, #tpu.memory_space<hbm>>) dst(%arg8 : memref<128xi32, #tpu.memory_space<vmem>>)
        tpu.yield
      }) : () -> ()
      %add3A_90 = arith.constant 1 : i32
      %add3A_91 = arith.addi %add3A_85, %add3A_90 : i32
      "tpu.region"() ({
        %run_scoped3A = tpu.sem_alloc : memref<!tpu.dma_semaphore, #tpu.memory_space<semaphore_mem>>
        %dma_start3A_100 = arith.constant 0 : i32
        %dma_start3A_101 = arith.constant 0 : i32
        %dma_start3A_102 = tpu.memref_slice %arg2[%add3A_91, %dma_start3A_100, %dma_start3A_101] : memref<6250x128x32xf32, #tpu.memory_space<hbm>> -> memref<1x128x32xf32, #tpu.memory_space<hbm>>
        %dma_start3A_103 = tpu.memref_squeeze %dma_start3A_102 : memref<1x128x32xf32, #tpu.memory_space<hbm>> -> memref<128x32xf32, #tpu.memory_space<hbm>>
        %dma_start3A_104 = arith.constant 0 : i32
        %dma_start3A_105 = arith.constant 0 : i32
        %dma_start3A_106 = tpu.memref_slice %arg2[%add3A_91, %dma_start3A_104, %dma_start3A_105] : memref<6250x128x32xf32, #tpu.memory_space<hbm>> -> memref<1x128x32xf32, #tpu.memory_space<hbm>>
        %dma_start3A_107 = tpu.memref_squeeze %dma_start3A_106 : memref<1x128x32xf32, #tpu.memory_space<hbm>> -> memref<128x32xf32, #tpu.memory_space<hbm>>
        tpu.enqueue_dma source(%dma_start3A_107 : memref<128x32xf32, #tpu.memory_space<hbm>>) target(%arg10 : memref<128x32xf32, #tpu.memory_space<vmem>>) target_semaphore(%run_scoped3A : memref<!tpu.dma_semaphore, #tpu.memory_space<semaphore_mem>>)
        %dma_wait3A_108 = arith.constant 0 : i32
        %dma_wait3A_109 = arith.constant 0 : i32
        %dma_wait3A_110 = tpu.memref_slice %arg2[%add3A_91, %dma_wait3A_108, %dma_wait3A_109] : memref<6250x128x32xf32, #tpu.memory_space<hbm>> -> memref<1x128x32xf32, #tpu.memory_space<hbm>>
        %dma_wait3A_111 = tpu.memref_squeeze %dma_wait3A_110 : memref<1x128x32xf32, #tpu.memory_space<hbm>> -> memref<128x32xf32, #tpu.memory_space<hbm>>
        %dma_wait3A_112 = arith.constant 0 : i32
        %dma_wait3A_113 = arith.constant 0 : i32
        %dma_wait3A_114 = tpu.memref_slice %arg2[%add3A_91, %dma_wait3A_112, %dma_wait3A_113] : memref<6250x128x32xf32, #tpu.memory_space<hbm>> -> memref<1x128x32xf32, #tpu.memory_space<hbm>>
        %dma_wait3A_115 = tpu.memref_squeeze %dma_wait3A_114 : memref<1x128x32xf32, #tpu.memory_space<hbm>> -> memref<128x32xf32, #tpu.memory_space<hbm>>
        tpu.wait_dma2 semaphore(%run_scoped3A : memref<!tpu.dma_semaphore, #tpu.memory_space<semaphore_mem>>) src(%dma_wait3A_115 : memref<128x32xf32, #tpu.memory_space<hbm>>) dst(%arg10 : memref<128x32xf32, #tpu.memory_space<vmem>>)
        tpu.yield
      }) : () -> ()
      %dma_start3A_92 = arith.constant 0 : i32
      %dma_start3A_93 = arith.constant 0 : i32
      %dma_start3A_94 = tpu.memref_slice %arg6[%dma_start3A_92, %dma_start3A_93] : memref<51200x32xf32, #tpu.memory_space<vmem_shared>> -> memref<51200x32xf32, #tpu.memory_space<vmem_shared>>
      tpu.enqueue_indirect_dma source(%arg10 : memref<128x32xf32, #tpu.memory_space<vmem>>) target(%dma_start3A_94 : memref<51200x32xf32, #tpu.memory_space<vmem_shared>>) offsets(%arg8 : memref<128xi32, #tpu.memory_space<vmem>>) semaphore(%arg11 : memref<!tpu.dma_semaphore, #tpu.memory_space<semaphore_mem>>) {add = true}
      %dma_wait3A = arith.constant 0 : i32
      %dma_wait3A_95 = arith.constant 0 : i32
      %dma_wait3A_96 = tpu.memref_slice %arg6[%dma_wait3A, %dma_wait3A_95] : memref<51200x32xf32, #tpu.memory_space<vmem_shared>> -> memref<51200x32xf32, #tpu.memory_space<vmem_shared>>
      tpu.wait_indirect_dma semaphore(%arg11 : memref<!tpu.dma_semaphore, #tpu.memory_space<semaphore_mem>>) src(%arg9 : memref<128x32xf32, #tpu.memory_space<vmem>>) dst(%dma_wait3A_96 : memref<51200x32xf32, #tpu.memory_space<vmem_shared>>)
      %dma_wait3A_97 = arith.constant 0 : i32
      %dma_wait3A_98 = arith.constant 0 : i32
      %dma_wait3A_99 = tpu.memref_slice %arg6[%dma_wait3A_97, %dma_wait3A_98] : memref<51200x32xf32, #tpu.memory_space<vmem_shared>> -> memref<51200x32xf32, #tpu.memory_space<vmem_shared>>
      tpu.wait_indirect_dma semaphore(%arg11 : memref<!tpu.dma_semaphore, #tpu.memory_space<semaphore_mem>>) src(%arg10 : memref<128x32xf32, #tpu.memory_space<vmem>>) dst(%dma_wait3A_99 : memref<51200x32xf32, #tpu.memory_space<vmem_shared>>)
    }
    %jit3A_37 = arith.constant 2 : i32
    %div3A_38 = arith.divsi %add3A_9, %jit3A_37 : i32
    %sign3A_39 = arith.constant 0 : i32
    %sign3A_40 = arith.cmpi sgt, %add3A_9, %sign3A_39 : i32
    %sign3A_41 = arith.extui %sign3A_40 : i1 to i32
    %sign3A_42 = arith.constant 0 : i32
    %sign3A_43 = arith.cmpi slt, %add3A_9, %sign3A_42 : i32
    %sign3A_44 = arith.extui %sign3A_43 : i1 to i32
    %sign3A_45 = arith.subi %sign3A_41, %sign3A_44 : i32
    %sign3A_46 = arith.constant 0 : i32
    %sign3A_47 = arith.cmpi sgt, %jit3A_37, %sign3A_46 : i32
    %sign3A_48 = arith.extui %sign3A_47 : i1 to i32
    %sign3A_49 = arith.constant 0 : i32
    %sign3A_50 = arith.cmpi slt, %jit3A_37, %sign3A_49 : i32
    %sign3A_51 = arith.extui %sign3A_50 : i1 to i32
    %sign3A_52 = arith.subi %sign3A_48, %sign3A_51 : i32
    %ne3A_53 = arith.cmpi ne, %sign3A_45, %sign3A_52 : i32
    %rem3A_54 = arith.remsi %add3A_9, %jit3A_37 : i32
    %ne3A_55 = arith.constant 0 : i32
    %ne3A_56 = arith.cmpi ne, %rem3A_54, %ne3A_55 : i32
    %and3A_57 = arith.andi %ne3A_53, %ne3A_56 : i1
    %sub3A_58 = arith.constant 1 : i32
    %sub3A_59 = arith.subi %div3A_38, %sub3A_58 : i32
    %select_n3A_60 = arith.select %and3A_57, %sub3A_59, %div3A_38 : i32
    %mul3A_61 = arith.constant 2 : i32
    %mul3A_62 = arith.muli %select_n3A_60, %mul3A_61 : i32
    %sub3A_63 = arith.subi %add3A_9, %mul3A_62 : i32
    %while3A_64 = arith.constant 0 : i32
    %while3A_65 = arith.constant 0 : i32
    %while3A_66 = arith.subi %sub3A_63, %while3A_65 : i32
    %while3A_67 = arith.addi %while3A_65, %while3A_66 : i32
    %while3A_68 = arith.constant 1 : i32
    %while3A_69 = arith.divsi %while3A_66, %while3A_68 : i32
    %while3A_70 = arith.muli %while3A_69, %while3A_68 : i32
    %while3A_71 = arith.addi %while3A_65, %while3A_70 : i32
    %while3A_72 = arith.constant 1 : i32
    scf.for %while3A_82 = %while3A_65 to %while3A_71 step %while3A_72  : i32 {
      %jit3A_83 = arith.constant 2 : i32
      %div3A_84 = arith.divsi %add3A_9, %jit3A_83 : i32
      %sign3A_85 = arith.constant 0 : i32
      %sign3A_86 = arith.cmpi sgt, %add3A_9, %sign3A_85 : i32
      %sign3A_87 = arith.extui %sign3A_86 : i1 to i32
      %sign3A_88 = arith.constant 0 : i32
      %sign3A_89 = arith.cmpi slt, %add3A_9, %sign3A_88 : i32
      %sign3A_90 = arith.extui %sign3A_89 : i1 to i32
      %sign3A_91 = arith.subi %sign3A_87, %sign3A_90 : i32
      %sign3A_92 = arith.constant 0 : i32
      %sign3A_93 = arith.cmpi sgt, %jit3A_83, %sign3A_92 : i32
      %sign3A_94 = arith.extui %sign3A_93 : i1 to i32
      %sign3A_95 = arith.constant 0 : i32
      %sign3A_96 = arith.cmpi slt, %jit3A_83, %sign3A_95 : i32
      %sign3A_97 = arith.extui %sign3A_96 : i1 to i32
      %sign3A_98 = arith.subi %sign3A_94, %sign3A_97 : i32
      %ne3A_99 = arith.cmpi ne, %sign3A_91, %sign3A_98 : i32
      %rem3A_100 = arith.remsi %add3A_9, %jit3A_83 : i32
      %ne3A_101 = arith.constant 0 : i32
      %ne3A_102 = arith.cmpi ne, %rem3A_100, %ne3A_101 : i32
      %and3A_103 = arith.andi %ne3A_99, %ne3A_102 : i1
      %sub3A_104 = arith.constant 1 : i32
      %sub3A_105 = arith.subi %div3A_84, %sub3A_104 : i32
      %select_n3A_106 = arith.select %and3A_103, %sub3A_105, %div3A_84 : i32
      %mul3A_107 = arith.constant 2 : i32
      %mul3A_108 = arith.muli %select_n3A_106, %mul3A_107 : i32
      %add3A_109 = arith.addi %add3A, %mul3A_108 : i32
      %add3A_110 = arith.addi %add3A_109, %while3A_82 : i32
      "tpu.region"() ({
        %run_scoped3A = tpu.sem_alloc : memref<!tpu.dma_semaphore, #tpu.memory_space<semaphore_mem>>
        %dma_start3A = arith.constant 0 : i32
        %dma_start3A_111 = tpu.memref_slice %arg3[%add3A_110, %dma_start3A] : memref<6250x128xi32, #tpu.memory_space<hbm>> -> memref<1x128xi32, #tpu.memory_space<hbm>>
        %dma_start3A_112 = tpu.memref_squeeze %dma_start3A_111 : memref<1x128xi32, #tpu.memory_space<hbm>> -> memref<128xi32, #tpu.memory_space<hbm>>
        %dma_start3A_113 = arith.constant 0 : i32
        %dma_start3A_114 = tpu.memref_slice %arg3[%add3A_110, %dma_start3A_113] : memref<6250x128xi32, #tpu.memory_space<hbm>> -> memref<1x128xi32, #tpu.memory_space<hbm>>
        %dma_start3A_115 = tpu.memref_squeeze %dma_start3A_114 : memref<1x128xi32, #tpu.memory_space<hbm>> -> memref<128xi32, #tpu.memory_space<hbm>>
        tpu.enqueue_dma source(%dma_start3A_115 : memref<128xi32, #tpu.memory_space<hbm>>) target(%arg7 : memref<128xi32, #tpu.memory_space<vmem>>) target_semaphore(%run_scoped3A : memref<!tpu.dma_semaphore, #tpu.memory_space<semaphore_mem>>)
        %dma_wait3A = arith.constant 0 : i32
        %dma_wait3A_116 = tpu.memref_slice %arg3[%add3A_110, %dma_wait3A] : memref<6250x128xi32, #tpu.memory_space<hbm>> -> memref<1x128xi32, #tpu.memory_space<hbm>>
        %dma_wait3A_117 = tpu.memref_squeeze %dma_wait3A_116 : memref<1x128xi32, #tpu.memory_space<hbm>> -> memref<128xi32, #tpu.memory_space<hbm>>
        %dma_wait3A_118 = arith.constant 0 : i32
        %dma_wait3A_119 = tpu.memref_slice %arg3[%add3A_110, %dma_wait3A_118] : memref<6250x128xi32, #tpu.memory_space<hbm>> -> memref<1x128xi32, #tpu.memory_space<hbm>>
        %dma_wait3A_120 = tpu.memref_squeeze %dma_wait3A_119 : memref<1x128xi32, #tpu.memory_space<hbm>> -> memref<128xi32, #tpu.memory_space<hbm>>
        tpu.wait_dma2 semaphore(%run_scoped3A : memref<!tpu.dma_semaphore, #tpu.memory_space<semaphore_mem>>) src(%dma_wait3A_120 : memref<128xi32, #tpu.memory_space<hbm>>) dst(%arg7 : memref<128xi32, #tpu.memory_space<vmem>>)
        tpu.yield
      }) : () -> ()
      "tpu.region"() ({
        %run_scoped3A = tpu.sem_alloc : memref<!tpu.dma_semaphore, #tpu.memory_space<semaphore_mem>>
        %dma_start3A = arith.constant 0 : i32
        %dma_start3A_111 = arith.constant 0 : i32
        %dma_start3A_112 = tpu.memref_slice %arg2[%add3A_110, %dma_start3A, %dma_start3A_111] : memref<6250x128x32xf32, #tpu.memory_space<hbm>> -> memref<1x128x32xf32, #tpu.memory_space<hbm>>
        %dma_start3A_113 = tpu.memref_squeeze %dma_start3A_112 : memref<1x128x32xf32, #tpu.memory_space<hbm>> -> memref<128x32xf32, #tpu.memory_space<hbm>>
        %dma_start3A_114 = arith.constant 0 : i32
        %dma_start3A_115 = arith.constant 0 : i32
        %dma_start3A_116 = tpu.memref_slice %arg2[%add3A_110, %dma_start3A_114, %dma_start3A_115] : memref<6250x128x32xf32, #tpu.memory_space<hbm>> -> memref<1x128x32xf32, #tpu.memory_space<hbm>>
        %dma_start3A_117 = tpu.memref_squeeze %dma_start3A_116 : memref<1x128x32xf32, #tpu.memory_space<hbm>> -> memref<128x32xf32, #tpu.memory_space<hbm>>
        tpu.enqueue_dma source(%dma_start3A_117 : memref<128x32xf32, #tpu.memory_space<hbm>>) target(%arg9 : memref<128x32xf32, #tpu.memory_space<vmem>>) target_semaphore(%run_scoped3A : memref<!tpu.dma_semaphore, #tpu.memory_space<semaphore_mem>>)
        %dma_wait3A = arith.constant 0 : i32
        %dma_wait3A_118 = arith.constant 0 : i32
        %dma_wait3A_119 = tpu.memref_slice %arg2[%add3A_110, %dma_wait3A, %dma_wait3A_118] : memref<6250x128x32xf32, #tpu.memory_space<hbm>> -> memref<1x128x32xf32, #tpu.memory_space<hbm>>
        %dma_wait3A_120 = tpu.memref_squeeze %dma_wait3A_119 : memref<1x128x32xf32, #tpu.memory_space<hbm>> -> memref<128x32xf32, #tpu.memory_space<hbm>>
        %dma_wait3A_121 = arith.constant 0 : i32
        %dma_wait3A_122 = arith.constant 0 : i32
        %dma_wait3A_123 = tpu.memref_slice %arg2[%add3A_110, %dma_wait3A_121, %dma_wait3A_122] : memref<6250x128x32xf32, #tpu.memory_space<hbm>> -> memref<1x128x32xf32, #tpu.memory_space<hbm>>
        %dma_wait3A_124 = tpu.memref_squeeze %dma_wait3A_123 : memref<1x128x32xf32, #tpu.memory_space<hbm>> -> memref<128x32xf32, #tpu.memory_space<hbm>>
        tpu.wait_dma2 semaphore(%run_scoped3A : memref<!tpu.dma_semaphore, #tpu.memory_space<semaphore_mem>>) src(%dma_wait3A_124 : memref<128x32xf32, #tpu.memory_space<hbm>>) dst(%arg9 : memref<128x32xf32, #tpu.memory_space<vmem>>)
        tpu.yield
      }) : () -> ()
      "tpu.region"() ({
        %run_scoped3A = tpu.sem_alloc : memref<!tpu.dma_semaphore, #tpu.memory_space<semaphore_mem>>
        %dma_start3A = arith.constant 0 : i32
        %dma_start3A_111 = arith.constant 0 : i32
        %dma_start3A_112 = tpu.memref_slice %arg6[%dma_start3A, %dma_start3A_111] : memref<51200x32xf32, #tpu.memory_space<vmem_shared>> -> memref<51200x32xf32, #tpu.memory_space<vmem_shared>>
        tpu.enqueue_indirect_dma source(%arg9 : memref<128x32xf32, #tpu.memory_space<vmem>>) target(%dma_start3A_112 : memref<51200x32xf32, #tpu.memory_space<vmem_shared>>) offsets(%arg7 : memref<128xi32, #tpu.memory_space<vmem>>) semaphore(%run_scoped3A : memref<!tpu.dma_semaphore, #tpu.memory_space<semaphore_mem>>) {add = true}
        %dma_wait3A = arith.constant 0 : i32
        %dma_wait3A_113 = arith.constant 0 : i32
        %dma_wait3A_114 = tpu.memref_slice %arg6[%dma_wait3A, %dma_wait3A_113] : memref<51200x32xf32, #tpu.memory_space<vmem_shared>> -> memref<51200x32xf32, #tpu.memory_space<vmem_shared>>
        tpu.wait_indirect_dma semaphore(%run_scoped3A : memref<!tpu.dma_semaphore, #tpu.memory_space<semaphore_mem>>) src(%arg9 : memref<128x32xf32, #tpu.memory_space<vmem>>) dst(%dma_wait3A_114 : memref<51200x32xf32, #tpu.memory_space<vmem_shared>>)
        tpu.yield
      }) : () -> ()
    }
    %while3A_73 = arith.constant 1 : i32
    scf.for %while3A_82 = %while3A_71 to %while3A_67 step %while3A_73  : i32 {
      %jit3A_83 = arith.constant 2 : i32
      %div3A_84 = arith.divsi %add3A_9, %jit3A_83 : i32
      %sign3A_85 = arith.constant 0 : i32
      %sign3A_86 = arith.cmpi sgt, %add3A_9, %sign3A_85 : i32
      %sign3A_87 = arith.extui %sign3A_86 : i1 to i32
      %sign3A_88 = arith.constant 0 : i32
      %sign3A_89 = arith.cmpi slt, %add3A_9, %sign3A_88 : i32
      %sign3A_90 = arith.extui %sign3A_89 : i1 to i32
      %sign3A_91 = arith.subi %sign3A_87, %sign3A_90 : i32
      %sign3A_92 = arith.constant 0 : i32
      %sign3A_93 = arith.cmpi sgt, %jit3A_83, %sign3A_92 : i32
      %sign3A_94 = arith.extui %sign3A_93 : i1 to i32
      %sign3A_95 = arith.constant 0 : i32
      %sign3A_96 = arith.cmpi slt, %jit3A_83, %sign3A_95 : i32
      %sign3A_97 = arith.extui %sign3A_96 : i1 to i32
      %sign3A_98 = arith.subi %sign3A_94, %sign3A_97 : i32
      %ne3A_99 = arith.cmpi ne, %sign3A_91, %sign3A_98 : i32
      %rem3A_100 = arith.remsi %add3A_9, %jit3A_83 : i32
      %ne3A_101 = arith.constant 0 : i32
      %ne3A_102 = arith.cmpi ne, %rem3A_100, %ne3A_101 : i32
      %and3A_103 = arith.andi %ne3A_99, %ne3A_102 : i1
      %sub3A_104 = arith.constant 1 : i32
      %sub3A_105 = arith.subi %div3A_84, %sub3A_104 : i32
      %select_n3A_106 = arith.select %and3A_103, %sub3A_105, %div3A_84 : i32
      %mul3A_107 = arith.constant 2 : i32
      %mul3A_108 = arith.muli %select_n3A_106, %mul3A_107 : i32
      %add3A_109 = arith.addi %add3A, %mul3A_108 : i32
      %add3A_110 = arith.addi %add3A_109, %while3A_82 : i32
      "tpu.region"() ({
        %run_scoped3A = tpu.sem_alloc : memref<!tpu.dma_semaphore, #tpu.memory_space<semaphore_mem>>
        %dma_start3A = arith.constant 0 : i32
        %dma_start3A_111 = tpu.memref_slice %arg3[%add3A_110, %dma_start3A] : memref<6250x128xi32, #tpu.memory_space<hbm>> -> memref<1x128xi32, #tpu.memory_space<hbm>>
        %dma_start3A_112 = tpu.memref_squeeze %dma_start3A_111 : memref<1x128xi32, #tpu.memory_space<hbm>> -> memref<128xi32, #tpu.memory_space<hbm>>
        %dma_start3A_113 = arith.constant 0 : i32
        %dma_start3A_114 = tpu.memref_slice %arg3[%add3A_110, %dma_start3A_113] : memref<6250x128xi32, #tpu.memory_space<hbm>> -> memref<1x128xi32, #tpu.memory_space<hbm>>
        %dma_start3A_115 = tpu.memref_squeeze %dma_start3A_114 : memref<1x128xi32, #tpu.memory_space<hbm>> -> memref<128xi32, #tpu.memory_space<hbm>>
        tpu.enqueue_dma source(%dma_start3A_115 : memref<128xi32, #tpu.memory_space<hbm>>) target(%arg7 : memref<128xi32, #tpu.memory_space<vmem>>) target_semaphore(%run_scoped3A : memref<!tpu.dma_semaphore, #tpu.memory_space<semaphore_mem>>)
        %dma_wait3A = arith.constant 0 : i32
        %dma_wait3A_116 = tpu.memref_slice %arg3[%add3A_110, %dma_wait3A] : memref<6250x128xi32, #tpu.memory_space<hbm>> -> memref<1x128xi32, #tpu.memory_space<hbm>>
        %dma_wait3A_117 = tpu.memref_squeeze %dma_wait3A_116 : memref<1x128xi32, #tpu.memory_space<hbm>> -> memref<128xi32, #tpu.memory_space<hbm>>
        %dma_wait3A_118 = arith.constant 0 : i32
        %dma_wait3A_119 = tpu.memref_slice %arg3[%add3A_110, %dma_wait3A_118] : memref<6250x128xi32, #tpu.memory_space<hbm>> -> memref<1x128xi32, #tpu.memory_space<hbm>>
        %dma_wait3A_120 = tpu.memref_squeeze %dma_wait3A_119 : memref<1x128xi32, #tpu.memory_space<hbm>> -> memref<128xi32, #tpu.memory_space<hbm>>
        tpu.wait_dma2 semaphore(%run_scoped3A : memref<!tpu.dma_semaphore, #tpu.memory_space<semaphore_mem>>) src(%dma_wait3A_120 : memref<128xi32, #tpu.memory_space<hbm>>) dst(%arg7 : memref<128xi32, #tpu.memory_space<vmem>>)
        tpu.yield
      }) : () -> ()
      "tpu.region"() ({
        %run_scoped3A = tpu.sem_alloc : memref<!tpu.dma_semaphore, #tpu.memory_space<semaphore_mem>>
        %dma_start3A = arith.constant 0 : i32
        %dma_start3A_111 = arith.constant 0 : i32
        %dma_start3A_112 = tpu.memref_slice %arg2[%add3A_110, %dma_start3A, %dma_start3A_111] : memref<6250x128x32xf32, #tpu.memory_space<hbm>> -> memref<1x128x32xf32, #tpu.memory_space<hbm>>
        %dma_start3A_113 = tpu.memref_squeeze %dma_start3A_112 : memref<1x128x32xf32, #tpu.memory_space<hbm>> -> memref<128x32xf32, #tpu.memory_space<hbm>>
        %dma_start3A_114 = arith.constant 0 : i32
        %dma_start3A_115 = arith.constant 0 : i32
        %dma_start3A_116 = tpu.memref_slice %arg2[%add3A_110, %dma_start3A_114, %dma_start3A_115] : memref<6250x128x32xf32, #tpu.memory_space<hbm>> -> memref<1x128x32xf32, #tpu.memory_space<hbm>>
        %dma_start3A_117 = tpu.memref_squeeze %dma_start3A_116 : memref<1x128x32xf32, #tpu.memory_space<hbm>> -> memref<128x32xf32, #tpu.memory_space<hbm>>
        tpu.enqueue_dma source(%dma_start3A_117 : memref<128x32xf32, #tpu.memory_space<hbm>>) target(%arg9 : memref<128x32xf32, #tpu.memory_space<vmem>>) target_semaphore(%run_scoped3A : memref<!tpu.dma_semaphore, #tpu.memory_space<semaphore_mem>>)
        %dma_wait3A = arith.constant 0 : i32
        %dma_wait3A_118 = arith.constant 0 : i32
        %dma_wait3A_119 = tpu.memref_slice %arg2[%add3A_110, %dma_wait3A, %dma_wait3A_118] : memref<6250x128x32xf32, #tpu.memory_space<hbm>> -> memref<1x128x32xf32, #tpu.memory_space<hbm>>
        %dma_wait3A_120 = tpu.memref_squeeze %dma_wait3A_119 : memref<1x128x32xf32, #tpu.memory_space<hbm>> -> memref<128x32xf32, #tpu.memory_space<hbm>>
        %dma_wait3A_121 = arith.constant 0 : i32
        %dma_wait3A_122 = arith.constant 0 : i32
        %dma_wait3A_123 = tpu.memref_slice %arg2[%add3A_110, %dma_wait3A_121, %dma_wait3A_122] : memref<6250x128x32xf32, #tpu.memory_space<hbm>> -> memref<1x128x32xf32, #tpu.memory_space<hbm>>
        %dma_wait3A_124 = tpu.memref_squeeze %dma_wait3A_123 : memref<1x128x32xf32, #tpu.memory_space<hbm>> -> memref<128x32xf32, #tpu.memory_space<hbm>>
        tpu.wait_dma2 semaphore(%run_scoped3A : memref<!tpu.dma_semaphore, #tpu.memory_space<semaphore_mem>>) src(%dma_wait3A_124 : memref<128x32xf32, #tpu.memory_space<hbm>>) dst(%arg9 : memref<128x32xf32, #tpu.memory_space<vmem>>)
        tpu.yield
      }) : () -> ()
      "tpu.region"() ({
        %run_scoped3A = tpu.sem_alloc : memref<!tpu.dma_semaphore, #tpu.memory_space<semaphore_mem>>
        %dma_start3A = arith.constant 0 : i32
        %dma_start3A_111 = arith.constant 0 : i32
        %dma_start3A_112 = tpu.memref_slice %arg6[%dma_start3A, %dma_start3A_111] : memref<51200x32xf32, #tpu.memory_space<vmem_shared>> -> memref<51200x32xf32, #tpu.memory_space<vmem_shared>>
        tpu.enqueue_indirect_dma source(%arg9 : memref<128x32xf32, #tpu.memory_space<vmem>>) target(%dma_start3A_112 : memref<51200x32xf32, #tpu.memory_space<vmem_shared>>) offsets(%arg7 : memref<128xi32, #tpu.memory_space<vmem>>) semaphore(%run_scoped3A : memref<!tpu.dma_semaphore, #tpu.memory_space<semaphore_mem>>) {add = true}
        %dma_wait3A = arith.constant 0 : i32
        %dma_wait3A_113 = arith.constant 0 : i32
        %dma_wait3A_114 = tpu.memref_slice %arg6[%dma_wait3A, %dma_wait3A_113] : memref<51200x32xf32, #tpu.memory_space<vmem_shared>> -> memref<51200x32xf32, #tpu.memory_space<vmem_shared>>
        tpu.wait_indirect_dma semaphore(%run_scoped3A : memref<!tpu.dma_semaphore, #tpu.memory_space<semaphore_mem>>) src(%arg9 : memref<128x32xf32, #tpu.memory_space<vmem>>) dst(%dma_wait3A_114 : memref<51200x32xf32, #tpu.memory_space<vmem_shared>>)
        tpu.yield
      }) : () -> ()
    }
    %barrier3A_74 = arith.constant 0 : index
    tpu.barrier barrier_id(%barrier3A_74)
    %mul3A_75 = arith.constant 3200 : i32
    %mul3A_76 = arith.muli %arg1, %mul3A_75 : i32
    %mul3A_77 = arith.constant 51200 : i32
    %mul3A_78 = arith.muli %arg0, %mul3A_77 : i32
    %mul3A_79 = arith.constant 3200 : i32
    %mul3A_80 = arith.muli %arg1, %mul3A_79 : i32
    %add3A_81 = arith.addi %mul3A_78, %mul3A_80 : i32
    "tpu.region"() ({
      %run_scoped3A = tpu.sem_alloc : memref<!tpu.dma_semaphore, #tpu.memory_space<semaphore_mem>>
      %dma_start3A = arith.constant 0 : i32
      %dma_start3A_82 = tpu.memref_slice %arg5[%add3A_81, %dma_start3A] : memref<102400x32xf32, #tpu.memory_space<hbm>> -> memref<3200x32xf32, #tpu.memory_space<hbm>>
      %dma_start3A_83 = arith.constant 0 : i32
      %dma_start3A_84 = tpu.memref_slice %arg6[%mul3A_76, %dma_start3A_83] : memref<51200x32xf32, #tpu.memory_space<vmem_shared>> -> memref<3200x32xf32, #tpu.memory_space<vmem_shared>>
      tpu.enqueue_dma source(%dma_start3A_84 : memref<3200x32xf32, #tpu.memory_space<vmem_shared>>) target(%dma_start3A_82 : memref<3200x32xf32, #tpu.memory_space<hbm>>) target_semaphore(%run_scoped3A : memref<!tpu.dma_semaphore, #tpu.memory_space<semaphore_mem>>)
      %dma_wait3A = arith.constant 0 : i32
      %dma_wait3A_85 = tpu.memref_slice %arg5[%add3A_81, %dma_wait3A] : memref<102400x32xf32, #tpu.memory_space<hbm>> -> memref<3200x32xf32, #tpu.memory_space<hbm>>
      %dma_wait3A_86 = arith.constant 0 : i32
      %dma_wait3A_87 = tpu.memref_slice %arg6[%mul3A_76, %dma_wait3A_86] : memref<51200x32xf32, #tpu.memory_space<vmem_shared>> -> memref<3200x32xf32, #tpu.memory_space<vmem_shared>>
      tpu.wait_dma2 semaphore(%run_scoped3A : memref<!tpu.dma_semaphore, #tpu.memory_space<semaphore_mem>>) src(%dma_wait3A_87 : memref<3200x32xf32, #tpu.memory_space<vmem_shared>>) dst(%dma_wait3A_85 : memref<3200x32xf32, #tpu.memory_space<hbm>>)
      tpu.yield
    }) : () -> ()
    return
  }
}

#map = affine_map<(d0, d1) -> (0, 0, 0)>
#map1 = affine_map<(d0, d1) -> (0, 0)>
module attributes {stable_mosaic.version = 14 : i64} {
  func.func @_scat32_body(%arg0: i32, %arg1: i32, %arg2: memref<6250x128x64xf32, #tpu.memory_space<hbm>>, %arg3: memref<6250x128xi32, #tpu.memory_space<hbm>>, %arg4: memref<51200x32xf32, #tpu.memory_space<hbm>>, %arg5: memref<102400x32xf32, #tpu.memory_space<hbm>>, %arg6: memref<51200x32xf32, #tpu.memory_space<vmem_shared>>, %arg7: memref<128xi32, #tpu.memory_space<vmem>>, %arg8: memref<128xi32, #tpu.memory_space<vmem>>, %arg9: memref<128x32xf32, #tpu.memory_space<vmem>>, %arg10: memref<128x32xf32, #tpu.memory_space<vmem>>, %arg11: memref<!tpu.dma_semaphore, #tpu.memory_space<semaphore_mem>>) attributes {dimension_semantics = [#tpu.dimension_semantics<core_parallel>, #tpu.dimension_semantics<subcore_parallel>], iteration_bounds = array<i64: 2, 16>, scalar_prefetch = 0 : i64, scratch_operands = 6 : i64, tpu.core_type = #tpu.core_type<sc_vector_subcore>, window_params = [{transform_indices = #map}, {transform_indices = #map1}, {transform_indices = #map1}, {transform_indices = #map1}]} {
    %mul3A = arith.constant 3200 : i32
    %mul3A_0 = arith.muli %arg1, %mul3A : i32
    %mul3A_1 = arith.constant 3200 : i32
    %mul3A_2 = arith.muli %arg1, %mul3A_1 : i32
    "tpu.region"() ({
      %run_scoped3A = tpu.sem_alloc : memref<!tpu.dma_semaphore, #tpu.memory_space<semaphore_mem>>
      %dma_start3A = arith.constant 0 : i32
      %dma_start3A_82 = tpu.memref_slice %arg6[%mul3A_2, %dma_start3A] : memref<51200x32xf32, #tpu.memory_space<vmem_shared>> -> memref<3200x32xf32, #tpu.memory_space<vmem_shared>>
      %dma_start3A_83 = arith.constant 0 : i32
      %dma_start3A_84 = tpu.memref_slice %arg4[%mul3A_0, %dma_start3A_83] : memref<51200x32xf32, #tpu.memory_space<hbm>> -> memref<3200x32xf32, #tpu.memory_space<hbm>>
      tpu.enqueue_dma source(%dma_start3A_84 : memref<3200x32xf32, #tpu.memory_space<hbm>>) target(%dma_start3A_82 : memref<3200x32xf32, #tpu.memory_space<vmem_shared>>) target_semaphore(%run_scoped3A : memref<!tpu.dma_semaphore, #tpu.memory_space<semaphore_mem>>)
      %dma_wait3A = arith.constant 0 : i32
      %dma_wait3A_85 = tpu.memref_slice %arg6[%mul3A_2, %dma_wait3A] : memref<51200x32xf32, #tpu.memory_space<vmem_shared>> -> memref<3200x32xf32, #tpu.memory_space<vmem_shared>>
      %dma_wait3A_86 = arith.constant 0 : i32
      %dma_wait3A_87 = tpu.memref_slice %arg4[%mul3A_0, %dma_wait3A_86] : memref<51200x32xf32, #tpu.memory_space<hbm>> -> memref<3200x32xf32, #tpu.memory_space<hbm>>
      tpu.wait_dma2 semaphore(%run_scoped3A : memref<!tpu.dma_semaphore, #tpu.memory_space<semaphore_mem>>) src(%dma_wait3A_87 : memref<3200x32xf32, #tpu.memory_space<hbm>>) dst(%dma_wait3A_85 : memref<3200x32xf32, #tpu.memory_space<vmem_shared>>)
      tpu.yield
    }) : () -> ()
    %barrier3A = arith.constant 0 : index
    tpu.barrier barrier_id(%barrier3A)
    %mul3A_3 = arith.constant 390 : i32
    %mul3A_4 = arith.muli %arg1, %mul3A_3 : i32
    %min3A = arith.constant 10 : i32
    %min3A_5 = arith.minsi %arg1, %min3A : i32
    %add3A = arith.addi %mul3A_4, %min3A_5 : i32
    %lt3A = arith.constant 10 : i32
    %lt3A_6 = arith.cmpi slt, %arg1, %lt3A : i32
    %jit3A = arith.constant 1 : i32
    %jit3A_7 = arith.constant 0 : i32
    %select_n3A = arith.select %lt3A_6, %jit3A, %jit3A_7 : i32
    %add3A_8 = arith.constant 390 : i32
    %add3A_9 = arith.addi %add3A_8, %select_n3A : i32
    %jit3A_10 = arith.constant 2 : i32
    %div3A = arith.divsi %add3A_9, %jit3A_10 : i32
    %sign3A = arith.constant 0 : i32
    %sign3A_11 = arith.cmpi sgt, %add3A_9, %sign3A : i32
    %sign3A_12 = arith.extui %sign3A_11 : i1 to i32
    %sign3A_13 = arith.constant 0 : i32
    %sign3A_14 = arith.cmpi slt, %add3A_9, %sign3A_13 : i32
    %sign3A_15 = arith.extui %sign3A_14 : i1 to i32
    %sign3A_16 = arith.subi %sign3A_12, %sign3A_15 : i32
    %sign3A_17 = arith.constant 0 : i32
    %sign3A_18 = arith.cmpi sgt, %jit3A_10, %sign3A_17 : i32
    %sign3A_19 = arith.extui %sign3A_18 : i1 to i32
    %sign3A_20 = arith.constant 0 : i32
    %sign3A_21 = arith.cmpi slt, %jit3A_10, %sign3A_20 : i32
    %sign3A_22 = arith.extui %sign3A_21 : i1 to i32
    %sign3A_23 = arith.subi %sign3A_19, %sign3A_22 : i32
    %ne3A = arith.cmpi ne, %sign3A_16, %sign3A_23 : i32
    %rem3A = arith.remsi %add3A_9, %jit3A_10 : i32
    %ne3A_24 = arith.constant 0 : i32
    %ne3A_25 = arith.cmpi ne, %rem3A, %ne3A_24 : i32
    %and3A = arith.andi %ne3A, %ne3A_25 : i1
    %sub3A = arith.constant 1 : i32
    %sub3A_26 = arith.subi %div3A, %sub3A : i32
    %select_n3A_27 = arith.select %and3A, %sub3A_26, %div3A : i32
    %while3A = arith.constant 0 : i32
    %while3A_28 = arith.constant 0 : i32
    %while3A_29 = arith.subi %select_n3A_27, %while3A_28 : i32
    %while3A_30 = arith.addi %while3A_28, %while3A_29 : i32
    %while3A_31 = arith.constant 1 : i32
    %while3A_32 = arith.divsi %while3A_29, %while3A_31 : i32
    %while3A_33 = arith.muli %while3A_32, %while3A_31 : i32
    %while3A_34 = arith.addi %while3A_28, %while3A_33 : i32
    %while3A_35 = arith.constant 1 : i32
    scf.for %while3A_82 = %while3A_28 to %while3A_34 step %while3A_35  : i32 {
      %mul3A_83 = arith.constant 2 : i32
      %mul3A_84 = arith.muli %while3A_82, %mul3A_83 : i32
      %add3A_85 = arith.addi %add3A, %mul3A_84 : i32
      "tpu.region"() ({
        %run_scoped3A = tpu.sem_alloc : memref<!tpu.dma_semaphore, #tpu.memory_space<semaphore_mem>>
        %dma_start3A_104 = arith.constant 0 : i32
        %dma_start3A_105 = tpu.memref_slice %arg3[%add3A_85, %dma_start3A_104] : memref<6250x128xi32, #tpu.memory_space<hbm>> -> memref<1x128xi32, #tpu.memory_space<hbm>>
        %dma_start3A_106 = tpu.memref_squeeze %dma_start3A_105 : memref<1x128xi32, #tpu.memory_space<hbm>> -> memref<128xi32, #tpu.memory_space<hbm>>
        %dma_start3A_107 = arith.constant 0 : i32
        %dma_start3A_108 = tpu.memref_slice %arg3[%add3A_85, %dma_start3A_107] : memref<6250x128xi32, #tpu.memory_space<hbm>> -> memref<1x128xi32, #tpu.memory_space<hbm>>
        %dma_start3A_109 = tpu.memref_squeeze %dma_start3A_108 : memref<1x128xi32, #tpu.memory_space<hbm>> -> memref<128xi32, #tpu.memory_space<hbm>>
        tpu.enqueue_dma source(%dma_start3A_109 : memref<128xi32, #tpu.memory_space<hbm>>) target(%arg7 : memref<128xi32, #tpu.memory_space<vmem>>) target_semaphore(%run_scoped3A : memref<!tpu.dma_semaphore, #tpu.memory_space<semaphore_mem>>)
        %dma_wait3A_110 = arith.constant 0 : i32
        %dma_wait3A_111 = tpu.memref_slice %arg3[%add3A_85, %dma_wait3A_110] : memref<6250x128xi32, #tpu.memory_space<hbm>> -> memref<1x128xi32, #tpu.memory_space<hbm>>
        %dma_wait3A_112 = tpu.memref_squeeze %dma_wait3A_111 : memref<1x128xi32, #tpu.memory_space<hbm>> -> memref<128xi32, #tpu.memory_space<hbm>>
        %dma_wait3A_113 = arith.constant 0 : i32
        %dma_wait3A_114 = tpu.memref_slice %arg3[%add3A_85, %dma_wait3A_113] : memref<6250x128xi32, #tpu.memory_space<hbm>> -> memref<1x128xi32, #tpu.memory_space<hbm>>
        %dma_wait3A_115 = tpu.memref_squeeze %dma_wait3A_114 : memref<1x128xi32, #tpu.memory_space<hbm>> -> memref<128xi32, #tpu.memory_space<hbm>>
        tpu.wait_dma2 semaphore(%run_scoped3A : memref<!tpu.dma_semaphore, #tpu.memory_space<semaphore_mem>>) src(%dma_wait3A_115 : memref<128xi32, #tpu.memory_space<hbm>>) dst(%arg7 : memref<128xi32, #tpu.memory_space<vmem>>)
        tpu.yield
      }) : () -> ()
      %mul3A_86 = arith.constant 32 : i32
      %mul3A_87 = arith.muli %arg0, %mul3A_86 : i32
      "tpu.region"() ({
        %run_scoped3A = tpu.sem_alloc : memref<!tpu.dma_semaphore, #tpu.memory_space<semaphore_mem>>
        %dma_start3A_104 = arith.constant 0 : i32
        %dma_start3A_105 = tpu.memref_slice %arg2[%add3A_85, %dma_start3A_104, %mul3A_87] : memref<6250x128x64xf32, #tpu.memory_space<hbm>> -> memref<1x128x32xf32, #tpu.memory_space<hbm>>
        %dma_start3A_106 = tpu.memref_squeeze %dma_start3A_105 : memref<1x128x32xf32, #tpu.memory_space<hbm>> -> memref<128x32xf32, #tpu.memory_space<hbm>>
        %dma_start3A_107 = arith.constant 0 : i32
        %dma_start3A_108 = tpu.memref_slice %arg2[%add3A_85, %dma_start3A_107, %mul3A_87] : memref<6250x128x64xf32, #tpu.memory_space<hbm>> -> memref<1x128x32xf32, #tpu.memory_space<hbm>>
        %dma_start3A_109 = tpu.memref_squeeze %dma_start3A_108 : memref<1x128x32xf32, #tpu.memory_space<hbm>> -> memref<128x32xf32, #tpu.memory_space<hbm>>
        tpu.enqueue_dma source(%dma_start3A_109 : memref<128x32xf32, #tpu.memory_space<hbm>>) target(%arg9 : memref<128x32xf32, #tpu.memory_space<vmem>>) target_semaphore(%run_scoped3A : memref<!tpu.dma_semaphore, #tpu.memory_space<semaphore_mem>>)
        %dma_wait3A_110 = arith.constant 0 : i32
        %dma_wait3A_111 = tpu.memref_slice %arg2[%add3A_85, %dma_wait3A_110, %mul3A_87] : memref<6250x128x64xf32, #tpu.memory_space<hbm>> -> memref<1x128x32xf32, #tpu.memory_space<hbm>>
        %dma_wait3A_112 = tpu.memref_squeeze %dma_wait3A_111 : memref<1x128x32xf32, #tpu.memory_space<hbm>> -> memref<128x32xf32, #tpu.memory_space<hbm>>
        %dma_wait3A_113 = arith.constant 0 : i32
        %dma_wait3A_114 = tpu.memref_slice %arg2[%add3A_85, %dma_wait3A_113, %mul3A_87] : memref<6250x128x64xf32, #tpu.memory_space<hbm>> -> memref<1x128x32xf32, #tpu.memory_space<hbm>>
        %dma_wait3A_115 = tpu.memref_squeeze %dma_wait3A_114 : memref<1x128x32xf32, #tpu.memory_space<hbm>> -> memref<128x32xf32, #tpu.memory_space<hbm>>
        tpu.wait_dma2 semaphore(%run_scoped3A : memref<!tpu.dma_semaphore, #tpu.memory_space<semaphore_mem>>) src(%dma_wait3A_115 : memref<128x32xf32, #tpu.memory_space<hbm>>) dst(%arg9 : memref<128x32xf32, #tpu.memory_space<vmem>>)
        tpu.yield
      }) : () -> ()
      %dma_start3A = arith.constant 0 : i32
      %dma_start3A_88 = arith.constant 0 : i32
      %dma_start3A_89 = tpu.memref_slice %arg6[%dma_start3A, %dma_start3A_88] : memref<51200x32xf32, #tpu.memory_space<vmem_shared>> -> memref<51200x32xf32, #tpu.memory_space<vmem_shared>>
      tpu.enqueue_indirect_dma source(%arg9 : memref<128x32xf32, #tpu.memory_space<vmem>>) target(%dma_start3A_89 : memref<51200x32xf32, #tpu.memory_space<vmem_shared>>) offsets(%arg7 : memref<128xi32, #tpu.memory_space<vmem>>) semaphore(%arg11 : memref<!tpu.dma_semaphore, #tpu.memory_space<semaphore_mem>>) {add = true}
      %add3A_90 = arith.constant 1 : i32
      %add3A_91 = arith.addi %add3A_85, %add3A_90 : i32
      "tpu.region"() ({
        %run_scoped3A = tpu.sem_alloc : memref<!tpu.dma_semaphore, #tpu.memory_space<semaphore_mem>>
        %dma_start3A_104 = arith.constant 0 : i32
        %dma_start3A_105 = tpu.memref_slice %arg3[%add3A_91, %dma_start3A_104] : memref<6250x128xi32, #tpu.memory_space<hbm>> -> memref<1x128xi32, #tpu.memory_space<hbm>>
        %dma_start3A_106 = tpu.memref_squeeze %dma_start3A_105 : memref<1x128xi32, #tpu.memory_space<hbm>> -> memref<128xi32, #tpu.memory_space<hbm>>
        %dma_start3A_107 = arith.constant 0 : i32
        %dma_start3A_108 = tpu.memref_slice %arg3[%add3A_91, %dma_start3A_107] : memref<6250x128xi32, #tpu.memory_space<hbm>> -> memref<1x128xi32, #tpu.memory_space<hbm>>
        %dma_start3A_109 = tpu.memref_squeeze %dma_start3A_108 : memref<1x128xi32, #tpu.memory_space<hbm>> -> memref<128xi32, #tpu.memory_space<hbm>>
        tpu.enqueue_dma source(%dma_start3A_109 : memref<128xi32, #tpu.memory_space<hbm>>) target(%arg8 : memref<128xi32, #tpu.memory_space<vmem>>) target_semaphore(%run_scoped3A : memref<!tpu.dma_semaphore, #tpu.memory_space<semaphore_mem>>)
        %dma_wait3A_110 = arith.constant 0 : i32
        %dma_wait3A_111 = tpu.memref_slice %arg3[%add3A_91, %dma_wait3A_110] : memref<6250x128xi32, #tpu.memory_space<hbm>> -> memref<1x128xi32, #tpu.memory_space<hbm>>
        %dma_wait3A_112 = tpu.memref_squeeze %dma_wait3A_111 : memref<1x128xi32, #tpu.memory_space<hbm>> -> memref<128xi32, #tpu.memory_space<hbm>>
        %dma_wait3A_113 = arith.constant 0 : i32
        %dma_wait3A_114 = tpu.memref_slice %arg3[%add3A_91, %dma_wait3A_113] : memref<6250x128xi32, #tpu.memory_space<hbm>> -> memref<1x128xi32, #tpu.memory_space<hbm>>
        %dma_wait3A_115 = tpu.memref_squeeze %dma_wait3A_114 : memref<1x128xi32, #tpu.memory_space<hbm>> -> memref<128xi32, #tpu.memory_space<hbm>>
        tpu.wait_dma2 semaphore(%run_scoped3A : memref<!tpu.dma_semaphore, #tpu.memory_space<semaphore_mem>>) src(%dma_wait3A_115 : memref<128xi32, #tpu.memory_space<hbm>>) dst(%arg8 : memref<128xi32, #tpu.memory_space<vmem>>)
        tpu.yield
      }) : () -> ()
      %add3A_92 = arith.constant 1 : i32
      %add3A_93 = arith.addi %add3A_85, %add3A_92 : i32
      %mul3A_94 = arith.constant 32 : i32
      %mul3A_95 = arith.muli %arg0, %mul3A_94 : i32
      "tpu.region"() ({
        %run_scoped3A = tpu.sem_alloc : memref<!tpu.dma_semaphore, #tpu.memory_space<semaphore_mem>>
        %dma_start3A_104 = arith.constant 0 : i32
        %dma_start3A_105 = tpu.memref_slice %arg2[%add3A_93, %dma_start3A_104, %mul3A_95] : memref<6250x128x64xf32, #tpu.memory_space<hbm>> -> memref<1x128x32xf32, #tpu.memory_space<hbm>>
        %dma_start3A_106 = tpu.memref_squeeze %dma_start3A_105 : memref<1x128x32xf32, #tpu.memory_space<hbm>> -> memref<128x32xf32, #tpu.memory_space<hbm>>
        %dma_start3A_107 = arith.constant 0 : i32
        %dma_start3A_108 = tpu.memref_slice %arg2[%add3A_93, %dma_start3A_107, %mul3A_95] : memref<6250x128x64xf32, #tpu.memory_space<hbm>> -> memref<1x128x32xf32, #tpu.memory_space<hbm>>
        %dma_start3A_109 = tpu.memref_squeeze %dma_start3A_108 : memref<1x128x32xf32, #tpu.memory_space<hbm>> -> memref<128x32xf32, #tpu.memory_space<hbm>>
        tpu.enqueue_dma source(%dma_start3A_109 : memref<128x32xf32, #tpu.memory_space<hbm>>) target(%arg10 : memref<128x32xf32, #tpu.memory_space<vmem>>) target_semaphore(%run_scoped3A : memref<!tpu.dma_semaphore, #tpu.memory_space<semaphore_mem>>)
        %dma_wait3A_110 = arith.constant 0 : i32
        %dma_wait3A_111 = tpu.memref_slice %arg2[%add3A_93, %dma_wait3A_110, %mul3A_95] : memref<6250x128x64xf32, #tpu.memory_space<hbm>> -> memref<1x128x32xf32, #tpu.memory_space<hbm>>
        %dma_wait3A_112 = tpu.memref_squeeze %dma_wait3A_111 : memref<1x128x32xf32, #tpu.memory_space<hbm>> -> memref<128x32xf32, #tpu.memory_space<hbm>>
        %dma_wait3A_113 = arith.constant 0 : i32
        %dma_wait3A_114 = tpu.memref_slice %arg2[%add3A_93, %dma_wait3A_113, %mul3A_95] : memref<6250x128x64xf32, #tpu.memory_space<hbm>> -> memref<1x128x32xf32, #tpu.memory_space<hbm>>
        %dma_wait3A_115 = tpu.memref_squeeze %dma_wait3A_114 : memref<1x128x32xf32, #tpu.memory_space<hbm>> -> memref<128x32xf32, #tpu.memory_space<hbm>>
        tpu.wait_dma2 semaphore(%run_scoped3A : memref<!tpu.dma_semaphore, #tpu.memory_space<semaphore_mem>>) src(%dma_wait3A_115 : memref<128x32xf32, #tpu.memory_space<hbm>>) dst(%arg10 : memref<128x32xf32, #tpu.memory_space<vmem>>)
        tpu.yield
      }) : () -> ()
      %dma_start3A_96 = arith.constant 0 : i32
      %dma_start3A_97 = arith.constant 0 : i32
      %dma_start3A_98 = tpu.memref_slice %arg6[%dma_start3A_96, %dma_start3A_97] : memref<51200x32xf32, #tpu.memory_space<vmem_shared>> -> memref<51200x32xf32, #tpu.memory_space<vmem_shared>>
      tpu.enqueue_indirect_dma source(%arg10 : memref<128x32xf32, #tpu.memory_space<vmem>>) target(%dma_start3A_98 : memref<51200x32xf32, #tpu.memory_space<vmem_shared>>) offsets(%arg8 : memref<128xi32, #tpu.memory_space<vmem>>) semaphore(%arg11 : memref<!tpu.dma_semaphore, #tpu.memory_space<semaphore_mem>>) {add = true}
      %dma_wait3A = arith.constant 0 : i32
      %dma_wait3A_99 = arith.constant 0 : i32
      %dma_wait3A_100 = tpu.memref_slice %arg6[%dma_wait3A, %dma_wait3A_99] : memref<51200x32xf32, #tpu.memory_space<vmem_shared>> -> memref<51200x32xf32, #tpu.memory_space<vmem_shared>>
      tpu.wait_indirect_dma semaphore(%arg11 : memref<!tpu.dma_semaphore, #tpu.memory_space<semaphore_mem>>) src(%arg9 : memref<128x32xf32, #tpu.memory_space<vmem>>) dst(%dma_wait3A_100 : memref<51200x32xf32, #tpu.memory_space<vmem_shared>>)
      %dma_wait3A_101 = arith.constant 0 : i32
      %dma_wait3A_102 = arith.constant 0 : i32
      %dma_wait3A_103 = tpu.memref_slice %arg6[%dma_wait3A_101, %dma_wait3A_102] : memref<51200x32xf32, #tpu.memory_space<vmem_shared>> -> memref<51200x32xf32, #tpu.memory_space<vmem_shared>>
      tpu.wait_indirect_dma semaphore(%arg11 : memref<!tpu.dma_semaphore, #tpu.memory_space<semaphore_mem>>) src(%arg10 : memref<128x32xf32, #tpu.memory_space<vmem>>) dst(%dma_wait3A_103 : memref<51200x32xf32, #tpu.memory_space<vmem_shared>>)
    }
    %while3A_36 = arith.constant 1 : i32
    scf.for %while3A_82 = %while3A_34 to %while3A_30 step %while3A_36  : i32 {
      %mul3A_83 = arith.constant 2 : i32
      %mul3A_84 = arith.muli %while3A_82, %mul3A_83 : i32
      %add3A_85 = arith.addi %add3A, %mul3A_84 : i32
      "tpu.region"() ({
        %run_scoped3A = tpu.sem_alloc : memref<!tpu.dma_semaphore, #tpu.memory_space<semaphore_mem>>
        %dma_start3A_104 = arith.constant 0 : i32
        %dma_start3A_105 = tpu.memref_slice %arg3[%add3A_85, %dma_start3A_104] : memref<6250x128xi32, #tpu.memory_space<hbm>> -> memref<1x128xi32, #tpu.memory_space<hbm>>
        %dma_start3A_106 = tpu.memref_squeeze %dma_start3A_105 : memref<1x128xi32, #tpu.memory_space<hbm>> -> memref<128xi32, #tpu.memory_space<hbm>>
        %dma_start3A_107 = arith.constant 0 : i32
        %dma_start3A_108 = tpu.memref_slice %arg3[%add3A_85, %dma_start3A_107] : memref<6250x128xi32, #tpu.memory_space<hbm>> -> memref<1x128xi32, #tpu.memory_space<hbm>>
        %dma_start3A_109 = tpu.memref_squeeze %dma_start3A_108 : memref<1x128xi32, #tpu.memory_space<hbm>> -> memref<128xi32, #tpu.memory_space<hbm>>
        tpu.enqueue_dma source(%dma_start3A_109 : memref<128xi32, #tpu.memory_space<hbm>>) target(%arg7 : memref<128xi32, #tpu.memory_space<vmem>>) target_semaphore(%run_scoped3A : memref<!tpu.dma_semaphore, #tpu.memory_space<semaphore_mem>>)
        %dma_wait3A_110 = arith.constant 0 : i32
        %dma_wait3A_111 = tpu.memref_slice %arg3[%add3A_85, %dma_wait3A_110] : memref<6250x128xi32, #tpu.memory_space<hbm>> -> memref<1x128xi32, #tpu.memory_space<hbm>>
        %dma_wait3A_112 = tpu.memref_squeeze %dma_wait3A_111 : memref<1x128xi32, #tpu.memory_space<hbm>> -> memref<128xi32, #tpu.memory_space<hbm>>
        %dma_wait3A_113 = arith.constant 0 : i32
        %dma_wait3A_114 = tpu.memref_slice %arg3[%add3A_85, %dma_wait3A_113] : memref<6250x128xi32, #tpu.memory_space<hbm>> -> memref<1x128xi32, #tpu.memory_space<hbm>>
        %dma_wait3A_115 = tpu.memref_squeeze %dma_wait3A_114 : memref<1x128xi32, #tpu.memory_space<hbm>> -> memref<128xi32, #tpu.memory_space<hbm>>
        tpu.wait_dma2 semaphore(%run_scoped3A : memref<!tpu.dma_semaphore, #tpu.memory_space<semaphore_mem>>) src(%dma_wait3A_115 : memref<128xi32, #tpu.memory_space<hbm>>) dst(%arg7 : memref<128xi32, #tpu.memory_space<vmem>>)
        tpu.yield
      }) : () -> ()
      %mul3A_86 = arith.constant 32 : i32
      %mul3A_87 = arith.muli %arg0, %mul3A_86 : i32
      "tpu.region"() ({
        %run_scoped3A = tpu.sem_alloc : memref<!tpu.dma_semaphore, #tpu.memory_space<semaphore_mem>>
        %dma_start3A_104 = arith.constant 0 : i32
        %dma_start3A_105 = tpu.memref_slice %arg2[%add3A_85, %dma_start3A_104, %mul3A_87] : memref<6250x128x64xf32, #tpu.memory_space<hbm>> -> memref<1x128x32xf32, #tpu.memory_space<hbm>>
        %dma_start3A_106 = tpu.memref_squeeze %dma_start3A_105 : memref<1x128x32xf32, #tpu.memory_space<hbm>> -> memref<128x32xf32, #tpu.memory_space<hbm>>
        %dma_start3A_107 = arith.constant 0 : i32
        %dma_start3A_108 = tpu.memref_slice %arg2[%add3A_85, %dma_start3A_107, %mul3A_87] : memref<6250x128x64xf32, #tpu.memory_space<hbm>> -> memref<1x128x32xf32, #tpu.memory_space<hbm>>
        %dma_start3A_109 = tpu.memref_squeeze %dma_start3A_108 : memref<1x128x32xf32, #tpu.memory_space<hbm>> -> memref<128x32xf32, #tpu.memory_space<hbm>>
        tpu.enqueue_dma source(%dma_start3A_109 : memref<128x32xf32, #tpu.memory_space<hbm>>) target(%arg9 : memref<128x32xf32, #tpu.memory_space<vmem>>) target_semaphore(%run_scoped3A : memref<!tpu.dma_semaphore, #tpu.memory_space<semaphore_mem>>)
        %dma_wait3A_110 = arith.constant 0 : i32
        %dma_wait3A_111 = tpu.memref_slice %arg2[%add3A_85, %dma_wait3A_110, %mul3A_87] : memref<6250x128x64xf32, #tpu.memory_space<hbm>> -> memref<1x128x32xf32, #tpu.memory_space<hbm>>
        %dma_wait3A_112 = tpu.memref_squeeze %dma_wait3A_111 : memref<1x128x32xf32, #tpu.memory_space<hbm>> -> memref<128x32xf32, #tpu.memory_space<hbm>>
        %dma_wait3A_113 = arith.constant 0 : i32
        %dma_wait3A_114 = tpu.memref_slice %arg2[%add3A_85, %dma_wait3A_113, %mul3A_87] : memref<6250x128x64xf32, #tpu.memory_space<hbm>> -> memref<1x128x32xf32, #tpu.memory_space<hbm>>
        %dma_wait3A_115 = tpu.memref_squeeze %dma_wait3A_114 : memref<1x128x32xf32, #tpu.memory_space<hbm>> -> memref<128x32xf32, #tpu.memory_space<hbm>>
        tpu.wait_dma2 semaphore(%run_scoped3A : memref<!tpu.dma_semaphore, #tpu.memory_space<semaphore_mem>>) src(%dma_wait3A_115 : memref<128x32xf32, #tpu.memory_space<hbm>>) dst(%arg9 : memref<128x32xf32, #tpu.memory_space<vmem>>)
        tpu.yield
      }) : () -> ()
      %dma_start3A = arith.constant 0 : i32
      %dma_start3A_88 = arith.constant 0 : i32
      %dma_start3A_89 = tpu.memref_slice %arg6[%dma_start3A, %dma_start3A_88] : memref<51200x32xf32, #tpu.memory_space<vmem_shared>> -> memref<51200x32xf32, #tpu.memory_space<vmem_shared>>
      tpu.enqueue_indirect_dma source(%arg9 : memref<128x32xf32, #tpu.memory_space<vmem>>) target(%dma_start3A_89 : memref<51200x32xf32, #tpu.memory_space<vmem_shared>>) offsets(%arg7 : memref<128xi32, #tpu.memory_space<vmem>>) semaphore(%arg11 : memref<!tpu.dma_semaphore, #tpu.memory_space<semaphore_mem>>) {add = true}
      %add3A_90 = arith.constant 1 : i32
      %add3A_91 = arith.addi %add3A_85, %add3A_90 : i32
      "tpu.region"() ({
        %run_scoped3A = tpu.sem_alloc : memref<!tpu.dma_semaphore, #tpu.memory_space<semaphore_mem>>
        %dma_start3A_104 = arith.constant 0 : i32
        %dma_start3A_105 = tpu.memref_slice %arg3[%add3A_91, %dma_start3A_104] : memref<6250x128xi32, #tpu.memory_space<hbm>> -> memref<1x128xi32, #tpu.memory_space<hbm>>
        %dma_start3A_106 = tpu.memref_squeeze %dma_start3A_105 : memref<1x128xi32, #tpu.memory_space<hbm>> -> memref<128xi32, #tpu.memory_space<hbm>>
        %dma_start3A_107 = arith.constant 0 : i32
        %dma_start3A_108 = tpu.memref_slice %arg3[%add3A_91, %dma_start3A_107] : memref<6250x128xi32, #tpu.memory_space<hbm>> -> memref<1x128xi32, #tpu.memory_space<hbm>>
        %dma_start3A_109 = tpu.memref_squeeze %dma_start3A_108 : memref<1x128xi32, #tpu.memory_space<hbm>> -> memref<128xi32, #tpu.memory_space<hbm>>
        tpu.enqueue_dma source(%dma_start3A_109 : memref<128xi32, #tpu.memory_space<hbm>>) target(%arg8 : memref<128xi32, #tpu.memory_space<vmem>>) target_semaphore(%run_scoped3A : memref<!tpu.dma_semaphore, #tpu.memory_space<semaphore_mem>>)
        %dma_wait3A_110 = arith.constant 0 : i32
        %dma_wait3A_111 = tpu.memref_slice %arg3[%add3A_91, %dma_wait3A_110] : memref<6250x128xi32, #tpu.memory_space<hbm>> -> memref<1x128xi32, #tpu.memory_space<hbm>>
        %dma_wait3A_112 = tpu.memref_squeeze %dma_wait3A_111 : memref<1x128xi32, #tpu.memory_space<hbm>> -> memref<128xi32, #tpu.memory_space<hbm>>
        %dma_wait3A_113 = arith.constant 0 : i32
        %dma_wait3A_114 = tpu.memref_slice %arg3[%add3A_91, %dma_wait3A_113] : memref<6250x128xi32, #tpu.memory_space<hbm>> -> memref<1x128xi32, #tpu.memory_space<hbm>>
        %dma_wait3A_115 = tpu.memref_squeeze %dma_wait3A_114 : memref<1x128xi32, #tpu.memory_space<hbm>> -> memref<128xi32, #tpu.memory_space<hbm>>
        tpu.wait_dma2 semaphore(%run_scoped3A : memref<!tpu.dma_semaphore, #tpu.memory_space<semaphore_mem>>) src(%dma_wait3A_115 : memref<128xi32, #tpu.memory_space<hbm>>) dst(%arg8 : memref<128xi32, #tpu.memory_space<vmem>>)
        tpu.yield
      }) : () -> ()
      %add3A_92 = arith.constant 1 : i32
      %add3A_93 = arith.addi %add3A_85, %add3A_92 : i32
      %mul3A_94 = arith.constant 32 : i32
      %mul3A_95 = arith.muli %arg0, %mul3A_94 : i32
      "tpu.region"() ({
        %run_scoped3A = tpu.sem_alloc : memref<!tpu.dma_semaphore, #tpu.memory_space<semaphore_mem>>
        %dma_start3A_104 = arith.constant 0 : i32
        %dma_start3A_105 = tpu.memref_slice %arg2[%add3A_93, %dma_start3A_104, %mul3A_95] : memref<6250x128x64xf32, #tpu.memory_space<hbm>> -> memref<1x128x32xf32, #tpu.memory_space<hbm>>
        %dma_start3A_106 = tpu.memref_squeeze %dma_start3A_105 : memref<1x128x32xf32, #tpu.memory_space<hbm>> -> memref<128x32xf32, #tpu.memory_space<hbm>>
        %dma_start3A_107 = arith.constant 0 : i32
        %dma_start3A_108 = tpu.memref_slice %arg2[%add3A_93, %dma_start3A_107, %mul3A_95] : memref<6250x128x64xf32, #tpu.memory_space<hbm>> -> memref<1x128x32xf32, #tpu.memory_space<hbm>>
        %dma_start3A_109 = tpu.memref_squeeze %dma_start3A_108 : memref<1x128x32xf32, #tpu.memory_space<hbm>> -> memref<128x32xf32, #tpu.memory_space<hbm>>
        tpu.enqueue_dma source(%dma_start3A_109 : memref<128x32xf32, #tpu.memory_space<hbm>>) target(%arg10 : memref<128x32xf32, #tpu.memory_space<vmem>>) target_semaphore(%run_scoped3A : memref<!tpu.dma_semaphore, #tpu.memory_space<semaphore_mem>>)
        %dma_wait3A_110 = arith.constant 0 : i32
        %dma_wait3A_111 = tpu.memref_slice %arg2[%add3A_93, %dma_wait3A_110, %mul3A_95] : memref<6250x128x64xf32, #tpu.memory_space<hbm>> -> memref<1x128x32xf32, #tpu.memory_space<hbm>>
        %dma_wait3A_112 = tpu.memref_squeeze %dma_wait3A_111 : memref<1x128x32xf32, #tpu.memory_space<hbm>> -> memref<128x32xf32, #tpu.memory_space<hbm>>
        %dma_wait3A_113 = arith.constant 0 : i32
        %dma_wait3A_114 = tpu.memref_slice %arg2[%add3A_93, %dma_wait3A_113, %mul3A_95] : memref<6250x128x64xf32, #tpu.memory_space<hbm>> -> memref<1x128x32xf32, #tpu.memory_space<hbm>>
        %dma_wait3A_115 = tpu.memref_squeeze %dma_wait3A_114 : memref<1x128x32xf32, #tpu.memory_space<hbm>> -> memref<128x32xf32, #tpu.memory_space<hbm>>
        tpu.wait_dma2 semaphore(%run_scoped3A : memref<!tpu.dma_semaphore, #tpu.memory_space<semaphore_mem>>) src(%dma_wait3A_115 : memref<128x32xf32, #tpu.memory_space<hbm>>) dst(%arg10 : memref<128x32xf32, #tpu.memory_space<vmem>>)
        tpu.yield
      }) : () -> ()
      %dma_start3A_96 = arith.constant 0 : i32
      %dma_start3A_97 = arith.constant 0 : i32
      %dma_start3A_98 = tpu.memref_slice %arg6[%dma_start3A_96, %dma_start3A_97] : memref<51200x32xf32, #tpu.memory_space<vmem_shared>> -> memref<51200x32xf32, #tpu.memory_space<vmem_shared>>
      tpu.enqueue_indirect_dma source(%arg10 : memref<128x32xf32, #tpu.memory_space<vmem>>) target(%dma_start3A_98 : memref<51200x32xf32, #tpu.memory_space<vmem_shared>>) offsets(%arg8 : memref<128xi32, #tpu.memory_space<vmem>>) semaphore(%arg11 : memref<!tpu.dma_semaphore, #tpu.memory_space<semaphore_mem>>) {add = true}
      %dma_wait3A = arith.constant 0 : i32
      %dma_wait3A_99 = arith.constant 0 : i32
      %dma_wait3A_100 = tpu.memref_slice %arg6[%dma_wait3A, %dma_wait3A_99] : memref<51200x32xf32, #tpu.memory_space<vmem_shared>> -> memref<51200x32xf32, #tpu.memory_space<vmem_shared>>
      tpu.wait_indirect_dma semaphore(%arg11 : memref<!tpu.dma_semaphore, #tpu.memory_space<semaphore_mem>>) src(%arg9 : memref<128x32xf32, #tpu.memory_space<vmem>>) dst(%dma_wait3A_100 : memref<51200x32xf32, #tpu.memory_space<vmem_shared>>)
      %dma_wait3A_101 = arith.constant 0 : i32
      %dma_wait3A_102 = arith.constant 0 : i32
      %dma_wait3A_103 = tpu.memref_slice %arg6[%dma_wait3A_101, %dma_wait3A_102] : memref<51200x32xf32, #tpu.memory_space<vmem_shared>> -> memref<51200x32xf32, #tpu.memory_space<vmem_shared>>
      tpu.wait_indirect_dma semaphore(%arg11 : memref<!tpu.dma_semaphore, #tpu.memory_space<semaphore_mem>>) src(%arg10 : memref<128x32xf32, #tpu.memory_space<vmem>>) dst(%dma_wait3A_103 : memref<51200x32xf32, #tpu.memory_space<vmem_shared>>)
    }
    %jit3A_37 = arith.constant 2 : i32
    %div3A_38 = arith.divsi %add3A_9, %jit3A_37 : i32
    %sign3A_39 = arith.constant 0 : i32
    %sign3A_40 = arith.cmpi sgt, %add3A_9, %sign3A_39 : i32
    %sign3A_41 = arith.extui %sign3A_40 : i1 to i32
    %sign3A_42 = arith.constant 0 : i32
    %sign3A_43 = arith.cmpi slt, %add3A_9, %sign3A_42 : i32
    %sign3A_44 = arith.extui %sign3A_43 : i1 to i32
    %sign3A_45 = arith.subi %sign3A_41, %sign3A_44 : i32
    %sign3A_46 = arith.constant 0 : i32
    %sign3A_47 = arith.cmpi sgt, %jit3A_37, %sign3A_46 : i32
    %sign3A_48 = arith.extui %sign3A_47 : i1 to i32
    %sign3A_49 = arith.constant 0 : i32
    %sign3A_50 = arith.cmpi slt, %jit3A_37, %sign3A_49 : i32
    %sign3A_51 = arith.extui %sign3A_50 : i1 to i32
    %sign3A_52 = arith.subi %sign3A_48, %sign3A_51 : i32
    %ne3A_53 = arith.cmpi ne, %sign3A_45, %sign3A_52 : i32
    %rem3A_54 = arith.remsi %add3A_9, %jit3A_37 : i32
    %ne3A_55 = arith.constant 0 : i32
    %ne3A_56 = arith.cmpi ne, %rem3A_54, %ne3A_55 : i32
    %and3A_57 = arith.andi %ne3A_53, %ne3A_56 : i1
    %sub3A_58 = arith.constant 1 : i32
    %sub3A_59 = arith.subi %div3A_38, %sub3A_58 : i32
    %select_n3A_60 = arith.select %and3A_57, %sub3A_59, %div3A_38 : i32
    %mul3A_61 = arith.constant 2 : i32
    %mul3A_62 = arith.muli %select_n3A_60, %mul3A_61 : i32
    %sub3A_63 = arith.subi %add3A_9, %mul3A_62 : i32
    %while3A_64 = arith.constant 0 : i32
    %while3A_65 = arith.constant 0 : i32
    %while3A_66 = arith.subi %sub3A_63, %while3A_65 : i32
    %while3A_67 = arith.addi %while3A_65, %while3A_66 : i32
    %while3A_68 = arith.constant 1 : i32
    %while3A_69 = arith.divsi %while3A_66, %while3A_68 : i32
    %while3A_70 = arith.muli %while3A_69, %while3A_68 : i32
    %while3A_71 = arith.addi %while3A_65, %while3A_70 : i32
    %while3A_72 = arith.constant 1 : i32
    scf.for %while3A_82 = %while3A_65 to %while3A_71 step %while3A_72  : i32 {
      %jit3A_83 = arith.constant 2 : i32
      %div3A_84 = arith.divsi %add3A_9, %jit3A_83 : i32
      %sign3A_85 = arith.constant 0 : i32
      %sign3A_86 = arith.cmpi sgt, %add3A_9, %sign3A_85 : i32
      %sign3A_87 = arith.extui %sign3A_86 : i1 to i32
      %sign3A_88 = arith.constant 0 : i32
      %sign3A_89 = arith.cmpi slt, %add3A_9, %sign3A_88 : i32
      %sign3A_90 = arith.extui %sign3A_89 : i1 to i32
      %sign3A_91 = arith.subi %sign3A_87, %sign3A_90 : i32
      %sign3A_92 = arith.constant 0 : i32
      %sign3A_93 = arith.cmpi sgt, %jit3A_83, %sign3A_92 : i32
      %sign3A_94 = arith.extui %sign3A_93 : i1 to i32
      %sign3A_95 = arith.constant 0 : i32
      %sign3A_96 = arith.cmpi slt, %jit3A_83, %sign3A_95 : i32
      %sign3A_97 = arith.extui %sign3A_96 : i1 to i32
      %sign3A_98 = arith.subi %sign3A_94, %sign3A_97 : i32
      %ne3A_99 = arith.cmpi ne, %sign3A_91, %sign3A_98 : i32
      %rem3A_100 = arith.remsi %add3A_9, %jit3A_83 : i32
      %ne3A_101 = arith.constant 0 : i32
      %ne3A_102 = arith.cmpi ne, %rem3A_100, %ne3A_101 : i32
      %and3A_103 = arith.andi %ne3A_99, %ne3A_102 : i1
      %sub3A_104 = arith.constant 1 : i32
      %sub3A_105 = arith.subi %div3A_84, %sub3A_104 : i32
      %select_n3A_106 = arith.select %and3A_103, %sub3A_105, %div3A_84 : i32
      %mul3A_107 = arith.constant 2 : i32
      %mul3A_108 = arith.muli %select_n3A_106, %mul3A_107 : i32
      %add3A_109 = arith.addi %add3A, %mul3A_108 : i32
      %add3A_110 = arith.addi %add3A_109, %while3A_82 : i32
      "tpu.region"() ({
        %run_scoped3A = tpu.sem_alloc : memref<!tpu.dma_semaphore, #tpu.memory_space<semaphore_mem>>
        %dma_start3A = arith.constant 0 : i32
        %dma_start3A_113 = tpu.memref_slice %arg3[%add3A_110, %dma_start3A] : memref<6250x128xi32, #tpu.memory_space<hbm>> -> memref<1x128xi32, #tpu.memory_space<hbm>>
        %dma_start3A_114 = tpu.memref_squeeze %dma_start3A_113 : memref<1x128xi32, #tpu.memory_space<hbm>> -> memref<128xi32, #tpu.memory_space<hbm>>
        %dma_start3A_115 = arith.constant 0 : i32
        %dma_start3A_116 = tpu.memref_slice %arg3[%add3A_110, %dma_start3A_115] : memref<6250x128xi32, #tpu.memory_space<hbm>> -> memref<1x128xi32, #tpu.memory_space<hbm>>
        %dma_start3A_117 = tpu.memref_squeeze %dma_start3A_116 : memref<1x128xi32, #tpu.memory_space<hbm>> -> memref<128xi32, #tpu.memory_space<hbm>>
        tpu.enqueue_dma source(%dma_start3A_117 : memref<128xi32, #tpu.memory_space<hbm>>) target(%arg7 : memref<128xi32, #tpu.memory_space<vmem>>) target_semaphore(%run_scoped3A : memref<!tpu.dma_semaphore, #tpu.memory_space<semaphore_mem>>)
        %dma_wait3A = arith.constant 0 : i32
        %dma_wait3A_118 = tpu.memref_slice %arg3[%add3A_110, %dma_wait3A] : memref<6250x128xi32, #tpu.memory_space<hbm>> -> memref<1x128xi32, #tpu.memory_space<hbm>>
        %dma_wait3A_119 = tpu.memref_squeeze %dma_wait3A_118 : memref<1x128xi32, #tpu.memory_space<hbm>> -> memref<128xi32, #tpu.memory_space<hbm>>
        %dma_wait3A_120 = arith.constant 0 : i32
        %dma_wait3A_121 = tpu.memref_slice %arg3[%add3A_110, %dma_wait3A_120] : memref<6250x128xi32, #tpu.memory_space<hbm>> -> memref<1x128xi32, #tpu.memory_space<hbm>>
        %dma_wait3A_122 = tpu.memref_squeeze %dma_wait3A_121 : memref<1x128xi32, #tpu.memory_space<hbm>> -> memref<128xi32, #tpu.memory_space<hbm>>
        tpu.wait_dma2 semaphore(%run_scoped3A : memref<!tpu.dma_semaphore, #tpu.memory_space<semaphore_mem>>) src(%dma_wait3A_122 : memref<128xi32, #tpu.memory_space<hbm>>) dst(%arg7 : memref<128xi32, #tpu.memory_space<vmem>>)
        tpu.yield
      }) : () -> ()
      %mul3A_111 = arith.constant 32 : i32
      %mul3A_112 = arith.muli %arg0, %mul3A_111 : i32
      "tpu.region"() ({
        %run_scoped3A = tpu.sem_alloc : memref<!tpu.dma_semaphore, #tpu.memory_space<semaphore_mem>>
        %dma_start3A = arith.constant 0 : i32
        %dma_start3A_113 = tpu.memref_slice %arg2[%add3A_110, %dma_start3A, %mul3A_112] : memref<6250x128x64xf32, #tpu.memory_space<hbm>> -> memref<1x128x32xf32, #tpu.memory_space<hbm>>
        %dma_start3A_114 = tpu.memref_squeeze %dma_start3A_113 : memref<1x128x32xf32, #tpu.memory_space<hbm>> -> memref<128x32xf32, #tpu.memory_space<hbm>>
        %dma_start3A_115 = arith.constant 0 : i32
        %dma_start3A_116 = tpu.memref_slice %arg2[%add3A_110, %dma_start3A_115, %mul3A_112] : memref<6250x128x64xf32, #tpu.memory_space<hbm>> -> memref<1x128x32xf32, #tpu.memory_space<hbm>>
        %dma_start3A_117 = tpu.memref_squeeze %dma_start3A_116 : memref<1x128x32xf32, #tpu.memory_space<hbm>> -> memref<128x32xf32, #tpu.memory_space<hbm>>
        tpu.enqueue_dma source(%dma_start3A_117 : memref<128x32xf32, #tpu.memory_space<hbm>>) target(%arg9 : memref<128x32xf32, #tpu.memory_space<vmem>>) target_semaphore(%run_scoped3A : memref<!tpu.dma_semaphore, #tpu.memory_space<semaphore_mem>>)
        %dma_wait3A = arith.constant 0 : i32
        %dma_wait3A_118 = tpu.memref_slice %arg2[%add3A_110, %dma_wait3A, %mul3A_112] : memref<6250x128x64xf32, #tpu.memory_space<hbm>> -> memref<1x128x32xf32, #tpu.memory_space<hbm>>
        %dma_wait3A_119 = tpu.memref_squeeze %dma_wait3A_118 : memref<1x128x32xf32, #tpu.memory_space<hbm>> -> memref<128x32xf32, #tpu.memory_space<hbm>>
        %dma_wait3A_120 = arith.constant 0 : i32
        %dma_wait3A_121 = tpu.memref_slice %arg2[%add3A_110, %dma_wait3A_120, %mul3A_112] : memref<6250x128x64xf32, #tpu.memory_space<hbm>> -> memref<1x128x32xf32, #tpu.memory_space<hbm>>
        %dma_wait3A_122 = tpu.memref_squeeze %dma_wait3A_121 : memref<1x128x32xf32, #tpu.memory_space<hbm>> -> memref<128x32xf32, #tpu.memory_space<hbm>>
        tpu.wait_dma2 semaphore(%run_scoped3A : memref<!tpu.dma_semaphore, #tpu.memory_space<semaphore_mem>>) src(%dma_wait3A_122 : memref<128x32xf32, #tpu.memory_space<hbm>>) dst(%arg9 : memref<128x32xf32, #tpu.memory_space<vmem>>)
        tpu.yield
      }) : () -> ()
      "tpu.region"() ({
        %run_scoped3A = tpu.sem_alloc : memref<!tpu.dma_semaphore, #tpu.memory_space<semaphore_mem>>
        %dma_start3A = arith.constant 0 : i32
        %dma_start3A_113 = arith.constant 0 : i32
        %dma_start3A_114 = tpu.memref_slice %arg6[%dma_start3A, %dma_start3A_113] : memref<51200x32xf32, #tpu.memory_space<vmem_shared>> -> memref<51200x32xf32, #tpu.memory_space<vmem_shared>>
        tpu.enqueue_indirect_dma source(%arg9 : memref<128x32xf32, #tpu.memory_space<vmem>>) target(%dma_start3A_114 : memref<51200x32xf32, #tpu.memory_space<vmem_shared>>) offsets(%arg7 : memref<128xi32, #tpu.memory_space<vmem>>) semaphore(%run_scoped3A : memref<!tpu.dma_semaphore, #tpu.memory_space<semaphore_mem>>) {add = true}
        %dma_wait3A = arith.constant 0 : i32
        %dma_wait3A_115 = arith.constant 0 : i32
        %dma_wait3A_116 = tpu.memref_slice %arg6[%dma_wait3A, %dma_wait3A_115] : memref<51200x32xf32, #tpu.memory_space<vmem_shared>> -> memref<51200x32xf32, #tpu.memory_space<vmem_shared>>
        tpu.wait_indirect_dma semaphore(%run_scoped3A : memref<!tpu.dma_semaphore, #tpu.memory_space<semaphore_mem>>) src(%arg9 : memref<128x32xf32, #tpu.memory_space<vmem>>) dst(%dma_wait3A_116 : memref<51200x32xf32, #tpu.memory_space<vmem_shared>>)
        tpu.yield
      }) : () -> ()
    }
    %while3A_73 = arith.constant 1 : i32
    scf.for %while3A_82 = %while3A_71 to %while3A_67 step %while3A_73  : i32 {
      %jit3A_83 = arith.constant 2 : i32
      %div3A_84 = arith.divsi %add3A_9, %jit3A_83 : i32
      %sign3A_85 = arith.constant 0 : i32
      %sign3A_86 = arith.cmpi sgt, %add3A_9, %sign3A_85 : i32
      %sign3A_87 = arith.extui %sign3A_86 : i1 to i32
      %sign3A_88 = arith.constant 0 : i32
      %sign3A_89 = arith.cmpi slt, %add3A_9, %sign3A_88 : i32
      %sign3A_90 = arith.extui %sign3A_89 : i1 to i32
      %sign3A_91 = arith.subi %sign3A_87, %sign3A_90 : i32
      %sign3A_92 = arith.constant 0 : i32
      %sign3A_93 = arith.cmpi sgt, %jit3A_83, %sign3A_92 : i32
      %sign3A_94 = arith.extui %sign3A_93 : i1 to i32
      %sign3A_95 = arith.constant 0 : i32
      %sign3A_96 = arith.cmpi slt, %jit3A_83, %sign3A_95 : i32
      %sign3A_97 = arith.extui %sign3A_96 : i1 to i32
      %sign3A_98 = arith.subi %sign3A_94, %sign3A_97 : i32
      %ne3A_99 = arith.cmpi ne, %sign3A_91, %sign3A_98 : i32
      %rem3A_100 = arith.remsi %add3A_9, %jit3A_83 : i32
      %ne3A_101 = arith.constant 0 : i32
      %ne3A_102 = arith.cmpi ne, %rem3A_100, %ne3A_101 : i32
      %and3A_103 = arith.andi %ne3A_99, %ne3A_102 : i1
      %sub3A_104 = arith.constant 1 : i32
      %sub3A_105 = arith.subi %div3A_84, %sub3A_104 : i32
      %select_n3A_106 = arith.select %and3A_103, %sub3A_105, %div3A_84 : i32
      %mul3A_107 = arith.constant 2 : i32
      %mul3A_108 = arith.muli %select_n3A_106, %mul3A_107 : i32
      %add3A_109 = arith.addi %add3A, %mul3A_108 : i32
      %add3A_110 = arith.addi %add3A_109, %while3A_82 : i32
      "tpu.region"() ({
        %run_scoped3A = tpu.sem_alloc : memref<!tpu.dma_semaphore, #tpu.memory_space<semaphore_mem>>
        %dma_start3A = arith.constant 0 : i32
        %dma_start3A_113 = tpu.memref_slice %arg3[%add3A_110, %dma_start3A] : memref<6250x128xi32, #tpu.memory_space<hbm>> -> memref<1x128xi32, #tpu.memory_space<hbm>>
        %dma_start3A_114 = tpu.memref_squeeze %dma_start3A_113 : memref<1x128xi32, #tpu.memory_space<hbm>> -> memref<128xi32, #tpu.memory_space<hbm>>
        %dma_start3A_115 = arith.constant 0 : i32
        %dma_start3A_116 = tpu.memref_slice %arg3[%add3A_110, %dma_start3A_115] : memref<6250x128xi32, #tpu.memory_space<hbm>> -> memref<1x128xi32, #tpu.memory_space<hbm>>
        %dma_start3A_117 = tpu.memref_squeeze %dma_start3A_116 : memref<1x128xi32, #tpu.memory_space<hbm>> -> memref<128xi32, #tpu.memory_space<hbm>>
        tpu.enqueue_dma source(%dma_start3A_117 : memref<128xi32, #tpu.memory_space<hbm>>) target(%arg7 : memref<128xi32, #tpu.memory_space<vmem>>) target_semaphore(%run_scoped3A : memref<!tpu.dma_semaphore, #tpu.memory_space<semaphore_mem>>)
        %dma_wait3A = arith.constant 0 : i32
        %dma_wait3A_118 = tpu.memref_slice %arg3[%add3A_110, %dma_wait3A] : memref<6250x128xi32, #tpu.memory_space<hbm>> -> memref<1x128xi32, #tpu.memory_space<hbm>>
        %dma_wait3A_119 = tpu.memref_squeeze %dma_wait3A_118 : memref<1x128xi32, #tpu.memory_space<hbm>> -> memref<128xi32, #tpu.memory_space<hbm>>
        %dma_wait3A_120 = arith.constant 0 : i32
        %dma_wait3A_121 = tpu.memref_slice %arg3[%add3A_110, %dma_wait3A_120] : memref<6250x128xi32, #tpu.memory_space<hbm>> -> memref<1x128xi32, #tpu.memory_space<hbm>>
        %dma_wait3A_122 = tpu.memref_squeeze %dma_wait3A_121 : memref<1x128xi32, #tpu.memory_space<hbm>> -> memref<128xi32, #tpu.memory_space<hbm>>
        tpu.wait_dma2 semaphore(%run_scoped3A : memref<!tpu.dma_semaphore, #tpu.memory_space<semaphore_mem>>) src(%dma_wait3A_122 : memref<128xi32, #tpu.memory_space<hbm>>) dst(%arg7 : memref<128xi32, #tpu.memory_space<vmem>>)
        tpu.yield
      }) : () -> ()
      %mul3A_111 = arith.constant 32 : i32
      %mul3A_112 = arith.muli %arg0, %mul3A_111 : i32
      "tpu.region"() ({
        %run_scoped3A = tpu.sem_alloc : memref<!tpu.dma_semaphore, #tpu.memory_space<semaphore_mem>>
        %dma_start3A = arith.constant 0 : i32
        %dma_start3A_113 = tpu.memref_slice %arg2[%add3A_110, %dma_start3A, %mul3A_112] : memref<6250x128x64xf32, #tpu.memory_space<hbm>> -> memref<1x128x32xf32, #tpu.memory_space<hbm>>
        %dma_start3A_114 = tpu.memref_squeeze %dma_start3A_113 : memref<1x128x32xf32, #tpu.memory_space<hbm>> -> memref<128x32xf32, #tpu.memory_space<hbm>>
        %dma_start3A_115 = arith.constant 0 : i32
        %dma_start3A_116 = tpu.memref_slice %arg2[%add3A_110, %dma_start3A_115, %mul3A_112] : memref<6250x128x64xf32, #tpu.memory_space<hbm>> -> memref<1x128x32xf32, #tpu.memory_space<hbm>>
        %dma_start3A_117 = tpu.memref_squeeze %dma_start3A_116 : memref<1x128x32xf32, #tpu.memory_space<hbm>> -> memref<128x32xf32, #tpu.memory_space<hbm>>
        tpu.enqueue_dma source(%dma_start3A_117 : memref<128x32xf32, #tpu.memory_space<hbm>>) target(%arg9 : memref<128x32xf32, #tpu.memory_space<vmem>>) target_semaphore(%run_scoped3A : memref<!tpu.dma_semaphore, #tpu.memory_space<semaphore_mem>>)
        %dma_wait3A = arith.constant 0 : i32
        %dma_wait3A_118 = tpu.memref_slice %arg2[%add3A_110, %dma_wait3A, %mul3A_112] : memref<6250x128x64xf32, #tpu.memory_space<hbm>> -> memref<1x128x32xf32, #tpu.memory_space<hbm>>
        %dma_wait3A_119 = tpu.memref_squeeze %dma_wait3A_118 : memref<1x128x32xf32, #tpu.memory_space<hbm>> -> memref<128x32xf32, #tpu.memory_space<hbm>>
        %dma_wait3A_120 = arith.constant 0 : i32
        %dma_wait3A_121 = tpu.memref_slice %arg2[%add3A_110, %dma_wait3A_120, %mul3A_112] : memref<6250x128x64xf32, #tpu.memory_space<hbm>> -> memref<1x128x32xf32, #tpu.memory_space<hbm>>
        %dma_wait3A_122 = tpu.memref_squeeze %dma_wait3A_121 : memref<1x128x32xf32, #tpu.memory_space<hbm>> -> memref<128x32xf32, #tpu.memory_space<hbm>>
        tpu.wait_dma2 semaphore(%run_scoped3A : memref<!tpu.dma_semaphore, #tpu.memory_space<semaphore_mem>>) src(%dma_wait3A_122 : memref<128x32xf32, #tpu.memory_space<hbm>>) dst(%arg9 : memref<128x32xf32, #tpu.memory_space<vmem>>)
        tpu.yield
      }) : () -> ()
      "tpu.region"() ({
        %run_scoped3A = tpu.sem_alloc : memref<!tpu.dma_semaphore, #tpu.memory_space<semaphore_mem>>
        %dma_start3A = arith.constant 0 : i32
        %dma_start3A_113 = arith.constant 0 : i32
        %dma_start3A_114 = tpu.memref_slice %arg6[%dma_start3A, %dma_start3A_113] : memref<51200x32xf32, #tpu.memory_space<vmem_shared>> -> memref<51200x32xf32, #tpu.memory_space<vmem_shared>>
        tpu.enqueue_indirect_dma source(%arg9 : memref<128x32xf32, #tpu.memory_space<vmem>>) target(%dma_start3A_114 : memref<51200x32xf32, #tpu.memory_space<vmem_shared>>) offsets(%arg7 : memref<128xi32, #tpu.memory_space<vmem>>) semaphore(%run_scoped3A : memref<!tpu.dma_semaphore, #tpu.memory_space<semaphore_mem>>) {add = true}
        %dma_wait3A = arith.constant 0 : i32
        %dma_wait3A_115 = arith.constant 0 : i32
        %dma_wait3A_116 = tpu.memref_slice %arg6[%dma_wait3A, %dma_wait3A_115] : memref<51200x32xf32, #tpu.memory_space<vmem_shared>> -> memref<51200x32xf32, #tpu.memory_space<vmem_shared>>
        tpu.wait_indirect_dma semaphore(%run_scoped3A : memref<!tpu.dma_semaphore, #tpu.memory_space<semaphore_mem>>) src(%arg9 : memref<128x32xf32, #tpu.memory_space<vmem>>) dst(%dma_wait3A_116 : memref<51200x32xf32, #tpu.memory_space<vmem_shared>>)
        tpu.yield
      }) : () -> ()
    }
    %barrier3A_74 = arith.constant 0 : index
    tpu.barrier barrier_id(%barrier3A_74)
    %mul3A_75 = arith.constant 3200 : i32
    %mul3A_76 = arith.muli %arg1, %mul3A_75 : i32
    %mul3A_77 = arith.constant 51200 : i32
    %mul3A_78 = arith.muli %arg0, %mul3A_77 : i32
    %mul3A_79 = arith.constant 3200 : i32
    %mul3A_80 = arith.muli %arg1, %mul3A_79 : i32
    %add3A_81 = arith.addi %mul3A_78, %mul3A_80 : i32
    "tpu.region"() ({
      %run_scoped3A = tpu.sem_alloc : memref<!tpu.dma_semaphore, #tpu.memory_space<semaphore_mem>>
      %dma_start3A = arith.constant 0 : i32
      %dma_start3A_82 = tpu.memref_slice %arg5[%add3A_81, %dma_start3A] : memref<102400x32xf32, #tpu.memory_space<hbm>> -> memref<3200x32xf32, #tpu.memory_space<hbm>>
      %dma_start3A_83 = arith.constant 0 : i32
      %dma_start3A_84 = tpu.memref_slice %arg6[%mul3A_76, %dma_start3A_83] : memref<51200x32xf32, #tpu.memory_space<vmem_shared>> -> memref<3200x32xf32, #tpu.memory_space<vmem_shared>>
      tpu.enqueue_dma source(%dma_start3A_84 : memref<3200x32xf32, #tpu.memory_space<vmem_shared>>) target(%dma_start3A_82 : memref<3200x32xf32, #tpu.memory_space<hbm>>) target_semaphore(%run_scoped3A : memref<!tpu.dma_semaphore, #tpu.memory_space<semaphore_mem>>)
      %dma_wait3A = arith.constant 0 : i32
      %dma_wait3A_85 = tpu.memref_slice %arg5[%add3A_81, %dma_wait3A] : memref<102400x32xf32, #tpu.memory_space<hbm>> -> memref<3200x32xf32, #tpu.memory_space<hbm>>
      %dma_wait3A_86 = arith.constant 0 : i32
      %dma_wait3A_87 = tpu.memref_slice %arg6[%mul3A_76, %dma_wait3A_86] : memref<51200x32xf32, #tpu.memory_space<vmem_shared>> -> memref<3200x32xf32, #tpu.memory_space<vmem_shared>>
      tpu.wait_dma2 semaphore(%run_scoped3A : memref<!tpu.dma_semaphore, #tpu.memory_space<semaphore_mem>>) src(%dma_wait3A_87 : memref<3200x32xf32, #tpu.memory_space<vmem_shared>>) dst(%dma_wait3A_85 : memref<3200x32xf32, #tpu.memory_space<hbm>>)
      tpu.yield
    }) : () -> ()
    return
  }
}

#map = affine_map<(d0, d1) -> (0, 0, 0)>
#map1 = affine_map<(d0, d1) -> (0, 0)>
module attributes {stable_mosaic.version = 14 : i64} {
  func.func @_gath32_body(%arg0: i32, %arg1: i32, %arg2: memref<2x51200x32xf32, #tpu.memory_space<hbm>>, %arg3: memref<6250x128xi32, #tpu.memory_space<hbm>>, %arg4: memref<6250x128x64xf32, #tpu.memory_space<hbm>>, %arg5: memref<128xi32, #tpu.memory_space<vmem>>, %arg6: memref<128xi32, #tpu.memory_space<vmem>>, %arg7: memref<128x32xf32, #tpu.memory_space<vmem>>, %arg8: memref<128x32xf32, #tpu.memory_space<vmem>>, %arg9: memref<128x32xf32, #tpu.memory_space<vmem>>, %arg10: memref<128x32xf32, #tpu.memory_space<vmem>>, %arg11: memref<!tpu.dma_semaphore, #tpu.memory_space<semaphore_mem>>) attributes {dimension_semantics = [#tpu.dimension_semantics<core_parallel>, #tpu.dimension_semantics<subcore_parallel>], iteration_bounds = array<i64: 2, 16>, scalar_prefetch = 0 : i64, scratch_operands = 7 : i64, tpu.core_type = #tpu.core_type<sc_vector_subcore>, window_params = [{transform_indices = #map}, {transform_indices = #map1}, {transform_indices = #map}]} {
    %mul3A = arith.constant 2 : i32
    %mul3A_0 = arith.muli %arg1, %mul3A : i32
    %add3A = arith.addi %mul3A_0, %arg0 : i32
    %mul3A_1 = arith.constant 195 : i32
    %mul3A_2 = arith.muli %add3A, %mul3A_1 : i32
    %min3A = arith.constant 10 : i32
    %min3A_3 = arith.minsi %add3A, %min3A : i32
    %add3A_4 = arith.addi %mul3A_2, %min3A_3 : i32
    %lt3A = arith.constant 10 : i32
    %lt3A_5 = arith.cmpi slt, %add3A, %lt3A : i32
    %jit3A = arith.constant 1 : i32
    %jit3A_6 = arith.constant 0 : i32
    %select_n3A = arith.select %lt3A_5, %jit3A, %jit3A_6 : i32
    %add3A_7 = arith.constant 195 : i32
    %add3A_8 = arith.addi %add3A_7, %select_n3A : i32
    %jit3A_9 = arith.constant 2 : i32
    %div3A = arith.divsi %add3A_8, %jit3A_9 : i32
    %sign3A = arith.constant 0 : i32
    %sign3A_10 = arith.cmpi sgt, %add3A_8, %sign3A : i32
    %sign3A_11 = arith.extui %sign3A_10 : i1 to i32
    %sign3A_12 = arith.constant 0 : i32
    %sign3A_13 = arith.cmpi slt, %add3A_8, %sign3A_12 : i32
    %sign3A_14 = arith.extui %sign3A_13 : i1 to i32
    %sign3A_15 = arith.subi %sign3A_11, %sign3A_14 : i32
    %sign3A_16 = arith.constant 0 : i32
    %sign3A_17 = arith.cmpi sgt, %jit3A_9, %sign3A_16 : i32
    %sign3A_18 = arith.extui %sign3A_17 : i1 to i32
    %sign3A_19 = arith.constant 0 : i32
    %sign3A_20 = arith.cmpi slt, %jit3A_9, %sign3A_19 : i32
    %sign3A_21 = arith.extui %sign3A_20 : i1 to i32
    %sign3A_22 = arith.subi %sign3A_18, %sign3A_21 : i32
    %ne3A = arith.cmpi ne, %sign3A_15, %sign3A_22 : i32
    %rem3A = arith.remsi %add3A_8, %jit3A_9 : i32
    %ne3A_23 = arith.constant 0 : i32
    %ne3A_24 = arith.cmpi ne, %rem3A, %ne3A_23 : i32
    %and3A = arith.andi %ne3A, %ne3A_24 : i1
    %sub3A = arith.constant 1 : i32
    %sub3A_25 = arith.subi %div3A, %sub3A : i32
    %select_n3A_26 = arith.select %and3A, %sub3A_25, %div3A : i32
    %while3A = arith.constant 0 : i32
    %while3A_27 = arith.constant 0 : i32
    %while3A_28 = arith.subi %select_n3A_26, %while3A_27 : i32
    %while3A_29 = arith.addi %while3A_27, %while3A_28 : i32
    %while3A_30 = arith.constant 1 : i32
    %while3A_31 = arith.divsi %while3A_28, %while3A_30 : i32
    %while3A_32 = arith.muli %while3A_31, %while3A_30 : i32
    %while3A_33 = arith.addi %while3A_27, %while3A_32 : i32
    %while3A_34 = arith.constant 1 : i32
    scf.for %while3A_73 = %while3A_27 to %while3A_33 step %while3A_34  : i32 {
      %mul3A_74 = arith.constant 2 : i32
      %mul3A_75 = arith.muli %while3A_73, %mul3A_74 : i32
      %add3A_76 = arith.addi %add3A_4, %mul3A_75 : i32
      "tpu.region"() ({
        %run_scoped3A = tpu.sem_alloc : memref<!tpu.dma_semaphore, #tpu.memory_space<semaphore_mem>>
        %dma_start3A_209 = arith.constant 0 : i32
        %dma_start3A_210 = tpu.memref_slice %arg3[%add3A_76, %dma_start3A_209] : memref<6250x128xi32, #tpu.memory_space<hbm>> -> memref<1x128xi32, #tpu.memory_space<hbm>>
        %dma_start3A_211 = tpu.memref_squeeze %dma_start3A_210 : memref<1x128xi32, #tpu.memory_space<hbm>> -> memref<128xi32, #tpu.memory_space<hbm>>
        %dma_start3A_212 = arith.constant 0 : i32
        %dma_start3A_213 = tpu.memref_slice %arg3[%add3A_76, %dma_start3A_212] : memref<6250x128xi32, #tpu.memory_space<hbm>> -> memref<1x128xi32, #tpu.memory_space<hbm>>
        %dma_start3A_214 = tpu.memref_squeeze %dma_start3A_213 : memref<1x128xi32, #tpu.memory_space<hbm>> -> memref<128xi32, #tpu.memory_space<hbm>>
        tpu.enqueue_dma source(%dma_start3A_214 : memref<128xi32, #tpu.memory_space<hbm>>) target(%arg5 : memref<128xi32, #tpu.memory_space<vmem>>) target_semaphore(%run_scoped3A : memref<!tpu.dma_semaphore, #tpu.memory_space<semaphore_mem>>)
        %dma_wait3A_215 = arith.constant 0 : i32
        %dma_wait3A_216 = tpu.memref_slice %arg3[%add3A_76, %dma_wait3A_215] : memref<6250x128xi32, #tpu.memory_space<hbm>> -> memref<1x128xi32, #tpu.memory_space<hbm>>
        %dma_wait3A_217 = tpu.memref_squeeze %dma_wait3A_216 : memref<1x128xi32, #tpu.memory_space<hbm>> -> memref<128xi32, #tpu.memory_space<hbm>>
        %dma_wait3A_218 = arith.constant 0 : i32
        %dma_wait3A_219 = tpu.memref_slice %arg3[%add3A_76, %dma_wait3A_218] : memref<6250x128xi32, #tpu.memory_space<hbm>> -> memref<1x128xi32, #tpu.memory_space<hbm>>
        %dma_wait3A_220 = tpu.memref_squeeze %dma_wait3A_219 : memref<1x128xi32, #tpu.memory_space<hbm>> -> memref<128xi32, #tpu.memory_space<hbm>>
        tpu.wait_dma2 semaphore(%run_scoped3A : memref<!tpu.dma_semaphore, #tpu.memory_space<semaphore_mem>>) src(%dma_wait3A_220 : memref<128xi32, #tpu.memory_space<hbm>>) dst(%arg5 : memref<128xi32, #tpu.memory_space<vmem>>)
        tpu.yield
      }) : () -> ()
      %dma_start3A = arith.constant 0 : i32
      %dma_start3A_77 = arith.constant 0 : i32
      %dma_start3A_78 = arith.constant 0 : i32
      %dma_start3A_79 = tpu.memref_slice %arg2[%dma_start3A, %dma_start3A_77, %dma_start3A_78] : memref<2x51200x32xf32, #tpu.memory_space<hbm>> -> memref<1x51200x32xf32, #tpu.memory_space<hbm>>
      %dma_start3A_80 = tpu.memref_squeeze %dma_start3A_79 : memref<1x51200x32xf32, #tpu.memory_space<hbm>> -> memref<51200x32xf32, #tpu.memory_space<hbm>>
      %dma_start3A_81 = arith.constant 0 : i32
      %dma_start3A_82 = arith.constant 0 : i32
      %dma_start3A_83 = tpu.memref_slice %dma_start3A_80[%dma_start3A_81, %dma_start3A_82] : memref<51200x32xf32, #tpu.memory_space<hbm>> -> memref<51200x32xf32, #tpu.memory_space<hbm>>
      tpu.enqueue_indirect_dma source(%dma_start3A_83 : memref<51200x32xf32, #tpu.memory_space<hbm>>) target(%arg7 : memref<128x32xf32, #tpu.memory_space<vmem>>) offsets(%arg5 : memref<128xi32, #tpu.memory_space<vmem>>) semaphore(%arg11 : memref<!tpu.dma_semaphore, #tpu.memory_space<semaphore_mem>>)
      %dma_start3A_84 = arith.constant 1 : i32
      %dma_start3A_85 = arith.constant 0 : i32
      %dma_start3A_86 = arith.constant 0 : i32
      %dma_start3A_87 = tpu.memref_slice %arg2[%dma_start3A_84, %dma_start3A_85, %dma_start3A_86] : memref<2x51200x32xf32, #tpu.memory_space<hbm>> -> memref<1x51200x32xf32, #tpu.memory_space<hbm>>
      %dma_start3A_88 = tpu.memref_squeeze %dma_start3A_87 : memref<1x51200x32xf32, #tpu.memory_space<hbm>> -> memref<51200x32xf32, #tpu.memory_space<hbm>>
      %dma_start3A_89 = arith.constant 0 : i32
      %dma_start3A_90 = arith.constant 0 : i32
      %dma_start3A_91 = tpu.memref_slice %dma_start3A_88[%dma_start3A_89, %dma_start3A_90] : memref<51200x32xf32, #tpu.memory_space<hbm>> -> memref<51200x32xf32, #tpu.memory_space<hbm>>
      tpu.enqueue_indirect_dma source(%dma_start3A_91 : memref<51200x32xf32, #tpu.memory_space<hbm>>) target(%arg8 : memref<128x32xf32, #tpu.memory_space<vmem>>) offsets(%arg5 : memref<128xi32, #tpu.memory_space<vmem>>) semaphore(%arg11 : memref<!tpu.dma_semaphore, #tpu.memory_space<semaphore_mem>>)
      %add3A_92 = arith.constant 1 : i32
      %add3A_93 = arith.addi %add3A_76, %add3A_92 : i32
      "tpu.region"() ({
        %run_scoped3A = tpu.sem_alloc : memref<!tpu.dma_semaphore, #tpu.memory_space<semaphore_mem>>
        %dma_start3A_209 = arith.constant 0 : i32
        %dma_start3A_210 = tpu.memref_slice %arg3[%add3A_93, %dma_start3A_209] : memref<6250x128xi32, #tpu.memory_space<hbm>> -> memref<1x128xi32, #tpu.memory_space<hbm>>
        %dma_start3A_211 = tpu.memref_squeeze %dma_start3A_210 : memref<1x128xi32, #tpu.memory_space<hbm>> -> memref<128xi32, #tpu.memory_space<hbm>>
        %dma_start3A_212 = arith.constant 0 : i32
        %dma_start3A_213 = tpu.memref_slice %arg3[%add3A_93, %dma_start3A_212] : memref<6250x128xi32, #tpu.memory_space<hbm>> -> memref<1x128xi32, #tpu.memory_space<hbm>>
        %dma_start3A_214 = tpu.memref_squeeze %dma_start3A_213 : memref<1x128xi32, #tpu.memory_space<hbm>> -> memref<128xi32, #tpu.memory_space<hbm>>
        tpu.enqueue_dma source(%dma_start3A_214 : memref<128xi32, #tpu.memory_space<hbm>>) target(%arg6 : memref<128xi32, #tpu.memory_space<vmem>>) target_semaphore(%run_scoped3A : memref<!tpu.dma_semaphore, #tpu.memory_space<semaphore_mem>>)
        %dma_wait3A_215 = arith.constant 0 : i32
        %dma_wait3A_216 = tpu.memref_slice %arg3[%add3A_93, %dma_wait3A_215] : memref<6250x128xi32, #tpu.memory_space<hbm>> -> memref<1x128xi32, #tpu.memory_space<hbm>>
        %dma_wait3A_217 = tpu.memref_squeeze %dma_wait3A_216 : memref<1x128xi32, #tpu.memory_space<hbm>> -> memref<128xi32, #tpu.memory_space<hbm>>
        %dma_wait3A_218 = arith.constant 0 : i32
        %dma_wait3A_219 = tpu.memref_slice %arg3[%add3A_93, %dma_wait3A_218] : memref<6250x128xi32, #tpu.memory_space<hbm>> -> memref<1x128xi32, #tpu.memory_space<hbm>>
        %dma_wait3A_220 = tpu.memref_squeeze %dma_wait3A_219 : memref<1x128xi32, #tpu.memory_space<hbm>> -> memref<128xi32, #tpu.memory_space<hbm>>
        tpu.wait_dma2 semaphore(%run_scoped3A : memref<!tpu.dma_semaphore, #tpu.memory_space<semaphore_mem>>) src(%dma_wait3A_220 : memref<128xi32, #tpu.memory_space<hbm>>) dst(%arg6 : memref<128xi32, #tpu.memory_space<vmem>>)
        tpu.yield
      }) : () -> ()
      %dma_start3A_94 = arith.constant 0 : i32
      %dma_start3A_95 = arith.constant 0 : i32
      %dma_start3A_96 = arith.constant 0 : i32
      %dma_start3A_97 = tpu.memref_slice %arg2[%dma_start3A_94, %dma_start3A_95, %dma_start3A_96] : memref<2x51200x32xf32, #tpu.memory_space<hbm>> -> memref<1x51200x32xf32, #tpu.memory_space<hbm>>
      %dma_start3A_98 = tpu.memref_squeeze %dma_start3A_97 : memref<1x51200x32xf32, #tpu.memory_space<hbm>> -> memref<51200x32xf32, #tpu.memory_space<hbm>>
      %dma_start3A_99 = arith.constant 0 : i32
      %dma_start3A_100 = arith.constant 0 : i32
      %dma_start3A_101 = tpu.memref_slice %dma_start3A_98[%dma_start3A_99, %dma_start3A_100] : memref<51200x32xf32, #tpu.memory_space<hbm>> -> memref<51200x32xf32, #tpu.memory_space<hbm>>
      tpu.enqueue_indirect_dma source(%dma_start3A_101 : memref<51200x32xf32, #tpu.memory_space<hbm>>) target(%arg9 : memref<128x32xf32, #tpu.memory_space<vmem>>) offsets(%arg6 : memref<128xi32, #tpu.memory_space<vmem>>) semaphore(%arg11 : memref<!tpu.dma_semaphore, #tpu.memory_space<semaphore_mem>>)
      %dma_start3A_102 = arith.constant 1 : i32
      %dma_start3A_103 = arith.constant 0 : i32
      %dma_start3A_104 = arith.constant 0 : i32
      %dma_start3A_105 = tpu.memref_slice %arg2[%dma_start3A_102, %dma_start3A_103, %dma_start3A_104] : memref<2x51200x32xf32, #tpu.memory_space<hbm>> -> memref<1x51200x32xf32, #tpu.memory_space<hbm>>
      %dma_start3A_106 = tpu.memref_squeeze %dma_start3A_105 : memref<1x51200x32xf32, #tpu.memory_space<hbm>> -> memref<51200x32xf32, #tpu.memory_space<hbm>>
      %dma_start3A_107 = arith.constant 0 : i32
      %dma_start3A_108 = arith.constant 0 : i32
      %dma_start3A_109 = tpu.memref_slice %dma_start3A_106[%dma_start3A_107, %dma_start3A_108] : memref<51200x32xf32, #tpu.memory_space<hbm>> -> memref<51200x32xf32, #tpu.memory_space<hbm>>
      tpu.enqueue_indirect_dma source(%dma_start3A_109 : memref<51200x32xf32, #tpu.memory_space<hbm>>) target(%arg10 : memref<128x32xf32, #tpu.memory_space<vmem>>) offsets(%arg6 : memref<128xi32, #tpu.memory_space<vmem>>) semaphore(%arg11 : memref<!tpu.dma_semaphore, #tpu.memory_space<semaphore_mem>>)
      %dma_wait3A = arith.constant 0 : i32
      %dma_wait3A_110 = arith.constant 0 : i32
      %dma_wait3A_111 = arith.constant 0 : i32
      %dma_wait3A_112 = tpu.memref_slice %arg2[%dma_wait3A, %dma_wait3A_110, %dma_wait3A_111] : memref<2x51200x32xf32, #tpu.memory_space<hbm>> -> memref<1x51200x32xf32, #tpu.memory_space<hbm>>
      %dma_wait3A_113 = tpu.memref_squeeze %dma_wait3A_112 : memref<1x51200x32xf32, #tpu.memory_space<hbm>> -> memref<51200x32xf32, #tpu.memory_space<hbm>>
      %dma_wait3A_114 = arith.constant 0 : i32
      %dma_wait3A_115 = arith.constant 0 : i32
      %dma_wait3A_116 = tpu.memref_slice %dma_wait3A_113[%dma_wait3A_114, %dma_wait3A_115] : memref<51200x32xf32, #tpu.memory_space<hbm>> -> memref<51200x32xf32, #tpu.memory_space<hbm>>
      tpu.wait_indirect_dma semaphore(%arg11 : memref<!tpu.dma_semaphore, #tpu.memory_space<semaphore_mem>>) src(%dma_wait3A_116 : memref<51200x32xf32, #tpu.memory_space<hbm>>) dst(%arg7 : memref<128x32xf32, #tpu.memory_space<vmem>>)
      %dma_wait3A_117 = arith.constant 1 : i32
      %dma_wait3A_118 = arith.constant 0 : i32
      %dma_wait3A_119 = arith.constant 0 : i32
      %dma_wait3A_120 = tpu.memref_slice %arg2[%dma_wait3A_117, %dma_wait3A_118, %dma_wait3A_119] : memref<2x51200x32xf32, #tpu.memory_space<hbm>> -> memref<1x51200x32xf32, #tpu.memory_space<hbm>>
      %dma_wait3A_121 = tpu.memref_squeeze %dma_wait3A_120 : memref<1x51200x32xf32, #tpu.memory_space<hbm>> -> memref<51200x32xf32, #tpu.memory_space<hbm>>
      %dma_wait3A_122 = arith.constant 0 : i32
      %dma_wait3A_123 = arith.constant 0 : i32
      %dma_wait3A_124 = tpu.memref_slice %dma_wait3A_121[%dma_wait3A_122, %dma_wait3A_123] : memref<51200x32xf32, #tpu.memory_space<hbm>> -> memref<51200x32xf32, #tpu.memory_space<hbm>>
      tpu.wait_indirect_dma semaphore(%arg11 : memref<!tpu.dma_semaphore, #tpu.memory_space<semaphore_mem>>) src(%dma_wait3A_124 : memref<51200x32xf32, #tpu.memory_space<hbm>>) dst(%arg8 : memref<128x32xf32, #tpu.memory_space<vmem>>)
      %dma_start3A_125 = arith.constant 0 : i32
      %dma_start3A_126 = arith.constant 0 : i32
      %dma_start3A_127 = tpu.memref_slice %arg4[%add3A_76, %dma_start3A_125, %dma_start3A_126] : memref<6250x128x64xf32, #tpu.memory_space<hbm>> -> memref<1x128x32xf32, #tpu.memory_space<hbm>>
      %dma_start3A_128 = tpu.memref_squeeze %dma_start3A_127 : memref<1x128x32xf32, #tpu.memory_space<hbm>> -> memref<128x32xf32, #tpu.memory_space<hbm>>
      %dma_start3A_129 = arith.constant 0 : i32
      %dma_start3A_130 = arith.constant 0 : i32
      %dma_start3A_131 = tpu.memref_slice %arg4[%add3A_76, %dma_start3A_129, %dma_start3A_130] : memref<6250x128x64xf32, #tpu.memory_space<hbm>> -> memref<1x128x32xf32, #tpu.memory_space<hbm>>
      %dma_start3A_132 = tpu.memref_squeeze %dma_start3A_131 : memref<1x128x32xf32, #tpu.memory_space<hbm>> -> memref<128x32xf32, #tpu.memory_space<hbm>>
      tpu.enqueue_dma source(%arg7 : memref<128x32xf32, #tpu.memory_space<vmem>>) target(%dma_start3A_132 : memref<128x32xf32, #tpu.memory_space<hbm>>) target_semaphore(%arg11 : memref<!tpu.dma_semaphore, #tpu.memory_space<semaphore_mem>>)
      %dma_start3A_133 = arith.constant 0 : i32
      %dma_start3A_134 = arith.constant 32 : i32
      %dma_start3A_135 = tpu.memref_slice %arg4[%add3A_76, %dma_start3A_133, %dma_start3A_134] : memref<6250x128x64xf32, #tpu.memory_space<hbm>> -> memref<1x128x32xf32, #tpu.memory_space<hbm>>
      %dma_start3A_136 = tpu.memref_squeeze %dma_start3A_135 : memref<1x128x32xf32, #tpu.memory_space<hbm>> -> memref<128x32xf32, #tpu.memory_space<hbm>>
      %dma_start3A_137 = arith.constant 0 : i32
      %dma_start3A_138 = arith.constant 32 : i32
      %dma_start3A_139 = tpu.memref_slice %arg4[%add3A_76, %dma_start3A_137, %dma_start3A_138] : memref<6250x128x64xf32, #tpu.memory_space<hbm>> -> memref<1x128x32xf32, #tpu.memory_space<hbm>>
      %dma_start3A_140 = tpu.memref_squeeze %dma_start3A_139 : memref<1x128x32xf32, #tpu.memory_space<hbm>> -> memref<128x32xf32, #tpu.memory_space<hbm>>
      tpu.enqueue_dma source(%arg8 : memref<128x32xf32, #tpu.memory_space<vmem>>) target(%dma_start3A_140 : memref<128x32xf32, #tpu.memory_space<hbm>>) target_semaphore(%arg11 : memref<!tpu.dma_semaphore, #tpu.memory_space<semaphore_mem>>)
      %dma_wait3A_141 = arith.constant 0 : i32
      %dma_wait3A_142 = arith.constant 0 : i32
      %dma_wait3A_143 = arith.constant 0 : i32
      %dma_wait3A_144 = tpu.memref_slice %arg2[%dma_wait3A_141, %dma_wait3A_142, %dma_wait3A_143] : memref<2x51200x32xf32, #tpu.memory_space<hbm>> -> memref<1x51200x32xf32, #tpu.memory_space<hbm>>
      %dma_wait3A_145 = tpu.memref_squeeze %dma_wait3A_144 : memref<1x51200x32xf32, #tpu.memory_space<hbm>> -> memref<51200x32xf32, #tpu.memory_space<hbm>>
      %dma_wait3A_146 = arith.constant 0 : i32
      %dma_wait3A_147 = arith.constant 0 : i32
      %dma_wait3A_148 = tpu.memref_slice %dma_wait3A_145[%dma_wait3A_146, %dma_wait3A_147] : memref<51200x32xf32, #tpu.memory_space<hbm>> -> memref<51200x32xf32, #tpu.memory_space<hbm>>
      tpu.wait_indirect_dma semaphore(%arg11 : memref<!tpu.dma_semaphore, #tpu.memory_space<semaphore_mem>>) src(%dma_wait3A_148 : memref<51200x32xf32, #tpu.memory_space<hbm>>) dst(%arg9 : memref<128x32xf32, #tpu.memory_space<vmem>>)
      %dma_wait3A_149 = arith.constant 1 : i32
      %dma_wait3A_150 = arith.constant 0 : i32
      %dma_wait3A_151 = arith.constant 0 : i32
      %dma_wait3A_152 = tpu.memref_slice %arg2[%dma_wait3A_149, %dma_wait3A_150, %dma_wait3A_151] : memref<2x51200x32xf32, #tpu.memory_space<hbm>> -> memref<1x51200x32xf32, #tpu.memory_space<hbm>>
      %dma_wait3A_153 = tpu.memref_squeeze %dma_wait3A_152 : memref<1x51200x32xf32, #tpu.memory_space<hbm>> -> memref<51200x32xf32, #tpu.memory_space<hbm>>
      %dma_wait3A_154 = arith.constant 0 : i32
      %dma_wait3A_155 = arith.constant 0 : i32
      %dma_wait3A_156 = tpu.memref_slice %dma_wait3A_153[%dma_wait3A_154, %dma_wait3A_155] : memref<51200x32xf32, #tpu.memory_space<hbm>> -> memref<51200x32xf32, #tpu.memory_space<hbm>>
      tpu.wait_indirect_dma semaphore(%arg11 : memref<!tpu.dma_semaphore, #tpu.memory_space<semaphore_mem>>) src(%dma_wait3A_156 : memref<51200x32xf32, #tpu.memory_space<hbm>>) dst(%arg10 : memref<128x32xf32, #tpu.memory_space<vmem>>)
      %add3A_157 = arith.constant 1 : i32
      %add3A_158 = arith.addi %add3A_76, %add3A_157 : i32
      %dma_start3A_159 = arith.constant 0 : i32
      %dma_start3A_160 = arith.constant 0 : i32
      %dma_start3A_161 = tpu.memref_slice %arg4[%add3A_158, %dma_start3A_159, %dma_start3A_160] : memref<6250x128x64xf32, #tpu.memory_space<hbm>> -> memref<1x128x32xf32, #tpu.memory_space<hbm>>
      %dma_start3A_162 = tpu.memref_squeeze %dma_start3A_161 : memref<1x128x32xf32, #tpu.memory_space<hbm>> -> memref<128x32xf32, #tpu.memory_space<hbm>>
      %dma_start3A_163 = arith.constant 0 : i32
      %dma_start3A_164 = arith.constant 0 : i32
      %dma_start3A_165 = tpu.memref_slice %arg4[%add3A_158, %dma_start3A_163, %dma_start3A_164] : memref<6250x128x64xf32, #tpu.memory_space<hbm>> -> memref<1x128x32xf32, #tpu.memory_space<hbm>>
      %dma_start3A_166 = tpu.memref_squeeze %dma_start3A_165 : memref<1x128x32xf32, #tpu.memory_space<hbm>> -> memref<128x32xf32, #tpu.memory_space<hbm>>
      tpu.enqueue_dma source(%arg9 : memref<128x32xf32, #tpu.memory_space<vmem>>) target(%dma_start3A_166 : memref<128x32xf32, #tpu.memory_space<hbm>>) target_semaphore(%arg11 : memref<!tpu.dma_semaphore, #tpu.memory_space<semaphore_mem>>)
      %add3A_167 = arith.constant 1 : i32
      %add3A_168 = arith.addi %add3A_76, %add3A_167 : i32
      %dma_start3A_169 = arith.constant 0 : i32
      %dma_start3A_170 = arith.constant 32 : i32
      %dma_start3A_171 = tpu.memref_slice %arg4[%add3A_168, %dma_start3A_169, %dma_start3A_170] : memref<6250x128x64xf32, #tpu.memory_space<hbm>> -> memref<1x128x32xf32, #tpu.memory_space<hbm>>
      %dma_start3A_172 = tpu.memref_squeeze %dma_start3A_171 : memref<1x128x32xf32, #tpu.memory_space<hbm>> -> memref<128x32xf32, #tpu.memory_space<hbm>>
      %dma_start3A_173 = arith.constant 0 : i32
      %dma_start3A_174 = arith.constant 32 : i32
      %dma_start3A_175 = tpu.memref_slice %arg4[%add3A_168, %dma_start3A_173, %dma_start3A_174] : memref<6250x128x64xf32, #tpu.memory_space<hbm>> -> memref<1x128x32xf32, #tpu.memory_space<hbm>>
      %dma_start3A_176 = tpu.memref_squeeze %dma_start3A_175 : memref<1x128x32xf32, #tpu.memory_space<hbm>> -> memref<128x32xf32, #tpu.memory_space<hbm>>
      tpu.enqueue_dma source(%arg10 : memref<128x32xf32, #tpu.memory_space<vmem>>) target(%dma_start3A_176 : memref<128x32xf32, #tpu.memory_space<hbm>>) target_semaphore(%arg11 : memref<!tpu.dma_semaphore, #tpu.memory_space<semaphore_mem>>)
      %dma_wait3A_177 = arith.constant 0 : i32
      %dma_wait3A_178 = arith.constant 0 : i32
      %dma_wait3A_179 = tpu.memref_slice %arg4[%add3A_76, %dma_wait3A_177, %dma_wait3A_178] : memref<6250x128x64xf32, #tpu.memory_space<hbm>> -> memref<1x128x32xf32, #tpu.memory_space<hbm>>
      %dma_wait3A_180 = tpu.memref_squeeze %dma_wait3A_179 : memref<1x128x32xf32, #tpu.memory_space<hbm>> -> memref<128x32xf32, #tpu.memory_space<hbm>>
      %dma_wait3A_181 = arith.constant 0 : i32
      %dma_wait3A_182 = arith.constant 0 : i32
      %dma_wait3A_183 = tpu.memref_slice %arg4[%add3A_76, %dma_wait3A_181, %dma_wait3A_182] : memref<6250x128x64xf32, #tpu.memory_space<hbm>> -> memref<1x128x32xf32, #tpu.memory_space<hbm>>
      %dma_wait3A_184 = tpu.memref_squeeze %dma_wait3A_183 : memref<1x128x32xf32, #tpu.memory_space<hbm>> -> memref<128x32xf32, #tpu.memory_space<hbm>>
      tpu.wait_dma2 semaphore(%arg11 : memref<!tpu.dma_semaphore, #tpu.memory_space<semaphore_mem>>) src(%arg7 : memref<128x32xf32, #tpu.memory_space<vmem>>) dst(%dma_wait3A_184 : memref<128x32xf32, #tpu.memory_space<hbm>>)
      %dma_wait3A_185 = arith.constant 0 : i32
      %dma_wait3A_186 = arith.constant 32 : i32
      %dma_wait3A_187 = tpu.memref_slice %arg4[%add3A_76, %dma_wait3A_185, %dma_wait3A_186] : memref<6250x128x64xf32, #tpu.memory_space<hbm>> -> memref<1x128x32xf32, #tpu.memory_space<hbm>>
      %dma_wait3A_188 = tpu.memref_squeeze %dma_wait3A_187 : memref<1x128x32xf32, #tpu.memory_space<hbm>> -> memref<128x32xf32, #tpu.memory_space<hbm>>
      %dma_wait3A_189 = arith.constant 0 : i32
      %dma_wait3A_190 = arith.constant 32 : i32
      %dma_wait3A_191 = tpu.memref_slice %arg4[%add3A_76, %dma_wait3A_189, %dma_wait3A_190] : memref<6250x128x64xf32, #tpu.memory_space<hbm>> -> memref<1x128x32xf32, #tpu.memory_space<hbm>>
      %dma_wait3A_192 = tpu.memref_squeeze %dma_wait3A_191 : memref<1x128x32xf32, #tpu.memory_space<hbm>> -> memref<128x32xf32, #tpu.memory_space<hbm>>
      tpu.wait_dma2 semaphore(%arg11 : memref<!tpu.dma_semaphore, #tpu.memory_space<semaphore_mem>>) src(%arg8 : memref<128x32xf32, #tpu.memory_space<vmem>>) dst(%dma_wait3A_192 : memref<128x32xf32, #tpu.memory_space<hbm>>)
      %dma_wait3A_193 = arith.constant 0 : i32
      %dma_wait3A_194 = arith.constant 0 : i32
      %dma_wait3A_195 = tpu.memref_slice %arg4[%add3A_158, %dma_wait3A_193, %dma_wait3A_194] : memref<6250x128x64xf32, #tpu.memory_space<hbm>> -> memref<1x128x32xf32, #tpu.memory_space<hbm>>
      %dma_wait3A_196 = tpu.memref_squeeze %dma_wait3A_195 : memref<1x128x32xf32, #tpu.memory_space<hbm>> -> memref<128x32xf32, #tpu.memory_space<hbm>>
      %dma_wait3A_197 = arith.constant 0 : i32
      %dma_wait3A_198 = arith.constant 0 : i32
      %dma_wait3A_199 = tpu.memref_slice %arg4[%add3A_158, %dma_wait3A_197, %dma_wait3A_198] : memref<6250x128x64xf32, #tpu.memory_space<hbm>> -> memref<1x128x32xf32, #tpu.memory_space<hbm>>
      %dma_wait3A_200 = tpu.memref_squeeze %dma_wait3A_199 : memref<1x128x32xf32, #tpu.memory_space<hbm>> -> memref<128x32xf32, #tpu.memory_space<hbm>>
      tpu.wait_dma2 semaphore(%arg11 : memref<!tpu.dma_semaphore, #tpu.memory_space<semaphore_mem>>) src(%arg9 : memref<128x32xf32, #tpu.memory_space<vmem>>) dst(%dma_wait3A_200 : memref<128x32xf32, #tpu.memory_space<hbm>>)
      %dma_wait3A_201 = arith.constant 0 : i32
      %dma_wait3A_202 = arith.constant 32 : i32
      %dma_wait3A_203 = tpu.memref_slice %arg4[%add3A_168, %dma_wait3A_201, %dma_wait3A_202] : memref<6250x128x64xf32, #tpu.memory_space<hbm>> -> memref<1x128x32xf32, #tpu.memory_space<hbm>>
      %dma_wait3A_204 = tpu.memref_squeeze %dma_wait3A_203 : memref<1x128x32xf32, #tpu.memory_space<hbm>> -> memref<128x32xf32, #tpu.memory_space<hbm>>
      %dma_wait3A_205 = arith.constant 0 : i32
      %dma_wait3A_206 = arith.constant 32 : i32
      %dma_wait3A_207 = tpu.memref_slice %arg4[%add3A_168, %dma_wait3A_205, %dma_wait3A_206] : memref<6250x128x64xf32, #tpu.memory_space<hbm>> -> memref<1x128x32xf32, #tpu.memory_space<hbm>>
      %dma_wait3A_208 = tpu.memref_squeeze %dma_wait3A_207 : memref<1x128x32xf32, #tpu.memory_space<hbm>> -> memref<128x32xf32, #tpu.memory_space<hbm>>
      tpu.wait_dma2 semaphore(%arg11 : memref<!tpu.dma_semaphore, #tpu.memory_space<semaphore_mem>>) src(%arg10 : memref<128x32xf32, #tpu.memory_space<vmem>>) dst(%dma_wait3A_208 : memref<128x32xf32, #tpu.memory_space<hbm>>)
    }
    %while3A_35 = arith.constant 1 : i32
    scf.for %while3A_73 = %while3A_33 to %while3A_29 step %while3A_35  : i32 {
      %mul3A_74 = arith.constant 2 : i32
      %mul3A_75 = arith.muli %while3A_73, %mul3A_74 : i32
      %add3A_76 = arith.addi %add3A_4, %mul3A_75 : i32
      "tpu.region"() ({
        %run_scoped3A = tpu.sem_alloc : memref<!tpu.dma_semaphore, #tpu.memory_space<semaphore_mem>>
        %dma_start3A_209 = arith.constant 0 : i32
        %dma_start3A_210 = tpu.memref_slice %arg3[%add3A_76, %dma_start3A_209] : memref<6250x128xi32, #tpu.memory_space<hbm>> -> memref<1x128xi32, #tpu.memory_space<hbm>>
        %dma_start3A_211 = tpu.memref_squeeze %dma_start3A_210 : memref<1x128xi32, #tpu.memory_space<hbm>> -> memref<128xi32, #tpu.memory_space<hbm>>
        %dma_start3A_212 = arith.constant 0 : i32
        %dma_start3A_213 = tpu.memref_slice %arg3[%add3A_76, %dma_start3A_212] : memref<6250x128xi32, #tpu.memory_space<hbm>> -> memref<1x128xi32, #tpu.memory_space<hbm>>
        %dma_start3A_214 = tpu.memref_squeeze %dma_start3A_213 : memref<1x128xi32, #tpu.memory_space<hbm>> -> memref<128xi32, #tpu.memory_space<hbm>>
        tpu.enqueue_dma source(%dma_start3A_214 : memref<128xi32, #tpu.memory_space<hbm>>) target(%arg5 : memref<128xi32, #tpu.memory_space<vmem>>) target_semaphore(%run_scoped3A : memref<!tpu.dma_semaphore, #tpu.memory_space<semaphore_mem>>)
        %dma_wait3A_215 = arith.constant 0 : i32
        %dma_wait3A_216 = tpu.memref_slice %arg3[%add3A_76, %dma_wait3A_215] : memref<6250x128xi32, #tpu.memory_space<hbm>> -> memref<1x128xi32, #tpu.memory_space<hbm>>
        %dma_wait3A_217 = tpu.memref_squeeze %dma_wait3A_216 : memref<1x128xi32, #tpu.memory_space<hbm>> -> memref<128xi32, #tpu.memory_space<hbm>>
        %dma_wait3A_218 = arith.constant 0 : i32
        %dma_wait3A_219 = tpu.memref_slice %arg3[%add3A_76, %dma_wait3A_218] : memref<6250x128xi32, #tpu.memory_space<hbm>> -> memref<1x128xi32, #tpu.memory_space<hbm>>
        %dma_wait3A_220 = tpu.memref_squeeze %dma_wait3A_219 : memref<1x128xi32, #tpu.memory_space<hbm>> -> memref<128xi32, #tpu.memory_space<hbm>>
        tpu.wait_dma2 semaphore(%run_scoped3A : memref<!tpu.dma_semaphore, #tpu.memory_space<semaphore_mem>>) src(%dma_wait3A_220 : memref<128xi32, #tpu.memory_space<hbm>>) dst(%arg5 : memref<128xi32, #tpu.memory_space<vmem>>)
        tpu.yield
      }) : () -> ()
      %dma_start3A = arith.constant 0 : i32
      %dma_start3A_77 = arith.constant 0 : i32
      %dma_start3A_78 = arith.constant 0 : i32
      %dma_start3A_79 = tpu.memref_slice %arg2[%dma_start3A, %dma_start3A_77, %dma_start3A_78] : memref<2x51200x32xf32, #tpu.memory_space<hbm>> -> memref<1x51200x32xf32, #tpu.memory_space<hbm>>
      %dma_start3A_80 = tpu.memref_squeeze %dma_start3A_79 : memref<1x51200x32xf32, #tpu.memory_space<hbm>> -> memref<51200x32xf32, #tpu.memory_space<hbm>>
      %dma_start3A_81 = arith.constant 0 : i32
      %dma_start3A_82 = arith.constant 0 : i32
      %dma_start3A_83 = tpu.memref_slice %dma_start3A_80[%dma_start3A_81, %dma_start3A_82] : memref<51200x32xf32, #tpu.memory_space<hbm>> -> memref<51200x32xf32, #tpu.memory_space<hbm>>
      tpu.enqueue_indirect_dma source(%dma_start3A_83 : memref<51200x32xf32, #tpu.memory_space<hbm>>) target(%arg7 : memref<128x32xf32, #tpu.memory_space<vmem>>) offsets(%arg5 : memref<128xi32, #tpu.memory_space<vmem>>) semaphore(%arg11 : memref<!tpu.dma_semaphore, #tpu.memory_space<semaphore_mem>>)
      %dma_start3A_84 = arith.constant 1 : i32
      %dma_start3A_85 = arith.constant 0 : i32
      %dma_start3A_86 = arith.constant 0 : i32
      %dma_start3A_87 = tpu.memref_slice %arg2[%dma_start3A_84, %dma_start3A_85, %dma_start3A_86] : memref<2x51200x32xf32, #tpu.memory_space<hbm>> -> memref<1x51200x32xf32, #tpu.memory_space<hbm>>
      %dma_start3A_88 = tpu.memref_squeeze %dma_start3A_87 : memref<1x51200x32xf32, #tpu.memory_space<hbm>> -> memref<51200x32xf32, #tpu.memory_space<hbm>>
      %dma_start3A_89 = arith.constant 0 : i32
      %dma_start3A_90 = arith.constant 0 : i32
      %dma_start3A_91 = tpu.memref_slice %dma_start3A_88[%dma_start3A_89, %dma_start3A_90] : memref<51200x32xf32, #tpu.memory_space<hbm>> -> memref<51200x32xf32, #tpu.memory_space<hbm>>
      tpu.enqueue_indirect_dma source(%dma_start3A_91 : memref<51200x32xf32, #tpu.memory_space<hbm>>) target(%arg8 : memref<128x32xf32, #tpu.memory_space<vmem>>) offsets(%arg5 : memref<128xi32, #tpu.memory_space<vmem>>) semaphore(%arg11 : memref<!tpu.dma_semaphore, #tpu.memory_space<semaphore_mem>>)
      %add3A_92 = arith.constant 1 : i32
      %add3A_93 = arith.addi %add3A_76, %add3A_92 : i32
      "tpu.region"() ({
        %run_scoped3A = tpu.sem_alloc : memref<!tpu.dma_semaphore, #tpu.memory_space<semaphore_mem>>
        %dma_start3A_209 = arith.constant 0 : i32
        %dma_start3A_210 = tpu.memref_slice %arg3[%add3A_93, %dma_start3A_209] : memref<6250x128xi32, #tpu.memory_space<hbm>> -> memref<1x128xi32, #tpu.memory_space<hbm>>
        %dma_start3A_211 = tpu.memref_squeeze %dma_start3A_210 : memref<1x128xi32, #tpu.memory_space<hbm>> -> memref<128xi32, #tpu.memory_space<hbm>>
        %dma_start3A_212 = arith.constant 0 : i32
        %dma_start3A_213 = tpu.memref_slice %arg3[%add3A_93, %dma_start3A_212] : memref<6250x128xi32, #tpu.memory_space<hbm>> -> memref<1x128xi32, #tpu.memory_space<hbm>>
        %dma_start3A_214 = tpu.memref_squeeze %dma_start3A_213 : memref<1x128xi32, #tpu.memory_space<hbm>> -> memref<128xi32, #tpu.memory_space<hbm>>
        tpu.enqueue_dma source(%dma_start3A_214 : memref<128xi32, #tpu.memory_space<hbm>>) target(%arg6 : memref<128xi32, #tpu.memory_space<vmem>>) target_semaphore(%run_scoped3A : memref<!tpu.dma_semaphore, #tpu.memory_space<semaphore_mem>>)
        %dma_wait3A_215 = arith.constant 0 : i32
        %dma_wait3A_216 = tpu.memref_slice %arg3[%add3A_93, %dma_wait3A_215] : memref<6250x128xi32, #tpu.memory_space<hbm>> -> memref<1x128xi32, #tpu.memory_space<hbm>>
        %dma_wait3A_217 = tpu.memref_squeeze %dma_wait3A_216 : memref<1x128xi32, #tpu.memory_space<hbm>> -> memref<128xi32, #tpu.memory_space<hbm>>
        %dma_wait3A_218 = arith.constant 0 : i32
        %dma_wait3A_219 = tpu.memref_slice %arg3[%add3A_93, %dma_wait3A_218] : memref<6250x128xi32, #tpu.memory_space<hbm>> -> memref<1x128xi32, #tpu.memory_space<hbm>>
        %dma_wait3A_220 = tpu.memref_squeeze %dma_wait3A_219 : memref<1x128xi32, #tpu.memory_space<hbm>> -> memref<128xi32, #tpu.memory_space<hbm>>
        tpu.wait_dma2 semaphore(%run_scoped3A : memref<!tpu.dma_semaphore, #tpu.memory_space<semaphore_mem>>) src(%dma_wait3A_220 : memref<128xi32, #tpu.memory_space<hbm>>) dst(%arg6 : memref<128xi32, #tpu.memory_space<vmem>>)
        tpu.yield
      }) : () -> ()
      %dma_start3A_94 = arith.constant 0 : i32
      %dma_start3A_95 = arith.constant 0 : i32
      %dma_start3A_96 = arith.constant 0 : i32
      %dma_start3A_97 = tpu.memref_slice %arg2[%dma_start3A_94, %dma_start3A_95, %dma_start3A_96] : memref<2x51200x32xf32, #tpu.memory_space<hbm>> -> memref<1x51200x32xf32, #tpu.memory_space<hbm>>
      %dma_start3A_98 = tpu.memref_squeeze %dma_start3A_97 : memref<1x51200x32xf32, #tpu.memory_space<hbm>> -> memref<51200x32xf32, #tpu.memory_space<hbm>>
      %dma_start3A_99 = arith.constant 0 : i32
      %dma_start3A_100 = arith.constant 0 : i32
      %dma_start3A_101 = tpu.memref_slice %dma_start3A_98[%dma_start3A_99, %dma_start3A_100] : memref<51200x32xf32, #tpu.memory_space<hbm>> -> memref<51200x32xf32, #tpu.memory_space<hbm>>
      tpu.enqueue_indirect_dma source(%dma_start3A_101 : memref<51200x32xf32, #tpu.memory_space<hbm>>) target(%arg9 : memref<128x32xf32, #tpu.memory_space<vmem>>) offsets(%arg6 : memref<128xi32, #tpu.memory_space<vmem>>) semaphore(%arg11 : memref<!tpu.dma_semaphore, #tpu.memory_space<semaphore_mem>>)
      %dma_start3A_102 = arith.constant 1 : i32
      %dma_start3A_103 = arith.constant 0 : i32
      %dma_start3A_104 = arith.constant 0 : i32
      %dma_start3A_105 = tpu.memref_slice %arg2[%dma_start3A_102, %dma_start3A_103, %dma_start3A_104] : memref<2x51200x32xf32, #tpu.memory_space<hbm>> -> memref<1x51200x32xf32, #tpu.memory_space<hbm>>
      %dma_start3A_106 = tpu.memref_squeeze %dma_start3A_105 : memref<1x51200x32xf32, #tpu.memory_space<hbm>> -> memref<51200x32xf32, #tpu.memory_space<hbm>>
      %dma_start3A_107 = arith.constant 0 : i32
      %dma_start3A_108 = arith.constant 0 : i32
      %dma_start3A_109 = tpu.memref_slice %dma_start3A_106[%dma_start3A_107, %dma_start3A_108] : memref<51200x32xf32, #tpu.memory_space<hbm>> -> memref<51200x32xf32, #tpu.memory_space<hbm>>
      tpu.enqueue_indirect_dma source(%dma_start3A_109 : memref<51200x32xf32, #tpu.memory_space<hbm>>) target(%arg10 : memref<128x32xf32, #tpu.memory_space<vmem>>) offsets(%arg6 : memref<128xi32, #tpu.memory_space<vmem>>) semaphore(%arg11 : memref<!tpu.dma_semaphore, #tpu.memory_space<semaphore_mem>>)
      %dma_wait3A = arith.constant 0 : i32
      %dma_wait3A_110 = arith.constant 0 : i32
      %dma_wait3A_111 = arith.constant 0 : i32
      %dma_wait3A_112 = tpu.memref_slice %arg2[%dma_wait3A, %dma_wait3A_110, %dma_wait3A_111] : memref<2x51200x32xf32, #tpu.memory_space<hbm>> -> memref<1x51200x32xf32, #tpu.memory_space<hbm>>
      %dma_wait3A_113 = tpu.memref_squeeze %dma_wait3A_112 : memref<1x51200x32xf32, #tpu.memory_space<hbm>> -> memref<51200x32xf32, #tpu.memory_space<hbm>>
      %dma_wait3A_114 = arith.constant 0 : i32
      %dma_wait3A_115 = arith.constant 0 : i32
      %dma_wait3A_116 = tpu.memref_slice %dma_wait3A_113[%dma_wait3A_114, %dma_wait3A_115] : memref<51200x32xf32, #tpu.memory_space<hbm>> -> memref<51200x32xf32, #tpu.memory_space<hbm>>
      tpu.wait_indirect_dma semaphore(%arg11 : memref<!tpu.dma_semaphore, #tpu.memory_space<semaphore_mem>>) src(%dma_wait3A_116 : memref<51200x32xf32, #tpu.memory_space<hbm>>) dst(%arg7 : memref<128x32xf32, #tpu.memory_space<vmem>>)
      %dma_wait3A_117 = arith.constant 1 : i32
      %dma_wait3A_118 = arith.constant 0 : i32
      %dma_wait3A_119 = arith.constant 0 : i32
      %dma_wait3A_120 = tpu.memref_slice %arg2[%dma_wait3A_117, %dma_wait3A_118, %dma_wait3A_119] : memref<2x51200x32xf32, #tpu.memory_space<hbm>> -> memref<1x51200x32xf32, #tpu.memory_space<hbm>>
      %dma_wait3A_121 = tpu.memref_squeeze %dma_wait3A_120 : memref<1x51200x32xf32, #tpu.memory_space<hbm>> -> memref<51200x32xf32, #tpu.memory_space<hbm>>
      %dma_wait3A_122 = arith.constant 0 : i32
      %dma_wait3A_123 = arith.constant 0 : i32
      %dma_wait3A_124 = tpu.memref_slice %dma_wait3A_121[%dma_wait3A_122, %dma_wait3A_123] : memref<51200x32xf32, #tpu.memory_space<hbm>> -> memref<51200x32xf32, #tpu.memory_space<hbm>>
      tpu.wait_indirect_dma semaphore(%arg11 : memref<!tpu.dma_semaphore, #tpu.memory_space<semaphore_mem>>) src(%dma_wait3A_124 : memref<51200x32xf32, #tpu.memory_space<hbm>>) dst(%arg8 : memref<128x32xf32, #tpu.memory_space<vmem>>)
      %dma_start3A_125 = arith.constant 0 : i32
      %dma_start3A_126 = arith.constant 0 : i32
      %dma_start3A_127 = tpu.memref_slice %arg4[%add3A_76, %dma_start3A_125, %dma_start3A_126] : memref<6250x128x64xf32, #tpu.memory_space<hbm>> -> memref<1x128x32xf32, #tpu.memory_space<hbm>>
      %dma_start3A_128 = tpu.memref_squeeze %dma_start3A_127 : memref<1x128x32xf32, #tpu.memory_space<hbm>> -> memref<128x32xf32, #tpu.memory_space<hbm>>
      %dma_start3A_129 = arith.constant 0 : i32
      %dma_start3A_130 = arith.constant 0 : i32
      %dma_start3A_131 = tpu.memref_slice %arg4[%add3A_76, %dma_start3A_129, %dma_start3A_130] : memref<6250x128x64xf32, #tpu.memory_space<hbm>> -> memref<1x128x32xf32, #tpu.memory_space<hbm>>
      %dma_start3A_132 = tpu.memref_squeeze %dma_start3A_131 : memref<1x128x32xf32, #tpu.memory_space<hbm>> -> memref<128x32xf32, #tpu.memory_space<hbm>>
      tpu.enqueue_dma source(%arg7 : memref<128x32xf32, #tpu.memory_space<vmem>>) target(%dma_start3A_132 : memref<128x32xf32, #tpu.memory_space<hbm>>) target_semaphore(%arg11 : memref<!tpu.dma_semaphore, #tpu.memory_space<semaphore_mem>>)
      %dma_start3A_133 = arith.constant 0 : i32
      %dma_start3A_134 = arith.constant 32 : i32
      %dma_start3A_135 = tpu.memref_slice %arg4[%add3A_76, %dma_start3A_133, %dma_start3A_134] : memref<6250x128x64xf32, #tpu.memory_space<hbm>> -> memref<1x128x32xf32, #tpu.memory_space<hbm>>
      %dma_start3A_136 = tpu.memref_squeeze %dma_start3A_135 : memref<1x128x32xf32, #tpu.memory_space<hbm>> -> memref<128x32xf32, #tpu.memory_space<hbm>>
      %dma_start3A_137 = arith.constant 0 : i32
      %dma_start3A_138 = arith.constant 32 : i32
      %dma_start3A_139 = tpu.memref_slice %arg4[%add3A_76, %dma_start3A_137, %dma_start3A_138] : memref<6250x128x64xf32, #tpu.memory_space<hbm>> -> memref<1x128x32xf32, #tpu.memory_space<hbm>>
      %dma_start3A_140 = tpu.memref_squeeze %dma_start3A_139 : memref<1x128x32xf32, #tpu.memory_space<hbm>> -> memref<128x32xf32, #tpu.memory_space<hbm>>
      tpu.enqueue_dma source(%arg8 : memref<128x32xf32, #tpu.memory_space<vmem>>) target(%dma_start3A_140 : memref<128x32xf32, #tpu.memory_space<hbm>>) target_semaphore(%arg11 : memref<!tpu.dma_semaphore, #tpu.memory_space<semaphore_mem>>)
      %dma_wait3A_141 = arith.constant 0 : i32
      %dma_wait3A_142 = arith.constant 0 : i32
      %dma_wait3A_143 = arith.constant 0 : i32
      %dma_wait3A_144 = tpu.memref_slice %arg2[%dma_wait3A_141, %dma_wait3A_142, %dma_wait3A_143] : memref<2x51200x32xf32, #tpu.memory_space<hbm>> -> memref<1x51200x32xf32, #tpu.memory_space<hbm>>
      %dma_wait3A_145 = tpu.memref_squeeze %dma_wait3A_144 : memref<1x51200x32xf32, #tpu.memory_space<hbm>> -> memref<51200x32xf32, #tpu.memory_space<hbm>>
      %dma_wait3A_146 = arith.constant 0 : i32
      %dma_wait3A_147 = arith.constant 0 : i32
      %dma_wait3A_148 = tpu.memref_slice %dma_wait3A_145[%dma_wait3A_146, %dma_wait3A_147] : memref<51200x32xf32, #tpu.memory_space<hbm>> -> memref<51200x32xf32, #tpu.memory_space<hbm>>
      tpu.wait_indirect_dma semaphore(%arg11 : memref<!tpu.dma_semaphore, #tpu.memory_space<semaphore_mem>>) src(%dma_wait3A_148 : memref<51200x32xf32, #tpu.memory_space<hbm>>) dst(%arg9 : memref<128x32xf32, #tpu.memory_space<vmem>>)
      %dma_wait3A_149 = arith.constant 1 : i32
      %dma_wait3A_150 = arith.constant 0 : i32
      %dma_wait3A_151 = arith.constant 0 : i32
      %dma_wait3A_152 = tpu.memref_slice %arg2[%dma_wait3A_149, %dma_wait3A_150, %dma_wait3A_151] : memref<2x51200x32xf32, #tpu.memory_space<hbm>> -> memref<1x51200x32xf32, #tpu.memory_space<hbm>>
      %dma_wait3A_153 = tpu.memref_squeeze %dma_wait3A_152 : memref<1x51200x32xf32, #tpu.memory_space<hbm>> -> memref<51200x32xf32, #tpu.memory_space<hbm>>
      %dma_wait3A_154 = arith.constant 0 : i32
      %dma_wait3A_155 = arith.constant 0 : i32
      %dma_wait3A_156 = tpu.memref_slice %dma_wait3A_153[%dma_wait3A_154, %dma_wait3A_155] : memref<51200x32xf32, #tpu.memory_space<hbm>> -> memref<51200x32xf32, #tpu.memory_space<hbm>>
      tpu.wait_indirect_dma semaphore(%arg11 : memref<!tpu.dma_semaphore, #tpu.memory_space<semaphore_mem>>) src(%dma_wait3A_156 : memref<51200x32xf32, #tpu.memory_space<hbm>>) dst(%arg10 : memref<128x32xf32, #tpu.memory_space<vmem>>)
      %add3A_157 = arith.constant 1 : i32
      %add3A_158 = arith.addi %add3A_76, %add3A_157 : i32
      %dma_start3A_159 = arith.constant 0 : i32
      %dma_start3A_160 = arith.constant 0 : i32
      %dma_start3A_161 = tpu.memref_slice %arg4[%add3A_158, %dma_start3A_159, %dma_start3A_160] : memref<6250x128x64xf32, #tpu.memory_space<hbm>> -> memref<1x128x32xf32, #tpu.memory_space<hbm>>
      %dma_start3A_162 = tpu.memref_squeeze %dma_start3A_161 : memref<1x128x32xf32, #tpu.memory_space<hbm>> -> memref<128x32xf32, #tpu.memory_space<hbm>>
      %dma_start3A_163 = arith.constant 0 : i32
      %dma_start3A_164 = arith.constant 0 : i32
      %dma_start3A_165 = tpu.memref_slice %arg4[%add3A_158, %dma_start3A_163, %dma_start3A_164] : memref<6250x128x64xf32, #tpu.memory_space<hbm>> -> memref<1x128x32xf32, #tpu.memory_space<hbm>>
      %dma_start3A_166 = tpu.memref_squeeze %dma_start3A_165 : memref<1x128x32xf32, #tpu.memory_space<hbm>> -> memref<128x32xf32, #tpu.memory_space<hbm>>
      tpu.enqueue_dma source(%arg9 : memref<128x32xf32, #tpu.memory_space<vmem>>) target(%dma_start3A_166 : memref<128x32xf32, #tpu.memory_space<hbm>>) target_semaphore(%arg11 : memref<!tpu.dma_semaphore, #tpu.memory_space<semaphore_mem>>)
      %add3A_167 = arith.constant 1 : i32
      %add3A_168 = arith.addi %add3A_76, %add3A_167 : i32
      %dma_start3A_169 = arith.constant 0 : i32
      %dma_start3A_170 = arith.constant 32 : i32
      %dma_start3A_171 = tpu.memref_slice %arg4[%add3A_168, %dma_start3A_169, %dma_start3A_170] : memref<6250x128x64xf32, #tpu.memory_space<hbm>> -> memref<1x128x32xf32, #tpu.memory_space<hbm>>
      %dma_start3A_172 = tpu.memref_squeeze %dma_start3A_171 : memref<1x128x32xf32, #tpu.memory_space<hbm>> -> memref<128x32xf32, #tpu.memory_space<hbm>>
      %dma_start3A_173 = arith.constant 0 : i32
      %dma_start3A_174 = arith.constant 32 : i32
      %dma_start3A_175 = tpu.memref_slice %arg4[%add3A_168, %dma_start3A_173, %dma_start3A_174] : memref<6250x128x64xf32, #tpu.memory_space<hbm>> -> memref<1x128x32xf32, #tpu.memory_space<hbm>>
      %dma_start3A_176 = tpu.memref_squeeze %dma_start3A_175 : memref<1x128x32xf32, #tpu.memory_space<hbm>> -> memref<128x32xf32, #tpu.memory_space<hbm>>
      tpu.enqueue_dma source(%arg10 : memref<128x32xf32, #tpu.memory_space<vmem>>) target(%dma_start3A_176 : memref<128x32xf32, #tpu.memory_space<hbm>>) target_semaphore(%arg11 : memref<!tpu.dma_semaphore, #tpu.memory_space<semaphore_mem>>)
      %dma_wait3A_177 = arith.constant 0 : i32
      %dma_wait3A_178 = arith.constant 0 : i32
      %dma_wait3A_179 = tpu.memref_slice %arg4[%add3A_76, %dma_wait3A_177, %dma_wait3A_178] : memref<6250x128x64xf32, #tpu.memory_space<hbm>> -> memref<1x128x32xf32, #tpu.memory_space<hbm>>
      %dma_wait3A_180 = tpu.memref_squeeze %dma_wait3A_179 : memref<1x128x32xf32, #tpu.memory_space<hbm>> -> memref<128x32xf32, #tpu.memory_space<hbm>>
      %dma_wait3A_181 = arith.constant 0 : i32
      %dma_wait3A_182 = arith.constant 0 : i32
      %dma_wait3A_183 = tpu.memref_slice %arg4[%add3A_76, %dma_wait3A_181, %dma_wait3A_182] : memref<6250x128x64xf32, #tpu.memory_space<hbm>> -> memref<1x128x32xf32, #tpu.memory_space<hbm>>
      %dma_wait3A_184 = tpu.memref_squeeze %dma_wait3A_183 : memref<1x128x32xf32, #tpu.memory_space<hbm>> -> memref<128x32xf32, #tpu.memory_space<hbm>>
      tpu.wait_dma2 semaphore(%arg11 : memref<!tpu.dma_semaphore, #tpu.memory_space<semaphore_mem>>) src(%arg7 : memref<128x32xf32, #tpu.memory_space<vmem>>) dst(%dma_wait3A_184 : memref<128x32xf32, #tpu.memory_space<hbm>>)
      %dma_wait3A_185 = arith.constant 0 : i32
      %dma_wait3A_186 = arith.constant 32 : i32
      %dma_wait3A_187 = tpu.memref_slice %arg4[%add3A_76, %dma_wait3A_185, %dma_wait3A_186] : memref<6250x128x64xf32, #tpu.memory_space<hbm>> -> memref<1x128x32xf32, #tpu.memory_space<hbm>>
      %dma_wait3A_188 = tpu.memref_squeeze %dma_wait3A_187 : memref<1x128x32xf32, #tpu.memory_space<hbm>> -> memref<128x32xf32, #tpu.memory_space<hbm>>
      %dma_wait3A_189 = arith.constant 0 : i32
      %dma_wait3A_190 = arith.constant 32 : i32
      %dma_wait3A_191 = tpu.memref_slice %arg4[%add3A_76, %dma_wait3A_189, %dma_wait3A_190] : memref<6250x128x64xf32, #tpu.memory_space<hbm>> -> memref<1x128x32xf32, #tpu.memory_space<hbm>>
      %dma_wait3A_192 = tpu.memref_squeeze %dma_wait3A_191 : memref<1x128x32xf32, #tpu.memory_space<hbm>> -> memref<128x32xf32, #tpu.memory_space<hbm>>
      tpu.wait_dma2 semaphore(%arg11 : memref<!tpu.dma_semaphore, #tpu.memory_space<semaphore_mem>>) src(%arg8 : memref<128x32xf32, #tpu.memory_space<vmem>>) dst(%dma_wait3A_192 : memref<128x32xf32, #tpu.memory_space<hbm>>)
      %dma_wait3A_193 = arith.constant 0 : i32
      %dma_wait3A_194 = arith.constant 0 : i32
      %dma_wait3A_195 = tpu.memref_slice %arg4[%add3A_158, %dma_wait3A_193, %dma_wait3A_194] : memref<6250x128x64xf32, #tpu.memory_space<hbm>> -> memref<1x128x32xf32, #tpu.memory_space<hbm>>
      %dma_wait3A_196 = tpu.memref_squeeze %dma_wait3A_195 : memref<1x128x32xf32, #tpu.memory_space<hbm>> -> memref<128x32xf32, #tpu.memory_space<hbm>>
      %dma_wait3A_197 = arith.constant 0 : i32
      %dma_wait3A_198 = arith.constant 0 : i32
      %dma_wait3A_199 = tpu.memref_slice %arg4[%add3A_158, %dma_wait3A_197, %dma_wait3A_198] : memref<6250x128x64xf32, #tpu.memory_space<hbm>> -> memref<1x128x32xf32, #tpu.memory_space<hbm>>
      %dma_wait3A_200 = tpu.memref_squeeze %dma_wait3A_199 : memref<1x128x32xf32, #tpu.memory_space<hbm>> -> memref<128x32xf32, #tpu.memory_space<hbm>>
      tpu.wait_dma2 semaphore(%arg11 : memref<!tpu.dma_semaphore, #tpu.memory_space<semaphore_mem>>) src(%arg9 : memref<128x32xf32, #tpu.memory_space<vmem>>) dst(%dma_wait3A_200 : memref<128x32xf32, #tpu.memory_space<hbm>>)
      %dma_wait3A_201 = arith.constant 0 : i32
      %dma_wait3A_202 = arith.constant 32 : i32
      %dma_wait3A_203 = tpu.memref_slice %arg4[%add3A_168, %dma_wait3A_201, %dma_wait3A_202] : memref<6250x128x64xf32, #tpu.memory_space<hbm>> -> memref<1x128x32xf32, #tpu.memory_space<hbm>>
      %dma_wait3A_204 = tpu.memref_squeeze %dma_wait3A_203 : memref<1x128x32xf32, #tpu.memory_space<hbm>> -> memref<128x32xf32, #tpu.memory_space<hbm>>
      %dma_wait3A_205 = arith.constant 0 : i32
      %dma_wait3A_206 = arith.constant 32 : i32
      %dma_wait3A_207 = tpu.memref_slice %arg4[%add3A_168, %dma_wait3A_205, %dma_wait3A_206] : memref<6250x128x64xf32, #tpu.memory_space<hbm>> -> memref<1x128x32xf32, #tpu.memory_space<hbm>>
      %dma_wait3A_208 = tpu.memref_squeeze %dma_wait3A_207 : memref<1x128x32xf32, #tpu.memory_space<hbm>> -> memref<128x32xf32, #tpu.memory_space<hbm>>
      tpu.wait_dma2 semaphore(%arg11 : memref<!tpu.dma_semaphore, #tpu.memory_space<semaphore_mem>>) src(%arg10 : memref<128x32xf32, #tpu.memory_space<vmem>>) dst(%dma_wait3A_208 : memref<128x32xf32, #tpu.memory_space<hbm>>)
    }
    %jit3A_36 = arith.constant 2 : i32
    %div3A_37 = arith.divsi %add3A_8, %jit3A_36 : i32
    %sign3A_38 = arith.constant 0 : i32
    %sign3A_39 = arith.cmpi sgt, %add3A_8, %sign3A_38 : i32
    %sign3A_40 = arith.extui %sign3A_39 : i1 to i32
    %sign3A_41 = arith.constant 0 : i32
    %sign3A_42 = arith.cmpi slt, %add3A_8, %sign3A_41 : i32
    %sign3A_43 = arith.extui %sign3A_42 : i1 to i32
    %sign3A_44 = arith.subi %sign3A_40, %sign3A_43 : i32
    %sign3A_45 = arith.constant 0 : i32
    %sign3A_46 = arith.cmpi sgt, %jit3A_36, %sign3A_45 : i32
    %sign3A_47 = arith.extui %sign3A_46 : i1 to i32
    %sign3A_48 = arith.constant 0 : i32
    %sign3A_49 = arith.cmpi slt, %jit3A_36, %sign3A_48 : i32
    %sign3A_50 = arith.extui %sign3A_49 : i1 to i32
    %sign3A_51 = arith.subi %sign3A_47, %sign3A_50 : i32
    %ne3A_52 = arith.cmpi ne, %sign3A_44, %sign3A_51 : i32
    %rem3A_53 = arith.remsi %add3A_8, %jit3A_36 : i32
    %ne3A_54 = arith.constant 0 : i32
    %ne3A_55 = arith.cmpi ne, %rem3A_53, %ne3A_54 : i32
    %and3A_56 = arith.andi %ne3A_52, %ne3A_55 : i1
    %sub3A_57 = arith.constant 1 : i32
    %sub3A_58 = arith.subi %div3A_37, %sub3A_57 : i32
    %select_n3A_59 = arith.select %and3A_56, %sub3A_58, %div3A_37 : i32
    %mul3A_60 = arith.constant 2 : i32
    %mul3A_61 = arith.muli %select_n3A_59, %mul3A_60 : i32
    %sub3A_62 = arith.subi %add3A_8, %mul3A_61 : i32
    %while3A_63 = arith.constant 0 : i32
    %while3A_64 = arith.constant 0 : i32
    %while3A_65 = arith.subi %sub3A_62, %while3A_64 : i32
    %while3A_66 = arith.addi %while3A_64, %while3A_65 : i32
    %while3A_67 = arith.constant 1 : i32
    %while3A_68 = arith.divsi %while3A_65, %while3A_67 : i32
    %while3A_69 = arith.muli %while3A_68, %while3A_67 : i32
    %while3A_70 = arith.addi %while3A_64, %while3A_69 : i32
    %while3A_71 = arith.constant 1 : i32
    scf.for %while3A_73 = %while3A_64 to %while3A_70 step %while3A_71  : i32 {
      %jit3A_74 = arith.constant 2 : i32
      %div3A_75 = arith.divsi %add3A_8, %jit3A_74 : i32
      %sign3A_76 = arith.constant 0 : i32
      %sign3A_77 = arith.cmpi sgt, %add3A_8, %sign3A_76 : i32
      %sign3A_78 = arith.extui %sign3A_77 : i1 to i32
      %sign3A_79 = arith.constant 0 : i32
      %sign3A_80 = arith.cmpi slt, %add3A_8, %sign3A_79 : i32
      %sign3A_81 = arith.extui %sign3A_80 : i1 to i32
      %sign3A_82 = arith.subi %sign3A_78, %sign3A_81 : i32
      %sign3A_83 = arith.constant 0 : i32
      %sign3A_84 = arith.cmpi sgt, %jit3A_74, %sign3A_83 : i32
      %sign3A_85 = arith.extui %sign3A_84 : i1 to i32
      %sign3A_86 = arith.constant 0 : i32
      %sign3A_87 = arith.cmpi slt, %jit3A_74, %sign3A_86 : i32
      %sign3A_88 = arith.extui %sign3A_87 : i1 to i32
      %sign3A_89 = arith.subi %sign3A_85, %sign3A_88 : i32
      %ne3A_90 = arith.cmpi ne, %sign3A_82, %sign3A_89 : i32
      %rem3A_91 = arith.remsi %add3A_8, %jit3A_74 : i32
      %ne3A_92 = arith.constant 0 : i32
      %ne3A_93 = arith.cmpi ne, %rem3A_91, %ne3A_92 : i32
      %and3A_94 = arith.andi %ne3A_90, %ne3A_93 : i1
      %sub3A_95 = arith.constant 1 : i32
      %sub3A_96 = arith.subi %div3A_75, %sub3A_95 : i32
      %select_n3A_97 = arith.select %and3A_94, %sub3A_96, %div3A_75 : i32
      %mul3A_98 = arith.constant 2 : i32
      %mul3A_99 = arith.muli %select_n3A_97, %mul3A_98 : i32
      %add3A_100 = arith.addi %add3A_4, %mul3A_99 : i32
      %add3A_101 = arith.addi %add3A_100, %while3A_73 : i32
      "tpu.region"() ({
        %run_scoped3A_103 = tpu.sem_alloc : memref<!tpu.dma_semaphore, #tpu.memory_space<semaphore_mem>>
        %dma_start3A = arith.constant 0 : i32
        %dma_start3A_104 = tpu.memref_slice %arg3[%add3A_101, %dma_start3A] : memref<6250x128xi32, #tpu.memory_space<hbm>> -> memref<1x128xi32, #tpu.memory_space<hbm>>
        %dma_start3A_105 = tpu.memref_squeeze %dma_start3A_104 : memref<1x128xi32, #tpu.memory_space<hbm>> -> memref<128xi32, #tpu.memory_space<hbm>>
        %dma_start3A_106 = arith.constant 0 : i32
        %dma_start3A_107 = tpu.memref_slice %arg3[%add3A_101, %dma_start3A_106] : memref<6250x128xi32, #tpu.memory_space<hbm>> -> memref<1x128xi32, #tpu.memory_space<hbm>>
        %dma_start3A_108 = tpu.memref_squeeze %dma_start3A_107 : memref<1x128xi32, #tpu.memory_space<hbm>> -> memref<128xi32, #tpu.memory_space<hbm>>
        tpu.enqueue_dma source(%dma_start3A_108 : memref<128xi32, #tpu.memory_space<hbm>>) target(%arg5 : memref<128xi32, #tpu.memory_space<vmem>>) target_semaphore(%run_scoped3A_103 : memref<!tpu.dma_semaphore, #tpu.memory_space<semaphore_mem>>)
        %dma_wait3A = arith.constant 0 : i32
        %dma_wait3A_109 = tpu.memref_slice %arg3[%add3A_101, %dma_wait3A] : memref<6250x128xi32, #tpu.memory_space<hbm>> -> memref<1x128xi32, #tpu.memory_space<hbm>>
        %dma_wait3A_110 = tpu.memref_squeeze %dma_wait3A_109 : memref<1x128xi32, #tpu.memory_space<hbm>> -> memref<128xi32, #tpu.memory_space<hbm>>
        %dma_wait3A_111 = arith.constant 0 : i32
        %dma_wait3A_112 = tpu.memref_slice %arg3[%add3A_101, %dma_wait3A_111] : memref<6250x128xi32, #tpu.memory_space<hbm>> -> memref<1x128xi32, #tpu.memory_space<hbm>>
        %dma_wait3A_113 = tpu.memref_squeeze %dma_wait3A_112 : memref<1x128xi32, #tpu.memory_space<hbm>> -> memref<128xi32, #tpu.memory_space<hbm>>
        tpu.wait_dma2 semaphore(%run_scoped3A_103 : memref<!tpu.dma_semaphore, #tpu.memory_space<semaphore_mem>>) src(%dma_wait3A_113 : memref<128xi32, #tpu.memory_space<hbm>>) dst(%arg5 : memref<128xi32, #tpu.memory_space<vmem>>)
        tpu.yield
      }) : () -> ()
      %run_scoped3A = arith.constant 0 : i32
      "tpu.region"() ({
        %run_scoped3A_103 = tpu.sem_alloc : memref<!tpu.dma_semaphore, #tpu.memory_space<semaphore_mem>>
        %dma_start3A = arith.constant 0 : i32
        %dma_start3A_104 = arith.constant 0 : i32
        %dma_start3A_105 = tpu.memref_slice %arg2[%run_scoped3A, %dma_start3A, %dma_start3A_104] : memref<2x51200x32xf32, #tpu.memory_space<hbm>> -> memref<1x51200x32xf32, #tpu.memory_space<hbm>>
        %dma_start3A_106 = tpu.memref_squeeze %dma_start3A_105 : memref<1x51200x32xf32, #tpu.memory_space<hbm>> -> memref<51200x32xf32, #tpu.memory_space<hbm>>
        %dma_start3A_107 = arith.constant 0 : i32
        %dma_start3A_108 = arith.constant 0 : i32
        %dma_start3A_109 = tpu.memref_slice %dma_start3A_106[%dma_start3A_107, %dma_start3A_108] : memref<51200x32xf32, #tpu.memory_space<hbm>> -> memref<51200x32xf32, #tpu.memory_space<hbm>>
        tpu.enqueue_indirect_dma source(%dma_start3A_109 : memref<51200x32xf32, #tpu.memory_space<hbm>>) target(%arg7 : memref<128x32xf32, #tpu.memory_space<vmem>>) offsets(%arg5 : memref<128xi32, #tpu.memory_space<vmem>>) semaphore(%run_scoped3A_103 : memref<!tpu.dma_semaphore, #tpu.memory_space<semaphore_mem>>)
        %dma_wait3A = arith.constant 0 : i32
        %dma_wait3A_110 = arith.constant 0 : i32
        %dma_wait3A_111 = tpu.memref_slice %arg2[%run_scoped3A, %dma_wait3A, %dma_wait3A_110] : memref<2x51200x32xf32, #tpu.memory_space<hbm>> -> memref<1x51200x32xf32, #tpu.memory_space<hbm>>
        %dma_wait3A_112 = tpu.memref_squeeze %dma_wait3A_111 : memref<1x51200x32xf32, #tpu.memory_space<hbm>> -> memref<51200x32xf32, #tpu.memory_space<hbm>>
        %dma_wait3A_113 = arith.constant 0 : i32
        %dma_wait3A_114 = arith.constant 0 : i32
        %dma_wait3A_115 = tpu.memref_slice %dma_wait3A_112[%dma_wait3A_113, %dma_wait3A_114] : memref<51200x32xf32, #tpu.memory_space<hbm>> -> memref<51200x32xf32, #tpu.memory_space<hbm>>
        tpu.wait_indirect_dma semaphore(%run_scoped3A_103 : memref<!tpu.dma_semaphore, #tpu.memory_space<semaphore_mem>>) src(%dma_wait3A_115 : memref<51200x32xf32, #tpu.memory_space<hbm>>) dst(%arg7 : memref<128x32xf32, #tpu.memory_space<vmem>>)
        tpu.yield
      }) : () -> ()
      %run_scoped3A_102 = arith.constant 1 : i32
      "tpu.region"() ({
        %run_scoped3A_103 = tpu.sem_alloc : memref<!tpu.dma_semaphore, #tpu.memory_space<semaphore_mem>>
        %dma_start3A = arith.constant 0 : i32
        %dma_start3A_104 = arith.constant 0 : i32
        %dma_start3A_105 = tpu.memref_slice %arg2[%run_scoped3A_102, %dma_start3A, %dma_start3A_104] : memref<2x51200x32xf32, #tpu.memory_space<hbm>> -> memref<1x51200x32xf32, #tpu.memory_space<hbm>>
        %dma_start3A_106 = tpu.memref_squeeze %dma_start3A_105 : memref<1x51200x32xf32, #tpu.memory_space<hbm>> -> memref<51200x32xf32, #tpu.memory_space<hbm>>
        %dma_start3A_107 = arith.constant 0 : i32
        %dma_start3A_108 = arith.constant 0 : i32
        %dma_start3A_109 = tpu.memref_slice %dma_start3A_106[%dma_start3A_107, %dma_start3A_108] : memref<51200x32xf32, #tpu.memory_space<hbm>> -> memref<51200x32xf32, #tpu.memory_space<hbm>>
        tpu.enqueue_indirect_dma source(%dma_start3A_109 : memref<51200x32xf32, #tpu.memory_space<hbm>>) target(%arg8 : memref<128x32xf32, #tpu.memory_space<vmem>>) offsets(%arg5 : memref<128xi32, #tpu.memory_space<vmem>>) semaphore(%run_scoped3A_103 : memref<!tpu.dma_semaphore, #tpu.memory_space<semaphore_mem>>)
        %dma_wait3A = arith.constant 0 : i32
        %dma_wait3A_110 = arith.constant 0 : i32
        %dma_wait3A_111 = tpu.memref_slice %arg2[%run_scoped3A_102, %dma_wait3A, %dma_wait3A_110] : memref<2x51200x32xf32, #tpu.memory_space<hbm>> -> memref<1x51200x32xf32, #tpu.memory_space<hbm>>
        %dma_wait3A_112 = tpu.memref_squeeze %dma_wait3A_111 : memref<1x51200x32xf32, #tpu.memory_space<hbm>> -> memref<51200x32xf32, #tpu.memory_space<hbm>>
        %dma_wait3A_113 = arith.constant 0 : i32
        %dma_wait3A_114 = arith.constant 0 : i32
        %dma_wait3A_115 = tpu.memref_slice %dma_wait3A_112[%dma_wait3A_113, %dma_wait3A_114] : memref<51200x32xf32, #tpu.memory_space<hbm>> -> memref<51200x32xf32, #tpu.memory_space<hbm>>
        tpu.wait_indirect_dma semaphore(%run_scoped3A_103 : memref<!tpu.dma_semaphore, #tpu.memory_space<semaphore_mem>>) src(%dma_wait3A_115 : memref<51200x32xf32, #tpu.memory_space<hbm>>) dst(%arg8 : memref<128x32xf32, #tpu.memory_space<vmem>>)
        tpu.yield
      }) : () -> ()
      "tpu.region"() ({
        %run_scoped3A_103 = tpu.sem_alloc : memref<!tpu.dma_semaphore, #tpu.memory_space<semaphore_mem>>
        %dma_start3A = arith.constant 0 : i32
        %dma_start3A_104 = arith.constant 0 : i32
        %dma_start3A_105 = tpu.memref_slice %arg4[%add3A_101, %dma_start3A, %dma_start3A_104] : memref<6250x128x64xf32, #tpu.memory_space<hbm>> -> memref<1x128x32xf32, #tpu.memory_space<hbm>>
        %dma_start3A_106 = tpu.memref_squeeze %dma_start3A_105 : memref<1x128x32xf32, #tpu.memory_space<hbm>> -> memref<128x32xf32, #tpu.memory_space<hbm>>
        %dma_start3A_107 = arith.constant 0 : i32
        %dma_start3A_108 = arith.constant 0 : i32
        %dma_start3A_109 = tpu.memref_slice %arg4[%add3A_101, %dma_start3A_107, %dma_start3A_108] : memref<6250x128x64xf32, #tpu.memory_space<hbm>> -> memref<1x128x32xf32, #tpu.memory_space<hbm>>
        %dma_start3A_110 = tpu.memref_squeeze %dma_start3A_109 : memref<1x128x32xf32, #tpu.memory_space<hbm>> -> memref<128x32xf32, #tpu.memory_space<hbm>>
        tpu.enqueue_dma source(%arg7 : memref<128x32xf32, #tpu.memory_space<vmem>>) target(%dma_start3A_110 : memref<128x32xf32, #tpu.memory_space<hbm>>) target_semaphore(%run_scoped3A_103 : memref<!tpu.dma_semaphore, #tpu.memory_space<semaphore_mem>>)
        %dma_wait3A = arith.constant 0 : i32
        %dma_wait3A_111 = arith.constant 0 : i32
        %dma_wait3A_112 = tpu.memref_slice %arg4[%add3A_101, %dma_wait3A, %dma_wait3A_111] : memref<6250x128x64xf32, #tpu.memory_space<hbm>> -> memref<1x128x32xf32, #tpu.memory_space<hbm>>
        %dma_wait3A_113 = tpu.memref_squeeze %dma_wait3A_112 : memref<1x128x32xf32, #tpu.memory_space<hbm>> -> memref<128x32xf32, #tpu.memory_space<hbm>>
        %dma_wait3A_114 = arith.constant 0 : i32
        %dma_wait3A_115 = arith.constant 0 : i32
        %dma_wait3A_116 = tpu.memref_slice %arg4[%add3A_101, %dma_wait3A_114, %dma_wait3A_115] : memref<6250x128x64xf32, #tpu.memory_space<hbm>> -> memref<1x128x32xf32, #tpu.memory_space<hbm>>
        %dma_wait3A_117 = tpu.memref_squeeze %dma_wait3A_116 : memref<1x128x32xf32, #tpu.memory_space<hbm>> -> memref<128x32xf32, #tpu.memory_space<hbm>>
        tpu.wait_dma2 semaphore(%run_scoped3A_103 : memref<!tpu.dma_semaphore, #tpu.memory_space<semaphore_mem>>) src(%arg7 : memref<128x32xf32, #tpu.memory_space<vmem>>) dst(%dma_wait3A_117 : memref<128x32xf32, #tpu.memory_space<hbm>>)
        tpu.yield
      }) : () -> ()
      "tpu.region"() ({
        %run_scoped3A_103 = tpu.sem_alloc : memref<!tpu.dma_semaphore, #tpu.memory_space<semaphore_mem>>
        %dma_start3A = arith.constant 0 : i32
        %dma_start3A_104 = arith.constant 32 : i32
        %dma_start3A_105 = tpu.memref_slice %arg4[%add3A_101, %dma_start3A, %dma_start3A_104] : memref<6250x128x64xf32, #tpu.memory_space<hbm>> -> memref<1x128x32xf32, #tpu.memory_space<hbm>>
        %dma_start3A_106 = tpu.memref_squeeze %dma_start3A_105 : memref<1x128x32xf32, #tpu.memory_space<hbm>> -> memref<128x32xf32, #tpu.memory_space<hbm>>
        %dma_start3A_107 = arith.constant 0 : i32
        %dma_start3A_108 = arith.constant 32 : i32
        %dma_start3A_109 = tpu.memref_slice %arg4[%add3A_101, %dma_start3A_107, %dma_start3A_108] : memref<6250x128x64xf32, #tpu.memory_space<hbm>> -> memref<1x128x32xf32, #tpu.memory_space<hbm>>
        %dma_start3A_110 = tpu.memref_squeeze %dma_start3A_109 : memref<1x128x32xf32, #tpu.memory_space<hbm>> -> memref<128x32xf32, #tpu.memory_space<hbm>>
        tpu.enqueue_dma source(%arg8 : memref<128x32xf32, #tpu.memory_space<vmem>>) target(%dma_start3A_110 : memref<128x32xf32, #tpu.memory_space<hbm>>) target_semaphore(%run_scoped3A_103 : memref<!tpu.dma_semaphore, #tpu.memory_space<semaphore_mem>>)
        %dma_wait3A = arith.constant 0 : i32
        %dma_wait3A_111 = arith.constant 32 : i32
        %dma_wait3A_112 = tpu.memref_slice %arg4[%add3A_101, %dma_wait3A, %dma_wait3A_111] : memref<6250x128x64xf32, #tpu.memory_space<hbm>> -> memref<1x128x32xf32, #tpu.memory_space<hbm>>
        %dma_wait3A_113 = tpu.memref_squeeze %dma_wait3A_112 : memref<1x128x32xf32, #tpu.memory_space<hbm>> -> memref<128x32xf32, #tpu.memory_space<hbm>>
        %dma_wait3A_114 = arith.constant 0 : i32
        %dma_wait3A_115 = arith.constant 32 : i32
        %dma_wait3A_116 = tpu.memref_slice %arg4[%add3A_101, %dma_wait3A_114, %dma_wait3A_115] : memref<6250x128x64xf32, #tpu.memory_space<hbm>> -> memref<1x128x32xf32, #tpu.memory_space<hbm>>
        %dma_wait3A_117 = tpu.memref_squeeze %dma_wait3A_116 : memref<1x128x32xf32, #tpu.memory_space<hbm>> -> memref<128x32xf32, #tpu.memory_space<hbm>>
        tpu.wait_dma2 semaphore(%run_scoped3A_103 : memref<!tpu.dma_semaphore, #tpu.memory_space<semaphore_mem>>) src(%arg8 : memref<128x32xf32, #tpu.memory_space<vmem>>) dst(%dma_wait3A_117 : memref<128x32xf32, #tpu.memory_space<hbm>>)
        tpu.yield
      }) : () -> ()
    }
    %while3A_72 = arith.constant 1 : i32
    scf.for %while3A_73 = %while3A_70 to %while3A_66 step %while3A_72  : i32 {
      %jit3A_74 = arith.constant 2 : i32
      %div3A_75 = arith.divsi %add3A_8, %jit3A_74 : i32
      %sign3A_76 = arith.constant 0 : i32
      %sign3A_77 = arith.cmpi sgt, %add3A_8, %sign3A_76 : i32
      %sign3A_78 = arith.extui %sign3A_77 : i1 to i32
      %sign3A_79 = arith.constant 0 : i32
      %sign3A_80 = arith.cmpi slt, %add3A_8, %sign3A_79 : i32
      %sign3A_81 = arith.extui %sign3A_80 : i1 to i32
      %sign3A_82 = arith.subi %sign3A_78, %sign3A_81 : i32
      %sign3A_83 = arith.constant 0 : i32
      %sign3A_84 = arith.cmpi sgt, %jit3A_74, %sign3A_83 : i32
      %sign3A_85 = arith.extui %sign3A_84 : i1 to i32
      %sign3A_86 = arith.constant 0 : i32
      %sign3A_87 = arith.cmpi slt, %jit3A_74, %sign3A_86 : i32
      %sign3A_88 = arith.extui %sign3A_87 : i1 to i32
      %sign3A_89 = arith.subi %sign3A_85, %sign3A_88 : i32
      %ne3A_90 = arith.cmpi ne, %sign3A_82, %sign3A_89 : i32
      %rem3A_91 = arith.remsi %add3A_8, %jit3A_74 : i32
      %ne3A_92 = arith.constant 0 : i32
      %ne3A_93 = arith.cmpi ne, %rem3A_91, %ne3A_92 : i32
      %and3A_94 = arith.andi %ne3A_90, %ne3A_93 : i1
      %sub3A_95 = arith.constant 1 : i32
      %sub3A_96 = arith.subi %div3A_75, %sub3A_95 : i32
      %select_n3A_97 = arith.select %and3A_94, %sub3A_96, %div3A_75 : i32
      %mul3A_98 = arith.constant 2 : i32
      %mul3A_99 = arith.muli %select_n3A_97, %mul3A_98 : i32
      %add3A_100 = arith.addi %add3A_4, %mul3A_99 : i32
      %add3A_101 = arith.addi %add3A_100, %while3A_73 : i32
      "tpu.region"() ({
        %run_scoped3A_103 = tpu.sem_alloc : memref<!tpu.dma_semaphore, #tpu.memory_space<semaphore_mem>>
        %dma_start3A = arith.constant 0 : i32
        %dma_start3A_104 = tpu.memref_slice %arg3[%add3A_101, %dma_start3A] : memref<6250x128xi32, #tpu.memory_space<hbm>> -> memref<1x128xi32, #tpu.memory_space<hbm>>
        %dma_start3A_105 = tpu.memref_squeeze %dma_start3A_104 : memref<1x128xi32, #tpu.memory_space<hbm>> -> memref<128xi32, #tpu.memory_space<hbm>>
        %dma_start3A_106 = arith.constant 0 : i32
        %dma_start3A_107 = tpu.memref_slice %arg3[%add3A_101, %dma_start3A_106] : memref<6250x128xi32, #tpu.memory_space<hbm>> -> memref<1x128xi32, #tpu.memory_space<hbm>>
        %dma_start3A_108 = tpu.memref_squeeze %dma_start3A_107 : memref<1x128xi32, #tpu.memory_space<hbm>> -> memref<128xi32, #tpu.memory_space<hbm>>
        tpu.enqueue_dma source(%dma_start3A_108 : memref<128xi32, #tpu.memory_space<hbm>>) target(%arg5 : memref<128xi32, #tpu.memory_space<vmem>>) target_semaphore(%run_scoped3A_103 : memref<!tpu.dma_semaphore, #tpu.memory_space<semaphore_mem>>)
        %dma_wait3A = arith.constant 0 : i32
        %dma_wait3A_109 = tpu.memref_slice %arg3[%add3A_101, %dma_wait3A] : memref<6250x128xi32, #tpu.memory_space<hbm>> -> memref<1x128xi32, #tpu.memory_space<hbm>>
        %dma_wait3A_110 = tpu.memref_squeeze %dma_wait3A_109 : memref<1x128xi32, #tpu.memory_space<hbm>> -> memref<128xi32, #tpu.memory_space<hbm>>
        %dma_wait3A_111 = arith.constant 0 : i32
        %dma_wait3A_112 = tpu.memref_slice %arg3[%add3A_101, %dma_wait3A_111] : memref<6250x128xi32, #tpu.memory_space<hbm>> -> memref<1x128xi32, #tpu.memory_space<hbm>>
        %dma_wait3A_113 = tpu.memref_squeeze %dma_wait3A_112 : memref<1x128xi32, #tpu.memory_space<hbm>> -> memref<128xi32, #tpu.memory_space<hbm>>
        tpu.wait_dma2 semaphore(%run_scoped3A_103 : memref<!tpu.dma_semaphore, #tpu.memory_space<semaphore_mem>>) src(%dma_wait3A_113 : memref<128xi32, #tpu.memory_space<hbm>>) dst(%arg5 : memref<128xi32, #tpu.memory_space<vmem>>)
        tpu.yield
      }) : () -> ()
      %run_scoped3A = arith.constant 0 : i32
      "tpu.region"() ({
        %run_scoped3A_103 = tpu.sem_alloc : memref<!tpu.dma_semaphore, #tpu.memory_space<semaphore_mem>>
        %dma_start3A = arith.constant 0 : i32
        %dma_start3A_104 = arith.constant 0 : i32
        %dma_start3A_105 = tpu.memref_slice %arg2[%run_scoped3A, %dma_start3A, %dma_start3A_104] : memref<2x51200x32xf32, #tpu.memory_space<hbm>> -> memref<1x51200x32xf32, #tpu.memory_space<hbm>>
        %dma_start3A_106 = tpu.memref_squeeze %dma_start3A_105 : memref<1x51200x32xf32, #tpu.memory_space<hbm>> -> memref<51200x32xf32, #tpu.memory_space<hbm>>
        %dma_start3A_107 = arith.constant 0 : i32
        %dma_start3A_108 = arith.constant 0 : i32
        %dma_start3A_109 = tpu.memref_slice %dma_start3A_106[%dma_start3A_107, %dma_start3A_108] : memref<51200x32xf32, #tpu.memory_space<hbm>> -> memref<51200x32xf32, #tpu.memory_space<hbm>>
        tpu.enqueue_indirect_dma source(%dma_start3A_109 : memref<51200x32xf32, #tpu.memory_space<hbm>>) target(%arg7 : memref<128x32xf32, #tpu.memory_space<vmem>>) offsets(%arg5 : memref<128xi32, #tpu.memory_space<vmem>>) semaphore(%run_scoped3A_103 : memref<!tpu.dma_semaphore, #tpu.memory_space<semaphore_mem>>)
        %dma_wait3A = arith.constant 0 : i32
        %dma_wait3A_110 = arith.constant 0 : i32
        %dma_wait3A_111 = tpu.memref_slice %arg2[%run_scoped3A, %dma_wait3A, %dma_wait3A_110] : memref<2x51200x32xf32, #tpu.memory_space<hbm>> -> memref<1x51200x32xf32, #tpu.memory_space<hbm>>
        %dma_wait3A_112 = tpu.memref_squeeze %dma_wait3A_111 : memref<1x51200x32xf32, #tpu.memory_space<hbm>> -> memref<51200x32xf32, #tpu.memory_space<hbm>>
        %dma_wait3A_113 = arith.constant 0 : i32
        %dma_wait3A_114 = arith.constant 0 : i32
        %dma_wait3A_115 = tpu.memref_slice %dma_wait3A_112[%dma_wait3A_113, %dma_wait3A_114] : memref<51200x32xf32, #tpu.memory_space<hbm>> -> memref<51200x32xf32, #tpu.memory_space<hbm>>
        tpu.wait_indirect_dma semaphore(%run_scoped3A_103 : memref<!tpu.dma_semaphore, #tpu.memory_space<semaphore_mem>>) src(%dma_wait3A_115 : memref<51200x32xf32, #tpu.memory_space<hbm>>) dst(%arg7 : memref<128x32xf32, #tpu.memory_space<vmem>>)
        tpu.yield
      }) : () -> ()
      %run_scoped3A_102 = arith.constant 1 : i32
      "tpu.region"() ({
        %run_scoped3A_103 = tpu.sem_alloc : memref<!tpu.dma_semaphore, #tpu.memory_space<semaphore_mem>>
        %dma_start3A = arith.constant 0 : i32
        %dma_start3A_104 = arith.constant 0 : i32
        %dma_start3A_105 = tpu.memref_slice %arg2[%run_scoped3A_102, %dma_start3A, %dma_start3A_104] : memref<2x51200x32xf32, #tpu.memory_space<hbm>> -> memref<1x51200x32xf32, #tpu.memory_space<hbm>>
        %dma_start3A_106 = tpu.memref_squeeze %dma_start3A_105 : memref<1x51200x32xf32, #tpu.memory_space<hbm>> -> memref<51200x32xf32, #tpu.memory_space<hbm>>
        %dma_start3A_107 = arith.constant 0 : i32
        %dma_start3A_108 = arith.constant 0 : i32
        %dma_start3A_109 = tpu.memref_slice %dma_start3A_106[%dma_start3A_107, %dma_start3A_108] : memref<51200x32xf32, #tpu.memory_space<hbm>> -> memref<51200x32xf32, #tpu.memory_space<hbm>>
        tpu.enqueue_indirect_dma source(%dma_start3A_109 : memref<51200x32xf32, #tpu.memory_space<hbm>>) target(%arg8 : memref<128x32xf32, #tpu.memory_space<vmem>>) offsets(%arg5 : memref<128xi32, #tpu.memory_space<vmem>>) semaphore(%run_scoped3A_103 : memref<!tpu.dma_semaphore, #tpu.memory_space<semaphore_mem>>)
        %dma_wait3A = arith.constant 0 : i32
        %dma_wait3A_110 = arith.constant 0 : i32
        %dma_wait3A_111 = tpu.memref_slice %arg2[%run_scoped3A_102, %dma_wait3A, %dma_wait3A_110] : memref<2x51200x32xf32, #tpu.memory_space<hbm>> -> memref<1x51200x32xf32, #tpu.memory_space<hbm>>
        %dma_wait3A_112 = tpu.memref_squeeze %dma_wait3A_111 : memref<1x51200x32xf32, #tpu.memory_space<hbm>> -> memref<51200x32xf32, #tpu.memory_space<hbm>>
        %dma_wait3A_113 = arith.constant 0 : i32
        %dma_wait3A_114 = arith.constant 0 : i32
        %dma_wait3A_115 = tpu.memref_slice %dma_wait3A_112[%dma_wait3A_113, %dma_wait3A_114] : memref<51200x32xf32, #tpu.memory_space<hbm>> -> memref<51200x32xf32, #tpu.memory_space<hbm>>
        tpu.wait_indirect_dma semaphore(%run_scoped3A_103 : memref<!tpu.dma_semaphore, #tpu.memory_space<semaphore_mem>>) src(%dma_wait3A_115 : memref<51200x32xf32, #tpu.memory_space<hbm>>) dst(%arg8 : memref<128x32xf32, #tpu.memory_space<vmem>>)
        tpu.yield
      }) : () -> ()
      "tpu.region"() ({
        %run_scoped3A_103 = tpu.sem_alloc : memref<!tpu.dma_semaphore, #tpu.memory_space<semaphore_mem>>
        %dma_start3A = arith.constant 0 : i32
        %dma_start3A_104 = arith.constant 0 : i32
        %dma_start3A_105 = tpu.memref_slice %arg4[%add3A_101, %dma_start3A, %dma_start3A_104] : memref<6250x128x64xf32, #tpu.memory_space<hbm>> -> memref<1x128x32xf32, #tpu.memory_space<hbm>>
        %dma_start3A_106 = tpu.memref_squeeze %dma_start3A_105 : memref<1x128x32xf32, #tpu.memory_space<hbm>> -> memref<128x32xf32, #tpu.memory_space<hbm>>
        %dma_start3A_107 = arith.constant 0 : i32
        %dma_start3A_108 = arith.constant 0 : i32
        %dma_start3A_109 = tpu.memref_slice %arg4[%add3A_101, %dma_start3A_107, %dma_start3A_108] : memref<6250x128x64xf32, #tpu.memory_space<hbm>> -> memref<1x128x32xf32, #tpu.memory_space<hbm>>
        %dma_start3A_110 = tpu.memref_squeeze %dma_start3A_109 : memref<1x128x32xf32, #tpu.memory_space<hbm>> -> memref<128x32xf32, #tpu.memory_space<hbm>>
        tpu.enqueue_dma source(%arg7 : memref<128x32xf32, #tpu.memory_space<vmem>>) target(%dma_start3A_110 : memref<128x32xf32, #tpu.memory_space<hbm>>) target_semaphore(%run_scoped3A_103 : memref<!tpu.dma_semaphore, #tpu.memory_space<semaphore_mem>>)
        %dma_wait3A = arith.constant 0 : i32
        %dma_wait3A_111 = arith.constant 0 : i32
        %dma_wait3A_112 = tpu.memref_slice %arg4[%add3A_101, %dma_wait3A, %dma_wait3A_111] : memref<6250x128x64xf32, #tpu.memory_space<hbm>> -> memref<1x128x32xf32, #tpu.memory_space<hbm>>
        %dma_wait3A_113 = tpu.memref_squeeze %dma_wait3A_112 : memref<1x128x32xf32, #tpu.memory_space<hbm>> -> memref<128x32xf32, #tpu.memory_space<hbm>>
        %dma_wait3A_114 = arith.constant 0 : i32
        %dma_wait3A_115 = arith.constant 0 : i32
        %dma_wait3A_116 = tpu.memref_slice %arg4[%add3A_101, %dma_wait3A_114, %dma_wait3A_115] : memref<6250x128x64xf32, #tpu.memory_space<hbm>> -> memref<1x128x32xf32, #tpu.memory_space<hbm>>
        %dma_wait3A_117 = tpu.memref_squeeze %dma_wait3A_116 : memref<1x128x32xf32, #tpu.memory_space<hbm>> -> memref<128x32xf32, #tpu.memory_space<hbm>>
        tpu.wait_dma2 semaphore(%run_scoped3A_103 : memref<!tpu.dma_semaphore, #tpu.memory_space<semaphore_mem>>) src(%arg7 : memref<128x32xf32, #tpu.memory_space<vmem>>) dst(%dma_wait3A_117 : memref<128x32xf32, #tpu.memory_space<hbm>>)
        tpu.yield
      }) : () -> ()
      "tpu.region"() ({
        %run_scoped3A_103 = tpu.sem_alloc : memref<!tpu.dma_semaphore, #tpu.memory_space<semaphore_mem>>
        %dma_start3A = arith.constant 0 : i32
        %dma_start3A_104 = arith.constant 32 : i32
        %dma_start3A_105 = tpu.memref_slice %arg4[%add3A_101, %dma_start3A, %dma_start3A_104] : memref<6250x128x64xf32, #tpu.memory_space<hbm>> -> memref<1x128x32xf32, #tpu.memory_space<hbm>>
        %dma_start3A_106 = tpu.memref_squeeze %dma_start3A_105 : memref<1x128x32xf32, #tpu.memory_space<hbm>> -> memref<128x32xf32, #tpu.memory_space<hbm>>
        %dma_start3A_107 = arith.constant 0 : i32
        %dma_start3A_108 = arith.constant 32 : i32
        %dma_start3A_109 = tpu.memref_slice %arg4[%add3A_101, %dma_start3A_107, %dma_start3A_108] : memref<6250x128x64xf32, #tpu.memory_space<hbm>> -> memref<1x128x32xf32, #tpu.memory_space<hbm>>
        %dma_start3A_110 = tpu.memref_squeeze %dma_start3A_109 : memref<1x128x32xf32, #tpu.memory_space<hbm>> -> memref<128x32xf32, #tpu.memory_space<hbm>>
        tpu.enqueue_dma source(%arg8 : memref<128x32xf32, #tpu.memory_space<vmem>>) target(%dma_start3A_110 : memref<128x32xf32, #tpu.memory_space<hbm>>) target_semaphore(%run_scoped3A_103 : memref<!tpu.dma_semaphore, #tpu.memory_space<semaphore_mem>>)
        %dma_wait3A = arith.constant 0 : i32
        %dma_wait3A_111 = arith.constant 32 : i32
        %dma_wait3A_112 = tpu.memref_slice %arg4[%add3A_101, %dma_wait3A, %dma_wait3A_111] : memref<6250x128x64xf32, #tpu.memory_space<hbm>> -> memref<1x128x32xf32, #tpu.memory_space<hbm>>
        %dma_wait3A_113 = tpu.memref_squeeze %dma_wait3A_112 : memref<1x128x32xf32, #tpu.memory_space<hbm>> -> memref<128x32xf32, #tpu.memory_space<hbm>>
        %dma_wait3A_114 = arith.constant 0 : i32
        %dma_wait3A_115 = arith.constant 32 : i32
        %dma_wait3A_116 = tpu.memref_slice %arg4[%add3A_101, %dma_wait3A_114, %dma_wait3A_115] : memref<6250x128x64xf32, #tpu.memory_space<hbm>> -> memref<1x128x32xf32, #tpu.memory_space<hbm>>
        %dma_wait3A_117 = tpu.memref_squeeze %dma_wait3A_116 : memref<1x128x32xf32, #tpu.memory_space<hbm>> -> memref<128x32xf32, #tpu.memory_space<hbm>>
        tpu.wait_dma2 semaphore(%run_scoped3A_103 : memref<!tpu.dma_semaphore, #tpu.memory_space<semaphore_mem>>) src(%arg8 : memref<128x32xf32, #tpu.memory_space<vmem>>) dst(%dma_wait3A_117 : memref<128x32xf32, #tpu.memory_space<hbm>>)
        tpu.yield
      }) : () -> ()
    }
    return
  }
}

module attributes {stable_mosaic.version = 14 : i64} {
  func.func @_tc1_body(%arg0: i32, %arg1: memref<3200x16xf32, #tpu.memory_space<vmem>>, %arg2: memref<16x4xf32, #tpu.memory_space<vmem>>, %arg3: memref<1x4xf32, #tpu.memory_space<vmem>>, %arg4: memref<3200x32xf32, #tpu.memory_space<vmem>>) attributes {dimension_semantics = [#tpu.dimension_semantics<arbitrary>], iteration_bounds = array<i64: 250>, scalar_prefetch = 0 : i64, scratch_operands = 0 : i64, tpu.core_type = #tpu.core_type<tc>, window_params = [{transform_indices = @transform_0, window_bounds = array<i64: 3200, 16>}, {pipeline_mode = #tpu.pipeline_mode<synchronous>, transform_indices = @transform_1, window_bounds = array<i64: 16, 4>}, {pipeline_mode = #tpu.pipeline_mode<synchronous>, transform_indices = @transform_2, window_bounds = array<i64: 1, 4>}, {transform_indices = @transform_3, window_bounds = array<i64: 3200, 32>}]} {
    %get3A = arith.constant 0 : index
    %get3A_0 = arith.constant 0 : index
    %get3A_1 = vector.load %arg1[%get3A, %get3A_0] : memref<3200x16xf32, #tpu.memory_space<vmem>>, vector<3200x16xf32>
    %get3A_2 = arith.constant 0 : index
    %get3A_3 = arith.constant 0 : index
    %get3A_4 = vector.load %arg2[%get3A_2, %get3A_3] : memref<16x4xf32, #tpu.memory_space<vmem>>, vector<16x4xf32>
    %dot_general3A = arith.constant dense<0.000000e+00> : vector<3200x4xf32>
    %dot_general3A_5 = tpu.matmul %get3A_1, %get3A_4, %dot_general3A {dimension_numbers = #tpu.dot_dimension_numbers<[1], [0], [0], [1], [0, 0, 1, 1], [], []>, transpose_lhs_hint = false} : vector<3200x16xf32>, vector<16x4xf32>, vector<3200x4xf32> -> vector<3200x4xf32>
    %get3A_6 = arith.constant 0 : index
    %get3A_7 = arith.constant 0 : index
    %get3A_8 = vector.load %arg3[%get3A_6, %get3A_7] : memref<1x4xf32, #tpu.memory_space<vmem>>, vector<1x4xf32>
    %add3A = vector.broadcast %get3A_8 : vector<1x4xf32> to vector<3200x4xf32>
    %add3A_9 = arith.addf %dot_general3A_5, %add3A : vector<3200x4xf32>
    %exp3A = math.exp %add3A_9 : vector<3200x4xf32>
    %broadcast_in_dim3A = arith.constant 0.000000e+00 : f32
    %broadcast_in_dim3A_10 = vector.broadcast %broadcast_in_dim3A : f32 to vector<3200x28xf32>
    %concatenate3A = tpu.concatenate %exp3A, %broadcast_in_dim3A_10 in 1 : vector<3200x4xf32>, vector<3200x28xf32> -> vector<3200x32xf32>
    %swap3A = arith.constant 0 : index
    %swap3A_11 = arith.constant 0 : index
    %swap3A_12 = vector.load %arg4[%swap3A, %swap3A_11] : memref<3200x32xf32, #tpu.memory_space<vmem>>, vector<3200x32xf32>
    tpu.vector_store %arg4[%swap3A, %swap3A_11], %concatenate3A {strides = array<i32>} : memref<3200x32xf32, #tpu.memory_space<vmem>>, vector<3200x32xf32>,
    return
  }
  func.func @transform_0(%arg0: i32) -> (i32, i32) {
    %c0_i32 = arith.constant 0 : i32
    %c0_i32_0 = arith.constant 0 : i32
    return %arg0, %c0_i32 : i32, i32
  }
  func.func @transform_1(%arg0: i32) -> (i32, i32) {
    %c0_i32 = arith.constant 0 : i32
    %c0_i32_0 = arith.constant 0 : i32
    %c0_i32_1 = arith.constant 0 : i32
    return %c0_i32, %c0_i32_0 : i32, i32
  }
  func.func @transform_2(%arg0: i32) -> (i32, i32) {
    %c0_i32 = arith.constant 0 : i32
    %c0_i32_0 = arith.constant 0 : i32
    %c0_i32_1 = arith.constant 0 : i32
    return %c0_i32, %c0_i32_0 : i32, i32
  }
  func.func @transform_3(%arg0: i32) -> (i32, i32) {
    %c0_i32 = arith.constant 0 : i32
    %c0_i32_0 = arith.constant 0 : i32
    return %arg0, %c0_i32 : i32, i32
  }
}

module attributes {stable_mosaic.version = 14 : i64} {
  func.func @_tc2_body(%arg0: i32, %arg1: memref<3200x16xf32, #tpu.memory_space<vmem>>, %arg2: memref<3200x32xf32, #tpu.memory_space<vmem>>, %arg3: memref<3200x32xf32, #tpu.memory_space<vmem>>, %arg4: memref<4x34xf32, #tpu.memory_space<vmem>>, %arg5: memref<1x34xf32, #tpu.memory_space<vmem>>, %arg6: memref<1x34xf32, #tpu.memory_space<vmem>>, %arg7: memref<1x34xf32, #tpu.memory_space<vmem>>, %arg8: memref<34x64xf32, #tpu.memory_space<vmem>>, %arg9: memref<1x64xf32, #tpu.memory_space<vmem>>, %arg10: memref<16x40xf32, #tpu.memory_space<vmem>>, %arg11: memref<1x40xf32, #tpu.memory_space<vmem>>, %arg12: memref<1x40xf32, #tpu.memory_space<vmem>>, %arg13: memref<1x40xf32, #tpu.memory_space<vmem>>, %arg14: memref<40x64xf32, #tpu.memory_space<vmem>>, %arg15: memref<1x64xf32, #tpu.memory_space<vmem>>, %arg16: memref<3200x4xf32, #tpu.memory_space<vmem>>, %arg17: memref<3200x64xf32, #tpu.memory_space<vmem>>) attributes {dimension_semantics = [#tpu.dimension_semantics<arbitrary>], iteration_bounds = array<i64: 250>, scalar_prefetch = 0 : i64, scratch_operands = 0 : i64, tpu.core_type = #tpu.core_type<tc>, window_params = [{transform_indices = @transform_0, window_bounds = array<i64: 3200, 16>}, {transform_indices = @transform_1, window_bounds = array<i64: 3200, 32>}, {transform_indices = @transform_2, window_bounds = array<i64: 3200, 32>}, {pipeline_mode = #tpu.pipeline_mode<synchronous>, transform_indices = @transform_3, window_bounds = array<i64: 4, 34>}, {pipeline_mode = #tpu.pipeline_mode<synchronous>, transform_indices = @transform_4, window_bounds = array<i64: 1, 34>}, {pipeline_mode = #tpu.pipeline_mode<synchronous>, transform_indices = @transform_5, window_bounds = array<i64: 1, 34>}, {pipeline_mode = #tpu.pipeline_mode<synchronous>, transform_indices = @transform_6, window_bounds = array<i64: 1, 34>}, {pipeline_mode = #tpu.pipeline_mode<synchronous>, transform_indices = @transform_7, window_bounds = array<i64: 34, 64>}, {pipeline_mode = #tpu.pipeline_mode<synchronous>, transform_indices = @transform_8, window_bounds = array<i64: 1, 64>}, {pipeline_mode = #tpu.pipeline_mode<synchronous>, transform_indices = @transform_9, window_bounds = array<i64: 16, 40>}, {pipeline_mode = #tpu.pipeline_mode<synchronous>, transform_indices = @transform_10, window_bounds = array<i64: 1, 40>}, {pipeline_mode = #tpu.pipeline_mode<synchronous>, transform_indices = @transform_11, window_bounds = array<i64: 1, 40>}, {pipeline_mode = #tpu.pipeline_mode<synchronous>, transform_indices = @transform_12, window_bounds = array<i64: 1, 40>}, {pipeline_mode = #tpu.pipeline_mode<synchronous>, transform_indices = @transform_13, window_bounds = array<i64: 40, 64>}, {pipeline_mode = #tpu.pipeline_mode<synchronous>, transform_indices = @transform_14, window_bounds = array<i64: 1, 64>}, {transform_indices = @transform_15, window_bounds = array<i64: 3200, 4>}, {transform_indices = @transform_16, window_bounds = array<i64: 3200, 64>}]} {
    %get3A = arith.constant 0 : index
    %get3A_0 = arith.constant 0 : index
    %get3A_1 = vector.load %arg2[%get3A, %get3A_0] : memref<3200x32xf32, #tpu.memory_space<vmem>>, vector<3200x4xf32>
    %get3A_2 = arith.constant 0 : index
    %get3A_3 = arith.constant 0 : index
    %get3A_4 = vector.load %arg3[%get3A_2, %get3A_3] : memref<3200x32xf32, #tpu.memory_space<vmem>>, vector<3200x4xf32>
    %add3A = arith.constant 1.000000e-16 : f32
    %add3A_5 = vector.broadcast %add3A : f32 to vector<3200x4xf32>
    %add3A_6 = arith.addf %get3A_4, %add3A_5 : vector<3200x4xf32>
    %div3A = arith.divf %get3A_1, %add3A_6 : vector<3200x4xf32>
    %get3A_7 = arith.constant 0 : index
    %get3A_8 = arith.constant 0 : index
    %get3A_9 = vector.load %arg4[%get3A_7, %get3A_8] : memref<4x34xf32, #tpu.memory_space<vmem>>, vector<4x34xf32>
    %dot_general3A = arith.constant dense<0.000000e+00> : vector<3200x34xf32>
    %dot_general3A_10 = tpu.matmul %div3A, %get3A_9, %dot_general3A {dimension_numbers = #tpu.dot_dimension_numbers<[1], [0], [0], [1], [0, 0, 1, 1], [], []>, transpose_lhs_hint = false} : vector<3200x4xf32>, vector<4x34xf32>, vector<3200x34xf32> -> vector<3200x34xf32>
    %get3A_11 = arith.constant 0 : index
    %get3A_12 = arith.constant 0 : index
    %get3A_13 = vector.load %arg5[%get3A_11, %get3A_12] : memref<1x34xf32, #tpu.memory_space<vmem>>, vector<1x34xf32>
    %add3A_14 = vector.broadcast %get3A_13 : vector<1x34xf32> to vector<3200x34xf32>
    %add3A_15 = arith.addf %dot_general3A_10, %add3A_14 : vector<3200x34xf32>
    %get3A_16 = arith.constant 0 : index
    %get3A_17 = arith.constant 0 : index
    %get3A_18 = vector.load %arg6[%get3A_16, %get3A_17] : memref<1x34xf32, #tpu.memory_space<vmem>>, vector<1x34xf32>
    %get3A_19 = arith.constant 0 : index
    %get3A_20 = arith.constant 0 : index
    %get3A_21 = vector.load %arg7[%get3A_19, %get3A_20] : memref<1x34xf32, #tpu.memory_space<vmem>>, vector<1x34xf32>
    %reduce_sum3A = arith.constant dense<0.000000e+00> : vector<3200xf32>
    %reduce_sum3A_22 = vector.multi_reduction <add>, %add3A_15, %reduce_sum3A [1] : vector<3200x34xf32> to vector<3200xf32>
    %broadcast_in_dim3A = vector.shape_cast %reduce_sum3A_22 : vector<3200xf32> to vector<3200x1xf32>
    %div3A_23 = arith.constant 3.400000e+01 : f32
    %div3A_24 = vector.broadcast %div3A_23 : f32 to vector<3200x1xf32>
    %div3A_25 = arith.divf %broadcast_in_dim3A, %div3A_24 : vector<3200x1xf32>
    %sub3A = vector.broadcast %div3A_25 : vector<3200x1xf32> to vector<3200x34xf32>
    %sub3A_26 = arith.subf %add3A_15, %sub3A : vector<3200x34xf32>
    %mul3A = arith.mulf %sub3A_26, %sub3A_26 : vector<3200x34xf32>
    %reduce_sum3A_27 = arith.constant dense<0.000000e+00> : vector<3200xf32>
    %reduce_sum3A_28 = vector.multi_reduction <add>, %mul3A, %reduce_sum3A_27 [1] : vector<3200x34xf32> to vector<3200xf32>
    %broadcast_in_dim3A_29 = vector.shape_cast %reduce_sum3A_28 : vector<3200xf32> to vector<3200x1xf32>
    %div3A_30 = arith.constant 3.400000e+01 : f32
    %div3A_31 = vector.broadcast %div3A_30 : f32 to vector<3200x1xf32>
    %div3A_32 = arith.divf %broadcast_in_dim3A_29, %div3A_31 : vector<3200x1xf32>
    %add3A_33 = arith.constant 9.99999974E-6 : f32
    %add3A_34 = vector.broadcast %add3A_33 : f32 to vector<3200x1xf32>
    %add3A_35 = arith.addf %div3A_32, %add3A_34 : vector<3200x1xf32>
    %rsqrt3A = math.rsqrt %add3A_35 : vector<3200x1xf32>
    %mul3A_36 = vector.broadcast %rsqrt3A : vector<3200x1xf32> to vector<3200x34xf32>
    %mul3A_37 = arith.mulf %sub3A_26, %mul3A_36 : vector<3200x34xf32>
    %mul3A_38 = vector.broadcast %get3A_18 : vector<1x34xf32> to vector<3200x34xf32>
    %mul3A_39 = arith.mulf %mul3A_37, %mul3A_38 : vector<3200x34xf32>
    %add3A_40 = vector.broadcast %get3A_21 : vector<1x34xf32> to vector<3200x34xf32>
    %add3A_41 = arith.addf %mul3A_39, %add3A_40 : vector<3200x34xf32>
    %max3A = arith.constant 0.000000e+00 : f32
    %max3A_42 = vector.broadcast %max3A : f32 to vector<3200x34xf32>
    %max3A_43 = arith.maximumf %add3A_41, %max3A_42 : vector<3200x34xf32>
    %abs3A = math.absf %add3A_41 : vector<3200x34xf32>
    %neg3A = arith.constant 0.000000e+00 : f32
    %neg3A_44 = vector.broadcast %neg3A : f32 to vector<3200x34xf32>
    %neg3A_45 = arith.subf %neg3A_44, %abs3A : vector<3200x34xf32>
    %exp3A = math.exp %neg3A_45 : vector<3200x34xf32>
    %log1p3A = math.log1p %exp3A : vector<3200x34xf32>
    %add3A_46 = arith.addf %max3A_43, %log1p3A : vector<3200x34xf32>
    %tanh3A = math.tanh %add3A_46 : vector<3200x34xf32>
    %mul3A_47 = arith.mulf %add3A_41, %tanh3A : vector<3200x34xf32>
    %get3A_48 = arith.constant 0 : index
    %get3A_49 = arith.constant 0 : index
    %get3A_50 = vector.load %arg8[%get3A_48, %get3A_49] : memref<34x64xf32, #tpu.memory_space<vmem>>, vector<34x64xf32>
    %dot_general3A_51 = arith.constant dense<0.000000e+00> : vector<3200x64xf32>
    %dot_general3A_52 = tpu.matmul %mul3A_47, %get3A_50, %dot_general3A_51 {dimension_numbers = #tpu.dot_dimension_numbers<[1], [0], [0], [1], [0, 0, 1, 1], [], []>, transpose_lhs_hint = false} : vector<3200x34xf32>, vector<34x64xf32>, vector<3200x64xf32> -> vector<3200x64xf32>
    %get3A_53 = arith.constant 0 : index
    %get3A_54 = arith.constant 0 : index
    %get3A_55 = vector.load %arg9[%get3A_53, %get3A_54] : memref<1x64xf32, #tpu.memory_space<vmem>>, vector<1x64xf32>
    %add3A_56 = vector.broadcast %get3A_55 : vector<1x64xf32> to vector<3200x64xf32>
    %add3A_57 = arith.addf %dot_general3A_52, %add3A_56 : vector<3200x64xf32>
    %get3A_58 = arith.constant 0 : index
    %get3A_59 = arith.constant 0 : index
    %get3A_60 = vector.load %arg1[%get3A_58, %get3A_59] : memref<3200x16xf32, #tpu.memory_space<vmem>>, vector<3200x16xf32>
    %get3A_61 = arith.constant 0 : index
    %get3A_62 = arith.constant 0 : index
    %get3A_63 = vector.load %arg10[%get3A_61, %get3A_62] : memref<16x40xf32, #tpu.memory_space<vmem>>, vector<16x40xf32>
    %dot_general3A_64 = arith.constant dense<0.000000e+00> : vector<3200x40xf32>
    %dot_general3A_65 = tpu.matmul %get3A_60, %get3A_63, %dot_general3A_64 {dimension_numbers = #tpu.dot_dimension_numbers<[1], [0], [0], [1], [0, 0, 1, 1], [], []>, transpose_lhs_hint = false} : vector<3200x16xf32>, vector<16x40xf32>, vector<3200x40xf32> -> vector<3200x40xf32>
    %get3A_66 = arith.constant 0 : index
    %get3A_67 = arith.constant 0 : index
    %get3A_68 = vector.load %arg11[%get3A_66, %get3A_67] : memref<1x40xf32, #tpu.memory_space<vmem>>, vector<1x40xf32>
    %add3A_69 = vector.broadcast %get3A_68 : vector<1x40xf32> to vector<3200x40xf32>
    %add3A_70 = arith.addf %dot_general3A_65, %add3A_69 : vector<3200x40xf32>
    %get3A_71 = arith.constant 0 : index
    %get3A_72 = arith.constant 0 : index
    %get3A_73 = vector.load %arg12[%get3A_71, %get3A_72] : memref<1x40xf32, #tpu.memory_space<vmem>>, vector<1x40xf32>
    %get3A_74 = arith.constant 0 : index
    %get3A_75 = arith.constant 0 : index
    %get3A_76 = vector.load %arg13[%get3A_74, %get3A_75] : memref<1x40xf32, #tpu.memory_space<vmem>>, vector<1x40xf32>
    %reduce_sum3A_77 = arith.constant dense<0.000000e+00> : vector<3200xf32>
    %reduce_sum3A_78 = vector.multi_reduction <add>, %add3A_70, %reduce_sum3A_77 [1] : vector<3200x40xf32> to vector<3200xf32>
    %broadcast_in_dim3A_79 = vector.shape_cast %reduce_sum3A_78 : vector<3200xf32> to vector<3200x1xf32>
    %div3A_80 = arith.constant 4.000000e+01 : f32
    %div3A_81 = vector.broadcast %div3A_80 : f32 to vector<3200x1xf32>
    %div3A_82 = arith.divf %broadcast_in_dim3A_79, %div3A_81 : vector<3200x1xf32>
    %sub3A_83 = vector.broadcast %div3A_82 : vector<3200x1xf32> to vector<3200x40xf32>
    %sub3A_84 = arith.subf %add3A_70, %sub3A_83 : vector<3200x40xf32>
    %mul3A_85 = arith.mulf %sub3A_84, %sub3A_84 : vector<3200x40xf32>
    %reduce_sum3A_86 = arith.constant dense<0.000000e+00> : vector<3200xf32>
    %reduce_sum3A_87 = vector.multi_reduction <add>, %mul3A_85, %reduce_sum3A_86 [1] : vector<3200x40xf32> to vector<3200xf32>
    %broadcast_in_dim3A_88 = vector.shape_cast %reduce_sum3A_87 : vector<3200xf32> to vector<3200x1xf32>
    %div3A_89 = arith.constant 4.000000e+01 : f32
    %div3A_90 = vector.broadcast %div3A_89 : f32 to vector<3200x1xf32>
    %div3A_91 = arith.divf %broadcast_in_dim3A_88, %div3A_90 : vector<3200x1xf32>
    %add3A_92 = arith.constant 9.99999974E-6 : f32
    %add3A_93 = vector.broadcast %add3A_92 : f32 to vector<3200x1xf32>
    %add3A_94 = arith.addf %div3A_91, %add3A_93 : vector<3200x1xf32>
    %rsqrt3A_95 = math.rsqrt %add3A_94 : vector<3200x1xf32>
    %mul3A_96 = vector.broadcast %rsqrt3A_95 : vector<3200x1xf32> to vector<3200x40xf32>
    %mul3A_97 = arith.mulf %sub3A_84, %mul3A_96 : vector<3200x40xf32>
    %mul3A_98 = vector.broadcast %get3A_73 : vector<1x40xf32> to vector<3200x40xf32>
    %mul3A_99 = arith.mulf %mul3A_97, %mul3A_98 : vector<3200x40xf32>
    %add3A_100 = vector.broadcast %get3A_76 : vector<1x40xf32> to vector<3200x40xf32>
    %add3A_101 = arith.addf %mul3A_99, %add3A_100 : vector<3200x40xf32>
    %max3A_102 = arith.constant 0.000000e+00 : f32
    %max3A_103 = vector.broadcast %max3A_102 : f32 to vector<3200x40xf32>
    %max3A_104 = arith.maximumf %add3A_101, %max3A_103 : vector<3200x40xf32>
    %abs3A_105 = math.absf %add3A_101 : vector<3200x40xf32>
    %neg3A_106 = arith.constant 0.000000e+00 : f32
    %neg3A_107 = vector.broadcast %neg3A_106 : f32 to vector<3200x40xf32>
    %neg3A_108 = arith.subf %neg3A_107, %abs3A_105 : vector<3200x40xf32>
    %exp3A_109 = math.exp %neg3A_108 : vector<3200x40xf32>
    %log1p3A_110 = math.log1p %exp3A_109 : vector<3200x40xf32>
    %add3A_111 = arith.addf %max3A_104, %log1p3A_110 : vector<3200x40xf32>
    %tanh3A_112 = math.tanh %add3A_111 : vector<3200x40xf32>
    %mul3A_113 = arith.mulf %add3A_101, %tanh3A_112 : vector<3200x40xf32>
    %get3A_114 = arith.constant 0 : index
    %get3A_115 = arith.constant 0 : index
    %get3A_116 = vector.load %arg14[%get3A_114, %get3A_115] : memref<40x64xf32, #tpu.memory_space<vmem>>, vector<40x64xf32>
    %dot_general3A_117 = arith.constant dense<0.000000e+00> : vector<3200x64xf32>
    %dot_general3A_118 = tpu.matmul %mul3A_113, %get3A_116, %dot_general3A_117 {dimension_numbers = #tpu.dot_dimension_numbers<[1], [0], [0], [1], [0, 0, 1, 1], [], []>, transpose_lhs_hint = false} : vector<3200x40xf32>, vector<40x64xf32>, vector<3200x64xf32> -> vector<3200x64xf32>
    %get3A_119 = arith.constant 0 : index
    %get3A_120 = arith.constant 0 : index
    %get3A_121 = vector.load %arg15[%get3A_119, %get3A_120] : memref<1x64xf32, #tpu.memory_space<vmem>>, vector<1x64xf32>
    %add3A_122 = vector.broadcast %get3A_121 : vector<1x64xf32> to vector<3200x64xf32>
    %add3A_123 = arith.addf %dot_general3A_118, %add3A_122 : vector<3200x64xf32>
    %swap3A = arith.constant 0 : index
    %swap3A_124 = arith.constant 0 : index
    %swap3A_125 = vector.load %arg16[%swap3A, %swap3A_124] : memref<3200x4xf32, #tpu.memory_space<vmem>>, vector<3200x4xf32>
    tpu.vector_store %arg16[%swap3A, %swap3A_124], %div3A {strides = array<i32>} : memref<3200x4xf32, #tpu.memory_space<vmem>>, vector<3200x4xf32>,
    %mul3A_126 = arith.mulf %add3A_123, %add3A_57 : vector<3200x64xf32>
    %swap3A_127 = arith.constant 0 : index
    %swap3A_128 = arith.constant 0 : index
    %swap3A_129 = vector.load %arg17[%swap3A_127, %swap3A_128] : memref<3200x64xf32, #tpu.memory_space<vmem>>, vector<3200x64xf32>
    tpu.vector_store %arg17[%swap3A_127, %swap3A_128], %mul3A_126 {strides = array<i32>} : memref<3200x64xf32, #tpu.memory_space<vmem>>, vector<3200x64xf32>,
    return
  }
  func.func @transform_0(%arg0: i32) -> (i32, i32) {
    %c0_i32 = arith.constant 0 : i32
    %c0_i32_0 = arith.constant 0 : i32
    return %arg0, %c0_i32 : i32, i32
  }
  func.func @transform_1(%arg0: i32) -> (i32, i32) {
    %c0_i32 = arith.constant 0 : i32
    %c0_i32_0 = arith.constant 0 : i32
    return %arg0, %c0_i32 : i32, i32
  }
  func.func @transform_2(%arg0: i32) -> (i32, i32) {
    %c0_i32 = arith.constant 0 : i32
    %c0_i32_0 = arith.constant 0 : i32
    return %arg0, %c0_i32 : i32, i32
  }
  func.func @transform_3(%arg0: i32) -> (i32, i32) {
    %c0_i32 = arith.constant 0 : i32
    %c0_i32_0 = arith.constant 0 : i32
    %c0_i32_1 = arith.constant 0 : i32
    return %c0_i32, %c0_i32_0 : i32, i32
  }
  func.func @transform_4(%arg0: i32) -> (i32, i32) {
    %c0_i32 = arith.constant 0 : i32
    %c0_i32_0 = arith.constant 0 : i32
    %c0_i32_1 = arith.constant 0 : i32
    return %c0_i32, %c0_i32_0 : i32, i32
  }
  func.func @transform_5(%arg0: i32) -> (i32, i32) {
    %c0_i32 = arith.constant 0 : i32
    %c0_i32_0 = arith.constant 0 : i32
    %c0_i32_1 = arith.constant 0 : i32
    return %c0_i32, %c0_i32_0 : i32, i32
  }
  func.func @transform_6(%arg0: i32) -> (i32, i32) {
    %c0_i32 = arith.constant 0 : i32
    %c0_i32_0 = arith.constant 0 : i32
    %c0_i32_1 = arith.constant 0 : i32
    return %c0_i32, %c0_i32_0 : i32, i32
  }
  func.func @transform_7(%arg0: i32) -> (i32, i32) {
    %c0_i32 = arith.constant 0 : i32
    %c0_i32_0 = arith.constant 0 : i32
    %c0_i32_1 = arith.constant 0 : i32
    return %c0_i32, %c0_i32_0 : i32, i32
  }
  func.func @transform_8(%arg0: i32) -> (i32, i32) {
    %c0_i32 = arith.constant 0 : i32
    %c0_i32_0 = arith.constant 0 : i32
    %c0_i32_1 = arith.constant 0 : i32
    return %c0_i32, %c0_i32_0 : i32, i32
  }
  func.func @transform_9(%arg0: i32) -> (i32, i32) {
    %c0_i32 = arith.constant 0 : i32
    %c0_i32_0 = arith.constant 0 : i32
    %c0_i32_1 = arith.constant 0 : i32
    return %c0_i32, %c0_i32_0 : i32, i32
  }
  func.func @transform_10(%arg0: i32) -> (i32, i32) {
    %c0_i32 = arith.constant 0 : i32
    %c0_i32_0 = arith.constant 0 : i32
    %c0_i32_1 = arith.constant 0 : i32
    return %c0_i32, %c0_i32_0 : i32, i32
  }
  func.func @transform_11(%arg0: i32) -> (i32, i32) {
    %c0_i32 = arith.constant 0 : i32
    %c0_i32_0 = arith.constant 0 : i32
    %c0_i32_1 = arith.constant 0 : i32
    return %c0_i32, %c0_i32_0 : i32, i32
  }
  func.func @transform_12(%arg0: i32) -> (i32, i32) {
    %c0_i32 = arith.constant 0 : i32
    %c0_i32_0 = arith.constant 0 : i32
    %c0_i32_1 = arith.constant 0 : i32
    return %c0_i32, %c0_i32_0 : i32, i32
  }
  func.func @transform_13(%arg0: i32) -> (i32, i32) {
    %c0_i32 = arith.constant 0 : i32
    %c0_i32_0 = arith.constant 0 : i32
    %c0_i32_1 = arith.constant 0 : i32
    return %c0_i32, %c0_i32_0 : i32, i32
  }
  func.func @transform_14(%arg0: i32) -> (i32, i32) {
    %c0_i32 = arith.constant 0 : i32
    %c0_i32_0 = arith.constant 0 : i32
    %c0_i32_1 = arith.constant 0 : i32
    return %c0_i32, %c0_i32_0 : i32, i32
  }
  func.func @transform_15(%arg0: i32) -> (i32, i32) {
    %c0_i32 = arith.constant 0 : i32
    %c0_i32_0 = arith.constant 0 : i32
    return %arg0, %c0_i32 : i32, i32
  }
  func.func @transform_16(%arg0: i32) -> (i32, i32) {
    %c0_i32 = arith.constant 0 : i32
    %c0_i32_0 = arith.constant 0 : i32
    return %arg0, %c0_i32 : i32, i32
  }
}

module attributes {stable_mosaic.version = 14 : i64} {
  func.func @_tc3_body(%arg0: i32, %arg1: memref<3200x4xf32, #tpu.memory_space<vmem>>, %arg2: memref<3200x64xf32, #tpu.memory_space<vmem>>, %arg3: memref<4x34xf32, #tpu.memory_space<vmem>>, %arg4: memref<1x34xf32, #tpu.memory_space<vmem>>, %arg5: memref<1x34xf32, #tpu.memory_space<vmem>>, %arg6: memref<1x34xf32, #tpu.memory_space<vmem>>, %arg7: memref<34x64xf32, #tpu.memory_space<vmem>>, %arg8: memref<1x64xf32, #tpu.memory_space<vmem>>, %arg9: memref<64x40xf32, #tpu.memory_space<vmem>>, %arg10: memref<1x40xf32, #tpu.memory_space<vmem>>, %arg11: memref<40x16xf32, #tpu.memory_space<vmem>>, %arg12: memref<1x16xf32, #tpu.memory_space<vmem>>, %arg13: memref<3200x16xf32, #tpu.memory_space<vmem>>) attributes {dimension_semantics = [#tpu.dimension_semantics<arbitrary>], iteration_bounds = array<i64: 250>, scalar_prefetch = 0 : i64, scratch_operands = 0 : i64, tpu.core_type = #tpu.core_type<tc>, window_params = [{transform_indices = @transform_0, window_bounds = array<i64: 3200, 4>}, {transform_indices = @transform_1, window_bounds = array<i64: 3200, 64>}, {pipeline_mode = #tpu.pipeline_mode<synchronous>, transform_indices = @transform_2, window_bounds = array<i64: 4, 34>}, {pipeline_mode = #tpu.pipeline_mode<synchronous>, transform_indices = @transform_3, window_bounds = array<i64: 1, 34>}, {pipeline_mode = #tpu.pipeline_mode<synchronous>, transform_indices = @transform_4, window_bounds = array<i64: 1, 34>}, {pipeline_mode = #tpu.pipeline_mode<synchronous>, transform_indices = @transform_5, window_bounds = array<i64: 1, 34>}, {pipeline_mode = #tpu.pipeline_mode<synchronous>, transform_indices = @transform_6, window_bounds = array<i64: 34, 64>}, {pipeline_mode = #tpu.pipeline_mode<synchronous>, transform_indices = @transform_7, window_bounds = array<i64: 1, 64>}, {pipeline_mode = #tpu.pipeline_mode<synchronous>, transform_indices = @transform_8, window_bounds = array<i64: 64, 40>}, {pipeline_mode = #tpu.pipeline_mode<synchronous>, transform_indices = @transform_9, window_bounds = array<i64: 1, 40>}, {pipeline_mode = #tpu.pipeline_mode<synchronous>, transform_indices = @transform_10, window_bounds = array<i64: 40, 16>}, {pipeline_mode = #tpu.pipeline_mode<synchronous>, transform_indices = @transform_11, window_bounds = array<i64: 1, 16>}, {transform_indices = @transform_12, window_bounds = array<i64: 3200, 16>}]} {
    %get3A = arith.constant 0 : index
    %get3A_0 = arith.constant 0 : index
    %get3A_1 = vector.load %arg1[%get3A, %get3A_0] : memref<3200x4xf32, #tpu.memory_space<vmem>>, vector<3200x4xf32>
    %get3A_2 = arith.constant 0 : index
    %get3A_3 = arith.constant 0 : index
    %get3A_4 = vector.load %arg3[%get3A_2, %get3A_3] : memref<4x34xf32, #tpu.memory_space<vmem>>, vector<4x34xf32>
    %dot_general3A = arith.constant dense<0.000000e+00> : vector<3200x34xf32>
    %dot_general3A_5 = tpu.matmul %get3A_1, %get3A_4, %dot_general3A {dimension_numbers = #tpu.dot_dimension_numbers<[1], [0], [0], [1], [0, 0, 1, 1], [], []>, transpose_lhs_hint = false} : vector<3200x4xf32>, vector<4x34xf32>, vector<3200x34xf32> -> vector<3200x34xf32>
    %get3A_6 = arith.constant 0 : index
    %get3A_7 = arith.constant 0 : index
    %get3A_8 = vector.load %arg4[%get3A_6, %get3A_7] : memref<1x34xf32, #tpu.memory_space<vmem>>, vector<1x34xf32>
    %add3A = vector.broadcast %get3A_8 : vector<1x34xf32> to vector<3200x34xf32>
    %add3A_9 = arith.addf %dot_general3A_5, %add3A : vector<3200x34xf32>
    %get3A_10 = arith.constant 0 : index
    %get3A_11 = arith.constant 0 : index
    %get3A_12 = vector.load %arg5[%get3A_10, %get3A_11] : memref<1x34xf32, #tpu.memory_space<vmem>>, vector<1x34xf32>
    %get3A_13 = arith.constant 0 : index
    %get3A_14 = arith.constant 0 : index
    %get3A_15 = vector.load %arg6[%get3A_13, %get3A_14] : memref<1x34xf32, #tpu.memory_space<vmem>>, vector<1x34xf32>
    %reduce_sum3A = arith.constant dense<0.000000e+00> : vector<3200xf32>
    %reduce_sum3A_16 = vector.multi_reduction <add>, %add3A_9, %reduce_sum3A [1] : vector<3200x34xf32> to vector<3200xf32>
    %broadcast_in_dim3A = vector.shape_cast %reduce_sum3A_16 : vector<3200xf32> to vector<3200x1xf32>
    %div3A = arith.constant 3.400000e+01 : f32
    %div3A_17 = vector.broadcast %div3A : f32 to vector<3200x1xf32>
    %div3A_18 = arith.divf %broadcast_in_dim3A, %div3A_17 : vector<3200x1xf32>
    %sub3A = vector.broadcast %div3A_18 : vector<3200x1xf32> to vector<3200x34xf32>
    %sub3A_19 = arith.subf %add3A_9, %sub3A : vector<3200x34xf32>
    %mul3A = arith.mulf %sub3A_19, %sub3A_19 : vector<3200x34xf32>
    %reduce_sum3A_20 = arith.constant dense<0.000000e+00> : vector<3200xf32>
    %reduce_sum3A_21 = vector.multi_reduction <add>, %mul3A, %reduce_sum3A_20 [1] : vector<3200x34xf32> to vector<3200xf32>
    %broadcast_in_dim3A_22 = vector.shape_cast %reduce_sum3A_21 : vector<3200xf32> to vector<3200x1xf32>
    %div3A_23 = arith.constant 3.400000e+01 : f32
    %div3A_24 = vector.broadcast %div3A_23 : f32 to vector<3200x1xf32>
    %div3A_25 = arith.divf %broadcast_in_dim3A_22, %div3A_24 : vector<3200x1xf32>
    %add3A_26 = arith.constant 9.99999974E-6 : f32
    %add3A_27 = vector.broadcast %add3A_26 : f32 to vector<3200x1xf32>
    %add3A_28 = arith.addf %div3A_25, %add3A_27 : vector<3200x1xf32>
    %rsqrt3A = math.rsqrt %add3A_28 : vector<3200x1xf32>
    %mul3A_29 = vector.broadcast %rsqrt3A : vector<3200x1xf32> to vector<3200x34xf32>
    %mul3A_30 = arith.mulf %sub3A_19, %mul3A_29 : vector<3200x34xf32>
    %mul3A_31 = vector.broadcast %get3A_12 : vector<1x34xf32> to vector<3200x34xf32>
    %mul3A_32 = arith.mulf %mul3A_30, %mul3A_31 : vector<3200x34xf32>
    %add3A_33 = vector.broadcast %get3A_15 : vector<1x34xf32> to vector<3200x34xf32>
    %add3A_34 = arith.addf %mul3A_32, %add3A_33 : vector<3200x34xf32>
    %max3A = arith.constant 0.000000e+00 : f32
    %max3A_35 = vector.broadcast %max3A : f32 to vector<3200x34xf32>
    %max3A_36 = arith.maximumf %add3A_34, %max3A_35 : vector<3200x34xf32>
    %abs3A = math.absf %add3A_34 : vector<3200x34xf32>
    %neg3A = arith.constant 0.000000e+00 : f32
    %neg3A_37 = vector.broadcast %neg3A : f32 to vector<3200x34xf32>
    %neg3A_38 = arith.subf %neg3A_37, %abs3A : vector<3200x34xf32>
    %exp3A = math.exp %neg3A_38 : vector<3200x34xf32>
    %log1p3A = math.log1p %exp3A : vector<3200x34xf32>
    %add3A_39 = arith.addf %max3A_36, %log1p3A : vector<3200x34xf32>
    %tanh3A = math.tanh %add3A_39 : vector<3200x34xf32>
    %mul3A_40 = arith.mulf %add3A_34, %tanh3A : vector<3200x34xf32>
    %get3A_41 = arith.constant 0 : index
    %get3A_42 = arith.constant 0 : index
    %get3A_43 = vector.load %arg7[%get3A_41, %get3A_42] : memref<34x64xf32, #tpu.memory_space<vmem>>, vector<34x64xf32>
    %dot_general3A_44 = arith.constant dense<0.000000e+00> : vector<3200x64xf32>
    %dot_general3A_45 = tpu.matmul %mul3A_40, %get3A_43, %dot_general3A_44 {dimension_numbers = #tpu.dot_dimension_numbers<[1], [0], [0], [1], [0, 0, 1, 1], [], []>, transpose_lhs_hint = false} : vector<3200x34xf32>, vector<34x64xf32>, vector<3200x64xf32> -> vector<3200x64xf32>
    %get3A_46 = arith.constant 0 : index
    %get3A_47 = arith.constant 0 : index
    %get3A_48 = vector.load %arg8[%get3A_46, %get3A_47] : memref<1x64xf32, #tpu.memory_space<vmem>>, vector<1x64xf32>
    %add3A_49 = vector.broadcast %get3A_48 : vector<1x64xf32> to vector<3200x64xf32>
    %add3A_50 = arith.addf %dot_general3A_45, %add3A_49 : vector<3200x64xf32>
    %get3A_51 = arith.constant 0 : index
    %get3A_52 = arith.constant 0 : index
    %get3A_53 = vector.load %arg2[%get3A_51, %get3A_52] : memref<3200x64xf32, #tpu.memory_space<vmem>>, vector<3200x64xf32>
    %mul3A_54 = arith.mulf %get3A_53, %add3A_50 : vector<3200x64xf32>
    %get3A_55 = arith.constant 0 : index
    %get3A_56 = arith.constant 0 : index
    %get3A_57 = vector.load %arg9[%get3A_55, %get3A_56] : memref<64x40xf32, #tpu.memory_space<vmem>>, vector<64x40xf32>
    %dot_general3A_58 = arith.constant dense<0.000000e+00> : vector<3200x40xf32>
    %dot_general3A_59 = tpu.matmul %mul3A_54, %get3A_57, %dot_general3A_58 {dimension_numbers = #tpu.dot_dimension_numbers<[1], [0], [0], [1], [0, 0, 1, 1], [], []>, transpose_lhs_hint = false} : vector<3200x64xf32>, vector<64x40xf32>, vector<3200x40xf32> -> vector<3200x40xf32>
    %get3A_60 = arith.constant 0 : index
    %get3A_61 = arith.constant 0 : index
    %get3A_62 = vector.load %arg10[%get3A_60, %get3A_61] : memref<1x40xf32, #tpu.memory_space<vmem>>, vector<1x40xf32>
    %add3A_63 = vector.broadcast %get3A_62 : vector<1x40xf32> to vector<3200x40xf32>
    %add3A_64 = arith.addf %dot_general3A_59, %add3A_63 : vector<3200x40xf32>
    %max3A_65 = arith.constant 0.000000e+00 : f32
    %max3A_66 = vector.broadcast %max3A_65 : f32 to vector<3200x40xf32>
    %max3A_67 = arith.maximumf %add3A_64, %max3A_66 : vector<3200x40xf32>
    %abs3A_68 = math.absf %add3A_64 : vector<3200x40xf32>
    %neg3A_69 = arith.constant 0.000000e+00 : f32
    %neg3A_70 = vector.broadcast %neg3A_69 : f32 to vector<3200x40xf32>
    %neg3A_71 = arith.subf %neg3A_70, %abs3A_68 : vector<3200x40xf32>
    %exp3A_72 = math.exp %neg3A_71 : vector<3200x40xf32>
    %log1p3A_73 = math.log1p %exp3A_72 : vector<3200x40xf32>
    %add3A_74 = arith.addf %max3A_67, %log1p3A_73 : vector<3200x40xf32>
    %tanh3A_75 = math.tanh %add3A_74 : vector<3200x40xf32>
    %mul3A_76 = arith.mulf %add3A_64, %tanh3A_75 : vector<3200x40xf32>
    %get3A_77 = arith.constant 0 : index
    %get3A_78 = arith.constant 0 : index
    %get3A_79 = vector.load %arg11[%get3A_77, %get3A_78] : memref<40x16xf32, #tpu.memory_space<vmem>>, vector<40x16xf32>
    %dot_general3A_80 = arith.constant dense<0.000000e+00> : vector<3200x16xf32>
    %dot_general3A_81 = tpu.matmul %mul3A_76, %get3A_79, %dot_general3A_80 {dimension_numbers = #tpu.dot_dimension_numbers<[1], [0], [0], [1], [0, 0, 1, 1], [], []>, transpose_lhs_hint = false} : vector<3200x40xf32>, vector<40x16xf32>, vector<3200x16xf32> -> vector<3200x16xf32>
    %get3A_82 = arith.constant 0 : index
    %get3A_83 = arith.constant 0 : index
    %get3A_84 = vector.load %arg12[%get3A_82, %get3A_83] : memref<1x16xf32, #tpu.memory_space<vmem>>, vector<1x16xf32>
    %add3A_85 = vector.broadcast %get3A_84 : vector<1x16xf32> to vector<3200x16xf32>
    %add3A_86 = arith.addf %dot_general3A_81, %add3A_85 : vector<3200x16xf32>
    %swap3A = arith.constant 0 : index
    %swap3A_87 = arith.constant 0 : index
    %swap3A_88 = vector.load %arg13[%swap3A, %swap3A_87] : memref<3200x16xf32, #tpu.memory_space<vmem>>, vector<3200x16xf32>
    tpu.vector_store %arg13[%swap3A, %swap3A_87], %add3A_86 {strides = array<i32>} : memref<3200x16xf32, #tpu.memory_space<vmem>>, vector<3200x16xf32>,
    return
  }
  func.func @transform_0(%arg0: i32) -> (i32, i32) {
    %c0_i32 = arith.constant 0 : i32
    %c0_i32_0 = arith.constant 0 : i32
    return %arg0, %c0_i32 : i32, i32
  }
  func.func @transform_1(%arg0: i32) -> (i32, i32) {
    %c0_i32 = arith.constant 0 : i32
    %c0_i32_0 = arith.constant 0 : i32
    return %arg0, %c0_i32 : i32, i32
  }
  func.func @transform_2(%arg0: i32) -> (i32, i32) {
    %c0_i32 = arith.constant 0 : i32
    %c0_i32_0 = arith.constant 0 : i32
    %c0_i32_1 = arith.constant 0 : i32
    return %c0_i32, %c0_i32_0 : i32, i32
  }
  func.func @transform_3(%arg0: i32) -> (i32, i32) {
    %c0_i32 = arith.constant 0 : i32
    %c0_i32_0 = arith.constant 0 : i32
    %c0_i32_1 = arith.constant 0 : i32
    return %c0_i32, %c0_i32_0 : i32, i32
  }
  func.func @transform_4(%arg0: i32) -> (i32, i32) {
    %c0_i32 = arith.constant 0 : i32
    %c0_i32_0 = arith.constant 0 : i32
    %c0_i32_1 = arith.constant 0 : i32
    return %c0_i32, %c0_i32_0 : i32, i32
  }
  func.func @transform_5(%arg0: i32) -> (i32, i32) {
    %c0_i32 = arith.constant 0 : i32
    %c0_i32_0 = arith.constant 0 : i32
    %c0_i32_1 = arith.constant 0 : i32
    return %c0_i32, %c0_i32_0 : i32, i32
  }
  func.func @transform_6(%arg0: i32) -> (i32, i32) {
    %c0_i32 = arith.constant 0 : i32
    %c0_i32_0 = arith.constant 0 : i32
    %c0_i32_1 = arith.constant 0 : i32
    return %c0_i32, %c0_i32_0 : i32, i32
  }
  func.func @transform_7(%arg0: i32) -> (i32, i32) {
    %c0_i32 = arith.constant 0 : i32
    %c0_i32_0 = arith.constant 0 : i32
    %c0_i32_1 = arith.constant 0 : i32
    return %c0_i32, %c0_i32_0 : i32, i32
  }
  func.func @transform_8(%arg0: i32) -> (i32, i32) {
    %c0_i32 = arith.constant 0 : i32
    %c0_i32_0 = arith.constant 0 : i32
    %c0_i32_1 = arith.constant 0 : i32
    return %c0_i32, %c0_i32_0 : i32, i32
  }
  func.func @transform_9(%arg0: i32) -> (i32, i32) {
    %c0_i32 = arith.constant 0 : i32
    %c0_i32_0 = arith.constant 0 : i32
    %c0_i32_1 = arith.constant 0 : i32
    return %c0_i32, %c0_i32_0 : i32, i32
  }
  func.func @transform_10(%arg0: i32) -> (i32, i32) {
    %c0_i32 = arith.constant 0 : i32
    %c0_i32_0 = arith.constant 0 : i32
    %c0_i32_1 = arith.constant 0 : i32
    return %c0_i32, %c0_i32_0 : i32, i32
  }
  func.func @transform_11(%arg0: i32) -> (i32, i32) {
    %c0_i32 = arith.constant 0 : i32
    %c0_i32_0 = arith.constant 0 : i32
    %c0_i32_1 = arith.constant 0 : i32
    return %c0_i32, %c0_i32_0 : i32, i32
  }
  func.func @transform_12(%arg0: i32) -> (i32, i32) {
    %c0_i32 = arith.constant 0 : i32
    %c0_i32_0 = arith.constant 0 : i32
    return %arg0, %c0_i32 : i32, i32
  }
}

</mosaic_0001>

<sc_bundles>
// kernel: kernel.12.cloned.1.call-start
scs
__scs_entry_jumppad:
0x0: {  	(pc) =	sbr.rel $0x88, $3  }
0x1: {  	(tag) =	ssettag $0x0;
	lr =	simm.s32 $0x1  }
0x2: {  	[smem:$0x3F8D] =	sst lr;
	_ =	strace $0xD0000000  }
0x3: {  	_ = 	snop  }
0x4: {  	_ = 	snop  }
0x5: {  	_ = 	snop  }
0x6: {  	_ = 	snop  }
0x7: {  	_ = 	snop  }
__scs_overlays_trampoline_lowered:
0x8: {  	[smem:$0x3F9C] =	sst s0  }
0x9: {  	[smem:$0x3F9D] =	sst s1  }
0xa: {  	[smem:$0x3F9E] =	sst s2  }
0xb: {  	[smem:$0x3F9F] =	sst s3  }
0xc: {  	[smem:$0x3FA0] =	sst s4  }
0xd: {  	[smem:$0x3FA1] =	sst s5  }
0xe: {  	[smem:$0x3FA2] =	sst s6  }
0xf: {  	[smem:$0x3FA3] =	sst s7  }
0x10: {  	[smem:$0x3FA4] =	sst s8  }
0x11: {  	[smem:$0x3FA5] =	sst s9;
	s0 =	simm.s32 @!p0 $0x0  }
0x12: {  	s1 =	sld [smem:$0x3F8B];
	s0 =	simm.s32 @p0 $0x1  }
0x13: {  	[smem:$0x3FA6] =	sst s0;
	s0 =	simm.s32 @!p1 $0x0  }
0x14: {  	s2 =	sld [smem:$0x3F8A];
	s0 =	simm.s32 @p1 $0x1  }
0x15: {  	[smem:$0x3FA7] =	sst s0;
	s0 =	simm.s32 @!p2 $0x0  }
0x16: {  	s3 =	sld [smem:$0x3FDB];
	s0 =	simm.s32 @p2 $0x1  }
0x17: {  	s4 =	simm.s32 $0x1BF5;
	[smem:$0x3FA9] =	sst s0  }
0x18: {  	s0 =	sld [smem:$0x3F8C];
	_ =	swait.ge [sflag:s4], $0x0  }
0x19: {  	s7 =	sld [smem:$0x3F8D]  }
0x1a: {  	s8 =	sadd.s32 $0xFFFFE003, lr  }
0x1b: {  	s9 =	sadd.s32 $0xFFFFFEF7, lr;
	s5 =	simm.s32 $0xFFFFFFFF;
	p2 =	slt.u32 s8, $0xFFFFF086  }
0x1c: {  	p1 =	slt.u32 s9, $0xF7A;
	s5 =	simm.s32 @!p2 $0x0  }
0x1d: {  	s5 =	simm.s32 @p1 $0x1;
	p0 =	seq.s32 s7, s2  }
0x1e: {  	s7 =	smul.u32 @!p0 $0xF7A, s2;
	p2 =	seq.s32 @!p0 s5, $0x0  }
0x1f: {  	s9 =	smul.u32 $0xF7A, s1;
	s8 =	simm.s32 @!p0 $0x1BF5;
	p2 =	por !p2, p0  }
0x20: {  	[sflag:s8] =	ssyncset.s32 @!p0 $0xFFFFF086;
	s6 =	sadd.s32 @!p0 s3, s7;
	s7 =	simm.s32 @!p0 $0x108  }
0x21: {  	s3 =	sadd.s32 s3, s9;
	s6 =	sadd.s32 @!p0 $0x88, s6;
	s7 =	simm.s32 @p2 $0x1082  }
0x22: {  	[simem:s7], [sflag:s8] =	dma.local @!p0 [hbm:s6], $0xF7A  }
0x23: {  	s9 =	sor.u32 $0xD0000000, s2;
	s6 =	simm.s32 $0x108;
	_ =	swait.ge @!p0 [sflag:s8], $0x0  }
0x24: {  	s3 =	sadd.s32 $0x88, s3;
	s6 =	simm.s32 @!p1 $0x1082;
	[sflag:s4] =	ssyncset.s32 $0xFFFFF086  }
0x25: {  	[simem:s6], [sflag:s4] =	dma.local [hbm:s3], $0xF7A  }
0x26: {  	[smem:$0x3F8D] =	sst s1;
	(tag) =	ssettag s2;
	_ =	strace s9  }
0x27: {  	s1 =	sld [smem:$0x3F9D]  }
0x28: {  	s2 =	sld [smem:$0x3F9E]  }
0x29: {  	s4 =	sld [smem:$0x3FA0]  }
0x2a: {  	p0 =	seq.s32 s5, $0x0;
	s5 =	sld [smem:$0x3FA1]  }
0x2b: {  	s6 =	sld [smem:$0x3FA2]  }
0x2c: {  	s7 =	sld [smem:$0x3FA3]  }
0x2d: {  	s3 =	simm.s32 $0x108;
	s8 =	sld [smem:$0x3FA4]  }
0x2e: {  	s3 =	simm.s32 @!p0 $0x1082;
	s9 =	sld [smem:$0x3FA5]  }
0x2f: {  	lr =	sadd.s32 s0, s3;
	s0 =	sld [smem:$0x3F9C]  }
0x30: {  	s3 =	sld [smem:$0x3F9F]  }
0x31: {  	[smem:$0x3FA8] =	sst s10  }
0x32: {  	s10 =	sld [smem:$0x3FA6];
	_ =	sdelay $0x3  }
0x33: {  	p0 =	seq.s32 s10, $0x1;
	s10 =	sld [smem:$0x3FA8];
	_ =	sdelay $0x3  }
0x34: {  	[smem:$0x3FA8] =	sst s10  }
0x35: {  	s10 =	sld [smem:$0x3FA7];
	_ =	sdelay $0x3  }
0x36: {  	p1 =	seq.s32 s10, $0x1;
	s10 =	sld [smem:$0x3FA8];
	_ =	sdelay $0x3  }
0x37: {  	[smem:$0x3FA8] =	sst s10  }
0x38: {  	s10 =	sld [smem:$0x3FA9]  }
0x39: {  	_ = 	snop;
	(pc) =	sbr.ind lr, $3  }
0x3a: {  	_ = 	snop  }
0x3b: {  	_ = 	snop  }
0x3c: {  	p2 =	seq.s32 s10, $0x1;
	s10 =	sld [smem:$0x3FA8]  }
0x3d: {  	_ =	shalt  }
0x3e: {  	_ =	shalt  }
0x3f: {  	_ =	shalt  }
0x40: {  	_ =	shalt  }
0x41: {  	_ =	shalt  }
0x42: {  	_ =	shalt  }
0x43: {  	_ =	shalt  }
0x44: {  	_ =	shalt  }
0x45: {  	_ =	shalt  }
0x46: {  	_ =	shalt  }
0x47: {  	_ =	shalt  }
0x48: {  	_ =	shalt  }
0x49: {  	_ =	shalt  }
0x4a: {  	_ =	shalt  }
0x4b: {  	_ =	shalt  }
0x4c: {  	_ =	shalt  }
0x4d: {  	_ =	shalt  }
0x4e: {  	_ =	shalt  }
0x4f: {  	_ =	shalt  }
0x50: {  	_ =	shalt  }
0x51: {  	_ =	shalt  }
0x52: {  	_ =	shalt  }
0x53: {  	_ =	shalt  }
0x54: {  	_ =	shalt  }
0x55: {  	_ =	shalt  }
0x56: {  	_ =	shalt  }
0x57: {  	_ =	shalt  }
0x58: {  	_ =	shalt  }
0x59: {  	_ =	shalt  }
0x5a: {  	_ =	shalt  }
0x5b: {  	_ =	shalt  }
0x5c: {  	_ =	shalt  }
0x5d: {  	_ =	shalt  }
0x5e: {  	_ =	shalt  }
0x5f: {  	_ =	shalt  }
0x60: {  	_ =	shalt  }
0x61: {  	_ =	shalt  }
0x62: {  	_ =	shalt  }
0x63: {  	_ =	shalt  }
0x64: {  	_ =	shalt  }
0x65: {  	_ =	shalt  }
0x66: {  	_ =	shalt  }
0x67: {  	_ =	shalt  }
0x68: {  	_ =	shalt  }
0x69: {  	_ =	shalt  }
0x6a: {  	_ =	shalt  }
0x6b: {  	_ =	shalt  }
0x6c: {  	_ =	shalt  }
0x6d: {  	_ =	shalt  }
0x6e: {  	_ =	shalt  }
0x6f: {  	_ =	shalt  }
0x70: {  	_ =	shalt  }
0x71: {  	_ =	shalt  }
0x72: {  	_ =	shalt  }
0x73: {  	_ =	shalt  }
0x74: {  	_ =	shalt  }
0x75: {  	_ =	shalt  }
0x76: {  	_ =	shalt  }
0x77: {  	_ =	shalt  }
0x78: {  	_ =	shalt  }
0x79: {  	_ =	shalt  }
0x7a: {  	_ =	shalt  }
0x7b: {  	_ =	shalt  }
0x7c: {  	_ =	shalt  }
0x7d: {  	_ =	shalt  }
0x7e: {  	_ =	shalt  }
0x7f: {  	_ =	shalt  }
0x80: {  	_ =	shalt  }
0x81: {  	_ =	shalt  }
0x82: {  	_ =	shalt  }
0x83: {  	_ =	shalt  }
0x84: {  	_ =	shalt  }
0x85: {  	_ =	shalt  }
0x86: {  	_ =	shalt  }
0x87: {  	_ =	shalt  }
.Lfunc_end0:
.L_simem_size_0:
called_computation.1_lowered:
.L_overlay_start_0:
0x88: {  	s2 =	sld [smem:$0x3FD9]  }
0x89: {  	s3 =	sld [smem:$0x3FFE];
	_ =	sdelay $0x1  }
0x8a: {  	s1 =	srdreg.scid  }
0x8b: {  	s0 =	sand.u32 $0x1, s1  }
0x8c: {  	s14 =	sshll.u32 s0, $0xA;
	s2 =	sadd.s32 s3, s2  }
0x8d: {  	s2 =	sadd.s32 s2, s14  }
0x8e: {  	[smem:$0x3FB4] =	sst s2  }
0x8f: {  	_ = 	snop  }
0x90: {  	s2 =	sld [smem:$0x3FD0];
	_ =	sdelay $0x2  }
0x91: {  	s4 =	simm.s32 $0xA;
	s5 =	simm.s32 $0x10;
	s15 =	sld [smem:$0x3FC8]  }
0x92: {  	[smem:s5], [sflag:s4] =	dma.local [hbm:s2], $0x1  }
0x93: {  	_ =	swait.eq [sflag:s4], $0x1  }
0x94: {  	[sflag:s4] =	ssyncset.done $0x0  }
0x95: {  	[sflag:s4] =	ssyncadd.s32 $0xFFFFFFFF  }
0x96: {  	s16 =	sld [smem:$0x10];
	(tm) =	ssettm $0x1  }
0x97: {  	s17 =	sld [smem:$0x3FFB];
	_ =	sdelay $0x3  }
0x98: {  	_ =	strace s17  }
0x99: {  	s4 =	sld [smem:$0x3FFC];
	_ =	sdelay $0x3  }
0x9a: {  	_ =	strace s4  }
0x9b: {  	s4 =	sld [smem:$0x3FFD];
	_ =	sdelay $0x3  }
0x9c: {  	_ =	strace s4  }
0x9d: {  	_ =	strace $0x8FFFFFFF  }
0x9e: {  	s18 =	sld [smem:$0x3FDB];
	_ =	sdelay $0x1  }
0x9f: {  	s19 =	simm.s32 $_scs_section_size  }
0xa0: {  	s6 =	simm.s32 $_size__tile_overlayer_lowered;
	s7 =	simm.s32 $_tile_overlayer_lowered  }
0xa1: {  	s22 =	simm.s32 $0x1BFF;
	s21 =	sshll.u32 s7, $0x1;
	s4 =	sadd.s32 s19, s18  }
0xa2: {  	s8 =	simm.s32 $0x0;
	s20 =	sshll.u32 s6, $0x1;
	s6 =	sadd.s32 s21, s4  }
0xa3: {  	[timem:s8], [sflag:s22] =	dma.local [hbm:s6], s20  }
0xa4: {  	_ =	swait.ge [sflag:s22], s20  }
0xa5: {  	s5 =	ssub.s32 $0x0, s20;
	[sflag:s22] =	ssyncset.done $0x0  }
0xa6: {  	[sflag:s22] =	ssyncadd.s32 s5;
	_ =	sdelay $0x1  }
0xa7: {  	s23 =	simm.s32 $0x1B8B  }
0xa8: {  	_ =	swait.ge [sflag:s23], $0x1  }
0xa9: {  	[sflag:s23] =	ssyncset.done $0x0  }
0xaa: {  	s25 =	simm.s32 $0x1B8E;
	s24 =	sld [smem:$0x3FFE];
	[sflag:s23] =	ssyncadd.s32 $0xFFFFFFFF  }
0xab: {  	s26 =	simm.s32 $execute0_lowered;
	[smem:$0x3FD2] =	sst s25  }
0xac: {  	s6 =	sshll.u32 s26, $0x1;
	_ =	strace $0x80000049;
	[dreg:$0x1] =	wrdreg $0xFFFFFFFF  }
0xad: {  	s28 =	simm.s32 $_size_execute0_lowered;
	s4 =	sadd.s32 s4, s6;
	[dreg:$0x0] =	wrdreg $0x0  }
0xae: {  	s6 =	sshll.u32 s28, $0x1;
	[dreg:$0x2] =	wrdreg s4  }
0xaf: {  	[dreg:$0x3] =	wrdreg s6  }
0xb0: {  	[dreg:$0x4] =	wrdreg $0xC0  }
0xb1: {  	_ =	task [dreg:s8], $0x5FFFF  }
0xb2: {  	[dreg:$0x1] =	wrdreg $0xFFFFFFFF  }
0xb3: {  	[dreg:$0x0] =	wrdreg $0x60  }
0xb4: {  	[dreg:$0x2] =	wrdreg s16  }
0xb5: {  	[dreg:$0x3] =	wrdreg s15  }
0xb6: {  	[dreg:$0x4] =	wrdreg s24  }
0xb7: {  	[dreg:$0x5] =	wrdreg $0x9  }
0xb8: {  	_ =	task.clear_ibuf [dreg:s8], $0x6FFFF;
	_ =	strace $0x90000049  }
0xb9: {  	s29 =	simm.s32 $0x9;
	_ =	strace $0x8000004B  }
0xba: {  	_ =	swait.ge [sflag:s29], $0x1  }
0xbb: {  	[sflag:s29] =	ssyncadd.s32 $0xFFFFFFFF  }
0xbc: {  	_ =	strace $0x9000004B  }
0xbd: {  	_ =	sfence  }
0xbe: {  	s30 =	sld [smem:$0x0];
	_ =	sdelay $0x2  }
0xbf: {  	s31 =	sshll.u32 s1, $0xD;
	s1 =	sshrl.u32 s1, $0x2  }
0xc0: {  	s3 =	sand.u32 $0x4000, s31;
	s1 =	sadd.s32 s1, s30  }
0xc1: {  	s0 =	sor.u32 s3, s0;
	s1 =	sshll.u32 s1, $0x11  }
0xc2: {  	s0 =	sor.u32 s1, s0  }
0xc3: {  	s0 =	sadd.s32 $0x8F2B, s0  }
0xc4: {  	[sflag:s0] =	ssyncadd.remote.s32 $0x1  }
0xc5: {  	_ =	sfence.sel $0xFFFF  }
0xc6: {  	[dreg:$0x0] =	wrdreg $0xFFFFFFFF;
	(pc) =	sbr.abs _section_cstart, $3  }
0xc7: {  	[dreg:$0x1] =	wrdreg $0xFFFFFFFF  }
0xc8: {  	_ =	task.clear_ibuf [dreg:s8], $0x2FFFF;
	_ =	strace $0x9FFFFFFF  }
0xc9: {  	(tm) =	ssettm $0x7FFFFFFF  }
tec
execute0_lowered:
.L_overlay_start_1:
0x0: {  	(tag) =	ssettag $0x1  }
0x1: {  	s4 =	rddreg [dreg:$0x0]  }
0x2: {  	s8 =	rddreg [dreg:$0x1]  }
0x3: {  	s3 =	rddreg [dreg:$0x2];
	s1 =	srdreg.scid  }
0x4: {  	s0 =	rddreg [dreg:$0x3];
	s2 =	simm.s32 $0x0;
	s15 =	simm.s32 $0x1100  }
0x5: {  	s16 =	simm.s32 $0x1;
	s17 =	simm.s32 $0x0;
	s5 =	sand.u32 $0x1, s1  }
0x6: {  	[smem:$0x7FF] =	sst s2;
	s1 =	stileid.u32;
	s10 =	sadd.s32 $0x186E800, s3  }
0x7: {  	s6 =	ssub.s32 $0x2, s5;
	_ =	strace $0x8000004A;
	s12 =	smul.u32 $0x32000, s5  }
0x8: {  	s9 =	sshll.u32 s1, $0x1;
	p0 =	slt.u32 s1, $0x5;
	s14 =	smul.u32 $0x186, s1  }
0x9: {  	s7 =	sshrl.u32 s6, $0x1;
	s25 =	sor.u32 s5, s9;
	s5 =	smul.u32 $0xC3, s5  }
0xa: {  	s11 =	ssub.s32 s6, s7;
	s26 =	smul.u32 $0xC3, s25;
	s7 =	simm.s32 $0xC4  }
0xb: {  	s9 =	smin.u32 s25, $0xA;
	s4 =	sadd.s32 s4, s12;
	s7 =	simm.s32 @!p0 $0xC3  }
0xc: {  	s30 =	sadd.s32 s5, s14;
	s14 =	simm.s32 $0x100;
	s6 =	sadd.s32 s9, s26  }
0xd: {  	s13 =	sand.u32 $0xC6, s7;
	s3 =	sshrl.u32 s7, $0x1;
	s7 =	sand.u32 $0x1, s7  }
0xe: {  	s31 =	sadd.s32 s9, s30;
	s6 =	sadd.s32 s13, s6;
	p0 =	seq.s32 s7, $0x1  }
0xf: {  	s9 =	sshll.u32 s31, $0x9;
	s12 =	sshll.u32 s31, $0x4;
	s13 =	simm.s32 $0x80  }
0x10: {  	s28 =	sshll.u32 s6, $0x4;
	s6 =	sshll.u32 s6, $0x9;
	s7 =	sadd.s32 s9, s10  }
0x11: {  	s9 =	smax.u32 s11, $0x1;
	s29 =	sand.u32 $0x1FFFFFF0, s28;
	s6 =	sand.u32 $0x1FFFFE00, s6  }
0x12: {  	s5 =	sadd.s32 s8, s29;
	s6 =	sadd.s32 s10, s6;
	s8 =	sadd.s32 s12, s8  }
0x13: {  	s10 =	sadd.s32 $0x200, s7;
	s12 =	simm.s32 $0x2;
	s11 =	sadd.s32 $0x10, s8  }
.LBB2_1:
0x14: {  	[tilespmem:s2], [sflag:$0x2] =	stream.linear.gather [hbm4b:s8+s2], $0x80, $0x38;
	[tilespmem:$0x2100] =	vst v63  }
0x15: {  	_ =	swait.ge [sflag:s12], $0x80  }
0x16: {  	[sflag:s12] =	ssyncset.done $0x0  }
0x17: {  	[sflag:s12] =	ssyncadd.s32 $0xFFFFFF80  }
0x18: {  	[tilespmem:s14], [sflag:$0x1] =	stream.indirect.gather [hbm4b:s4+s13], $0x20, s2, s13, $0xb8;
	[tilespmem:$0x2100] =	vst v63  }
0x19: {  	_ = 	snop  }
0x1a: {  	[tilespmem:s13], [sflag:$0x2] =	stream.linear.gather [hbm4b:s11+s2], $0x80, $0x38;
	[tilespmem:$0x2100] =	vst v63  }
0x1b: {  	_ =	swait.ge [sflag:s12], $0x80  }
0x1c: {  	[sflag:s12] =	ssyncset.done $0x0  }
0x1d: {  	[sflag:s12] =	ssyncadd.s32 $0xFFFFFF80  }
0x1e: {  	[tilespmem:s15], [sflag:$0x1] =	stream.indirect.gather [hbm4b:s4+s13], $0x20, s13, s13, $0xb8;
	[tilespmem:$0x2100] =	vst v63  }
0x1f: {  	_ =	swait.ge [sflag:s16], $0x1000  }
0x20: {  	[sflag:s16] =	ssyncset.done $0x0  }
0x21: {  	[sflag:s16] =	ssyncadd.s32 $0xFFFFF000  }
0x22: {  	[hbm4b:s7+s2] =	stream.linear.scatter [tilespmem:s14], [sflag:$0x2], $0x1000, $0x38;
	[tilespmem:$0x2100] =	vst v63  }
0x23: {  	_ =	swait.ge [sflag:s12], $0x1000  }
0x24: {  	[sflag:s12] =	ssyncset.done $0x0  }
0x25: {  	[sflag:s12] =	ssyncadd.s32 $0xFFFFF000  }
0x26: {  	p1 =	sne.s32 s3, $0x1;
	_ =	swait.ge [sflag:s16], $0x1000  }
.Ltmp0:
0x27: {  	[sflag:s16] =	ssyncset.done $0x0;
	(pc) =	sbr.rel @!p1 .LBB2_3-.Ltmp0, $4  }
0x28: {  	s18 =	sadd.s32 $0xFFFFFFFF, s3;
	[sflag:s16] =	ssyncadd.s32 $0xFFFFF000  }
0x29: {  	[hbm4b:s10+s2] =	stream.linear.scatter [tilespmem:s15], [sflag:$0x2], $0x1000, $0x38;
	[tilespmem:$0x2100] =	vst v63  }
0x2a: {  	s19 =	sadd.s32 $0x400, s10;
	s20 =	sadd.s32 $0x20, s11;
	_ =	swait.ge [sflag:s12], $0x1000  }
0x2b: {  	s21 =	smov.u32 s7;
	s22 =	smov.u32 s8;
	[sflag:s12] =	ssyncset.done $0x0  }
.LBB2_2:
0x2c: {  	[sflag:s12] =	ssyncadd.s32 $0xFFFFF000;
	s21 =	sadd.s32 $0x400, s21;
	s22 =	sadd.s32 $0x20, s22  }
0x2d: {  	[tilespmem:s2], [sflag:$0x2] =	stream.linear.gather [hbm4b:s22+s2], $0x80, $0x38;
	[tilespmem:$0x2100] =	vst v63  }
0x2e: {  	p1 =	sne.s32 s18, $0x1;
	s18 =	sadd.s32 $0xFFFFFFFF, s18;
	_ =	swait.ge [sflag:s12], $0x80  }
0x2f: {  	[sflag:s12] =	ssyncset.done $0x0  }
0x30: {  	[sflag:s12] =	ssyncadd.s32 $0xFFFFFF80  }
0x31: {  	[tilespmem:s14], [sflag:$0x1] =	stream.indirect.gather [hbm4b:s4+s13], $0x20, s2, s13, $0xb8;
	[tilespmem:$0x2100] =	vst v63  }
0x32: {  	_ = 	snop  }
0x33: {  	[tilespmem:s13], [sflag:$0x2] =	stream.linear.gather [hbm4b:s20+s2], $0x80, $0x38;
	[tilespmem:$0x2100] =	vst v63  }
0x34: {  	_ =	swait.ge [sflag:s12], $0x80  }
0x35: {  	[sflag:s12] =	ssyncset.done $0x0  }
0x36: {  	[sflag:s12] =	ssyncadd.s32 $0xFFFFFF80  }
0x37: {  	[tilespmem:s15], [sflag:$0x1] =	stream.indirect.gather [hbm4b:s4+s13], $0x20, s13, s13, $0xb8;
	[tilespmem:$0x2100] =	vst v63  }
0x38: {  	_ =	swait.ge [sflag:s16], $0x1000  }
0x39: {  	[sflag:s16] =	ssyncset.done $0x0  }
0x3a: {  	[sflag:s16] =	ssyncadd.s32 $0xFFFFF000  }
0x3b: {  	[hbm4b:s21+s2] =	stream.linear.scatter [tilespmem:s14], [sflag:$0x2], $0x1000, $0x38;
	[tilespmem:$0x2100] =	vst v63  }
0x3c: {  	_ =	swait.ge [sflag:s12], $0x1000  }
0x3d: {  	[sflag:s12] =	ssyncset.done $0x0  }
0x3e: {  	[sflag:s12] =	ssyncadd.s32 $0xFFFFF000  }
0x3f: {  	_ =	swait.ge [sflag:s16], $0x1000  }
.Ltmp1:
0x40: {  	[sflag:s16] =	ssyncset.done $0x0;
	(pc) =	sbr.rel @p1 .LBB2_2-.Ltmp1, $4  }
0x41: {  	[sflag:s16] =	ssyncadd.s32 $0xFFFFF000  }
0x42: {  	[hbm4b:s19+s2] =	stream.linear.scatter [tilespmem:s15], [sflag:$0x2], $0x1000, $0x38;
	[tilespmem:$0x2100] =	vst v63  }
0x43: {  	_ =	swait.ge [sflag:s12], $0x1000  }
0x44: {  	s20 =	sadd.s32 $0x20, s20;
	s19 =	sadd.s32 $0x400, s19;
	[sflag:s12] =	ssyncset.done $0x0  }
.LBB2_3:
0x45: {  	[sflag:s12] =	ssyncadd.s32 $0xFFFFF000;
	s18 =	simm.s32 @p0 $0x0;
	s19 =	simm.s32 @p0 $0x2  }
0x46: {  	[tilespmem:s18], [sflag:$0x2] =	stream.linear.gather @p0 [hbm4b:s5+s18], $0x80, $0x38;
	[tilespmem:$0x2100] =	vst v63  }
0x47: {  	_ =	swait.ge @p0 [sflag:s19], $0x80  }
0x48: {  	[sflag:s19] =	ssyncset.done @p0 $0x0  }
0x49: {  	s20 =	simm.s32 @p0 $0x80;
	s21 =	simm.s32 @p0 $0x100;
	[sflag:s19] =	ssyncadd.s32 @p0 $0xFFFFFF80  }
0x4a: {  	[tilespmem:s21], [sflag:$0x2] =	stream.indirect.gather @p0 [hbm4b:s4+s20], $0x20, s18, s20, $0xb8;
	[tilespmem:$0x2100] =	vst v63  }
0x4b: {  	s17 =	sadd.s32 $0x1, s17;
	_ =	swait.ge @p0 [sflag:s19], $0x1000  }
0x4c: {  	p1 =	sne.s32 s17, s9;
	[sflag:s19] =	ssyncset.done @p0 $0x0  }
.Ltmp2:
0x4d: {  	[sflag:s19] =	ssyncadd.s32 @p0 $0xFFFFF000;
	(pc) =	sbr.rel @p1 .LBB2_1-.Ltmp2, $4  }
0x4e: {  	[hbm4b:s6+s18] =	stream.linear.scatter @p0 [tilespmem:s21], [sflag:$0x2], $0x1000, $0x38;
	[tilespmem:$0x2100] =	vst v63  }
0x4f: {  	_ =	swait.ge @p0 [sflag:s19], $0x1000  }
0x50: {  	[sflag:s19] =	ssyncset.done @p0 $0x0  }
0x51: {  	[sflag:s19] =	ssyncadd.s32 @p0 $0xFFFFF000  }
0x52: {  	_ =	sfence.sel $0x180000  }
0x53: {  	[bflag:$0x0] =	sbarrier.arrive $0xFFFF  }
0x54: {  	p0 =	sne.s32 s1, $0x0;
	_ =	strace $0x9000004A  }
0x55: {  	s0 =	sadd.s32 @!p0 $0x100000, s0;
	[bflag:$0x2] =	sbarrier.arrive $0xFFFF  }
0x56: {  	[sflag:s0] =	ssyncadd.tile.s32 @!p0 $0x1;
	_ =	shalt  }
.Lfunc_end2:
_tile_overlayer_lowered:
.L_overlay_start_2:
0x57: {  	(tag) =	ssettag $0x2  }
0x58: {  	s0 =	rddreg [dreg:$0x0];
	s2 =	stileid.u32  }
0x59: {  	s1 =	rddreg [dreg:$0x1];
	p0 =	sne.s32 s2, $0x0  }
0x5a: {  	s3 =	rddreg [dreg:$0x2];
	[bflag:$0x3] =	sbarrier.arrive $0xFFFF;
	s2 =	simm.s32 @!p0 $0x1C02  }
0x5b: {  	[timem:s3], [sflag:s2] =	dma.local @!p0 [hbm:s0], s1  }
0x5c: {  	s0 =	simm.s32 @!p0 $0x2  }
0x5d: {  	_ =	swait.ge @!p0 [sflag:s0], s1  }
0x5e: {  	s1 =	ssub.s32 @!p0 $0x0, s1;
	[sflag:s0] =	ssyncset.done @!p0 $0x0  }
0x5f: {  	[sflag:s0] =	ssyncadd.s32 @!p0 s1  }
0x60: {  	[bflag:$0x3] =	sbarrier.arrive $0xFFFF  }
0x61: {  	_ =	shalt  }

// kernel: kernel.15.cloned.1.call-start
scs
__scs_entry_jumppad:
0x0: {  	(pc) =	sbr.rel $0x88, $3  }
0x1: {  	(tag) =	ssettag $0x0;
	lr =	simm.s32 $0x1  }
0x2: {  	[smem:$0x3F8D] =	sst lr;
	_ =	strace $0xD0000000  }
0x3: {  	_ = 	snop  }
0x4: {  	_ = 	snop  }
0x5: {  	_ = 	snop  }
0x6: {  	_ = 	snop  }
0x7: {  	_ = 	snop  }
__scs_overlays_trampoline_lowered:
0x8: {  	[smem:$0x3F9C] =	sst s0  }
0x9: {  	[smem:$0x3F9D] =	sst s1  }
0xa: {  	[smem:$0x3F9E] =	sst s2  }
0xb: {  	[smem:$0x3F9F] =	sst s3  }
0xc: {  	[smem:$0x3FA0] =	sst s4  }
0xd: {  	[smem:$0x3FA1] =	sst s5  }
0xe: {  	[smem:$0x3FA2] =	sst s6  }
0xf: {  	[smem:$0x3FA3] =	sst s7  }
0x10: {  	[smem:$0x3FA4] =	sst s8  }
0x11: {  	[smem:$0x3FA5] =	sst s9;
	s0 =	simm.s32 @!p0 $0x0  }
0x12: {  	s1 =	sld [smem:$0x3F8B];
	s0 =	simm.s32 @p0 $0x1  }
0x13: {  	[smem:$0x3FA6] =	sst s0;
	s0 =	simm.s32 @!p1 $0x0  }
0x14: {  	s2 =	sld [smem:$0x3F8A];
	s0 =	simm.s32 @p1 $0x1  }
0x15: {  	[smem:$0x3FA7] =	sst s0;
	s0 =	simm.s32 @!p2 $0x0  }
0x16: {  	s3 =	sld [smem:$0x3FDB];
	s0 =	simm.s32 @p2 $0x1  }
0x17: {  	s4 =	simm.s32 $0x1BF5;
	[smem:$0x3FA9] =	sst s0  }
0x18: {  	s0 =	sld [smem:$0x3F8C];
	_ =	swait.ge [sflag:s4], $0x0  }
0x19: {  	s7 =	sld [smem:$0x3F8D]  }
0x1a: {  	s8 =	sadd.s32 $0xFFFFE003, lr  }
0x1b: {  	s9 =	sadd.s32 $0xFFFFFEF7, lr;
	s5 =	simm.s32 $0xFFFFFFFF;
	p2 =	slt.u32 s8, $0xFFFFF086  }
0x1c: {  	p1 =	slt.u32 s9, $0xF7A;
	s5 =	simm.s32 @!p2 $0x0  }
0x1d: {  	s5 =	simm.s32 @p1 $0x1;
	p0 =	seq.s32 s7, s2  }
0x1e: {  	s7 =	smul.u32 @!p0 $0xF7A, s2;
	p2 =	seq.s32 @!p0 s5, $0x0  }
0x1f: {  	s9 =	smul.u32 $0xF7A, s1;
	s8 =	simm.s32 @!p0 $0x1BF5;
	p2 =	por !p2, p0  }
0x20: {  	[sflag:s8] =	ssyncset.s32 @!p0 $0xFFFFF086;
	s6 =	sadd.s32 @!p0 s3, s7;
	s7 =	simm.s32 @!p0 $0x108  }
0x21: {  	s3 =	sadd.s32 s3, s9;
	s6 =	sadd.s32 @!p0 $0x88, s6;
	s7 =	simm.s32 @p2 $0x1082  }
0x22: {  	[simem:s7], [sflag:s8] =	dma.local @!p0 [hbm:s6], $0xF7A  }
0x23: {  	s9 =	sor.u32 $0xD0000000, s2;
	s6 =	simm.s32 $0x108;
	_ =	swait.ge @!p0 [sflag:s8], $0x0  }
0x24: {  	s3 =	sadd.s32 $0x88, s3;
	s6 =	simm.s32 @!p1 $0x1082;
	[sflag:s4] =	ssyncset.s32 $0xFFFFF086  }
0x25: {  	[simem:s6], [sflag:s4] =	dma.local [hbm:s3], $0xF7A  }
0x26: {  	[smem:$0x3F8D] =	sst s1;
	(tag) =	ssettag s2;
	_ =	strace s9  }
0x27: {  	s1 =	sld [smem:$0x3F9D]  }
0x28: {  	s2 =	sld [smem:$0x3F9E]  }
0x29: {  	s4 =	sld [smem:$0x3FA0]  }
0x2a: {  	p0 =	seq.s32 s5, $0x0;
	s5 =	sld [smem:$0x3FA1]  }
0x2b: {  	s6 =	sld [smem:$0x3FA2]  }
0x2c: {  	s7 =	sld [smem:$0x3FA3]  }
0x2d: {  	s3 =	simm.s32 $0x108;
	s8 =	sld [smem:$0x3FA4]  }
0x2e: {  	s3 =	simm.s32 @!p0 $0x1082;
	s9 =	sld [smem:$0x3FA5]  }
0x2f: {  	lr =	sadd.s32 s0, s3;
	s0 =	sld [smem:$0x3F9C]  }
0x30: {  	s3 =	sld [smem:$0x3F9F]  }
0x31: {  	[smem:$0x3FA8] =	sst s10  }
0x32: {  	s10 =	sld [smem:$0x3FA6];
	_ =	sdelay $0x3  }
0x33: {  	p0 =	seq.s32 s10, $0x1;
	s10 =	sld [smem:$0x3FA8];
	_ =	sdelay $0x3  }
0x34: {  	[smem:$0x3FA8] =	sst s10  }
0x35: {  	s10 =	sld [smem:$0x3FA7];
	_ =	sdelay $0x3  }
0x36: {  	p1 =	seq.s32 s10, $0x1;
	s10 =	sld [smem:$0x3FA8];
	_ =	sdelay $0x3  }
0x37: {  	[smem:$0x3FA8] =	sst s10  }
0x38: {  	s10 =	sld [smem:$0x3FA9]  }
0x39: {  	_ = 	snop;
	(pc) =	sbr.ind lr, $3  }
0x3a: {  	_ = 	snop  }
0x3b: {  	_ = 	snop  }
0x3c: {  	p2 =	seq.s32 s10, $0x1;
	s10 =	sld [smem:$0x3FA8]  }
0x3d: {  	_ =	shalt  }
0x3e: {  	_ =	shalt  }
0x3f: {  	_ =	shalt  }
0x40: {  	_ =	shalt  }
0x41: {  	_ =	shalt  }
0x42: {  	_ =	shalt  }
0x43: {  	_ =	shalt  }
0x44: {  	_ =	shalt  }
0x45: {  	_ =	shalt  }
0x46: {  	_ =	shalt  }
0x47: {  	_ =	shalt  }
0x48: {  	_ =	shalt  }
0x49: {  	_ =	shalt  }
0x4a: {  	_ =	shalt  }
0x4b: {  	_ =	shalt  }
0x4c: {  	_ =	shalt  }
0x4d: {  	_ =	shalt  }
0x4e: {  	_ =	shalt  }
0x4f: {  	_ =	shalt  }
0x50: {  	_ =	shalt  }
0x51: {  	_ =	shalt  }
0x52: {  	_ =	shalt  }
0x53: {  	_ =	shalt  }
0x54: {  	_ =	shalt  }
0x55: {  	_ =	shalt  }
0x56: {  	_ =	shalt  }
0x57: {  	_ =	shalt  }
0x58: {  	_ =	shalt  }
0x59: {  	_ =	shalt  }
0x5a: {  	_ =	shalt  }
0x5b: {  	_ =	shalt  }
0x5c: {  	_ =	shalt  }
0x5d: {  	_ =	shalt  }
0x5e: {  	_ =	shalt  }
0x5f: {  	_ =	shalt  }
0x60: {  	_ =	shalt  }
0x61: {  	_ =	shalt  }
0x62: {  	_ =	shalt  }
0x63: {  	_ =	shalt  }
0x64: {  	_ =	shalt  }
0x65: {  	_ =	shalt  }
0x66: {  	_ =	shalt  }
0x67: {  	_ =	shalt  }
0x68: {  	_ =	shalt  }
0x69: {  	_ =	shalt  }
0x6a: {  	_ =	shalt  }
0x6b: {  	_ =	shalt  }
0x6c: {  	_ =	shalt  }
0x6d: {  	_ =	shalt  }
0x6e: {  	_ =	shalt  }
0x6f: {  	_ =	shalt  }
0x70: {  	_ =	shalt  }
0x71: {  	_ =	shalt  }
0x72: {  	_ =	shalt  }
0x73: {  	_ =	shalt  }
0x74: {  	_ =	shalt  }
0x75: {  	_ =	shalt  }
0x76: {  	_ =	shalt  }
0x77: {  	_ =	shalt  }
0x78: {  	_ =	shalt  }
0x79: {  	_ =	shalt  }
0x7a: {  	_ =	shalt  }
0x7b: {  	_ =	shalt  }
0x7c: {  	_ =	shalt  }
0x7d: {  	_ =	shalt  }
0x7e: {  	_ =	shalt  }
0x7f: {  	_ =	shalt  }
0x80: {  	_ =	shalt  }
0x81: {  	_ =	shalt  }
0x82: {  	_ =	shalt  }
0x83: {  	_ =	shalt  }
0x84: {  	_ =	shalt  }
0x85: {  	_ =	shalt  }
0x86: {  	_ =	shalt  }
0x87: {  	_ =	shalt  }
.Lfunc_end0:
.L_simem_size_0:
called_computation.2_lowered:
.L_overlay_start_0:
0x88: {  	s2 =	sld [smem:$0x3FD9]  }
0x89: {  	s3 =	sld [smem:$0x3FFE];
	_ =	sdelay $0x1  }
0x8a: {  	s1 =	srdreg.scid  }
0x8b: {  	s0 =	sand.u32 $0x1, s1  }
0x8c: {  	s14 =	sshll.u32 s0, $0xA;
	s2 =	sadd.s32 s3, s2  }
0x8d: {  	s2 =	sadd.s32 s2, s14  }
0x8e: {  	[smem:$0x3FB4] =	sst s2  }
0x8f: {  	_ = 	snop  }
0x90: {  	s2 =	sld [smem:$0x3FD0];
	_ =	sdelay $0x2  }
0x91: {  	s4 =	simm.s32 $0xA;
	s5 =	simm.s32 $0x10;
	s15 =	sld [smem:$0x3FC8]  }
0x92: {  	[smem:s5], [sflag:s4] =	dma.local [hbm:s2], $0x1  }
0x93: {  	_ =	swait.eq [sflag:s4], $0x1  }
0x94: {  	[sflag:s4] =	ssyncset.done $0x0  }
0x95: {  	[sflag:s4] =	ssyncadd.s32 $0xFFFFFFFF  }
0x96: {  	s16 =	sld [smem:$0x10];
	(tm) =	ssettm $0x1  }
0x97: {  	s17 =	sld [smem:$0x3FFB];
	_ =	sdelay $0x3  }
0x98: {  	_ =	strace s17  }
0x99: {  	s4 =	sld [smem:$0x3FFC];
	_ =	sdelay $0x3  }
0x9a: {  	_ =	strace s4  }
0x9b: {  	s4 =	sld [smem:$0x3FFD];
	_ =	sdelay $0x3  }
0x9c: {  	_ =	strace s4  }
0x9d: {  	_ =	strace $0x8FFFFFFF  }
0x9e: {  	s18 =	sld [smem:$0x3FDB];
	_ =	sdelay $0x1  }
0x9f: {  	s19 =	simm.s32 $_scs_section_size  }
0xa0: {  	s6 =	simm.s32 $_size__tile_overlayer_lowered;
	s7 =	simm.s32 $_tile_overlayer_lowered  }
0xa1: {  	s22 =	simm.s32 $0x1BFF;
	s21 =	sshll.u32 s7, $0x1;
	s4 =	sadd.s32 s19, s18  }
0xa2: {  	s8 =	simm.s32 $0x0;
	s20 =	sshll.u32 s6, $0x1;
	s6 =	sadd.s32 s21, s4  }
0xa3: {  	[timem:s8], [sflag:s22] =	dma.local [hbm:s6], s20  }
0xa4: {  	_ =	swait.ge [sflag:s22], s20  }
0xa5: {  	s5 =	ssub.s32 $0x0, s20;
	[sflag:s22] =	ssyncset.done $0x0  }
0xa6: {  	[sflag:s22] =	ssyncadd.s32 s5;
	_ =	sdelay $0x1  }
0xa7: {  	s23 =	simm.s32 $0x1B8B  }
0xa8: {  	_ =	swait.ge [sflag:s23], $0x1  }
0xa9: {  	[sflag:s23] =	ssyncset.done $0x0  }
0xaa: {  	s25 =	simm.s32 $0x1B8E;
	s24 =	sld [smem:$0x3FFE];
	[sflag:s23] =	ssyncadd.s32 $0xFFFFFFFF  }
0xab: {  	s26 =	simm.s32 $execute0_lowered;
	[smem:$0x3FD2] =	sst s25  }
0xac: {  	s6 =	sshll.u32 s26, $0x1;
	_ =	strace $0x8000004C;
	[dreg:$0x1] =	wrdreg $0xFFFFFFFF  }
0xad: {  	s28 =	simm.s32 $_size_execute0_lowered;
	s4 =	sadd.s32 s4, s6;
	[dreg:$0x0] =	wrdreg $0x0  }
0xae: {  	s6 =	sshll.u32 s28, $0x1;
	[dreg:$0x2] =	wrdreg s4  }
0xaf: {  	[dreg:$0x3] =	wrdreg s6  }
0xb0: {  	[dreg:$0x4] =	wrdreg $0xC0  }
0xb1: {  	_ =	task [dreg:s8], $0x5FFFF  }
0xb2: {  	[dreg:$0x1] =	wrdreg $0xFFFFFFFF  }
0xb3: {  	[dreg:$0x0] =	wrdreg $0x60  }
0xb4: {  	[dreg:$0x2] =	wrdreg s24  }
0xb5: {  	[dreg:$0x3] =	wrdreg s15  }
0xb6: {  	[dreg:$0x4] =	wrdreg s16  }
0xb7: {  	[dreg:$0x5] =	wrdreg $0x0  }
0xb8: {  	[dreg:$0x6] =	wrdreg $0x9  }
0xb9: {  	_ =	task.clear_ibuf [dreg:s8], $0x7FFFF;
	_ =	strace $0x9000004C  }
0xba: {  	s29 =	simm.s32 $0x9;
	_ =	strace $0x8000004E  }
0xbb: {  	_ =	swait.ge [sflag:s29], $0x1  }
0xbc: {  	[sflag:s29] =	ssyncadd.s32 $0xFFFFFFFF  }
0xbd: {  	_ =	strace $0x9000004E  }
0xbe: {  	_ =	sfence  }
0xbf: {  	s30 =	sld [smem:$0x0];
	_ =	sdelay $0x2  }
0xc0: {  	s31 =	sshll.u32 s1, $0xD;
	s1 =	sshrl.u32 s1, $0x2  }
0xc1: {  	s3 =	sand.u32 $0x4000, s31;
	s1 =	sadd.s32 s1, s30  }
0xc2: {  	s0 =	sor.u32 s3, s0;
	s1 =	sshll.u32 s1, $0x11  }
0xc3: {  	s0 =	sor.u32 s1, s0  }
0xc4: {  	s0 =	sadd.s32 $0x8F2B, s0  }
0xc5: {  	[sflag:s0] =	ssyncadd.remote.s32 $0x1  }
0xc6: {  	_ =	sfence.sel $0xFFFF  }
0xc7: {  	[dreg:$0x0] =	wrdreg $0xFFFFFFFF;
	(pc) =	sbr.abs _section_cstart, $3  }
0xc8: {  	[dreg:$0x1] =	wrdreg $0xFFFFFFFF  }
0xc9: {  	_ =	task.clear_ibuf [dreg:s8], $0x2FFFF;
	_ =	strace $0x9FFFFFFF  }
0xca: {  	(tm) =	ssettm $0x7FFFFFFF  }
0xcb: {  	_ =	shalt  }
tec
execute0_lowered:
.L_overlay_start_1:
0x0: {  	(tag) =	ssettag $0x1  }
0x1: {  	s4 =	rddreg [dreg:$0x0]  }
0x2: {  	s11 =	rddreg [dreg:$0x1]  }
0x3: {  	s8 =	rddreg [dreg:$0x2]  }
0x4: {  	s2 =	rddreg [dreg:$0x3];
	s1 =	stileid.u32  }
0x5: {  	s3 =	simm.s32 $0x0;
	s6 =	srdreg.scid;
	s5 =	smul.u32 $0x19000, s1  }
0x6: {  	s20 =	simm.s32 $0x80;
	[smem:$0x7FF] =	sst s3;
	s10 =	smul.u32 $0x186, s1  }
0x7: {  	s6 =	sand.u32 $0x1, s6;
	s12 =	sadd.s32 $0x1BADC00, s4;
	s13 =	smul.u32 $0x3200, s1  }
0x8: {  	s14 =	smin.u32 s1, $0xA;
	s22 =	sshll.u32 s1, $0x6;
	s25 =	smul.u32 $0x30C000, s1  }
0x9: {  	s26 =	smul.u32 $0x1860, s1;
	p0 =	sgt.u32 s1, $0x9;
	_ =	strace $0x8000004D  }
0xa: {  	s9 =	ssub.s32 $0x2, s6;
	s24 =	sshll.u32 s6, $0x5;
	s18 =	sshll.u32 s6, $0x2  }
0xb: {  	s19 =	smul.u32 $0x32000, s6;
	s28 =	sshll.u32 s14, $0xD;
	s7 =	sshrl.u32 s5, $0x3  }
0xc: {  	s21 =	sshrl.u32 s9, $0x1;
	s15 =	sadd.s32 s5, s2;
	s16 =	sadd.s32 s14, s10  }
0xd: {  	s5 =	sor.u32 $0x1C02, s22;
	s18 =	sadd.s32 s12, s18;
	s29 =	sadd.s32 s28, s25  }
0xe: {  	s30 =	sadd.s32 s26, s11;
	s14 =	sshll.u32 s14, $0x4;
	s22 =	simm.s32 $0x1A100  }
0xf: {  	s4 =	sadd.s32 s7, s4;
	s9 =	ssub.s32 s9, s21;
	s23 =	sadd.s32 $0x186, s16  }
0x10: {  	s13 =	sadd.s32 s13, s19;
	s10 =	sadd.s32 s14, s30;
	s16 =	sshll.u32 s16, $0x4  }
0x11: {  	s19 =	simm.s32 $0x19100;
	s21 =	simm.s32 $0x19080;
	s4 =	sadd.s32 $0x1B7BC00, s4  }
0x12: {  	s17 =	sshll.u32 s23, $0x4;
	s7 =	sshll.u32 s23, $0xA;
	s8 =	sadd.s32 s8, s13  }
0x13: {  	s9 =	smax.u32 s9, $0x1;
	s13 =	sor.u32 s24, s29;
	s16 =	sadd.s32 s11, s16  }
0x14: {  	s23 =	simm.s32 $0x1;
	s24 =	simm.s32 $0x0;
	s6 =	sadd.s32 s11, s17  }
0x15: {  	s7 =	sadd.s32 s7, s18;
	s31 =	sadd.s32 $0x2000, s13;
	s13 =	sshrl.u32 s13, $0x3  }
0x16: {  	s17 =	simm.s32 $0x20;
	s18 =	simm.s32 $0x40;
	s14 =	sshrl.u32 s31, $0x3  }
0x17: {  	s11 =	sadd.s32 s13, s12;
	s13 =	sadd.s32 $0x10, s16;
	s16 =	simm.s32 $0x19000  }
0x18: {  	s12 =	sadd.s32 s14, s12;
	s14 =	sshrl.u32 s15, $0x3;
	s15 =	simm.s32 $0x2  }
.LBB2_1:
0x19: {  	[spmem:s14], [sflag:s5] =	dma.local [hbm:s4], $0x3200  }
0x1a: {  	_ =	swait.ge [sflag:s15], $0x3200  }
0x1b: {  	[sflag:s15] =	ssyncset.done $0x0  }
0x1c: {  	[sflag:s15] =	ssyncadd.s32 $0xFFFFCE00  }
0x1d: {  	s25 =	sadd.s32 $0x0, s10;
	[bflag:$0x0] =	sbarrier.arrive $0xFFFF  }
0x1e: {  	[tilespmem:s16], [sflag:$0x2] =	stream.linear.gather [hbm4b:s25+s3], $0x80, $0x38;
	[tilespmem:$0x1B100] =	vst v63  }
0x1f: {  	_ =	swait.ge [sflag:s15], $0x80  }
0x20: {  	[sflag:s15] =	ssyncset.done $0x0  }
0x21: {  	[sflag:s15] =	ssyncadd.s32 $0xFFFFFF80  }
0x22: {  	[tilespmem:s19], [sflag:$0x2] =	stream.strided.gather [hbm4b:s11+s17], $0x1000, s18, s17, $0x38;
	[tilespmem:$0x1B100] =	vst v63  }
0x23: {  	_ =	swait.ge [sflag:s15], $0x1000  }
0x24: {  	[sflag:s15] =	ssyncset.done $0x0  }
0x25: {  	[sflag:s15] =	ssyncadd.s32 $0xFFFFF000  }
0x26: {  	[spmem:s2] =	stream.indirect.scatter.add.f32 [tilespmem:s19], [sflag:$0x1], $0x20, s16, s20, $0xb8;
	[tilespmem:$0x1B100] =	vst v63  }
0x27: {  	s31 =	sadd.s32 $0x0, s13  }
0x28: {  	[tilespmem:s21], [sflag:$0x2] =	stream.linear.gather [hbm4b:s31+s3], $0x80, $0x38;
	[tilespmem:$0x1B100] =	vst v63  }
0x29: {  	_ =	swait.ge [sflag:s15], $0x80  }
0x2a: {  	[sflag:s15] =	ssyncset.done $0x0  }
0x2b: {  	[sflag:s15] =	ssyncadd.s32 $0xFFFFFF80  }
0x2c: {  	[tilespmem:s22], [sflag:$0x2] =	stream.strided.gather [hbm4b:s12+s17], $0x1000, s18, s17, $0x38;
	[tilespmem:$0x1B100] =	vst v63  }
0x2d: {  	_ =	swait.ge [sflag:s15], $0x1000  }
0x2e: {  	[sflag:s15] =	ssyncset.done $0x0  }
0x2f: {  	[sflag:s15] =	ssyncadd.s32 $0xFFFFF000  }
0x30: {  	[spmem:s2] =	stream.indirect.scatter.add.f32 [tilespmem:s22], [sflag:$0x1], $0x20, s21, s20, $0xb8;
	[tilespmem:$0x1B100] =	vst v63  }
0x31: {  	_ =	swait.ge [sflag:s23], $0x1000  }
0x32: {  	[sflag:s23] =	ssyncset.done $0x0  }
0x33: {  	[sflag:s23] =	ssyncadd.s32 $0xFFFFF000  }
0x34: {  	s26 =	simm.s32 $0x20;
	s29 =	simm.s32 $0x40;
	_ =	swait.ge [sflag:s23], $0x1000  }
0x35: {  	s28 =	sadd.s32 $0x800, s11;
	s25 =	sadd.s32 $0x800, s12;
	[sflag:s23] =	ssyncset.done $0x0  }
.LBB2_2:
0x36: {  	s30 =	sadd.s32 s26, s10  }
0x37: {  	[sflag:s23] =	ssyncadd.s32 $0xFFFFF000;
	s31 =	smov.u32 s29;
	s0 =	sadd.s32 $0x20, s29  }
0x38: {  	[tilespmem:s16], [sflag:$0x2] =	stream.linear.gather [hbm4b:s30+s3], $0x80, $0x38;
	[tilespmem:$0x1B100] =	vst v63  }
0x39: {  	p1 =	seq.s32 s29, $0x1840;
	_ =	swait.ge [sflag:s15], $0x80  }
0x3a: {  	[sflag:s15] =	ssyncset.done $0x0  }
0x3b: {  	[sflag:s15] =	ssyncadd.s32 $0xFFFFFF80  }
0x3c: {  	[tilespmem:s19], [sflag:$0x2] =	stream.strided.gather [hbm4b:s28+s17], $0x1000, s18, s17, $0x38;
	[tilespmem:$0x1B100] =	vst v63  }
0x3d: {  	_ =	swait.ge [sflag:s15], $0x1000  }
0x3e: {  	[sflag:s15] =	ssyncset.done $0x0  }
0x3f: {  	[sflag:s15] =	ssyncadd.s32 $0xFFFFF000  }
0x40: {  	[spmem:s2] =	stream.indirect.scatter.add.f32 [tilespmem:s19], [sflag:$0x1], $0x20, s16, s20, $0xb8;
	[tilespmem:$0x1B100] =	vst v63  }
0x41: {  	s29 =	sadd.s32 s26, s13;
	s26 =	smov.u32 s31  }
0x42: {  	[tilespmem:s21], [sflag:$0x2] =	stream.linear.gather [hbm4b:s29+s3], $0x80, $0x38;
	[tilespmem:$0x1B100] =	vst v63  }
0x43: {  	_ =	swait.ge [sflag:s15], $0x80  }
0x44: {  	[sflag:s15] =	ssyncset.done $0x0  }
0x45: {  	[sflag:s15] =	ssyncadd.s32 $0xFFFFFF80  }
0x46: {  	[tilespmem:s22], [sflag:$0x2] =	stream.strided.gather [hbm4b:s25+s17], $0x1000, s18, s17, $0x38;
	[tilespmem:$0x1B100] =	vst v63  }
0x47: {  	_ =	swait.ge [sflag:s15], $0x1000  }
0x48: {  	[sflag:s15] =	ssyncset.done $0x0  }
0x49: {  	[sflag:s15] =	ssyncadd.s32 $0xFFFFF000  }
0x4a: {  	[spmem:s2] =	stream.indirect.scatter.add.f32 [tilespmem:s22], [sflag:$0x1], $0x20, s21, s20, $0xb8;
	[tilespmem:$0x1B100] =	vst v63  }
.Ltmp0:
0x4b: {  	_ =	swait.ge [sflag:s23], $0x1000;
	(pc) =	sbr.rel @!p1 .LBB2_2-.Ltmp0, $4  }
0x4c: {  	[sflag:s23] =	ssyncset.done $0x0  }
0x4d: {  	[sflag:s23] =	ssyncadd.s32 $0xFFFFF000  }
0x4e: {  	s28 =	sadd.s32 $0x800, s28;
	_ =	swait.ge [sflag:s23], $0x1000  }
0x4f: {  	s29 =	smov.u32 s0;
	s25 =	sadd.s32 $0x800, s25;
	[sflag:s23] =	ssyncset.done $0x0  }
0x50: {  	s0 =	sadd.s32 s26, s10;
	[sflag:s23] =	ssyncadd.s32 $0xFFFFF000  }
0x51: {  	[tilespmem:s16], [sflag:$0x2] =	stream.linear.gather [hbm4b:s0+s3], $0x80, $0x38;
	[tilespmem:$0x1B100] =	vst v63  }
0x52: {  	_ =	swait.ge [sflag:s15], $0x80  }
0x53: {  	[sflag:s15] =	ssyncset.done $0x0  }
0x54: {  	[sflag:s15] =	ssyncadd.s32 $0xFFFFFF80  }
0x55: {  	[tilespmem:s19], [sflag:$0x2] =	stream.strided.gather [hbm4b:s28+s17], $0x1000, s18, s17, $0x38;
	[tilespmem:$0x1B100] =	vst v63  }
0x56: {  	_ =	swait.ge [sflag:s15], $0x1000  }
0x57: {  	[sflag:s15] =	ssyncset.done $0x0  }
0x58: {  	[sflag:s15] =	ssyncadd.s32 $0xFFFFF000  }
0x59: {  	[spmem:s2] =	stream.indirect.scatter.add.f32 [tilespmem:s19], [sflag:$0x1], $0x20, s16, s20, $0xb8;
	[tilespmem:$0x1B100] =	vst v63  }
0x5a: {  	s31 =	sadd.s32 s26, s13  }
0x5b: {  	[tilespmem:s21], [sflag:$0x2] =	stream.linear.gather [hbm4b:s31+s3], $0x80, $0x38;
	[tilespmem:$0x1B100] =	vst v63  }
0x5c: {  	_ =	swait.ge [sflag:s15], $0x80  }
0x5d: {  	[sflag:s15] =	ssyncset.done $0x0  }
0x5e: {  	[sflag:s15] =	ssyncadd.s32 $0xFFFFFF80  }
0x5f: {  	[tilespmem:s22], [sflag:$0x2] =	stream.strided.gather [hbm4b:s25+s17], $0x1000, s18, s17, $0x38;
	[tilespmem:$0x1B100] =	vst v63  }
0x60: {  	_ =	swait.ge [sflag:s15], $0x1000  }
0x61: {  	[sflag:s15] =	ssyncset.done $0x0  }
0x62: {  	[sflag:s15] =	ssyncadd.s32 $0xFFFFF000  }
0x63: {  	[spmem:s2] =	stream.indirect.scatter.add.f32 [tilespmem:s22], [sflag:$0x1], $0x20, s21, s20, $0xb8;
	[tilespmem:$0x1B100] =	vst v63  }
0x64: {  	_ =	swait.ge [sflag:s23], $0x1000  }
0x65: {  	[sflag:s23] =	ssyncset.done $0x0  }
0x66: {  	[sflag:s23] =	ssyncadd.s32 $0xFFFFF000  }
0x67: {  	_ =	swait.ge [sflag:s23], $0x1000  }
0x68: {  	[sflag:s23] =	ssyncset.done $0x0  }
0x69: {  	s26 =	simm.s32 @!p0 $0x19000;
	s25 =	simm.s32 @!p0 $0x0;
	[sflag:s23] =	ssyncadd.s32 $0xFFFFF000  }
0x6a: {  	[tilespmem:s26], [sflag:$0x2] =	stream.linear.gather @!p0 [hbm4b:s6+s25], $0x80, $0x38;
	[tilespmem:$0x1B100] =	vst v63  }
0x6b: {  	s25 =	simm.s32 @!p0 $0x2  }
0x6c: {  	_ =	swait.ge @!p0 [sflag:s25], $0x80  }
0x6d: {  	s29 =	simm.s32 @!p0 $0x40;
	[sflag:s25] =	ssyncset.done @!p0 $0x0  }
0x6e: {  	s30 =	simm.s32 @!p0 $0x19100;
	s28 =	simm.s32 @!p0 $0x20;
	[sflag:s25] =	ssyncadd.s32 @!p0 $0xFFFFFF80  }
0x6f: {  	[tilespmem:s30], [sflag:$0x2] =	stream.strided.gather @!p0 [hbm4b:s7+s28], $0x1000, s29, s28, $0x38;
	[tilespmem:$0x1B100] =	vst v63  }
0x70: {  	_ =	swait.ge @!p0 [sflag:s25], $0x1000  }
0x71: {  	[sflag:s25] =	ssyncset.done @!p0 $0x0  }
0x72: {  	s28 =	simm.s32 @!p0 $0x80;
	[sflag:s25] =	ssyncadd.s32 @!p0 $0xFFFFF000  }
0x73: {  	[spmem:s2] =	stream.indirect.scatter.add.f32 @!p0 [tilespmem:s30], [sflag:$0x2], $0x20, s26, s28, $0xb8;
	[tilespmem:$0x1B100] =	vst v63  }
0x74: {  	_ =	swait.ge @!p0 [sflag:s25], $0x1000  }
0x75: {  	s24 =	sadd.s32 $0x1, s24;
	[sflag:s25] =	ssyncset.done @!p0 $0x0  }
0x76: {  	p1 =	sne.s32 s24, s9;
	[sflag:s25] =	ssyncadd.s32 @!p0 $0xFFFFF000  }
.Ltmp1:
0x77: {  	[bflag:$0x0] =	sbarrier.arrive $0xFFFF;
	(pc) =	sbr.rel @p1 .LBB2_1-.Ltmp1, $4  }
0x78: {  	[hbm:s8], [sflag:s5] =	dma.local [spmem:s14], $0x3200  }
0x79: {  	_ =	swait.ge [sflag:s15], $0x3200  }
0x7a: {  	[sflag:s15] =	ssyncset.done $0x0  }
0x7b: {  	[sflag:s15] =	ssyncadd.s32 $0xFFFFCE00  }
0x7c: {  	_ =	sfence.sel $0x180000  }
0x7d: {  	[bflag:$0x0] =	sbarrier.arrive $0xFFFF  }
0x7e: {  	_ =	strace $0x9000004D  }
0x7f: {  	[bflag:$0x2] =	sbarrier.arrive $0xFFFF  }
0x80: {  	p0 =	sne.s32 s1, $0x0;
	s0 =	rddreg [dreg:$0x4]  }
0x81: {  	s0 =	sadd.s32 @!p0 $0x100000, s0  }
0x82: {  	[sflag:s0] =	ssyncadd.tile.s32 @!p0 $0x1;
	_ =	shalt  }
.Lfunc_end2:
_tile_overlayer_lowered:
.L_overlay_start_2:
0x83: {  	(tag) =	ssettag $0x2  }
0x84: {  	s0 =	rddreg [dreg:$0x0];
	s2 =	stileid.u32  }
0x85: {  	s1 =	rddreg [dreg:$0x1];
	p0 =	sne.s32 s2, $0x0  }
0x86: {  	s3 =	rddreg [dreg:$0x2];
	[bflag:$0x3] =	sbarrier.arrive $0xFFFF;
	s2 =	simm.s32 @!p0 $0x1C02  }
0x87: {  	[timem:s3], [sflag:s2] =	dma.local @!p0 [hbm:s0], s1  }
0x88: {  	s0 =	simm.s32 @!p0 $0x2  }
0x89: {  	_ =	swait.ge @!p0 [sflag:s0], s1  }
0x8a: {  	s1 =	ssub.s32 @!p0 $0x0, s1;
	[sflag:s0] =	ssyncset.done @!p0 $0x0  }
0x8b: {  	[sflag:s0] =	ssyncadd.s32 @!p0 s1  }
0x8c: {  	[bflag:$0x3] =	sbarrier.arrive $0xFFFF  }
0x8d: {  	_ =	shalt  }

// kernel: kernel.18.cloned.1.call-start
scs
__scs_entry_jumppad:
0x0: {  	(pc) =	sbr.rel $0x88, $3  }
0x1: {  	(tag) =	ssettag $0x0;
	lr =	simm.s32 $0x1  }
0x2: {  	[smem:$0x3F8D] =	sst lr;
	_ =	strace $0xD0000000  }
0x3: {  	_ = 	snop  }
0x4: {  	_ = 	snop  }
0x5: {  	_ = 	snop  }
0x6: {  	_ = 	snop  }
0x7: {  	_ = 	snop  }
__scs_overlays_trampoline_lowered:
0x8: {  	[smem:$0x3F9C] =	sst s0  }
0x9: {  	[smem:$0x3F9D] =	sst s1  }
0xa: {  	[smem:$0x3F9E] =	sst s2  }
0xb: {  	[smem:$0x3F9F] =	sst s3  }
0xc: {  	[smem:$0x3FA0] =	sst s4  }
0xd: {  	[smem:$0x3FA1] =	sst s5  }
0xe: {  	[smem:$0x3FA2] =	sst s6  }
0xf: {  	[smem:$0x3FA3] =	sst s7  }
0x10: {  	[smem:$0x3FA4] =	sst s8  }
0x11: {  	[smem:$0x3FA5] =	sst s9;
	s0 =	simm.s32 @!p0 $0x0  }
0x12: {  	s1 =	sld [smem:$0x3F8B];
	s0 =	simm.s32 @p0 $0x1  }
0x13: {  	[smem:$0x3FA6] =	sst s0;
	s0 =	simm.s32 @!p1 $0x0  }
0x14: {  	s2 =	sld [smem:$0x3F8A];
	s0 =	simm.s32 @p1 $0x1  }
0x15: {  	[smem:$0x3FA7] =	sst s0;
	s0 =	simm.s32 @!p2 $0x0  }
0x16: {  	s3 =	sld [smem:$0x3FDB];
	s0 =	simm.s32 @p2 $0x1  }
0x17: {  	s4 =	simm.s32 $0x1BF5;
	[smem:$0x3FA9] =	sst s0  }
0x18: {  	s0 =	sld [smem:$0x3F8C];
	_ =	swait.ge [sflag:s4], $0x0  }
0x19: {  	s7 =	sld [smem:$0x3F8D]  }
0x1a: {  	s8 =	sadd.s32 $0xFFFFE003, lr  }
0x1b: {  	s9 =	sadd.s32 $0xFFFFFEF7, lr;
	s5 =	simm.s32 $0xFFFFFFFF;
	p2 =	slt.u32 s8, $0xFFFFF086  }
0x1c: {  	p1 =	slt.u32 s9, $0xF7A;
	s5 =	simm.s32 @!p2 $0x0  }
0x1d: {  	s5 =	simm.s32 @p1 $0x1;
	p0 =	seq.s32 s7, s2  }
0x1e: {  	s7 =	smul.u32 @!p0 $0xF7A, s2;
	p2 =	seq.s32 @!p0 s5, $0x0  }
0x1f: {  	s9 =	smul.u32 $0xF7A, s1;
	s8 =	simm.s32 @!p0 $0x1BF5;
	p2 =	por !p2, p0  }
0x20: {  	[sflag:s8] =	ssyncset.s32 @!p0 $0xFFFFF086;
	s6 =	sadd.s32 @!p0 s3, s7;
	s7 =	simm.s32 @!p0 $0x108  }
0x21: {  	s3 =	sadd.s32 s3, s9;
	s6 =	sadd.s32 @!p0 $0x88, s6;
	s7 =	simm.s32 @p2 $0x1082  }
0x22: {  	[simem:s7], [sflag:s8] =	dma.local @!p0 [hbm:s6], $0xF7A  }
0x23: {  	s9 =	sor.u32 $0xD0000000, s2;
	s6 =	simm.s32 $0x108;
	_ =	swait.ge @!p0 [sflag:s8], $0x0  }
0x24: {  	s3 =	sadd.s32 $0x88, s3;
	s6 =	simm.s32 @!p1 $0x1082;
	[sflag:s4] =	ssyncset.s32 $0xFFFFF086  }
0x25: {  	[simem:s6], [sflag:s4] =	dma.local [hbm:s3], $0xF7A  }
0x26: {  	[smem:$0x3F8D] =	sst s1;
	(tag) =	ssettag s2;
	_ =	strace s9  }
0x27: {  	s1 =	sld [smem:$0x3F9D]  }
0x28: {  	s2 =	sld [smem:$0x3F9E]  }
0x29: {  	s4 =	sld [smem:$0x3FA0]  }
0x2a: {  	p0 =	seq.s32 s5, $0x0;
	s5 =	sld [smem:$0x3FA1]  }
0x2b: {  	s6 =	sld [smem:$0x3FA2]  }
0x2c: {  	s7 =	sld [smem:$0x3FA3]  }
0x2d: {  	s3 =	simm.s32 $0x108;
	s8 =	sld [smem:$0x3FA4]  }
0x2e: {  	s3 =	simm.s32 @!p0 $0x1082;
	s9 =	sld [smem:$0x3FA5]  }
0x2f: {  	lr =	sadd.s32 s0, s3;
	s0 =	sld [smem:$0x3F9C]  }
0x30: {  	s3 =	sld [smem:$0x3F9F]  }
0x31: {  	[smem:$0x3FA8] =	sst s10  }
0x32: {  	s10 =	sld [smem:$0x3FA6];
	_ =	sdelay $0x3  }
0x33: {  	p0 =	seq.s32 s10, $0x1;
	s10 =	sld [smem:$0x3FA8];
	_ =	sdelay $0x3  }
0x34: {  	[smem:$0x3FA8] =	sst s10  }
0x35: {  	s10 =	sld [smem:$0x3FA7];
	_ =	sdelay $0x3  }
0x36: {  	p1 =	seq.s32 s10, $0x1;
	s10 =	sld [smem:$0x3FA8];
	_ =	sdelay $0x3  }
0x37: {  	[smem:$0x3FA8] =	sst s10  }
0x38: {  	s10 =	sld [smem:$0x3FA9]  }
0x39: {  	_ = 	snop;
	(pc) =	sbr.ind lr, $3  }
0x3a: {  	_ = 	snop  }
0x3b: {  	_ = 	snop  }
0x3c: {  	p2 =	seq.s32 s10, $0x1;
	s10 =	sld [smem:$0x3FA8]  }
0x3d: {  	_ =	shalt  }
0x3e: {  	_ =	shalt  }
0x3f: {  	_ =	shalt  }
0x40: {  	_ =	shalt  }
0x41: {  	_ =	shalt  }
0x42: {  	_ =	shalt  }
0x43: {  	_ =	shalt  }
0x44: {  	_ =	shalt  }
0x45: {  	_ =	shalt  }
0x46: {  	_ =	shalt  }
0x47: {  	_ =	shalt  }
0x48: {  	_ =	shalt  }
0x49: {  	_ =	shalt  }
0x4a: {  	_ =	shalt  }
0x4b: {  	_ =	shalt  }
0x4c: {  	_ =	shalt  }
0x4d: {  	_ =	shalt  }
0x4e: {  	_ =	shalt  }
0x4f: {  	_ =	shalt  }
0x50: {  	_ =	shalt  }
0x51: {  	_ =	shalt  }
0x52: {  	_ =	shalt  }
0x53: {  	_ =	shalt  }
0x54: {  	_ =	shalt  }
0x55: {  	_ =	shalt  }
0x56: {  	_ =	shalt  }
0x57: {  	_ =	shalt  }
0x58: {  	_ =	shalt  }
0x59: {  	_ =	shalt  }
0x5a: {  	_ =	shalt  }
0x5b: {  	_ =	shalt  }
0x5c: {  	_ =	shalt  }
0x5d: {  	_ =	shalt  }
0x5e: {  	_ =	shalt  }
0x5f: {  	_ =	shalt  }
0x60: {  	_ =	shalt  }
0x61: {  	_ =	shalt  }
0x62: {  	_ =	shalt  }
0x63: {  	_ =	shalt  }
0x64: {  	_ =	shalt  }
0x65: {  	_ =	shalt  }
0x66: {  	_ =	shalt  }
0x67: {  	_ =	shalt  }
0x68: {  	_ =	shalt  }
0x69: {  	_ =	shalt  }
0x6a: {  	_ =	shalt  }
0x6b: {  	_ =	shalt  }
0x6c: {  	_ =	shalt  }
0x6d: {  	_ =	shalt  }
0x6e: {  	_ =	shalt  }
0x6f: {  	_ =	shalt  }
0x70: {  	_ =	shalt  }
0x71: {  	_ =	shalt  }
0x72: {  	_ =	shalt  }
0x73: {  	_ =	shalt  }
0x74: {  	_ =	shalt  }
0x75: {  	_ =	shalt  }
0x76: {  	_ =	shalt  }
0x77: {  	_ =	shalt  }
0x78: {  	_ =	shalt  }
0x79: {  	_ =	shalt  }
0x7a: {  	_ =	shalt  }
0x7b: {  	_ =	shalt  }
0x7c: {  	_ =	shalt  }
0x7d: {  	_ =	shalt  }
0x7e: {  	_ =	shalt  }
0x7f: {  	_ =	shalt  }
0x80: {  	_ =	shalt  }
0x81: {  	_ =	shalt  }
0x82: {  	_ =	shalt  }
0x83: {  	_ =	shalt  }
0x84: {  	_ =	shalt  }
0x85: {  	_ =	shalt  }
0x86: {  	_ =	shalt  }
0x87: {  	_ =	shalt  }
.Lfunc_end0:
.L_simem_size_0:
called_computation.3_lowered:
.L_overlay_start_0:
0x88: {  	s2 =	sld [smem:$0x3FD9]  }
0x89: {  	s3 =	sld [smem:$0x3FFE];
	_ =	sdelay $0x1  }
0x8a: {  	s1 =	srdreg.scid  }
0x8b: {  	s0 =	sand.u32 $0x1, s1  }
0x8c: {  	s14 =	sshll.u32 s0, $0xA;
	s2 =	sadd.s32 s3, s2  }
0x8d: {  	s2 =	sadd.s32 s2, s14  }
0x8e: {  	[smem:$0x3FB4] =	sst s2  }
0x8f: {  	_ = 	snop  }
0x90: {  	s2 =	sld [smem:$0x3FD0];
	_ =	sdelay $0x2  }
0x91: {  	s4 =	simm.s32 $0xA;
	s5 =	simm.s32 $0x10;
	s15 =	sld [smem:$0x3FC8]  }
0x92: {  	[smem:s5], [sflag:s4] =	dma.local [hbm:s2], $0x1  }
0x93: {  	_ =	swait.eq [sflag:s4], $0x1  }
0x94: {  	[sflag:s4] =	ssyncset.done $0x0  }
0x95: {  	[sflag:s4] =	ssyncadd.s32 $0xFFFFFFFF  }
0x96: {  	s16 =	sld [smem:$0x10];
	(tm) =	ssettm $0x1  }
0x97: {  	s17 =	sld [smem:$0x3FFB];
	_ =	sdelay $0x3  }
0x98: {  	_ =	strace s17  }
0x99: {  	s4 =	sld [smem:$0x3FFC];
	_ =	sdelay $0x3  }
0x9a: {  	_ =	strace s4  }
0x9b: {  	s4 =	sld [smem:$0x3FFD];
	_ =	sdelay $0x3  }
0x9c: {  	_ =	strace s4  }
0x9d: {  	_ =	strace $0x8FFFFFFF  }
0x9e: {  	s18 =	sld [smem:$0x3FDB];
	_ =	sdelay $0x1  }
0x9f: {  	s19 =	simm.s32 $_scs_section_size  }
0xa0: {  	s6 =	simm.s32 $_size__tile_overlayer_lowered;
	s7 =	simm.s32 $_tile_overlayer_lowered  }
0xa1: {  	s22 =	simm.s32 $0x1BFF;
	s21 =	sshll.u32 s7, $0x1;
	s4 =	sadd.s32 s19, s18  }
0xa2: {  	s8 =	simm.s32 $0x0;
	s20 =	sshll.u32 s6, $0x1;
	s6 =	sadd.s32 s21, s4  }
0xa3: {  	[timem:s8], [sflag:s22] =	dma.local [hbm:s6], s20  }
0xa4: {  	_ =	swait.ge [sflag:s22], s20  }
0xa5: {  	s5 =	ssub.s32 $0x0, s20;
	[sflag:s22] =	ssyncset.done $0x0  }
0xa6: {  	[sflag:s22] =	ssyncadd.s32 s5;
	_ =	sdelay $0x1  }
0xa7: {  	s23 =	simm.s32 $0x1B8B  }
0xa8: {  	_ =	swait.ge [sflag:s23], $0x1  }
0xa9: {  	[sflag:s23] =	ssyncset.done $0x0  }
0xaa: {  	s25 =	simm.s32 $0x1B8E;
	s24 =	sld [smem:$0x3FFE];
	[sflag:s23] =	ssyncadd.s32 $0xFFFFFFFF  }
0xab: {  	s26 =	simm.s32 $execute0_lowered;
	[smem:$0x3FD2] =	sst s25  }
0xac: {  	s6 =	sshll.u32 s26, $0x1;
	_ =	strace $0x8000004F;
	[dreg:$0x1] =	wrdreg $0xFFFFFFFF  }
0xad: {  	s28 =	simm.s32 $_size_execute0_lowered;
	s4 =	sadd.s32 s4, s6;
	[dreg:$0x0] =	wrdreg $0x0  }
0xae: {  	s6 =	sshll.u32 s28, $0x1;
	[dreg:$0x2] =	wrdreg s4  }
0xaf: {  	[dreg:$0x3] =	wrdreg s6  }
0xb0: {  	[dreg:$0x4] =	wrdreg $0xC0  }
0xb1: {  	_ =	task [dreg:s8], $0x5FFFF  }
0xb2: {  	[dreg:$0x1] =	wrdreg $0xFFFFFFFF  }
0xb3: {  	[dreg:$0x0] =	wrdreg $0x60  }
0xb4: {  	[dreg:$0x2] =	wrdreg s16  }
0xb5: {  	[dreg:$0x3] =	wrdreg s15  }
0xb6: {  	[dreg:$0x4] =	wrdreg s24  }
0xb7: {  	[dreg:$0x5] =	wrdreg $0x9  }
0xb8: {  	_ =	task.clear_ibuf [dreg:s8], $0x6FFFF;
	_ =	strace $0x9000004F  }
0xb9: {  	s29 =	simm.s32 $0x9;
	_ =	strace $0x80000051  }
0xba: {  	_ =	swait.ge [sflag:s29], $0x1  }
0xbb: {  	[sflag:s29] =	ssyncadd.s32 $0xFFFFFFFF  }
0xbc: {  	_ =	strace $0x90000051  }
0xbd: {  	_ =	sfence  }
0xbe: {  	s30 =	sld [smem:$0x0];
	_ =	sdelay $0x2  }
0xbf: {  	s31 =	sshll.u32 s1, $0xD;
	s1 =	sshrl.u32 s1, $0x2  }
0xc0: {  	s3 =	sand.u32 $0x4000, s31;
	s1 =	sadd.s32 s1, s30  }
0xc1: {  	s0 =	sor.u32 s3, s0;
	s1 =	sshll.u32 s1, $0x11  }
0xc2: {  	s0 =	sor.u32 s1, s0  }
0xc3: {  	s0 =	sadd.s32 $0x8F2B, s0  }
0xc4: {  	[sflag:s0] =	ssyncadd.remote.s32 $0x1  }
0xc5: {  	_ =	sfence.sel $0xFFFF  }
0xc6: {  	[dreg:$0x0] =	wrdreg $0xFFFFFFFF;
	(pc) =	sbr.abs _section_cstart, $3  }
0xc7: {  	[dreg:$0x1] =	wrdreg $0xFFFFFFFF  }
0xc8: {  	_ =	task.clear_ibuf [dreg:s8], $0x2FFFF;
	_ =	strace $0x9FFFFFFF  }
0xc9: {  	(tm) =	ssettm $0x7FFFFFFF  }
tec
execute0_lowered:
.L_overlay_start_1:
0x0: {  	(tag) =	ssettag $0x1  }
0x1: {  	s1 =	rddreg [dreg:$0x0]  }
0x2: {  	s11 =	rddreg [dreg:$0x1]  }
0x3: {  	s4 =	rddreg [dreg:$0x2]  }
0x4: {  	s0 =	rddreg [dreg:$0x3];
	s3 =	simm.s32 $0x0  }
0x5: {  	s5 =	srdreg.scid;
	s2 =	stileid.u32;
	s9 =	simm.s32 $0xC4  }
0x6: {  	s16 =	simm.s32 $0x100;
	s17 =	simm.s32 $0x1100;
	s18 =	simm.s32 $0x2100  }
0x7: {  	s19 =	simm.s32 $0x3100;
	s20 =	simm.s32 $0x1;
	s21 =	simm.s32 $0x20  }
0x8: {  	s22 =	simm.s32 $0x40;
	s23 =	simm.s32 $0x0;
	[smem:$0x7FF] =	sst s3  }
0x9: {  	s5 =	sand.u32 $0x1, s5;
	s6 =	sshll.u32 s2, $0x1;
	s10 =	sadd.s32 $0x4800, s4  }
0xa: {  	p0 =	slt.u32 s2, $0x5;
	s4 =	sadd.s32 $0x32000, s1;
	s29 =	smul.u32 $0x186, s2  }
0xb: {  	_ =	strace $0x80000050;
	s6 =	sor.u32 s5, s6;
	s15 =	smul.u32 $0xC3, s5  }
0xc: {  	s26 =	ssub.s32 $0x2, s5;
	s9 =	simm.s32 @!p0 $0xC3;
	s7 =	smul.u32 $0xC3, s6  }
0xd: {  	s8 =	sshrl.u32 s26, $0x1;
	s12 =	smin.u32 s6, $0xA;
	s28 =	sand.u32 $0xC6, s9  }
0xe: {  	s13 =	sand.u32 $0x1, s9;
	s9 =	sshll.u32 s9, $0xA;
	s8 =	ssub.s32 s26, s8  }
0xf: {  	p0 =	seq.s32 s13, $0x1;
	s31 =	sadd.s32 s15, s29;
	s9 =	sand.u32 $0x31800, s9  }
0x10: {  	s15 =	simm.s32 $0x80;
	s6 =	sadd.s32 s12, s7;
	s12 =	sadd.s32 s12, s31  }
0x11: {  	s8 =	smax.u32 s8, $0x1;
	s6 =	sadd.s32 s28, s6;
	s13 =	sshll.u32 s12, $0xA  }
0x12: {  	s12 =	sshll.u32 s12, $0x4;
	s14 =	sshll.u32 s6, $0x4;
	s6 =	sshll.u32 s6, $0xA  }
0x13: {  	s30 =	sand.u32 $0x1FFFFFF0, s14;
	s6 =	sadd.s32 s10, s6;
	s10 =	sadd.s32 s13, s10  }
0x14: {  	s14 =	simm.s32 $0x2;
	s5 =	sadd.s32 s11, s30;
	s11 =	sadd.s32 s12, s11  }
0x15: {  	s7 =	sadd.s32 $0x4, s6;
	s12 =	sadd.s32 $0x400, s10;
	s13 =	sadd.s32 $0x10, s11  }
.LBB2_1:
0x16: {  	[tilespmem:s3], [sflag:$0x2] =	stream.linear.gather [hbm4b:s11+s3], $0x80, $0x38;
	[tilespmem:$0x4100] =	vst v63  }
0x17: {  	_ =	swait.ge [sflag:s14], $0x80  }
0x18: {  	[sflag:s14] =	ssyncset.done $0x0  }
0x19: {  	[sflag:s14] =	ssyncadd.s32 $0xFFFFFF80  }
0x1a: {  	[tilespmem:s16], [sflag:$0x1] =	stream.indirect.gather [hbm4b:s1+s15], $0x20, s3, s15, $0xb8;
	[tilespmem:$0x4100] =	vst v63  }
0x1b: {  	_ = 	snop  }
0x1c: {  	[tilespmem:s17], [sflag:$0x1] =	stream.indirect.gather [hbm4b:s4+s15], $0x20, s3, s15, $0xb8;
	[tilespmem:$0x4100] =	vst v63  }
0x1d: {  	_ = 	snop  }
0x1e: {  	[tilespmem:s15], [sflag:$0x2] =	stream.linear.gather [hbm4b:s13+s3], $0x80, $0x38;
	[tilespmem:$0x4100] =	vst v63  }
0x1f: {  	_ =	swait.ge [sflag:s14], $0x80  }
0x20: {  	[sflag:s14] =	ssyncset.done $0x0  }
0x21: {  	[sflag:s14] =	ssyncadd.s32 $0xFFFFFF80  }
0x22: {  	[tilespmem:s18], [sflag:$0x1] =	stream.indirect.gather [hbm4b:s1+s15], $0x20, s15, s15, $0xb8;
	[tilespmem:$0x4100] =	vst v63  }
0x23: {  	_ = 	snop  }
0x24: {  	[tilespmem:s19], [sflag:$0x1] =	stream.indirect.gather [hbm4b:s4+s15], $0x20, s15, s15, $0xb8;
	[tilespmem:$0x4100] =	vst v63  }
0x25: {  	_ =	swait.ge [sflag:s20], $0x1000  }
0x26: {  	[sflag:s20] =	ssyncset.done $0x0  }
0x27: {  	[sflag:s20] =	ssyncadd.s32 $0xFFFFF000  }
0x28: {  	_ =	swait.ge [sflag:s20], $0x1000  }
0x29: {  	[sflag:s20] =	ssyncset.done $0x0  }
0x2a: {  	s24 =	sadd.s32 $0x0, s10;
	[sflag:s20] =	ssyncadd.s32 $0xFFFFF000  }
0x2b: {  	[hbm4b:s24+s21] =	stream.strided.scatter [tilespmem:s16], [sflag:$0x1], $0x1000, s22, s21, $0x38;
	[tilespmem:$0x4100] =	vst v63  }
0x2c: {  	s24 =	sadd.s32 $0x4, s24  }
0x2d: {  	[hbm4b:s24+s21] =	stream.strided.scatter [tilespmem:s17], [sflag:$0x1], $0x1000, s22, s21, $0x38;
	[tilespmem:$0x4100] =	vst v63  }
0x2e: {  	_ =	swait.ge [sflag:s20], $0x1000  }
0x2f: {  	[sflag:s20] =	ssyncset.done $0x0  }
0x30: {  	[sflag:s20] =	ssyncadd.s32 $0xFFFFF000  }
0x31: {  	_ =	swait.ge [sflag:s20], $0x1000  }
0x32: {  	[sflag:s20] =	ssyncset.done $0x0  }
0x33: {  	s31 =	sadd.s32 $0x0, s12;
	[sflag:s20] =	ssyncadd.s32 $0xFFFFF000  }
0x34: {  	[hbm4b:s31+s21] =	stream.strided.scatter [tilespmem:s18], [sflag:$0x1], $0x1000, s22, s21, $0x38;
	[tilespmem:$0x4100] =	vst v63  }
0x35: {  	s24 =	sadd.s32 $0x4, s31  }
0x36: {  	[hbm4b:s24+s21] =	stream.strided.scatter [tilespmem:s19], [sflag:$0x1], $0x1000, s22, s21, $0x38;
	[tilespmem:$0x4100] =	vst v63  }
0x37: {  	_ =	swait.ge [sflag:s20], $0x1000  }
0x38: {  	[sflag:s20] =	ssyncset.done $0x0  }
0x39: {  	[sflag:s20] =	ssyncadd.s32 $0xFFFFF000  }
0x3a: {  	_ =	swait.ge [sflag:s20], $0x1000  }
0x3b: {  	[sflag:s20] =	ssyncset.done $0x0  }
0x3c: {  	p1 =	sne.s32 s9, $0x800;
	[sflag:s20] =	ssyncadd.s32 $0xFFFFF000  }
.Ltmp0:
0x3d: {  	_ =	swait.ge [sflag:s20], $0x1000;
	(pc) =	sbr.rel @!p1 .LBB2_3-.Ltmp0, $4  }
0x3e: {  	[sflag:s20] =	ssyncset.done $0x0  }
0x3f: {  	[sflag:s20] =	ssyncadd.s32 $0xFFFFF000  }
0x40: {  	s25 =	sadd.s32 $0x20, s13;
	_ =	swait.ge [sflag:s20], $0x1000  }
0x41: {  	s26 =	smov.u32 s11;
	s24 =	simm.s32 $0x800;
	[sflag:s20] =	ssyncset.done $0x0  }
.LBB2_2:
0x42: {  	[sflag:s20] =	ssyncadd.s32 $0xFFFFF000  }
0x43: {  	s26 =	sadd.s32 $0x20, s26;
	s28 =	smov.u32 s24;
	s24 =	sadd.s32 $0x800, s24  }
0x44: {  	[tilespmem:s3], [sflag:$0x2] =	stream.linear.gather [hbm4b:s26+s3], $0x80, $0x38;
	[tilespmem:$0x4100] =	vst v63  }
0x45: {  	p1 =	sne.s32 s9, s24;
	_ =	swait.ge [sflag:s14], $0x80  }
0x46: {  	[sflag:s14] =	ssyncset.done $0x0  }
0x47: {  	[sflag:s14] =	ssyncadd.s32 $0xFFFFFF80  }
0x48: {  	[tilespmem:s16], [sflag:$0x1] =	stream.indirect.gather [hbm4b:s1+s15], $0x20, s3, s15, $0xb8;
	[tilespmem:$0x4100] =	vst v63  }
0x49: {  	_ = 	snop  }
0x4a: {  	[tilespmem:s17], [sflag:$0x1] =	stream.indirect.gather [hbm4b:s4+s15], $0x20, s3, s15, $0xb8;
	[tilespmem:$0x4100] =	vst v63  }
0x4b: {  	_ = 	snop  }
0x4c: {  	[tilespmem:s15], [sflag:$0x2] =	stream.linear.gather [hbm4b:s25+s3], $0x80, $0x38;
	[tilespmem:$0x4100] =	vst v63  }
0x4d: {  	_ =	swait.ge [sflag:s14], $0x80  }
0x4e: {  	[sflag:s14] =	ssyncset.done $0x0  }
0x4f: {  	[sflag:s14] =	ssyncadd.s32 $0xFFFFFF80  }
0x50: {  	[tilespmem:s18], [sflag:$0x1] =	stream.indirect.gather [hbm4b:s1+s15], $0x20, s15, s15, $0xb8;
	[tilespmem:$0x4100] =	vst v63  }
0x51: {  	_ = 	snop  }
0x52: {  	[tilespmem:s19], [sflag:$0x1] =	stream.indirect.gather [hbm4b:s4+s15], $0x20, s15, s15, $0xb8;
	[tilespmem:$0x4100] =	vst v63  }
0x53: {  	_ =	swait.ge [sflag:s20], $0x1000  }
0x54: {  	[sflag:s20] =	ssyncset.done $0x0  }
0x55: {  	[sflag:s20] =	ssyncadd.s32 $0xFFFFF000  }
0x56: {  	_ =	swait.ge [sflag:s20], $0x1000  }
0x57: {  	[sflag:s20] =	ssyncset.done $0x0  }
0x58: {  	s29 =	sadd.s32 s28, s10;
	[sflag:s20] =	ssyncadd.s32 $0xFFFFF000  }
0x59: {  	[hbm4b:s29+s21] =	stream.strided.scatter [tilespmem:s16], [sflag:$0x1], $0x1000, s22, s21, $0x38;
	[tilespmem:$0x4100] =	vst v63  }
0x5a: {  	s29 =	sadd.s32 $0x4, s29  }
0x5b: {  	[hbm4b:s29+s21] =	stream.strided.scatter [tilespmem:s17], [sflag:$0x1], $0x1000, s22, s21, $0x38;
	[tilespmem:$0x4100] =	vst v63  }
0x5c: {  	_ =	swait.ge [sflag:s20], $0x1000  }
0x5d: {  	[sflag:s20] =	ssyncset.done $0x0  }
0x5e: {  	[sflag:s20] =	ssyncadd.s32 $0xFFFFF000  }
0x5f: {  	_ =	swait.ge [sflag:s20], $0x1000  }
0x60: {  	[sflag:s20] =	ssyncset.done $0x0  }
0x61: {  	s28 =	sadd.s32 s28, s12;
	[sflag:s20] =	ssyncadd.s32 $0xFFFFF000  }
0x62: {  	[hbm4b:s28+s21] =	stream.strided.scatter [tilespmem:s18], [sflag:$0x1], $0x1000, s22, s21, $0x38;
	[tilespmem:$0x4100] =	vst v63  }
0x63: {  	s28 =	sadd.s32 $0x4, s28  }
0x64: {  	[hbm4b:s28+s21] =	stream.strided.scatter [tilespmem:s19], [sflag:$0x1], $0x1000, s22, s21, $0x38;
	[tilespmem:$0x4100] =	vst v63  }
0x65: {  	_ =	swait.ge [sflag:s20], $0x1000  }
0x66: {  	[sflag:s20] =	ssyncset.done $0x0  }
0x67: {  	[sflag:s20] =	ssyncadd.s32 $0xFFFFF000  }
0x68: {  	_ =	swait.ge [sflag:s20], $0x1000  }
0x69: {  	[sflag:s20] =	ssyncset.done $0x0  }
0x6a: {  	[sflag:s20] =	ssyncadd.s32 $0xFFFFF000  }
.Ltmp1:
0x6b: {  	_ =	swait.ge [sflag:s20], $0x1000;
	(pc) =	sbr.rel @p1 .LBB2_2-.Ltmp1, $4  }
0x6c: {  	[sflag:s20] =	ssyncset.done $0x0  }
0x6d: {  	[sflag:s20] =	ssyncadd.s32 $0xFFFFF000  }
0x6e: {  	_ =	swait.ge [sflag:s20], $0x1000  }
0x6f: {  	s25 =	sadd.s32 $0x20, s25;
	[sflag:s20] =	ssyncset.done $0x0  }
.LBB2_3:
0x70: {  	[sflag:s20] =	ssyncadd.s32 $0xFFFFF000;
	s24 =	simm.s32 @p0 $0x0;
	s25 =	simm.s32 @p0 $0x2  }
0x71: {  	[tilespmem:s24], [sflag:$0x2] =	stream.linear.gather @p0 [hbm4b:s5+s24], $0x80, $0x38;
	[tilespmem:$0x4100] =	vst v63  }
0x72: {  	_ =	swait.ge @p0 [sflag:s25], $0x80  }
0x73: {  	[sflag:s25] =	ssyncset.done @p0 $0x0  }
0x74: {  	s26 =	simm.s32 @p0 $0x80;
	s28 =	simm.s32 @p0 $0x100;
	[sflag:s25] =	ssyncadd.s32 @p0 $0xFFFFFF80  }
0x75: {  	[tilespmem:s28], [sflag:$0x2] =	stream.indirect.gather @p0 [hbm4b:s1+s26], $0x20, s24, s26, $0xb8;
	[tilespmem:$0x4100] =	vst v63  }
0x76: {  	_ =	swait.ge @p0 [sflag:s25], $0x1000  }
0x77: {  	[sflag:s25] =	ssyncset.done @p0 $0x0  }
0x78: {  	s29 =	simm.s32 @p0 $0x1100;
	[sflag:s25] =	ssyncadd.s32 @p0 $0xFFFFF000  }
0x79: {  	[tilespmem:s29], [sflag:$0x2] =	stream.indirect.gather @p0 [hbm4b:s4+s26], $0x20, s24, s26, $0xb8;
	[tilespmem:$0x4100] =	vst v63  }
0x7a: {  	_ =	swait.ge @p0 [sflag:s25], $0x1000  }
0x7b: {  	[sflag:s25] =	ssyncset.done @p0 $0x0  }
0x7c: {  	s24 =	simm.s32 @p0 $0x20;
	s26 =	simm.s32 @p0 $0x40;
	[sflag:s25] =	ssyncadd.s32 @p0 $0xFFFFF000  }
0x7d: {  	[hbm4b:s6+s24] =	stream.strided.scatter @p0 [tilespmem:s28], [sflag:$0x2], $0x1000, s26, s24, $0x38;
	[tilespmem:$0x4100] =	vst v63  }
0x7e: {  	s23 =	sadd.s32 $0x1, s23;
	_ =	swait.ge @p0 [sflag:s25], $0x1000  }
0x7f: {  	p1 =	sne.s32 s23, s8;
	[sflag:s25] =	ssyncset.done @p0 $0x0  }
.Ltmp2:
0x80: {  	[sflag:s25] =	ssyncadd.s32 @p0 $0xFFFFF000;
	(pc) =	sbr.rel @p1 .LBB2_1-.Ltmp2, $4  }
0x81: {  	[hbm4b:s7+s24] =	stream.strided.scatter @p0 [tilespmem:s29], [sflag:$0x2], $0x1000, s26, s24, $0x38;
	[tilespmem:$0x4100] =	vst v63  }
0x82: {  	_ =	swait.ge @p0 [sflag:s25], $0x1000  }
0x83: {  	[sflag:s25] =	ssyncset.done @p0 $0x0  }
0x84: {  	[sflag:s25] =	ssyncadd.s32 @p0 $0xFFFFF000  }
0x85: {  	_ =	sfence.sel $0x180000  }
0x86: {  	[bflag:$0x0] =	sbarrier.arrive $0xFFFF  }
0x87: {  	p0 =	sne.s32 s2, $0x0;
	_ =	strace $0x90000050  }
0x88: {  	s0 =	sadd.s32 @!p0 $0x100000, s0;
	[bflag:$0x2] =	sbarrier.arrive $0xFFFF  }
0x89: {  	[sflag:s0] =	ssyncadd.tile.s32 @!p0 $0x1;
	_ =	shalt  }
.Lfunc_end2:
_tile_overlayer_lowered:
.L_overlay_start_2:
0x8a: {  	(tag) =	ssettag $0x2  }
0x8b: {  	s0 =	rddreg [dreg:$0x0];
	s2 =	stileid.u32  }
0x8c: {  	s1 =	rddreg [dreg:$0x1];
	p0 =	sne.s32 s2, $0x0  }
0x8d: {  	s3 =	rddreg [dreg:$0x2];
	[bflag:$0x3] =	sbarrier.arrive $0xFFFF;
	s2 =	simm.s32 @!p0 $0x1C02  }
0x8e: {  	[timem:s3], [sflag:s2] =	dma.local @!p0 [hbm:s0], s1  }
0x8f: {  	s0 =	simm.s32 @!p0 $0x2  }
0x90: {  	_ =	swait.ge @!p0 [sflag:s0], s1  }
0x91: {  	s1 =	ssub.s32 @!p0 $0x0, s1;
	[sflag:s0] =	ssyncset.done @!p0 $0x0  }
0x92: {  	[sflag:s0] =	ssyncadd.s32 @!p0 s1  }
0x93: {  	[bflag:$0x3] =	sbarrier.arrive $0xFFFF  }
0x94: {  	_ =	shalt  }

// kernel: kernel.9.cloned.1.call-start
scs
__scs_entry_jumppad:
0x0: {  	(pc) =	sbr.rel $0x88, $3  }
0x1: {  	(tag) =	ssettag $0x0;
	lr =	simm.s32 $0x1  }
0x2: {  	[smem:$0x3F8D] =	sst lr;
	_ =	strace $0xD0000000  }
0x3: {  	_ = 	snop  }
0x4: {  	_ = 	snop  }
0x5: {  	_ = 	snop  }
0x6: {  	_ = 	snop  }
0x7: {  	_ = 	snop  }
__scs_overlays_trampoline_lowered:
0x8: {  	[smem:$0x3F9C] =	sst s0  }
0x9: {  	[smem:$0x3F9D] =	sst s1  }
0xa: {  	[smem:$0x3F9E] =	sst s2  }
0xb: {  	[smem:$0x3F9F] =	sst s3  }
0xc: {  	[smem:$0x3FA0] =	sst s4  }
0xd: {  	[smem:$0x3FA1] =	sst s5  }
0xe: {  	[smem:$0x3FA2] =	sst s6  }
0xf: {  	[smem:$0x3FA3] =	sst s7  }
0x10: {  	[smem:$0x3FA4] =	sst s8  }
0x11: {  	[smem:$0x3FA5] =	sst s9;
	s0 =	simm.s32 @!p0 $0x0  }
0x12: {  	s1 =	sld [smem:$0x3F8B];
	s0 =	simm.s32 @p0 $0x1  }
0x13: {  	[smem:$0x3FA6] =	sst s0;
	s0 =	simm.s32 @!p1 $0x0  }
0x14: {  	s2 =	sld [smem:$0x3F8A];
	s0 =	simm.s32 @p1 $0x1  }
0x15: {  	[smem:$0x3FA7] =	sst s0;
	s0 =	simm.s32 @!p2 $0x0  }
0x16: {  	s3 =	sld [smem:$0x3FDB];
	s0 =	simm.s32 @p2 $0x1  }
0x17: {  	s4 =	simm.s32 $0x1BF5;
	[smem:$0x3FA9] =	sst s0  }
0x18: {  	s0 =	sld [smem:$0x3F8C];
	_ =	swait.ge [sflag:s4], $0x0  }
0x19: {  	s7 =	sld [smem:$0x3F8D]  }
0x1a: {  	s8 =	sadd.s32 $0xFFFFE003, lr  }
0x1b: {  	s9 =	sadd.s32 $0xFFFFFEF7, lr;
	s5 =	simm.s32 $0xFFFFFFFF;
	p2 =	slt.u32 s8, $0xFFFFF086  }
0x1c: {  	p1 =	slt.u32 s9, $0xF7A;
	s5 =	simm.s32 @!p2 $0x0  }
0x1d: {  	s5 =	simm.s32 @p1 $0x1;
	p0 =	seq.s32 s7, s2  }
0x1e: {  	s7 =	smul.u32 @!p0 $0xF7A, s2;
	p2 =	seq.s32 @!p0 s5, $0x0  }
0x1f: {  	s9 =	smul.u32 $0xF7A, s1;
	s8 =	simm.s32 @!p0 $0x1BF5;
	p2 =	por !p2, p0  }
0x20: {  	[sflag:s8] =	ssyncset.s32 @!p0 $0xFFFFF086;
	s6 =	sadd.s32 @!p0 s3, s7;
	s7 =	simm.s32 @!p0 $0x108  }
0x21: {  	s3 =	sadd.s32 s3, s9;
	s6 =	sadd.s32 @!p0 $0x88, s6;
	s7 =	simm.s32 @p2 $0x1082  }
0x22: {  	[simem:s7], [sflag:s8] =	dma.local @!p0 [hbm:s6], $0xF7A  }
0x23: {  	s9 =	sor.u32 $0xD0000000, s2;
	s6 =	simm.s32 $0x108;
	_ =	swait.ge @!p0 [sflag:s8], $0x0  }
0x24: {  	s3 =	sadd.s32 $0x88, s3;
	s6 =	simm.s32 @!p1 $0x1082;
	[sflag:s4] =	ssyncset.s32 $0xFFFFF086  }
0x25: {  	[simem:s6], [sflag:s4] =	dma.local [hbm:s3], $0xF7A  }
0x26: {  	[smem:$0x3F8D] =	sst s1;
	(tag) =	ssettag s2;
	_ =	strace s9  }
0x27: {  	s1 =	sld [smem:$0x3F9D]  }
0x28: {  	s2 =	sld [smem:$0x3F9E]  }
0x29: {  	s4 =	sld [smem:$0x3FA0]  }
0x2a: {  	p0 =	seq.s32 s5, $0x0;
	s5 =	sld [smem:$0x3FA1]  }
0x2b: {  	s6 =	sld [smem:$0x3FA2]  }
0x2c: {  	s7 =	sld [smem:$0x3FA3]  }
0x2d: {  	s3 =	simm.s32 $0x108;
	s8 =	sld [smem:$0x3FA4]  }
0x2e: {  	s3 =	simm.s32 @!p0 $0x1082;
	s9 =	sld [smem:$0x3FA5]  }
0x2f: {  	lr =	sadd.s32 s0, s3;
	s0 =	sld [smem:$0x3F9C]  }
0x30: {  	s3 =	sld [smem:$0x3F9F]  }
0x31: {  	[smem:$0x3FA8] =	sst s10  }
0x32: {  	s10 =	sld [smem:$0x3FA6];
	_ =	sdelay $0x3  }
0x33: {  	p0 =	seq.s32 s10, $0x1;
	s10 =	sld [smem:$0x3FA8];
	_ =	sdelay $0x3  }
0x34: {  	[smem:$0x3FA8] =	sst s10  }
0x35: {  	s10 =	sld [smem:$0x3FA7];
	_ =	sdelay $0x3  }
0x36: {  	p1 =	seq.s32 s10, $0x1;
	s10 =	sld [smem:$0x3FA8];
	_ =	sdelay $0x3  }
0x37: {  	[smem:$0x3FA8] =	sst s10  }
0x38: {  	s10 =	sld [smem:$0x3FA9]  }
0x39: {  	_ = 	snop;
	(pc) =	sbr.ind lr, $3  }
0x3a: {  	_ = 	snop  }
0x3b: {  	_ = 	snop  }
0x3c: {  	p2 =	seq.s32 s10, $0x1;
	s10 =	sld [smem:$0x3FA8]  }
0x3d: {  	_ =	shalt  }
0x3e: {  	_ =	shalt  }
0x3f: {  	_ =	shalt  }
0x40: {  	_ =	shalt  }
0x41: {  	_ =	shalt  }
0x42: {  	_ =	shalt  }
0x43: {  	_ =	shalt  }
0x44: {  	_ =	shalt  }
0x45: {  	_ =	shalt  }
0x46: {  	_ =	shalt  }
0x47: {  	_ =	shalt  }
0x48: {  	_ =	shalt  }
0x49: {  	_ =	shalt  }
0x4a: {  	_ =	shalt  }
0x4b: {  	_ =	shalt  }
0x4c: {  	_ =	shalt  }
0x4d: {  	_ =	shalt  }
0x4e: {  	_ =	shalt  }
0x4f: {  	_ =	shalt  }
0x50: {  	_ =	shalt  }
0x51: {  	_ =	shalt  }
0x52: {  	_ =	shalt  }
0x53: {  	_ =	shalt  }
0x54: {  	_ =	shalt  }
0x55: {  	_ =	shalt  }
0x56: {  	_ =	shalt  }
0x57: {  	_ =	shalt  }
0x58: {  	_ =	shalt  }
0x59: {  	_ =	shalt  }
0x5a: {  	_ =	shalt  }
0x5b: {  	_ =	shalt  }
0x5c: {  	_ =	shalt  }
0x5d: {  	_ =	shalt  }
0x5e: {  	_ =	shalt  }
0x5f: {  	_ =	shalt  }
0x60: {  	_ =	shalt  }
0x61: {  	_ =	shalt  }
0x62: {  	_ =	shalt  }
0x63: {  	_ =	shalt  }
0x64: {  	_ =	shalt  }
0x65: {  	_ =	shalt  }
0x66: {  	_ =	shalt  }
0x67: {  	_ =	shalt  }
0x68: {  	_ =	shalt  }
0x69: {  	_ =	shalt  }
0x6a: {  	_ =	shalt  }
0x6b: {  	_ =	shalt  }
0x6c: {  	_ =	shalt  }
0x6d: {  	_ =	shalt  }
0x6e: {  	_ =	shalt  }
0x6f: {  	_ =	shalt  }
0x70: {  	_ =	shalt  }
0x71: {  	_ =	shalt  }
0x72: {  	_ =	shalt  }
0x73: {  	_ =	shalt  }
0x74: {  	_ =	shalt  }
0x75: {  	_ =	shalt  }
0x76: {  	_ =	shalt  }
0x77: {  	_ =	shalt  }
0x78: {  	_ =	shalt  }
0x79: {  	_ =	shalt  }
0x7a: {  	_ =	shalt  }
0x7b: {  	_ =	shalt  }
0x7c: {  	_ =	shalt  }
0x7d: {  	_ =	shalt  }
0x7e: {  	_ =	shalt  }
0x7f: {  	_ =	shalt  }
0x80: {  	_ =	shalt  }
0x81: {  	_ =	shalt  }
0x82: {  	_ =	shalt  }
0x83: {  	_ =	shalt  }
0x84: {  	_ =	shalt  }
0x85: {  	_ =	shalt  }
0x86: {  	_ =	shalt  }
0x87: {  	_ =	shalt  }
.Lfunc_end0:
.L_simem_size_0:
called_computation_lowered:
.L_overlay_start_0:
0x88: {  	s2 =	sld [smem:$0x3FD9]  }
0x89: {  	s3 =	sld [smem:$0x3FFE];
	_ =	sdelay $0x1  }
0x8a: {  	s1 =	srdreg.scid  }
0x8b: {  	s0 =	sand.u32 $0x1, s1  }
0x8c: {  	s14 =	sshll.u32 s0, $0xA;
	s2 =	sadd.s32 s3, s2  }
0x8d: {  	s2 =	sadd.s32 s2, s14  }
0x8e: {  	[smem:$0x3FB4] =	sst s2  }
0x8f: {  	_ = 	snop  }
0x90: {  	s2 =	sld [smem:$0x3FD0];
	_ =	sdelay $0x2  }
0x91: {  	s4 =	simm.s32 $0xA;
	s5 =	simm.s32 $0x10;
	s15 =	sld [smem:$0x3FC8]  }
0x92: {  	[smem:s5], [sflag:s4] =	dma.local [hbm:s2], $0x1  }
0x93: {  	_ =	swait.eq [sflag:s4], $0x1  }
0x94: {  	[sflag:s4] =	ssyncset.done $0x0  }
0x95: {  	[sflag:s4] =	ssyncadd.s32 $0xFFFFFFFF  }
0x96: {  	s16 =	sld [smem:$0x10];
	(tm) =	ssettm $0x1  }
0x97: {  	s17 =	sld [smem:$0x3FFB];
	_ =	sdelay $0x3  }
0x98: {  	_ =	strace s17  }
0x99: {  	s4 =	sld [smem:$0x3FFC];
	_ =	sdelay $0x3  }
0x9a: {  	_ =	strace s4  }
0x9b: {  	s4 =	sld [smem:$0x3FFD];
	_ =	sdelay $0x3  }
0x9c: {  	_ =	strace s4  }
0x9d: {  	_ =	strace $0x8FFFFFFF  }
0x9e: {  	s18 =	sld [smem:$0x3FDB];
	_ =	sdelay $0x1  }
0x9f: {  	s19 =	simm.s32 $_scs_section_size  }
0xa0: {  	s6 =	simm.s32 $_size__tile_overlayer_lowered;
	s7 =	simm.s32 $_tile_overlayer_lowered  }
0xa1: {  	s22 =	simm.s32 $0x1BFF;
	s21 =	sshll.u32 s7, $0x1;
	s4 =	sadd.s32 s19, s18  }
0xa2: {  	s8 =	simm.s32 $0x0;
	s20 =	sshll.u32 s6, $0x1;
	s6 =	sadd.s32 s21, s4  }
0xa3: {  	[timem:s8], [sflag:s22] =	dma.local [hbm:s6], s20  }
0xa4: {  	_ =	swait.ge [sflag:s22], s20  }
0xa5: {  	s5 =	ssub.s32 $0x0, s20;
	[sflag:s22] =	ssyncset.done $0x0  }
0xa6: {  	[sflag:s22] =	ssyncadd.s32 s5;
	_ =	sdelay $0x1  }
0xa7: {  	s23 =	simm.s32 $0x1B8B  }
0xa8: {  	_ =	swait.ge [sflag:s23], $0x1  }
0xa9: {  	[sflag:s23] =	ssyncset.done $0x0  }
0xaa: {  	s25 =	simm.s32 $0x1B8E;
	s24 =	sld [smem:$0x3FFE];
	[sflag:s23] =	ssyncadd.s32 $0xFFFFFFFF  }
0xab: {  	s26 =	simm.s32 $execute0_lowered;
	[smem:$0x3FD2] =	sst s25  }
0xac: {  	s6 =	sshll.u32 s26, $0x1;
	_ =	strace $0x80000046;
	[dreg:$0x1] =	wrdreg $0xFFFFFFFF  }
0xad: {  	s28 =	simm.s32 $_size_execute0_lowered;
	s4 =	sadd.s32 s4, s6;
	[dreg:$0x0] =	wrdreg $0x0  }
0xae: {  	s6 =	sshll.u32 s28, $0x1;
	[dreg:$0x2] =	wrdreg s4  }
0xaf: {  	[dreg:$0x3] =	wrdreg s6  }
0xb0: {  	[dreg:$0x4] =	wrdreg $0xC0  }
0xb1: {  	_ =	task [dreg:s8], $0x5FFFF  }
0xb2: {  	[dreg:$0x1] =	wrdreg $0xFFFFFFFF  }
0xb3: {  	[dreg:$0x0] =	wrdreg $0x60  }
0xb4: {  	[dreg:$0x2] =	wrdreg s24  }
0xb5: {  	[dreg:$0x3] =	wrdreg s15  }
0xb6: {  	[dreg:$0x4] =	wrdreg s16  }
0xb7: {  	[dreg:$0x5] =	wrdreg $0x0  }
0xb8: {  	[dreg:$0x6] =	wrdreg $0x9  }
0xb9: {  	_ =	task.clear_ibuf [dreg:s8], $0x7FFFF;
	_ =	strace $0x90000046  }
0xba: {  	s29 =	simm.s32 $0x9;
	_ =	strace $0x80000048  }
0xbb: {  	_ =	swait.ge [sflag:s29], $0x1  }
0xbc: {  	[sflag:s29] =	ssyncadd.s32 $0xFFFFFFFF  }
0xbd: {  	_ =	strace $0x90000048  }
0xbe: {  	_ =	sfence  }
0xbf: {  	s30 =	sld [smem:$0x0];
	_ =	sdelay $0x2  }
0xc0: {  	s31 =	sshll.u32 s1, $0xD;
	s1 =	sshrl.u32 s1, $0x2  }
0xc1: {  	s3 =	sand.u32 $0x4000, s31;
	s1 =	sadd.s32 s1, s30  }
0xc2: {  	s0 =	sor.u32 s3, s0;
	s1 =	sshll.u32 s1, $0x11  }
0xc3: {  	s0 =	sor.u32 s1, s0  }
0xc4: {  	s0 =	sadd.s32 $0x8F2B, s0  }
0xc5: {  	[sflag:s0] =	ssyncadd.remote.s32 $0x1  }
0xc6: {  	_ =	sfence.sel $0xFFFF  }
0xc7: {  	[dreg:$0x0] =	wrdreg $0xFFFFFFFF;
	(pc) =	sbr.abs _section_cstart, $3  }
0xc8: {  	[dreg:$0x1] =	wrdreg $0xFFFFFFFF  }
0xc9: {  	_ =	task.clear_ibuf [dreg:s8], $0x2FFFF;
	_ =	strace $0x9FFFFFFF  }
0xca: {  	(tm) =	ssettm $0x7FFFFFFF  }
0xcb: {  	_ =	shalt  }
tec
execute0_lowered:
.L_overlay_start_1:
0x0: {  	(tag) =	ssettag $0x1  }
0x1: {  	s4 =	rddreg [dreg:$0x0]  }
0x2: {  	s12 =	rddreg [dreg:$0x1]  }
0x3: {  	s8 =	rddreg [dreg:$0x2]  }
0x4: {  	s2 =	rddreg [dreg:$0x3]  }
0x5: {  	s0 =	rddreg [dreg:$0x4];
	s1 =	stileid.u32  }
0x6: {  	s3 =	simm.s32 $0x0;
	s5 =	srdreg.scid;
	s6 =	smul.u32 $0x19000, s1  }
0x7: {  	[smem:$0x7FF] =	sst s3;
	s11 =	smul.u32 $0x186, s1  }
0x8: {  	s7 =	sand.u32 $0x1, s5;
	s13 =	sadd.s32 $0x186E800, s4;
	s20 =	smul.u32 $0x3200, s1  }
0x9: {  	s14 =	smin.u32 s1, $0xA;
	s21 =	sshll.u32 s1, $0x6;
	s24 =	smul.u32 $0x30C00, s1  }
0xa: {  	s25 =	smul.u32 $0x1860, s1;
	p0 =	sgt.u32 s1, $0x9;
	_ =	strace $0x80000047  }
0xb: {  	s5 =	ssub.s32 $0x2, s7;
	s17 =	smul.u32 $0x32000, s7;
	s28 =	sshll.u32 s14, $0x9  }
0xc: {  	s9 =	sshrl.u32 s6, $0x3;
	s10 =	sshrl.u32 s5, $0x1;
	s15 =	sadd.s32 s6, s2  }
0xd: {  	s11 =	sadd.s32 s14, s11;
	s26 =	sadd.s32 s24, s13;
	s29 =	sadd.s32 s25, s12  }
0xe: {  	s14 =	sshll.u32 s14, $0x4;
	s4 =	sadd.s32 s9, s4;
	s19 =	ssub.s32 s5, s10  }
0xf: {  	s16 =	sadd.s32 $0x186, s11;
	s5 =	sor.u32 $0x1C02, s21;
	s10 =	sadd.s32 s20, s17  }
0x10: {  	s30 =	sshll.u32 s11, $0x9;
	s18 =	sshll.u32 s11, $0x4;
	s11 =	sadd.s32 s14, s29  }
0x11: {  	s14 =	sshrl.u32 s15, $0x3;
	s15 =	simm.s32 $0x2;
	s17 =	simm.s32 $0x19100  }
0x12: {  	s20 =	simm.s32 $0x1A100;
	s21 =	simm.s32 $0x1;
	s4 =	sadd.s32 $0x1B7BC00, s4  }
0x13: {  	s22 =	sshll.u32 s16, $0x4;
	s23 =	sshll.u32 s16, $0x9;
	s8 =	sadd.s32 s8, s10  }
0x14: {  	s9 =	smax.u32 s19, $0x1;
	s10 =	sadd.s32 s28, s26;
	s31 =	sadd.s32 s12, s18  }
0x15: {  	s16 =	simm.s32 $0x19000;
	s18 =	simm.s32 $0x80;
	s19 =	simm.s32 $0x19080  }
0x16: {  	s6 =	sadd.s32 s12, s22;
	s7 =	sadd.s32 s13, s23;
	s13 =	sadd.s32 s13, s30  }
0x17: {  	s22 =	simm.s32 $0x0;
	s12 =	sadd.s32 $0x200, s13;
	s13 =	sadd.s32 $0x10, s31  }
.LBB2_1:
0x18: {  	[spmem:s14], [sflag:s5] =	dma.local [hbm:s4], $0x3200  }
0x19: {  	_ =	swait.ge [sflag:s15], $0x3200  }
0x1a: {  	[sflag:s15] =	ssyncset.done $0x0  }
0x1b: {  	[sflag:s15] =	ssyncadd.s32 $0xFFFFCE00  }
0x1c: {  	s23 =	sadd.s32 $0x0, s11;
	[bflag:$0x0] =	sbarrier.arrive $0xFFFF  }
0x1d: {  	[tilespmem:s16], [sflag:$0x2] =	stream.linear.gather [hbm4b:s23+s3], $0x80, $0x38;
	[tilespmem:$0x1B100] =	vst v63  }
0x1e: {  	_ =	swait.ge [sflag:s15], $0x80  }
0x1f: {  	[sflag:s15] =	ssyncset.done $0x0  }
0x20: {  	[sflag:s15] =	ssyncadd.s32 $0xFFFFFF80  }
0x21: {  	[tilespmem:s17], [sflag:$0x2] =	stream.linear.gather [hbm4b:s10+s3], $0x1000, $0x38;
	[tilespmem:$0x1B100] =	vst v63  }
0x22: {  	_ =	swait.ge [sflag:s15], $0x1000  }
0x23: {  	[sflag:s15] =	ssyncset.done $0x0  }
0x24: {  	[sflag:s15] =	ssyncadd.s32 $0xFFFFF000  }
0x25: {  	[spmem:s2] =	stream.indirect.scatter.add.f32 [tilespmem:s17], [sflag:$0x1], $0x20, s16, s18, $0xb8;
	[tilespmem:$0x1B100] =	vst v63  }
0x26: {  	s31 =	sadd.s32 $0x0, s13  }
0x27: {  	[tilespmem:s19], [sflag:$0x2] =	stream.linear.gather [hbm4b:s31+s3], $0x80, $0x38;
	[tilespmem:$0x1B100] =	vst v63  }
0x28: {  	_ =	swait.ge [sflag:s15], $0x80  }
0x29: {  	[sflag:s15] =	ssyncset.done $0x0  }
0x2a: {  	[sflag:s15] =	ssyncadd.s32 $0xFFFFFF80  }
0x2b: {  	[tilespmem:s20], [sflag:$0x2] =	stream.linear.gather [hbm4b:s12+s3], $0x1000, $0x38;
	[tilespmem:$0x1B100] =	vst v63  }
0x2c: {  	_ =	swait.ge [sflag:s15], $0x1000  }
0x2d: {  	[sflag:s15] =	ssyncset.done $0x0  }
0x2e: {  	[sflag:s15] =	ssyncadd.s32 $0xFFFFF000  }
0x2f: {  	[spmem:s2] =	stream.indirect.scatter.add.f32 [tilespmem:s20], [sflag:$0x1], $0x20, s19, s18, $0xb8;
	[tilespmem:$0x1B100] =	vst v63  }
0x30: {  	_ =	swait.ge [sflag:s21], $0x1000  }
0x31: {  	[sflag:s21] =	ssyncset.done $0x0  }
0x32: {  	[sflag:s21] =	ssyncadd.s32 $0xFFFFF000  }
0x33: {  	s24 =	simm.s32 $0x20;
	s26 =	simm.s32 $0x40;
	_ =	swait.ge [sflag:s21], $0x1000  }
0x34: {  	s25 =	sadd.s32 $0x400, s10;
	s23 =	sadd.s32 $0x400, s12;
	[sflag:s21] =	ssyncset.done $0x0  }
.LBB2_2:
0x35: {  	s28 =	sadd.s32 s24, s11  }
0x36: {  	[sflag:s21] =	ssyncadd.s32 $0xFFFFF000;
	s29 =	smov.u32 s26;
	s30 =	sadd.s32 $0x20, s26  }
0x37: {  	[tilespmem:s16], [sflag:$0x2] =	stream.linear.gather [hbm4b:s28+s3], $0x80, $0x38;
	[tilespmem:$0x1B100] =	vst v63  }
0x38: {  	p1 =	seq.s32 s26, $0x1840;
	_ =	swait.ge [sflag:s15], $0x80  }
0x39: {  	[sflag:s15] =	ssyncset.done $0x0  }
0x3a: {  	[sflag:s15] =	ssyncadd.s32 $0xFFFFFF80  }
0x3b: {  	[tilespmem:s17], [sflag:$0x2] =	stream.linear.gather [hbm4b:s25+s3], $0x1000, $0x38;
	[tilespmem:$0x1B100] =	vst v63  }
0x3c: {  	_ =	swait.ge [sflag:s15], $0x1000  }
0x3d: {  	[sflag:s15] =	ssyncset.done $0x0  }
0x3e: {  	[sflag:s15] =	ssyncadd.s32 $0xFFFFF000  }
0x3f: {  	[spmem:s2] =	stream.indirect.scatter.add.f32 [tilespmem:s17], [sflag:$0x1], $0x20, s16, s18, $0xb8;
	[tilespmem:$0x1B100] =	vst v63  }
0x40: {  	s26 =	sadd.s32 s24, s13;
	s24 =	smov.u32 s29  }
0x41: {  	[tilespmem:s19], [sflag:$0x2] =	stream.linear.gather [hbm4b:s26+s3], $0x80, $0x38;
	[tilespmem:$0x1B100] =	vst v63  }
0x42: {  	_ =	swait.ge [sflag:s15], $0x80  }
0x43: {  	[sflag:s15] =	ssyncset.done $0x0  }
0x44: {  	[sflag:s15] =	ssyncadd.s32 $0xFFFFFF80  }
0x45: {  	[tilespmem:s20], [sflag:$0x2] =	stream.linear.gather [hbm4b:s23+s3], $0x1000, $0x38;
	[tilespmem:$0x1B100] =	vst v63  }
0x46: {  	_ =	swait.ge [sflag:s15], $0x1000  }
0x47: {  	[sflag:s15] =	ssyncset.done $0x0  }
0x48: {  	[sflag:s15] =	ssyncadd.s32 $0xFFFFF000  }
0x49: {  	[spmem:s2] =	stream.indirect.scatter.add.f32 [tilespmem:s20], [sflag:$0x1], $0x20, s19, s18, $0xb8;
	[tilespmem:$0x1B100] =	vst v63  }
.Ltmp0:
0x4a: {  	_ =	swait.ge [sflag:s21], $0x1000;
	(pc) =	sbr.rel @!p1 .LBB2_2-.Ltmp0, $4  }
0x4b: {  	[sflag:s21] =	ssyncset.done $0x0  }
0x4c: {  	[sflag:s21] =	ssyncadd.s32 $0xFFFFF000  }
0x4d: {  	s25 =	sadd.s32 $0x400, s25;
	_ =	swait.ge [sflag:s21], $0x1000  }
0x4e: {  	s26 =	smov.u32 s30;
	s23 =	sadd.s32 $0x400, s23;
	[sflag:s21] =	ssyncset.done $0x0  }
0x4f: {  	s26 =	sadd.s32 s24, s11;
	[sflag:s21] =	ssyncadd.s32 $0xFFFFF000  }
0x50: {  	[tilespmem:s16], [sflag:$0x2] =	stream.linear.gather [hbm4b:s26+s3], $0x80, $0x38;
	[tilespmem:$0x1B100] =	vst v63  }
0x51: {  	_ =	swait.ge [sflag:s15], $0x80  }
0x52: {  	[sflag:s15] =	ssyncset.done $0x0  }
0x53: {  	[sflag:s15] =	ssyncadd.s32 $0xFFFFFF80  }
0x54: {  	[tilespmem:s17], [sflag:$0x2] =	stream.linear.gather [hbm4b:s25+s3], $0x1000, $0x38;
	[tilespmem:$0x1B100] =	vst v63  }
0x55: {  	_ =	swait.ge [sflag:s15], $0x1000  }
0x56: {  	[sflag:s15] =	ssyncset.done $0x0  }
0x57: {  	[sflag:s15] =	ssyncadd.s32 $0xFFFFF000  }
0x58: {  	[spmem:s2] =	stream.indirect.scatter.add.f32 [tilespmem:s17], [sflag:$0x1], $0x20, s16, s18, $0xb8;
	[tilespmem:$0x1B100] =	vst v63  }
0x59: {  	s31 =	sadd.s32 s24, s13  }
0x5a: {  	[tilespmem:s19], [sflag:$0x2] =	stream.linear.gather [hbm4b:s31+s3], $0x80, $0x38;
	[tilespmem:$0x1B100] =	vst v63  }
0x5b: {  	_ =	swait.ge [sflag:s15], $0x80  }
0x5c: {  	[sflag:s15] =	ssyncset.done $0x0  }
0x5d: {  	[sflag:s15] =	ssyncadd.s32 $0xFFFFFF80  }
0x5e: {  	[tilespmem:s20], [sflag:$0x2] =	stream.linear.gather [hbm4b:s23+s3], $0x1000, $0x38;
	[tilespmem:$0x1B100] =	vst v63  }
0x5f: {  	_ =	swait.ge [sflag:s15], $0x1000  }
0x60: {  	[sflag:s15] =	ssyncset.done $0x0  }
0x61: {  	[sflag:s15] =	ssyncadd.s32 $0xFFFFF000  }
0x62: {  	[spmem:s2] =	stream.indirect.scatter.add.f32 [tilespmem:s20], [sflag:$0x1], $0x20, s19, s18, $0xb8;
	[tilespmem:$0x1B100] =	vst v63  }
0x63: {  	_ =	swait.ge [sflag:s21], $0x1000  }
0x64: {  	[sflag:s21] =	ssyncset.done $0x0  }
0x65: {  	[sflag:s21] =	ssyncadd.s32 $0xFFFFF000  }
0x66: {  	_ =	swait.ge [sflag:s21], $0x1000  }
0x67: {  	s24 =	simm.s32 @!p0 $0x19000;
	[sflag:s21] =	ssyncset.done $0x0  }
0x68: {  	s25 =	simm.s32 @!p0 $0x2;
	s23 =	simm.s32 @!p0 $0x0;
	[sflag:s21] =	ssyncadd.s32 $0xFFFFF000  }
0x69: {  	[tilespmem:s24], [sflag:$0x2] =	stream.linear.gather @!p0 [hbm4b:s6+s23], $0x80, $0x38;
	[tilespmem:$0x1B100] =	vst v63  }
0x6a: {  	_ =	swait.ge @!p0 [sflag:s25], $0x80  }
0x6b: {  	[sflag:s25] =	ssyncset.done @!p0 $0x0  }
0x6c: {  	s26 =	simm.s32 @!p0 $0x19100;
	[sflag:s25] =	ssyncadd.s32 @!p0 $0xFFFFFF80  }
0x6d: {  	[tilespmem:s26], [sflag:$0x2] =	stream.linear.gather @!p0 [hbm4b:s7+s23], $0x1000, $0x38;
	[tilespmem:$0x1B100] =	vst v63  }
0x6e: {  	_ =	swait.ge @!p0 [sflag:s25], $0x1000  }
0x6f: {  	[sflag:s25] =	ssyncset.done @!p0 $0x0  }
0x70: {  	s23 =	simm.s32 @!p0 $0x80;
	[sflag:s25] =	ssyncadd.s32 @!p0 $0xFFFFF000  }
0x71: {  	[spmem:s2] =	stream.indirect.scatter.add.f32 @!p0 [tilespmem:s26], [sflag:$0x2], $0x20, s24, s23, $0xb8;
	[tilespmem:$0x1B100] =	vst v63  }
0x72: {  	_ =	swait.ge @!p0 [sflag:s25], $0x1000  }
0x73: {  	s22 =	sadd.s32 $0x1, s22;
	[sflag:s25] =	ssyncset.done @!p0 $0x0  }
0x74: {  	p1 =	sne.s32 s22, s9;
	[sflag:s25] =	ssyncadd.s32 @!p0 $0xFFFFF000  }
.Ltmp1:
0x75: {  	[bflag:$0x0] =	sbarrier.arrive $0xFFFF;
	(pc) =	sbr.rel @p1 .LBB2_1-.Ltmp1, $4  }
0x76: {  	[hbm:s8], [sflag:s5] =	dma.local [spmem:s14], $0x3200  }
0x77: {  	_ =	swait.ge [sflag:s15], $0x3200  }
0x78: {  	[sflag:s15] =	ssyncset.done $0x0  }
0x79: {  	[sflag:s15] =	ssyncadd.s32 $0xFFFFCE00  }
0x7a: {  	_ =	sfence.sel $0x180000  }
0x7b: {  	[bflag:$0x0] =	sbarrier.arrive $0xFFFF  }
0x7c: {  	p0 =	sne.s32 s1, $0x0;
	_ =	strace $0x90000047  }
0x7d: {  	s0 =	sadd.s32 @!p0 $0x100000, s0;
	[bflag:$0x2] =	sbarrier.arrive $0xFFFF  }
0x7e: {  	[sflag:s0] =	ssyncadd.tile.s32 @!p0 $0x1;
	_ =	shalt  }
.Lfunc_end2:
_tile_overlayer_lowered:
.L_overlay_start_2:
0x7f: {  	(tag) =	ssettag $0x2  }
0x80: {  	s0 =	rddreg [dreg:$0x0];
	s2 =	stileid.u32  }
0x81: {  	s1 =	rddreg [dreg:$0x1];
	p0 =	sne.s32 s2, $0x0  }
0x82: {  	s3 =	rddreg [dreg:$0x2];
	[bflag:$0x3] =	sbarrier.arrive $0xFFFF;
	s2 =	simm.s32 @!p0 $0x1C02  }
0x83: {  	[timem:s3], [sflag:s2] =	dma.local @!p0 [hbm:s0], s1  }
0x84: {  	s0 =	simm.s32 @!p0 $0x2  }
0x85: {  	_ =	swait.ge @!p0 [sflag:s0], s1  }
0x86: {  	s1 =	ssub.s32 @!p0 $0x0, s1;
	[sflag:s0] =	ssyncset.done @!p0 $0x0  }
0x87: {  	[sflag:s0] =	ssyncadd.s32 @!p0 s1  }
0x88: {  	[bflag:$0x3] =	sbarrier.arrive $0xFFFF  }
0x89: {  	_ =	shalt  }

</sc_bundles>
